<compile_context>
chip_gen: v7x
topology: tpu7x:2x2x1
jax: 0.10.2.dev20260603
libtpu: 0.0.44.dev20260713+nightly
codegen_flags: <defaults>
</compile_context>

<pallas_src>
import jax
import jax.numpy as jnp
from jax import lax
from jax.experimental import pallas as pl
from jax.experimental.pallas import tpu as pltpu
from jax.experimental.pallas import tpu_sc as plsc

N = 10000
E = 320000
D = 128
G = 64
OUT = 10

NH = N // 2
AROWS = NH + 8
NS = 16
EPS = E // NS
C = 80
K = 250
KP = 256
RPS = 320
ZC = 8

CH = 1000
GRID = N // CH

_HI = jax.lax.Precision.HIGHEST


def _zero_acc_start(wbuf_v, acc, s, nz, sgz):
  @pl.loop(0, ZC)
  def _(i):
    @pl.loop(0, D, step=16)
    def _(j):
      wbuf_v[i, pl.ds(j, 16)] = jnp.zeros((16,), jnp.float32)

  @pl.loop(0, nz)
  def _(r):
    pltpu.async_copy(wbuf_v, acc.at[pl.ds(s * RPS + r * ZC, ZC)], sgz)


def _zero_acc_wait(wbuf_v, acc, s, nz, sgz):
  @pl.loop(0, nz)
  def _(r):
    pltpu.make_async_copy(
        wbuf_v, acc.at[pl.ds(s * RPS + r * ZC, ZC)], sgz).wait()


def _gather_scatter(h_hbm, src_v, dst_v, rows0_v, rows1_v, acc,
                    sg0, sg1, nk):
  @pl.when(nk >= 1)
  def _():
    pltpu.async_copy(h_hbm.at[src_v.at[0]], rows0_v, sg0)

  @pl.when(nk >= 2)
  def _():
    pltpu.async_copy(h_hbm.at[src_v.at[1]], rows1_v, sg1)

  @pl.loop(0, nk, step=2)
  def _(k):
    pltpu.make_async_copy(h_hbm.at[src_v.at[k]], rows0_v, sg0).wait()
    pltpu.sync_copy(rows0_v, acc.at[dst_v.at[k]], add=True)

    @pl.when(k + 2 < nk)
    def _():
      pltpu.async_copy(h_hbm.at[src_v.at[k + 2]], rows0_v, sg0)

    @pl.when(k + 1 < nk)
    def _():
      pltpu.make_async_copy(h_hbm.at[src_v.at[k + 1]], rows1_v, sg1).wait()
      pltpu.sync_copy(rows1_v, acc.at[dst_v.at[k + 1]], add=True)

      @pl.when(k + 3 < nk)
      def _():
        pltpu.async_copy(h_hbm.at[src_v.at[k + 3]], rows1_v, sg1)


def _writeout(out_hbm, acc, wbuf_v, c, s, nz):
  @pl.loop(0, nz)
  def _(r):
    base = s * RPS + r * ZC
    pltpu.sync_copy(acc.at[pl.ds(base, ZC)], wbuf_v)
    pltpu.sync_copy(wbuf_v, out_hbm.at[pl.ds(c * NH + base, ZC)])


def _sc_compact_agg_body(h_hbm, src_hbm, dst0_hbm, dst1_hbm,
                         out_hbm, csrc_hbm, cdst_hbm, cnt_hbm,
                         src_v, dst_v, rows0_v, rows1_v, wbuf_v,
                         offv, acc, sg0, sg1, sgz):
  c = lax.axis_index("c")
  s = lax.axis_index("s")
  nz = jnp.where(s == 15, 25, 40)

  _zero_acc_start(wbuf_v, acc, s, nz, sgz)

  pltpu.sync_copy(src_hbm.at[pl.ds(s * KP, KP)], src_v)

  @pl.when(c == 0)
  def _():
    pltpu.sync_copy(dst0_hbm.at[pl.ds(s * KP, KP)], dst_v)

  @pl.when(c == 1)
  def _():
    pltpu.sync_copy(dst1_hbm.at[pl.ds(s * KP, KP)], dst_v)

  zero16 = jnp.zeros((16,), jnp.int32)
  one16 = zero16 + 1
  offv[...] = zero16

  @pl.loop(0, K)
  def _(r):
    off = offv[...]
    for j in range(0, C, 16):
      s16 = src_v[r, pl.ds(j, 16)]
      ld16 = dst_v[r, pl.ds(j, 16)]
      m = ld16 < NH
      pos = off + plsc.cumsum(one16, mask=m) - 1
      pr = pos // C
      pc = pos - pr * C
      plsc.store_scatter(src_v, [pr, pc], s16, mask=m)
      plsc.store_scatter(dst_v, [pr, pc], ld16, mask=m)
      off = off + plsc.all_reduce_population_count(m)
    offv[...] = off

  off = offv[...]

  iota16 = lax.iota(jnp.int32, 16)
  trash16 = zero16 + NH
  for p in range(C // 16):
    pos = off + iota16 + (16 * p)
    pr = pos // C
    pc = pos - pr * C
    plsc.store_scatter(src_v, [pr, pc], zero16)
    plsc.store_scatter(dst_v, [pr, pc], trash16)
  cnt = jnp.max(off)
  nk = (cnt + (C - 1)) // C

  pltpu.sync_copy(src_v, csrc_hbm.at[c, pl.ds(s * KP, KP)])
  pltpu.sync_copy(dst_v, cdst_hbm.at[c, pl.ds(s * KP, KP)])
  pltpu.sync_copy(offv, cnt_hbm.at[c, pl.ds(s * 16, 16)])

  _zero_acc_wait(wbuf_v, acc, s, nz, sgz)
  plsc.subcore_barrier()
  _gather_scatter(h_hbm, src_v, dst_v, rows0_v, rows1_v, acc, sg0, sg1, nk)
  plsc.subcore_barrier()
  _writeout(out_hbm, acc, wbuf_v, c, s, nz)


def _sc_pre_agg_body(h_hbm, csrc_hbm, cdst_hbm, cnt_hbm, out_hbm,
                     src_v, dst_v, rows0_v, rows1_v, wbuf_v,
                     offv, acc, sg0, sg1, sgz):
  c = lax.axis_index("c")
  s = lax.axis_index("s")
  nz = jnp.where(s == 15, 25, 40)

  _zero_acc_start(wbuf_v, acc, s, nz, sgz)

  pltpu.sync_copy(csrc_hbm.at[c, pl.ds(s * KP, KP)], src_v)
  pltpu.sync_copy(cdst_hbm.at[c, pl.ds(s * KP, KP)], dst_v)
  pltpu.sync_copy(cnt_hbm.at[c, pl.ds(s * 16, 16)], offv)
  cnt = jnp.max(offv[...])
  nk = (cnt + (C - 1)) // C

  _zero_acc_wait(wbuf_v, acc, s, nz, sgz)
  plsc.subcore_barrier()
  _gather_scatter(h_hbm, src_v, dst_v, rows0_v, rows1_v, acc, sg0, sg1, nk)
  plsc.subcore_barrier()
  _writeout(out_hbm, acc, wbuf_v, c, s, nz)


_SC_SCRATCH = [
    pltpu.VMEM((KP, C), jnp.int32),
    pltpu.VMEM((KP, C), jnp.int32),
    pltpu.VMEM((C, D), jnp.float32),
    pltpu.VMEM((C, D), jnp.float32),
    pltpu.VMEM((ZC, D), jnp.float32),
    pltpu.VMEM((16,), jnp.int32),
    pltpu.VMEM_SHARED((AROWS, D), jnp.float32),
    pltpu.SemaphoreType.DMA,
    pltpu.SemaphoreType.DMA,
    pltpu.SemaphoreType.DMA,
]


def _sc_compact_aggregate(h, src2d, dst0_2d, dst1_2d):
  mesh = plsc.VectorSubcoreMesh(core_axis_name="c", subcore_axis_name="s")
  kern = pl.kernel(
      _sc_compact_agg_body,
      out_type=[
          jax.ShapeDtypeStruct((N, D), jnp.float32),
          jax.ShapeDtypeStruct((2, NS * KP, C), jnp.int32),
          jax.ShapeDtypeStruct((2, NS * KP, C), jnp.int32),
          jax.ShapeDtypeStruct((2, NS * 16), jnp.int32),
      ],
      mesh=mesh,
      compiler_params=pltpu.CompilerParams(needs_layout_passes=False),
      scratch_types=list(_SC_SCRATCH),
  )
  return kern(h, src2d, dst0_2d, dst1_2d)


def _sc_pre_aggregate(h, csrc, cdst, cnts):
  mesh = plsc.VectorSubcoreMesh(core_axis_name="c", subcore_axis_name="s")
  kern = pl.kernel(
      _sc_pre_agg_body,
      out_type=jax.ShapeDtypeStruct((N, D), jnp.float32),
      mesh=mesh,
      compiler_params=pltpu.CompilerParams(needs_layout_passes=False),
      scratch_types=list(_SC_SCRATCH),
  )
  return kern(h, csrc, cdst, cnts)


def _combine_body(p, x, wr, wo, b, o):
  t = jnp.dot(p[...], wr[...], precision=_HI,
              preferred_element_type=jnp.float32)
  t += jnp.dot(x[...], wo[...], precision=_HI,
               preferred_element_type=jnp.float32)
  o[...] = jnp.tanh(t + b[...])


def _tc_combine(p, x, wr, wo, b):
  row = pl.BlockSpec((CH, D), lambda i: (i, 0))
  full = pl.BlockSpec((D, D), lambda i: (0, 0))
  bias = pl.BlockSpec((1, D), lambda i: (0, 0))
  return pl.pallas_call(
      _combine_body,
      grid=(GRID,),
      in_specs=[row, row, full, full, bias],
      out_specs=row,
      out_shape=jax.ShapeDtypeStruct((N, D), jnp.float32),
  )(p, x, wr, wo, b.reshape(1, D))


def _final_body(p, x, wr, wo, b, bt, wm1, bm1, wm2, bm2, o, pooled):
  i = pl.program_id(0)
  t = jnp.dot(p[...], wr[...], precision=_HI,
              preferred_element_type=jnp.float32)
  t += jnp.dot(x[...], wo[...], precision=_HI,
               preferred_element_type=jnp.float32)
  h2 = jnp.tanh(t + b[...])
  gids = lax.broadcasted_iota(jnp.int32, (G, CH), 0)
  onehot = (gids == bt[0]).astype(jnp.float32)
  part = jnp.dot(onehot, h2, precision=_HI, preferred_element_type=jnp.float32)

  @pl.when(i == 0)
  def _():
    pooled[...] = part

  @pl.when(i > 0)
  def _():
    pooled[...] += part

  @pl.when(i == GRID - 1)
  def _():
    hid = jnp.dot(pooled[...], wm1[...], precision=_HI,
                  preferred_element_type=jnp.float32) + bm1[...]
    hid = jnp.maximum(hid, 0.0)
    logit = jnp.dot(hid, wm2[...], precision=_HI,
                    preferred_element_type=jnp.float32) + bm2[...]
    o[...] = jax.nn.sigmoid(logit)


def _tc_final(p, h1, wr, wo, b, batch3d, wm1, bm1, wm2, bm2):
  row = pl.BlockSpec((CH, D), lambda i: (i, 0))
  full = pl.BlockSpec((D, D), lambda i: (0, 0))
  bias = pl.BlockSpec((1, D), lambda i: (0, 0))
  bspec = pl.BlockSpec((1, 1, CH), lambda i: (i, 0, 0))
  wm2s = pl.BlockSpec((D, OUT), lambda i: (0, 0))
  bm2s = pl.BlockSpec((1, OUT), lambda i: (0, 0))
  ospec = pl.BlockSpec((G, OUT), lambda i: (0, 0))
  return pl.pallas_call(
      _final_body,
      grid=(GRID,),
      in_specs=[row, row, full, full, bias, bspec, full, bias, wm2s, bm2s],
      out_specs=ospec,
      out_shape=jax.ShapeDtypeStruct((G, OUT), jnp.float32),
      scratch_shapes=[pltpu.VMEM((G, D), jnp.float32)],
  )(p, h1, wr, wo, b.reshape(1, D), batch3d, wm1, bm1.reshape(1, D),
    wm2, bm2.reshape(1, OUT))


def kernel(x, edge_index, batch, W_rel0, W_root0, b0, W_rel1, W_root1, b1,
           Wm1, bm1, Wm2, bm2):
  src = edge_index[0]
  dst = edge_index[1]
  dst0 = jnp.where(dst < NH, dst, NH)
  dst1 = jnp.where(dst >= NH, dst - NH, NH)

  def chunked(v, pad_val):
    v2 = v.reshape(NS, EPS)
    v2 = jnp.pad(v2, ((0, 0), (0, KP * C - EPS)),
                 constant_values=pad_val)
    return v2.reshape(NS * KP, C)

  src2d = chunked(src, 0)
  dst0_2d = chunked(dst0, NH)
  dst1_2d = chunked(dst1, NH)
  batch3d = batch.reshape(GRID, 1, CH)

  a0, csrc, cdst, cnts = _sc_compact_aggregate(x, src2d, dst0_2d, dst1_2d)
  h1 = _tc_combine(a0, x, W_rel0, W_root0, b0)
  a1 = _sc_pre_aggregate(h1, csrc, cdst, cnts)
  out = _tc_final(a1, h1, W_rel1, W_root1, b1, batch3d,
                  Wm1, bm1, Wm2, bm2)
  return out

# --- scband reference (transcript-rebuilt; emitter-appended) ---
"""Pipeline reference for scband-net-12378095747615 (READ-ONLY COPY).

The authoritative reference and input builder live on the scoring server;
editing this copy changes nothing except your own understanding.
"""

import jax, jax.numpy as jnp
import numpy as np

N = 10000
E = 320000
D = 128
H = 128
OUT = 10
G = 64


def setup_inputs(seed: int = 0) -> dict:
    key = jax.random.key(seed)
    ks = jax.random.split(key, 16)
    x = jax.random.normal(ks[0], (N, D), dtype=jnp.float32)
    edge_index = jax.random.randint(ks[1], (2, E), 0, N, dtype=jnp.int32)
    batch = jnp.sort(jax.random.randint(ks[2], (N,), 0, G, dtype=jnp.int32))
    s = 0.05
    # GraphConv layer 0: lin_rel (applied to aggregated neighbors), lin_root (self), bias
    W_rel0 = jax.random.normal(ks[3], (D, H), dtype=jnp.float32) * s
    W_root0 = jax.random.normal(ks[4], (D, H), dtype=jnp.float32) * s
    b0 = jnp.zeros((H,), dtype=jnp.float32)
    # GraphConv layer 1
    W_rel1 = jax.random.normal(ks[5], (H, H), dtype=jnp.float32) * s
    W_root1 = jax.random.normal(ks[6], (H, H), dtype=jnp.float32) * s
    b1 = jnp.zeros((H,), dtype=jnp.float32)
    # MLP [H, H, OUT]
    Wm1 = jax.random.normal(ks[7], (H, H), dtype=jnp.float32) * s
    bm1 = jnp.zeros((H,), dtype=jnp.float32)
    Wm2 = jax.random.normal(ks[8], (H, OUT), dtype=jnp.float32) * s
    bm2 = jnp.zeros((OUT,), dtype=jnp.float32)
    return {"x": x, "edge_index": edge_index, "batch": batch,
            "W_rel0": W_rel0, "W_root0": W_root0, "b0": b0,
            "W_rel1": W_rel1, "W_root1": W_root1, "b1": b1,
            "Wm1": Wm1, "bm1": bm1, "Wm2": Wm2, "bm2": bm2}


def reference(x, edge_index, batch, W_rel0, W_root0, b0, W_rel1, W_root1, b1, Wm1, bm1, Wm2, bm2):
    src = edge_index[0]
    dst = edge_index[1]
    h = x
    for (Wr, Wo, b) in ((W_rel0, W_root0, b0), (W_rel1, W_root1, b1)):
        # GraphConv with aggr='add': out = lin_rel(sum_{j in N(i)} x_j) + lin_root(x_i) + bias
        agg = jax.ops.segment_sum(h[src], dst, num_segments=N)
        h = jnp.tanh(agg @ Wr + h @ Wo + b)
    # global_add_pool over the batch assignment vector
    pooled = jax.ops.segment_sum(h, batch, num_segments=G)
    hid = jax.nn.relu(pooled @ Wm1 + bm1)
    out = jax.nn.sigmoid(hid @ Wm2 + bm2)
    return out

if __name__ == "__main__":
    import jax
    _d = setup_inputs()
    print(jax.jit(kernel)(*tuple(_d.values())))

</pallas_src>

<mosaic_0001>
#map = affine_map<(d0, d1) -> (0, 0)>
#map1 = affine_map<(d0, d1) -> (0, 0, 0)>
module attributes {stable_mosaic.version = 14 : i64} {
  func.func @_sc_compact_agg_body(%arg0: i32, %arg1: i32, %arg2: memref<10000x128xf32, #tpu.memory_space<hbm>>, %arg3: memref<4096x80xi32, #tpu.memory_space<hbm>>, %arg4: memref<4096x80xi32, #tpu.memory_space<hbm>>, %arg5: memref<4096x80xi32, #tpu.memory_space<hbm>>, %arg6: memref<10000x128xf32, #tpu.memory_space<hbm>>, %arg7: memref<2x4096x80xi32, #tpu.memory_space<hbm>>, %arg8: memref<2x4096x80xi32, #tpu.memory_space<hbm>>, %arg9: memref<2x256xi32, #tpu.memory_space<hbm>>, %arg10: memref<256x80xi32, #tpu.memory_space<vmem>>, %arg11: memref<256x80xi32, #tpu.memory_space<vmem>>, %arg12: memref<80x128xf32, #tpu.memory_space<vmem>>, %arg13: memref<80x128xf32, #tpu.memory_space<vmem>>, %arg14: memref<8x128xf32, #tpu.memory_space<vmem>>, %arg15: memref<16xi32, #tpu.memory_space<vmem>>, %arg16: memref<5008x128xf32, #tpu.memory_space<vmem_shared>>, %arg17: memref<!tpu.dma_semaphore, #tpu.memory_space<semaphore_mem>>, %arg18: memref<!tpu.dma_semaphore, #tpu.memory_space<semaphore_mem>>, %arg19: memref<!tpu.dma_semaphore, #tpu.memory_space<semaphore_mem>>) attributes {dimension_semantics = [#tpu.dimension_semantics<core_parallel>, #tpu.dimension_semantics<subcore_parallel>], iteration_bounds = array<i64: 2, 16>, scalar_prefetch = 0 : i64, scratch_operands = 10 : i64, tpu.core_type = #tpu.core_type<sc_vector_subcore>, window_params = [{transform_indices = #map}, {transform_indices = #map}, {transform_indices = #map}, {transform_indices = #map}, {transform_indices = #map}, {transform_indices = #map1}, {transform_indices = #map1}, {transform_indices = #map}]} {
    %eq3A = arith.constant 15 : i32
    %eq3A_0 = arith.cmpi eq, %arg1, %eq3A : i32
    %jit3A = arith.constant 25 : i32
    %jit3A_1 = arith.constant 40 : i32
    %select_n3A = arith.select %eq3A_0, %jit3A, %jit3A_1 : i32
    %scan3A = arith.constant 0 : i32
    %scan3A_2 = arith.constant 8 : i32
    %scan3A_3 = arith.addi %scan3A, %scan3A_2 : i32
    %scan3A_4 = arith.constant 1 : i32
    scf.for %scan3A_341 = %scan3A to %scan3A_3 step %scan3A_4  : i32 {
      %mul3A_342 = arith.constant 1 : i32
      %mul3A_343 = arith.muli %scan3A_341, %mul3A_342 : i32
      %add3A_344 = arith.constant 0 : i32
      %add3A_345 = arith.addi %add3A_344, %mul3A_343 : i32
      %scan3A_346 = arith.constant 0 : i32
      %scan3A_347 = arith.constant 8 : i32
      %scan3A_348 = arith.addi %scan3A_346, %scan3A_347 : i32
      %scan3A_349 = arith.constant 1 : i32
      scf.for %scan3A_351 = %scan3A_346 to %scan3A_348 step %scan3A_349  : i32 {
        %mul3A_352 = arith.constant 16 : i32
        %mul3A_353 = arith.muli %scan3A_351, %mul3A_352 : i32
        %add3A_354 = arith.constant 0 : i32
        %add3A_355 = arith.addi %add3A_354, %mul3A_353 : i32
        %broadcast_in_dim3A_356 = arith.constant 0.000000e+00 : f32
        %broadcast_in_dim3A_357 = vector.broadcast %broadcast_in_dim3A_356 : f32 to vector<16xf32>
        %swap3A_358 = arith.index_cast %add3A_345 : i32 to index
        %swap3A_359 = arith.index_cast %add3A_355 : i32 to index
        %swap3A_360 = tpu.vector_load %arg14[%swap3A_358, %swap3A_359] {strides = array<i32>} : memref<8x128xf32, #tpu.memory_space<vmem>>, vector<16xf32>,
        tpu.vector_store %arg14[%swap3A_358, %swap3A_359], %broadcast_in_dim3A_357 {strides = array<i32>} : memref<8x128xf32, #tpu.memory_space<vmem>>, vector<16xf32>,
      }
      %scan3A_350 = arith.constant 8 : i32
    }
    %scan3A_5 = arith.constant 8 : i32
    %sub3A = arith.constant 0 : i32
    %sub3A_6 = arith.subi %select_n3A, %sub3A : i32
    %sub3A_7 = arith.constant 1 : i32
    %sub3A_8 = arith.constant 1 : i32
    %sub3A_9 = arith.subi %sub3A_7, %sub3A_8 : i32
    %add3A = arith.addi %sub3A_6, %sub3A_9 : i32
    %div3A = arith.constant 1 : i32
    %div3A_10 = arith.divsi %add3A, %div3A : i32
    %while3A = arith.constant 1 : i32
    %while3A_11 = arith.constant 0 : i32
    %while3A_12 = arith.constant 0 : i32
    %while3A_13 = arith.subi %div3A_10, %while3A_12 : i32
    %while3A_14 = arith.addi %while3A_12, %while3A_13 : i32
    %while3A_15 = arith.constant 1 : i32
    %while3A_16 = arith.divsi %while3A_13, %while3A_15 : i32
    %while3A_17 = arith.muli %while3A_16, %while3A_15 : i32
    %while3A_18 = arith.addi %while3A_12, %while3A_17 : i32
    %while3A_19 = arith.constant 1 : i32
    scf.for %while3A_341 = %while3A_12 to %while3A_18 step %while3A_19  : i32 {
      %mul3A_342 = arith.muli %while3A_341, %while3A : i32
      %add3A_343 = arith.addi %while3A_11, %mul3A_342 : i32
      %mul3A_344 = arith.constant 320 : i32
      %mul3A_345 = arith.muli %arg1, %mul3A_344 : i32
      %mul3A_346 = arith.constant 8 : i32
      %mul3A_347 = arith.muli %add3A_343, %mul3A_346 : i32
      %add3A_348 = arith.addi %mul3A_345, %mul3A_347 : i32
      %dma_start3A = arith.constant 0 : i32
      %dma_start3A_349 = tpu.memref_slice %arg16[%add3A_348, %dma_start3A] : memref<5008x128xf32, #tpu.memory_space<vmem_shared>> -> memref<8x128xf32, #tpu.memory_space<vmem_shared>>
      %dma_start3A_350 = arith.constant 0 : i32
      %dma_start3A_351 = tpu.memref_slice %arg16[%add3A_348, %dma_start3A_350] : memref<5008x128xf32, #tpu.memory_space<vmem_shared>> -> memref<8x128xf32, #tpu.memory_space<vmem_shared>>
      tpu.enqueue_dma source(%arg14 : memref<8x128xf32, #tpu.memory_space<vmem>>) target(%dma_start3A_351 : memref<8x128xf32, #tpu.memory_space<vmem_shared>>) target_semaphore(%arg19 : memref<!tpu.dma_semaphore, #tpu.memory_space<semaphore_mem>>)
    }
    %while3A_20 = arith.constant 1 : i32
    scf.for %while3A_341 = %while3A_18 to %while3A_14 step %while3A_20  : i32 {
      %mul3A_342 = arith.muli %while3A_341, %while3A : i32
      %add3A_343 = arith.addi %while3A_11, %mul3A_342 : i32
      %mul3A_344 = arith.constant 320 : i32
      %mul3A_345 = arith.muli %arg1, %mul3A_344 : i32
      %mul3A_346 = arith.constant 8 : i32
      %mul3A_347 = arith.muli %add3A_343, %mul3A_346 : i32
      %add3A_348 = arith.addi %mul3A_345, %mul3A_347 : i32
      %dma_start3A = arith.constant 0 : i32
      %dma_start3A_349 = tpu.memref_slice %arg16[%add3A_348, %dma_start3A] : memref<5008x128xf32, #tpu.memory_space<vmem_shared>> -> memref<8x128xf32, #tpu.memory_space<vmem_shared>>
      %dma_start3A_350 = arith.constant 0 : i32
      %dma_start3A_351 = tpu.memref_slice %arg16[%add3A_348, %dma_start3A_350] : memref<5008x128xf32, #tpu.memory_space<vmem_shared>> -> memref<8x128xf32, #tpu.memory_space<vmem_shared>>
      tpu.enqueue_dma source(%arg14 : memref<8x128xf32, #tpu.memory_space<vmem>>) target(%dma_start3A_351 : memref<8x128xf32, #tpu.memory_space<vmem_shared>>) target_semaphore(%arg19 : memref<!tpu.dma_semaphore, #tpu.memory_space<semaphore_mem>>)
    }
    %mul3A = arith.constant 256 : i32
    %mul3A_21 = arith.muli %arg1, %mul3A : i32
    "tpu.region"() ({
      %run_scoped3A = tpu.sem_alloc : memref<!tpu.dma_semaphore, #tpu.memory_space<semaphore_mem>>
      %dma_start3A = arith.constant 0 : i32
      %dma_start3A_341 = tpu.memref_slice %arg3[%mul3A_21, %dma_start3A] : memref<4096x80xi32, #tpu.memory_space<hbm>> -> memref<256x80xi32, #tpu.memory_space<hbm>>
      %dma_start3A_342 = arith.constant 0 : i32
      %dma_start3A_343 = tpu.memref_slice %arg3[%mul3A_21, %dma_start3A_342] : memref<4096x80xi32, #tpu.memory_space<hbm>> -> memref<256x80xi32, #tpu.memory_space<hbm>>
      tpu.enqueue_dma source(%dma_start3A_343 : memref<256x80xi32, #tpu.memory_space<hbm>>) target(%arg10 : memref<256x80xi32, #tpu.memory_space<vmem>>) target_semaphore(%run_scoped3A : memref<!tpu.dma_semaphore, #tpu.memory_space<semaphore_mem>>)
      %dma_wait3A = arith.constant 0 : i32
      %dma_wait3A_344 = tpu.memref_slice %arg3[%mul3A_21, %dma_wait3A] : memref<4096x80xi32, #tpu.memory_space<hbm>> -> memref<256x80xi32, #tpu.memory_space<hbm>>
      %dma_wait3A_345 = arith.constant 0 : i32
      %dma_wait3A_346 = tpu.memref_slice %arg3[%mul3A_21, %dma_wait3A_345] : memref<4096x80xi32, #tpu.memory_space<hbm>> -> memref<256x80xi32, #tpu.memory_space<hbm>>
      tpu.wait_dma2 semaphore(%run_scoped3A : memref<!tpu.dma_semaphore, #tpu.memory_space<semaphore_mem>>) src(%dma_wait3A_346 : memref<256x80xi32, #tpu.memory_space<hbm>>) dst(%arg10 : memref<256x80xi32, #tpu.memory_space<vmem>>)
      tpu.yield
    }) : () -> ()
    %eq3A_22 = arith.constant 0 : i32
    %eq3A_23 = arith.cmpi eq, %arg0, %eq3A_22 : i32
    %convert_element_type3A = arith.extui %eq3A_23 : i1 to i32
    %cond3A = arith.constant 0 : i32
    %cond3A_24 = arith.cmpi ne, %convert_element_type3A, %cond3A : i32
    scf.if %cond3A_24 {
      %mul3A_341 = arith.constant 256 : i32
      %mul3A_342 = arith.muli %arg1, %mul3A_341 : i32
      "tpu.region"() ({
        %run_scoped3A = tpu.sem_alloc : memref<!tpu.dma_semaphore, #tpu.memory_space<semaphore_mem>>
        %dma_start3A = arith.constant 0 : i32
        %dma_start3A_343 = tpu.memref_slice %arg4[%mul3A_342, %dma_start3A] : memref<4096x80xi32, #tpu.memory_space<hbm>> -> memref<256x80xi32, #tpu.memory_space<hbm>>
        %dma_start3A_344 = arith.constant 0 : i32
        %dma_start3A_345 = tpu.memref_slice %arg4[%mul3A_342, %dma_start3A_344] : memref<4096x80xi32, #tpu.memory_space<hbm>> -> memref<256x80xi32, #tpu.memory_space<hbm>>
        tpu.enqueue_dma source(%dma_start3A_345 : memref<256x80xi32, #tpu.memory_space<hbm>>) target(%arg11 : memref<256x80xi32, #tpu.memory_space<vmem>>) target_semaphore(%run_scoped3A : memref<!tpu.dma_semaphore, #tpu.memory_space<semaphore_mem>>)
        %dma_wait3A = arith.constant 0 : i32
        %dma_wait3A_346 = tpu.memref_slice %arg4[%mul3A_342, %dma_wait3A] : memref<4096x80xi32, #tpu.memory_space<hbm>> -> memref<256x80xi32, #tpu.memory_space<hbm>>
        %dma_wait3A_347 = arith.constant 0 : i32
        %dma_wait3A_348 = tpu.memref_slice %arg4[%mul3A_342, %dma_wait3A_347] : memref<4096x80xi32, #tpu.memory_space<hbm>> -> memref<256x80xi32, #tpu.memory_space<hbm>>
        tpu.wait_dma2 semaphore(%run_scoped3A : memref<!tpu.dma_semaphore, #tpu.memory_space<semaphore_mem>>) src(%dma_wait3A_348 : memref<256x80xi32, #tpu.memory_space<hbm>>) dst(%arg11 : memref<256x80xi32, #tpu.memory_space<vmem>>)
        tpu.yield
      }) : () -> ()
    } else {
    }
    %eq3A_25 = arith.constant 1 : i32
    %eq3A_26 = arith.cmpi eq, %arg0, %eq3A_25 : i32
    %convert_element_type3A_27 = arith.extui %eq3A_26 : i1 to i32
    %cond3A_28 = arith.constant 0 : i32
    %cond3A_29 = arith.cmpi ne, %convert_element_type3A_27, %cond3A_28 : i32
    scf.if %cond3A_29 {
      %mul3A_341 = arith.constant 256 : i32
      %mul3A_342 = arith.muli %arg1, %mul3A_341 : i32
      "tpu.region"() ({
        %run_scoped3A = tpu.sem_alloc : memref<!tpu.dma_semaphore, #tpu.memory_space<semaphore_mem>>
        %dma_start3A = arith.constant 0 : i32
        %dma_start3A_343 = tpu.memref_slice %arg5[%mul3A_342, %dma_start3A] : memref<4096x80xi32, #tpu.memory_space<hbm>> -> memref<256x80xi32, #tpu.memory_space<hbm>>
        %dma_start3A_344 = arith.constant 0 : i32
        %dma_start3A_345 = tpu.memref_slice %arg5[%mul3A_342, %dma_start3A_344] : memref<4096x80xi32, #tpu.memory_space<hbm>> -> memref<256x80xi32, #tpu.memory_space<hbm>>
        tpu.enqueue_dma source(%dma_start3A_345 : memref<256x80xi32, #tpu.memory_space<hbm>>) target(%arg11 : memref<256x80xi32, #tpu.memory_space<vmem>>) target_semaphore(%run_scoped3A : memref<!tpu.dma_semaphore, #tpu.memory_space<semaphore_mem>>)
        %dma_wait3A = arith.constant 0 : i32
        %dma_wait3A_346 = tpu.memref_slice %arg5[%mul3A_342, %dma_wait3A] : memref<4096x80xi32, #tpu.memory_space<hbm>> -> memref<256x80xi32, #tpu.memory_space<hbm>>
        %dma_wait3A_347 = arith.constant 0 : i32
        %dma_wait3A_348 = tpu.memref_slice %arg5[%mul3A_342, %dma_wait3A_347] : memref<4096x80xi32, #tpu.memory_space<hbm>> -> memref<256x80xi32, #tpu.memory_space<hbm>>
        tpu.wait_dma2 semaphore(%run_scoped3A : memref<!tpu.dma_semaphore, #tpu.memory_space<semaphore_mem>>) src(%dma_wait3A_348 : memref<256x80xi32, #tpu.memory_space<hbm>>) dst(%arg11 : memref<256x80xi32, #tpu.memory_space<vmem>>)
        tpu.yield
      }) : () -> ()
    } else {
    }
    %broadcast_in_dim3A = arith.constant 0 : i32
    %broadcast_in_dim3A_30 = vector.broadcast %broadcast_in_dim3A : i32 to vector<16xi32>
    %add3A_31 = arith.constant 1 : i32
    %add3A_32 = vector.broadcast %add3A_31 : i32 to vector<16xi32>
    %add3A_33 = arith.addi %broadcast_in_dim3A_30, %add3A_32 : vector<16xi32>
    %swap3A = arith.constant 0 : index
    %swap3A_34 = tpu.vector_load %arg15[%swap3A] {strides = array<i32>} : memref<16xi32, #tpu.memory_space<vmem>>, vector<16xi32>,
    tpu.vector_store %arg15[%swap3A], %broadcast_in_dim3A_30 {strides = array<i32>} : memref<16xi32, #tpu.memory_space<vmem>>, vector<16xi32>,
    %scan3A_35 = arith.constant 0 : i32
    %scan3A_36 = arith.constant 250 : i32
    %scan3A_37 = arith.addi %scan3A_35, %scan3A_36 : i32
    %scan3A_38 = arith.constant 1 : i32
    scf.for %scan3A_341 = %scan3A_35 to %scan3A_37 step %scan3A_38  : i32 {
      %mul3A_342 = arith.constant 1 : i32
      %mul3A_343 = arith.muli %scan3A_341, %mul3A_342 : i32
      %add3A_344 = arith.constant 0 : i32
      %add3A_345 = arith.addi %add3A_344, %mul3A_343 : i32
      %get3A_346 = arith.constant 0 : index
      %get3A_347 = tpu.vector_load %arg15[%get3A_346] {strides = array<i32>} : memref<16xi32, #tpu.memory_space<vmem>>, vector<16xi32>,
      %get3A_348 = arith.index_cast %add3A_345 : i32 to index
      %get3A_349 = arith.constant 0 : index
      %get3A_350 = tpu.vector_load %arg10[%get3A_348, %get3A_349] {strides = array<i32>} : memref<256x80xi32, #tpu.memory_space<vmem>>, vector<16xi32>,
      %get3A_351 = arith.index_cast %add3A_345 : i32 to index
      %get3A_352 = arith.constant 0 : index
      %get3A_353 = tpu.vector_load %arg11[%get3A_351, %get3A_352] {strides = array<i32>} : memref<256x80xi32, #tpu.memory_space<vmem>>, vector<16xi32>,
      %lt3A = arith.constant 5000 : i32
      %lt3A_354 = vector.broadcast %lt3A : i32 to vector<16xi32>
      %lt3A_355 = arith.cmpi slt, %get3A_353, %lt3A_354 : vector<16xi32>
      %masked_cumsum3A = tpu.scan <sum>, %add3A_33 masked %lt3A_355 : vector<16xi32>, vector<16xi1> -> vector<16xi32>
      %add3A_356 = arith.addi %get3A_347, %masked_cumsum3A : vector<16xi32>
      %sub3A_357 = arith.constant 1 : i32
      %sub3A_358 = vector.broadcast %sub3A_357 : i32 to vector<16xi32>
      %sub3A_359 = arith.subi %add3A_356, %sub3A_358 : vector<16xi32>
      %jit3A_360 = arith.constant 80 : i32
      %div3A_361 = vector.broadcast %jit3A_360 : i32 to vector<16xi32>
      %div3A_362 = arith.divsi %sub3A_359, %div3A_361 : vector<16xi32>
      %sign3A_363 = arith.constant 0 : i32
      %sign3A_364 = vector.broadcast %sign3A_363 : i32 to vector<16xi32>
      %sign3A_365 = arith.cmpi sgt, %sub3A_359, %sign3A_364 : vector<16xi32>
      %sign3A_366 = arith.extui %sign3A_365 : vector<16xi1> to vector<16xi32>
      %sign3A_367 = arith.constant 0 : i32
      %sign3A_368 = vector.broadcast %sign3A_367 : i32 to vector<16xi32>
      %sign3A_369 = arith.cmpi slt, %sub3A_359, %sign3A_368 : vector<16xi32>
      %sign3A_370 = arith.extui %sign3A_369 : vector<16xi1> to vector<16xi32>
      %sign3A_371 = arith.subi %sign3A_366, %sign3A_370 : vector<16xi32>
      %sign3A_372 = arith.constant 0 : i32
      %sign3A_373 = arith.cmpi sgt, %jit3A_360, %sign3A_372 : i32
      %sign3A_374 = arith.extui %sign3A_373 : i1 to i32
      %sign3A_375 = arith.constant 0 : i32
      %sign3A_376 = arith.cmpi slt, %jit3A_360, %sign3A_375 : i32
      %sign3A_377 = arith.extui %sign3A_376 : i1 to i32
      %sign3A_378 = arith.subi %sign3A_374, %sign3A_377 : i32
      %ne3A_379 = vector.broadcast %sign3A_378 : i32 to vector<16xi32>
      %ne3A_380 = arith.cmpi ne, %sign3A_371, %ne3A_379 : vector<16xi32>
      %rem3A_381 = vector.broadcast %jit3A_360 : i32 to vector<16xi32>
      %rem3A_382 = arith.remsi %sub3A_359, %rem3A_381 : vector<16xi32>
      %ne3A_383 = arith.constant 0 : i32
      %ne3A_384 = vector.broadcast %ne3A_383 : i32 to vector<16xi32>
      %ne3A_385 = arith.cmpi ne, %rem3A_382, %ne3A_384 : vector<16xi32>
      %and3A_386 = arith.andi %ne3A_380, %ne3A_385 : vector<16xi1>
      %sub3A_387 = arith.constant 1 : i32
      %sub3A_388 = vector.broadcast %sub3A_387 : i32 to vector<16xi32>
      %sub3A_389 = arith.subi %div3A_362, %sub3A_388 : vector<16xi32>
      %select_n3A_390 = arith.select %and3A_386, %sub3A_389, %div3A_362 : vector<16xi1>, vector<16xi32>
      %mul3A_391 = arith.constant 80 : i32
      %mul3A_392 = vector.broadcast %mul3A_391 : i32 to vector<16xi32>
      %mul3A_393 = arith.muli %select_n3A_390, %mul3A_392 : vector<16xi32>
      %sub3A_394 = arith.subi %sub3A_359, %mul3A_393 : vector<16xi32>
      tpu.vector_store_idx %arg10[%select_n3A_390, %sub3A_394], %get3A_350 masked %lt3A_355 : memref<256x80xi32, #tpu.memory_space<vmem>>[vector<16xi32>, vector<16xi32>], vector<16xi32>, vector<16xi1>
      tpu.vector_store_idx %arg11[%select_n3A_390, %sub3A_394], %get3A_353 masked %lt3A_355 : memref<256x80xi32, #tpu.memory_space<vmem>>[vector<16xi32>, vector<16xi32>], vector<16xi32>, vector<16xi1>
      %all_reduce_population_count3A = tpu.all_reduce %lt3A_355 {dim = 0 : i64, kind = #tpu.reduction_kind<sum>} : vector<16xi1> -> vector<16xi32>
      %add3A_395 = arith.addi %get3A_347, %all_reduce_population_count3A : vector<16xi32>
      %get3A_396 = arith.index_cast %add3A_345 : i32 to index
      %get3A_397 = arith.constant 16 : index
      %get3A_398 = tpu.vector_load %arg10[%get3A_396, %get3A_397] {strides = array<i32>} : memref<256x80xi32, #tpu.memory_space<vmem>>, vector<16xi32>,
      %get3A_399 = arith.index_cast %add3A_345 : i32 to index
      %get3A_400 = arith.constant 16 : index
      %get3A_401 = tpu.vector_load %arg11[%get3A_399, %get3A_400] {strides = array<i32>} : memref<256x80xi32, #tpu.memory_space<vmem>>, vector<16xi32>,
      %lt3A_402 = arith.constant 5000 : i32
      %lt3A_403 = vector.broadcast %lt3A_402 : i32 to vector<16xi32>
      %lt3A_404 = arith.cmpi slt, %get3A_401, %lt3A_403 : vector<16xi32>
      %masked_cumsum3A_405 = tpu.scan <sum>, %add3A_33 masked %lt3A_404 : vector<16xi32>, vector<16xi1> -> vector<16xi32>
      %add3A_406 = arith.addi %add3A_395, %masked_cumsum3A_405 : vector<16xi32>
      %sub3A_407 = arith.constant 1 : i32
      %sub3A_408 = vector.broadcast %sub3A_407 : i32 to vector<16xi32>
      %sub3A_409 = arith.subi %add3A_406, %sub3A_408 : vector<16xi32>
      %jit3A_410 = arith.constant 80 : i32
      %div3A_411 = vector.broadcast %jit3A_410 : i32 to vector<16xi32>
      %div3A_412 = arith.divsi %sub3A_409, %div3A_411 : vector<16xi32>
      %sign3A_413 = arith.constant 0 : i32
      %sign3A_414 = vector.broadcast %sign3A_413 : i32 to vector<16xi32>
      %sign3A_415 = arith.cmpi sgt, %sub3A_409, %sign3A_414 : vector<16xi32>
      %sign3A_416 = arith.extui %sign3A_415 : vector<16xi1> to vector<16xi32>
      %sign3A_417 = arith.constant 0 : i32
      %sign3A_418 = vector.broadcast %sign3A_417 : i32 to vector<16xi32>
      %sign3A_419 = arith.cmpi slt, %sub3A_409, %sign3A_418 : vector<16xi32>
      %sign3A_420 = arith.extui %sign3A_419 : vector<16xi1> to vector<16xi32>
      %sign3A_421 = arith.subi %sign3A_416, %sign3A_420 : vector<16xi32>
      %sign3A_422 = arith.constant 0 : i32
      %sign3A_423 = arith.cmpi sgt, %jit3A_410, %sign3A_422 : i32
      %sign3A_424 = arith.extui %sign3A_423 : i1 to i32
      %sign3A_425 = arith.constant 0 : i32
      %sign3A_426 = arith.cmpi slt, %jit3A_410, %sign3A_425 : i32
      %sign3A_427 = arith.extui %sign3A_426 : i1 to i32
      %sign3A_428 = arith.subi %sign3A_424, %sign3A_427 : i32
      %ne3A_429 = vector.broadcast %sign3A_428 : i32 to vector<16xi32>
      %ne3A_430 = arith.cmpi ne, %sign3A_421, %ne3A_429 : vector<16xi32>
      %rem3A_431 = vector.broadcast %jit3A_410 : i32 to vector<16xi32>
      %rem3A_432 = arith.remsi %sub3A_409, %rem3A_431 : vector<16xi32>
      %ne3A_433 = arith.constant 0 : i32
      %ne3A_434 = vector.broadcast %ne3A_433 : i32 to vector<16xi32>
      %ne3A_435 = arith.cmpi ne, %rem3A_432, %ne3A_434 : vector<16xi32>
      %and3A_436 = arith.andi %ne3A_430, %ne3A_435 : vector<16xi1>
      %sub3A_437 = arith.constant 1 : i32
      %sub3A_438 = vector.broadcast %sub3A_437 : i32 to vector<16xi32>
      %sub3A_439 = arith.subi %div3A_412, %sub3A_438 : vector<16xi32>
      %select_n3A_440 = arith.select %and3A_436, %sub3A_439, %div3A_412 : vector<16xi1>, vector<16xi32>
      %mul3A_441 = arith.constant 80 : i32
      %mul3A_442 = vector.broadcast %mul3A_441 : i32 to vector<16xi32>
      %mul3A_443 = arith.muli %select_n3A_440, %mul3A_442 : vector<16xi32>
      %sub3A_444 = arith.subi %sub3A_409, %mul3A_443 : vector<16xi32>
      tpu.vector_store_idx %arg10[%select_n3A_440, %sub3A_444], %get3A_398 masked %lt3A_404 : memref<256x80xi32, #tpu.memory_space<vmem>>[vector<16xi32>, vector<16xi32>], vector<16xi32>, vector<16xi1>
      tpu.vector_store_idx %arg11[%select_n3A_440, %sub3A_444], %get3A_401 masked %lt3A_404 : memref<256x80xi32, #tpu.memory_space<vmem>>[vector<16xi32>, vector<16xi32>], vector<16xi32>, vector<16xi1>
      %all_reduce_population_count3A_445 = tpu.all_reduce %lt3A_404 {dim = 0 : i64, kind = #tpu.reduction_kind<sum>} : vector<16xi1> -> vector<16xi32>
      %add3A_446 = arith.addi %add3A_395, %all_reduce_population_count3A_445 : vector<16xi32>
      %get3A_447 = arith.index_cast %add3A_345 : i32 to index
      %get3A_448 = arith.constant 32 : index
      %get3A_449 = tpu.vector_load %arg10[%get3A_447, %get3A_448] {strides = array<i32>} : memref<256x80xi32, #tpu.memory_space<vmem>>, vector<16xi32>,
      %get3A_450 = arith.index_cast %add3A_345 : i32 to index
      %get3A_451 = arith.constant 32 : index
      %get3A_452 = tpu.vector_load %arg11[%get3A_450, %get3A_451] {strides = array<i32>} : memref<256x80xi32, #tpu.memory_space<vmem>>, vector<16xi32>,
      %lt3A_453 = arith.constant 5000 : i32
      %lt3A_454 = vector.broadcast %lt3A_453 : i32 to vector<16xi32>
      %lt3A_455 = arith.cmpi slt, %get3A_452, %lt3A_454 : vector<16xi32>
      %masked_cumsum3A_456 = tpu.scan <sum>, %add3A_33 masked %lt3A_455 : vector<16xi32>, vector<16xi1> -> vector<16xi32>
      %add3A_457 = arith.addi %add3A_446, %masked_cumsum3A_456 : vector<16xi32>
      %sub3A_458 = arith.constant 1 : i32
      %sub3A_459 = vector.broadcast %sub3A_458 : i32 to vector<16xi32>
      %sub3A_460 = arith.subi %add3A_457, %sub3A_459 : vector<16xi32>
      %jit3A_461 = arith.constant 80 : i32
      %div3A_462 = vector.broadcast %jit3A_461 : i32 to vector<16xi32>
      %div3A_463 = arith.divsi %sub3A_460, %div3A_462 : vector<16xi32>
      %sign3A_464 = arith.constant 0 : i32
      %sign3A_465 = vector.broadcast %sign3A_464 : i32 to vector<16xi32>
      %sign3A_466 = arith.cmpi sgt, %sub3A_460, %sign3A_465 : vector<16xi32>
      %sign3A_467 = arith.extui %sign3A_466 : vector<16xi1> to vector<16xi32>
      %sign3A_468 = arith.constant 0 : i32
      %sign3A_469 = vector.broadcast %sign3A_468 : i32 to vector<16xi32>
      %sign3A_470 = arith.cmpi slt, %sub3A_460, %sign3A_469 : vector<16xi32>
      %sign3A_471 = arith.extui %sign3A_470 : vector<16xi1> to vector<16xi32>
      %sign3A_472 = arith.subi %sign3A_467, %sign3A_471 : vector<16xi32>
      %sign3A_473 = arith.constant 0 : i32
      %sign3A_474 = arith.cmpi sgt, %jit3A_461, %sign3A_473 : i32
      %sign3A_475 = arith.extui %sign3A_474 : i1 to i32
      %sign3A_476 = arith.constant 0 : i32
      %sign3A_477 = arith.cmpi slt, %jit3A_461, %sign3A_476 : i32
      %sign3A_478 = arith.extui %sign3A_477 : i1 to i32
      %sign3A_479 = arith.subi %sign3A_475, %sign3A_478 : i32
      %ne3A_480 = vector.broadcast %sign3A_479 : i32 to vector<16xi32>
      %ne3A_481 = arith.cmpi ne, %sign3A_472, %ne3A_480 : vector<16xi32>
      %rem3A_482 = vector.broadcast %jit3A_461 : i32 to vector<16xi32>
      %rem3A_483 = arith.remsi %sub3A_460, %rem3A_482 : vector<16xi32>
      %ne3A_484 = arith.constant 0 : i32
      %ne3A_485 = vector.broadcast %ne3A_484 : i32 to vector<16xi32>
      %ne3A_486 = arith.cmpi ne, %rem3A_483, %ne3A_485 : vector<16xi32>
      %and3A_487 = arith.andi %ne3A_481, %ne3A_486 : vector<16xi1>
      %sub3A_488 = arith.constant 1 : i32
      %sub3A_489 = vector.broadcast %sub3A_488 : i32 to vector<16xi32>
      %sub3A_490 = arith.subi %div3A_463, %sub3A_489 : vector<16xi32>
      %select_n3A_491 = arith.select %and3A_487, %sub3A_490, %div3A_463 : vector<16xi1>, vector<16xi32>
      %mul3A_492 = arith.constant 80 : i32
      %mul3A_493 = vector.broadcast %mul3A_492 : i32 to vector<16xi32>
      %mul3A_494 = arith.muli %select_n3A_491, %mul3A_493 : vector<16xi32>
      %sub3A_495 = arith.subi %sub3A_460, %mul3A_494 : vector<16xi32>
      tpu.vector_store_idx %arg10[%select_n3A_491, %sub3A_495], %get3A_449 masked %lt3A_455 : memref<256x80xi32, #tpu.memory_space<vmem>>[vector<16xi32>, vector<16xi32>], vector<16xi32>, vector<16xi1>
      tpu.vector_store_idx %arg11[%select_n3A_491, %sub3A_495], %get3A_452 masked %lt3A_455 : memref<256x80xi32, #tpu.memory_space<vmem>>[vector<16xi32>, vector<16xi32>], vector<16xi32>, vector<16xi1>
      %all_reduce_population_count3A_496 = tpu.all_reduce %lt3A_455 {dim = 0 : i64, kind = #tpu.reduction_kind<sum>} : vector<16xi1> -> vector<16xi32>
      %add3A_497 = arith.addi %add3A_446, %all_reduce_population_count3A_496 : vector<16xi32>
      %get3A_498 = arith.index_cast %add3A_345 : i32 to index
      %get3A_499 = arith.constant 48 : index
      %get3A_500 = tpu.vector_load %arg10[%get3A_498, %get3A_499] {strides = array<i32>} : memref<256x80xi32, #tpu.memory_space<vmem>>, vector<16xi32>,
      %get3A_501 = arith.index_cast %add3A_345 : i32 to index
      %get3A_502 = arith.constant 48 : index
      %get3A_503 = tpu.vector_load %arg11[%get3A_501, %get3A_502] {strides = array<i32>} : memref<256x80xi32, #tpu.memory_space<vmem>>, vector<16xi32>,
      %lt3A_504 = arith.constant 5000 : i32
      %lt3A_505 = vector.broadcast %lt3A_504 : i32 to vector<16xi32>
      %lt3A_506 = arith.cmpi slt, %get3A_503, %lt3A_505 : vector<16xi32>
      %masked_cumsum3A_507 = tpu.scan <sum>, %add3A_33 masked %lt3A_506 : vector<16xi32>, vector<16xi1> -> vector<16xi32>
      %add3A_508 = arith.addi %add3A_497, %masked_cumsum3A_507 : vector<16xi32>
      %sub3A_509 = arith.constant 1 : i32
      %sub3A_510 = vector.broadcast %sub3A_509 : i32 to vector<16xi32>
      %sub3A_511 = arith.subi %add3A_508, %sub3A_510 : vector<16xi32>
      %jit3A_512 = arith.constant 80 : i32
      %div3A_513 = vector.broadcast %jit3A_512 : i32 to vector<16xi32>
      %div3A_514 = arith.divsi %sub3A_511, %div3A_513 : vector<16xi32>
      %sign3A_515 = arith.constant 0 : i32
      %sign3A_516 = vector.broadcast %sign3A_515 : i32 to vector<16xi32>
      %sign3A_517 = arith.cmpi sgt, %sub3A_511, %sign3A_516 : vector<16xi32>
      %sign3A_518 = arith.extui %sign3A_517 : vector<16xi1> to vector<16xi32>
      %sign3A_519 = arith.constant 0 : i32
      %sign3A_520 = vector.broadcast %sign3A_519 : i32 to vector<16xi32>
      %sign3A_521 = arith.cmpi slt, %sub3A_511, %sign3A_520 : vector<16xi32>
      %sign3A_522 = arith.extui %sign3A_521 : vector<16xi1> to vector<16xi32>
      %sign3A_523 = arith.subi %sign3A_518, %sign3A_522 : vector<16xi32>
      %sign3A_524 = arith.constant 0 : i32
      %sign3A_525 = arith.cmpi sgt, %jit3A_512, %sign3A_524 : i32
      %sign3A_526 = arith.extui %sign3A_525 : i1 to i32
      %sign3A_527 = arith.constant 0 : i32
      %sign3A_528 = arith.cmpi slt, %jit3A_512, %sign3A_527 : i32
      %sign3A_529 = arith.extui %sign3A_528 : i1 to i32
      %sign3A_530 = arith.subi %sign3A_526, %sign3A_529 : i32
      %ne3A_531 = vector.broadcast %sign3A_530 : i32 to vector<16xi32>
      %ne3A_532 = arith.cmpi ne, %sign3A_523, %ne3A_531 : vector<16xi32>
      %rem3A_533 = vector.broadcast %jit3A_512 : i32 to vector<16xi32>
      %rem3A_534 = arith.remsi %sub3A_511, %rem3A_533 : vector<16xi32>
      %ne3A_535 = arith.constant 0 : i32
      %ne3A_536 = vector.broadcast %ne3A_535 : i32 to vector<16xi32>
      %ne3A_537 = arith.cmpi ne, %rem3A_534, %ne3A_536 : vector<16xi32>
      %and3A_538 = arith.andi %ne3A_532, %ne3A_537 : vector<16xi1>
      %sub3A_539 = arith.constant 1 : i32
      %sub3A_540 = vector.broadcast %sub3A_539 : i32 to vector<16xi32>
      %sub3A_541 = arith.subi %div3A_514, %sub3A_540 : vector<16xi32>
      %select_n3A_542 = arith.select %and3A_538, %sub3A_541, %div3A_514 : vector<16xi1>, vector<16xi32>
      %mul3A_543 = arith.constant 80 : i32
      %mul3A_544 = vector.broadcast %mul3A_543 : i32 to vector<16xi32>
      %mul3A_545 = arith.muli %select_n3A_542, %mul3A_544 : vector<16xi32>
      %sub3A_546 = arith.subi %sub3A_511, %mul3A_545 : vector<16xi32>
      tpu.vector_store_idx %arg10[%select_n3A_542, %sub3A_546], %get3A_500 masked %lt3A_506 : memref<256x80xi32, #tpu.memory_space<vmem>>[vector<16xi32>, vector<16xi32>], vector<16xi32>, vector<16xi1>
      tpu.vector_store_idx %arg11[%select_n3A_542, %sub3A_546], %get3A_503 masked %lt3A_506 : memref<256x80xi32, #tpu.memory_space<vmem>>[vector<16xi32>, vector<16xi32>], vector<16xi32>, vector<16xi1>
      %all_reduce_population_count3A_547 = tpu.all_reduce %lt3A_506 {dim = 0 : i64, kind = #tpu.reduction_kind<sum>} : vector<16xi1> -> vector<16xi32>
      %add3A_548 = arith.addi %add3A_497, %all_reduce_population_count3A_547 : vector<16xi32>
      %get3A_549 = arith.index_cast %add3A_345 : i32 to index
      %get3A_550 = arith.constant 64 : index
      %get3A_551 = tpu.vector_load %arg10[%get3A_549, %get3A_550] {strides = array<i32>} : memref<256x80xi32, #tpu.memory_space<vmem>>, vector<16xi32>,
      %get3A_552 = arith.index_cast %add3A_345 : i32 to index
      %get3A_553 = arith.constant 64 : index
      %get3A_554 = tpu.vector_load %arg11[%get3A_552, %get3A_553] {strides = array<i32>} : memref<256x80xi32, #tpu.memory_space<vmem>>, vector<16xi32>,
      %lt3A_555 = arith.constant 5000 : i32
      %lt3A_556 = vector.broadcast %lt3A_555 : i32 to vector<16xi32>
      %lt3A_557 = arith.cmpi slt, %get3A_554, %lt3A_556 : vector<16xi32>
      %masked_cumsum3A_558 = tpu.scan <sum>, %add3A_33 masked %lt3A_557 : vector<16xi32>, vector<16xi1> -> vector<16xi32>
      %add3A_559 = arith.addi %add3A_548, %masked_cumsum3A_558 : vector<16xi32>
      %sub3A_560 = arith.constant 1 : i32
      %sub3A_561 = vector.broadcast %sub3A_560 : i32 to vector<16xi32>
      %sub3A_562 = arith.subi %add3A_559, %sub3A_561 : vector<16xi32>
      %jit3A_563 = arith.constant 80 : i32
      %div3A_564 = vector.broadcast %jit3A_563 : i32 to vector<16xi32>
      %div3A_565 = arith.divsi %sub3A_562, %div3A_564 : vector<16xi32>
      %sign3A_566 = arith.constant 0 : i32
      %sign3A_567 = vector.broadcast %sign3A_566 : i32 to vector<16xi32>
      %sign3A_568 = arith.cmpi sgt, %sub3A_562, %sign3A_567 : vector<16xi32>
      %sign3A_569 = arith.extui %sign3A_568 : vector<16xi1> to vector<16xi32>
      %sign3A_570 = arith.constant 0 : i32
      %sign3A_571 = vector.broadcast %sign3A_570 : i32 to vector<16xi32>
      %sign3A_572 = arith.cmpi slt, %sub3A_562, %sign3A_571 : vector<16xi32>
      %sign3A_573 = arith.extui %sign3A_572 : vector<16xi1> to vector<16xi32>
      %sign3A_574 = arith.subi %sign3A_569, %sign3A_573 : vector<16xi32>
      %sign3A_575 = arith.constant 0 : i32
      %sign3A_576 = arith.cmpi sgt, %jit3A_563, %sign3A_575 : i32
      %sign3A_577 = arith.extui %sign3A_576 : i1 to i32
      %sign3A_578 = arith.constant 0 : i32
      %sign3A_579 = arith.cmpi slt, %jit3A_563, %sign3A_578 : i32
      %sign3A_580 = arith.extui %sign3A_579 : i1 to i32
      %sign3A_581 = arith.subi %sign3A_577, %sign3A_580 : i32
      %ne3A_582 = vector.broadcast %sign3A_581 : i32 to vector<16xi32>
      %ne3A_583 = arith.cmpi ne, %sign3A_574, %ne3A_582 : vector<16xi32>
      %rem3A_584 = vector.broadcast %jit3A_563 : i32 to vector<16xi32>
      %rem3A_585 = arith.remsi %sub3A_562, %rem3A_584 : vector<16xi32>
      %ne3A_586 = arith.constant 0 : i32
      %ne3A_587 = vector.broadcast %ne3A_586 : i32 to vector<16xi32>
      %ne3A_588 = arith.cmpi ne, %rem3A_585, %ne3A_587 : vector<16xi32>
      %and3A_589 = arith.andi %ne3A_583, %ne3A_588 : vector<16xi1>
      %sub3A_590 = arith.constant 1 : i32
      %sub3A_591 = vector.broadcast %sub3A_590 : i32 to vector<16xi32>
      %sub3A_592 = arith.subi %div3A_565, %sub3A_591 : vector<16xi32>
      %select_n3A_593 = arith.select %and3A_589, %sub3A_592, %div3A_565 : vector<16xi1>, vector<16xi32>
      %mul3A_594 = arith.constant 80 : i32
      %mul3A_595 = vector.broadcast %mul3A_594 : i32 to vector<16xi32>
      %mul3A_596 = arith.muli %select_n3A_593, %mul3A_595 : vector<16xi32>
      %sub3A_597 = arith.subi %sub3A_562, %mul3A_596 : vector<16xi32>
      tpu.vector_store_idx %arg10[%select_n3A_593, %sub3A_597], %get3A_551 masked %lt3A_557 : memref<256x80xi32, #tpu.memory_space<vmem>>[vector<16xi32>, vector<16xi32>], vector<16xi32>, vector<16xi1>
      tpu.vector_store_idx %arg11[%select_n3A_593, %sub3A_597], %get3A_554 masked %lt3A_557 : memref<256x80xi32, #tpu.memory_space<vmem>>[vector<16xi32>, vector<16xi32>], vector<16xi32>, vector<16xi1>
      %all_reduce_population_count3A_598 = tpu.all_reduce %lt3A_557 {dim = 0 : i64, kind = #tpu.reduction_kind<sum>} : vector<16xi1> -> vector<16xi32>
      %add3A_599 = arith.addi %add3A_548, %all_reduce_population_count3A_598 : vector<16xi32>
      %swap3A_600 = arith.constant 0 : index
      %swap3A_601 = tpu.vector_load %arg15[%swap3A_600] {strides = array<i32>} : memref<16xi32, #tpu.memory_space<vmem>>, vector<16xi32>,
      tpu.vector_store %arg15[%swap3A_600], %add3A_599 {strides = array<i32>} : memref<16xi32, #tpu.memory_space<vmem>>, vector<16xi32>,
    }
    %scan3A_39 = arith.constant 250 : i32
    %get3A = arith.constant 0 : index
    %get3A_40 = tpu.vector_load %arg15[%get3A] {strides = array<i32>} : memref<16xi32, #tpu.memory_space<vmem>>, vector<16xi32>,
    %iota3A = tpu.iota {dimensions = array<i32: 0>} : vector<16xi32>
    %add3A_41 = arith.constant 5000 : i32
    %add3A_42 = vector.broadcast %add3A_41 : i32 to vector<16xi32>
    %add3A_43 = arith.addi %broadcast_in_dim3A_30, %add3A_42 : vector<16xi32>
    %add3A_44 = arith.addi %get3A_40, %iota3A : vector<16xi32>
    %add3A_45 = arith.constant 0 : i32
    %add3A_46 = vector.broadcast %add3A_45 : i32 to vector<16xi32>
    %add3A_47 = arith.addi %add3A_44, %add3A_46 : vector<16xi32>
    %jit3A_48 = arith.constant 80 : i32
    %div3A_49 = vector.broadcast %jit3A_48 : i32 to vector<16xi32>
    %div3A_50 = arith.divsi %add3A_47, %div3A_49 : vector<16xi32>
    %sign3A = arith.constant 0 : i32
    %sign3A_51 = vector.broadcast %sign3A : i32 to vector<16xi32>
    %sign3A_52 = arith.cmpi sgt, %add3A_47, %sign3A_51 : vector<16xi32>
    %sign3A_53 = arith.extui %sign3A_52 : vector<16xi1> to vector<16xi32>
    %sign3A_54 = arith.constant 0 : i32
    %sign3A_55 = vector.broadcast %sign3A_54 : i32 to vector<16xi32>
    %sign3A_56 = arith.cmpi slt, %add3A_47, %sign3A_55 : vector<16xi32>
    %sign3A_57 = arith.extui %sign3A_56 : vector<16xi1> to vector<16xi32>
    %sign3A_58 = arith.subi %sign3A_53, %sign3A_57 : vector<16xi32>
    %sign3A_59 = arith.constant 0 : i32
    %sign3A_60 = arith.cmpi sgt, %jit3A_48, %sign3A_59 : i32
    %sign3A_61 = arith.extui %sign3A_60 : i1 to i32
    %sign3A_62 = arith.constant 0 : i32
    %sign3A_63 = arith.cmpi slt, %jit3A_48, %sign3A_62 : i32
    %sign3A_64 = arith.extui %sign3A_63 : i1 to i32
    %sign3A_65 = arith.subi %sign3A_61, %sign3A_64 : i32
    %ne3A = vector.broadcast %sign3A_65 : i32 to vector<16xi32>
    %ne3A_66 = arith.cmpi ne, %sign3A_58, %ne3A : vector<16xi32>
    %rem3A = vector.broadcast %jit3A_48 : i32 to vector<16xi32>
    %rem3A_67 = arith.remsi %add3A_47, %rem3A : vector<16xi32>
    %ne3A_68 = arith.constant 0 : i32
    %ne3A_69 = vector.broadcast %ne3A_68 : i32 to vector<16xi32>
    %ne3A_70 = arith.cmpi ne, %rem3A_67, %ne3A_69 : vector<16xi32>
    %and3A = arith.andi %ne3A_66, %ne3A_70 : vector<16xi1>
    %sub3A_71 = arith.constant 1 : i32
    %sub3A_72 = vector.broadcast %sub3A_71 : i32 to vector<16xi32>
    %sub3A_73 = arith.subi %div3A_50, %sub3A_72 : vector<16xi32>
    %select_n3A_74 = arith.select %and3A, %sub3A_73, %div3A_50 : vector<16xi1>, vector<16xi32>
    %mul3A_75 = arith.constant 80 : i32
    %mul3A_76 = vector.broadcast %mul3A_75 : i32 to vector<16xi32>
    %mul3A_77 = arith.muli %select_n3A_74, %mul3A_76 : vector<16xi32>
    %sub3A_78 = arith.subi %add3A_47, %mul3A_77 : vector<16xi32>
    tpu.vector_store_idx %arg10[%select_n3A_74, %sub3A_78], %broadcast_in_dim3A_30 : memref<256x80xi32, #tpu.memory_space<vmem>>[vector<16xi32>, vector<16xi32>], vector<16xi32>,
    tpu.vector_store_idx %arg11[%select_n3A_74, %sub3A_78], %add3A_43 : memref<256x80xi32, #tpu.memory_space<vmem>>[vector<16xi32>, vector<16xi32>], vector<16xi32>,
    %add3A_79 = arith.addi %get3A_40, %iota3A : vector<16xi32>
    %add3A_80 = arith.constant 16 : i32
    %add3A_81 = vector.broadcast %add3A_80 : i32 to vector<16xi32>
    %add3A_82 = arith.addi %add3A_79, %add3A_81 : vector<16xi32>
    %jit3A_83 = arith.constant 80 : i32
    %div3A_84 = vector.broadcast %jit3A_83 : i32 to vector<16xi32>
    %div3A_85 = arith.divsi %add3A_82, %div3A_84 : vector<16xi32>
    %sign3A_86 = arith.constant 0 : i32
    %sign3A_87 = vector.broadcast %sign3A_86 : i32 to vector<16xi32>
    %sign3A_88 = arith.cmpi sgt, %add3A_82, %sign3A_87 : vector<16xi32>
    %sign3A_89 = arith.extui %sign3A_88 : vector<16xi1> to vector<16xi32>
    %sign3A_90 = arith.constant 0 : i32
    %sign3A_91 = vector.broadcast %sign3A_90 : i32 to vector<16xi32>
    %sign3A_92 = arith.cmpi slt, %add3A_82, %sign3A_91 : vector<16xi32>
    %sign3A_93 = arith.extui %sign3A_92 : vector<16xi1> to vector<16xi32>
    %sign3A_94 = arith.subi %sign3A_89, %sign3A_93 : vector<16xi32>
    %sign3A_95 = arith.constant 0 : i32
    %sign3A_96 = arith.cmpi sgt, %jit3A_83, %sign3A_95 : i32
    %sign3A_97 = arith.extui %sign3A_96 : i1 to i32
    %sign3A_98 = arith.constant 0 : i32
    %sign3A_99 = arith.cmpi slt, %jit3A_83, %sign3A_98 : i32
    %sign3A_100 = arith.extui %sign3A_99 : i1 to i32
    %sign3A_101 = arith.subi %sign3A_97, %sign3A_100 : i32
    %ne3A_102 = vector.broadcast %sign3A_101 : i32 to vector<16xi32>
    %ne3A_103 = arith.cmpi ne, %sign3A_94, %ne3A_102 : vector<16xi32>
    %rem3A_104 = vector.broadcast %jit3A_83 : i32 to vector<16xi32>
    %rem3A_105 = arith.remsi %add3A_82, %rem3A_104 : vector<16xi32>
    %ne3A_106 = arith.constant 0 : i32
    %ne3A_107 = vector.broadcast %ne3A_106 : i32 to vector<16xi32>
    %ne3A_108 = arith.cmpi ne, %rem3A_105, %ne3A_107 : vector<16xi32>
    %and3A_109 = arith.andi %ne3A_103, %ne3A_108 : vector<16xi1>
    %sub3A_110 = arith.constant 1 : i32
    %sub3A_111 = vector.broadcast %sub3A_110 : i32 to vector<16xi32>
    %sub3A_112 = arith.subi %div3A_85, %sub3A_111 : vector<16xi32>
    %select_n3A_113 = arith.select %and3A_109, %sub3A_112, %div3A_85 : vector<16xi1>, vector<16xi32>
    %mul3A_114 = arith.constant 80 : i32
    %mul3A_115 = vector.broadcast %mul3A_114 : i32 to vector<16xi32>
    %mul3A_116 = arith.muli %select_n3A_113, %mul3A_115 : vector<16xi32>
    %sub3A_117 = arith.subi %add3A_82, %mul3A_116 : vector<16xi32>
    tpu.vector_store_idx %arg10[%select_n3A_113, %sub3A_117], %broadcast_in_dim3A_30 : memref<256x80xi32, #tpu.memory_space<vmem>>[vector<16xi32>, vector<16xi32>], vector<16xi32>,
    tpu.vector_store_idx %arg11[%select_n3A_113, %sub3A_117], %add3A_43 : memref<256x80xi32, #tpu.memory_space<vmem>>[vector<16xi32>, vector<16xi32>], vector<16xi32>,
    %add3A_118 = arith.addi %get3A_40, %iota3A : vector<16xi32>
    %add3A_119 = arith.constant 32 : i32
    %add3A_120 = vector.broadcast %add3A_119 : i32 to vector<16xi32>
    %add3A_121 = arith.addi %add3A_118, %add3A_120 : vector<16xi32>
    %jit3A_122 = arith.constant 80 : i32
    %div3A_123 = vector.broadcast %jit3A_122 : i32 to vector<16xi32>
    %div3A_124 = arith.divsi %add3A_121, %div3A_123 : vector<16xi32>
    %sign3A_125 = arith.constant 0 : i32
    %sign3A_126 = vector.broadcast %sign3A_125 : i32 to vector<16xi32>
    %sign3A_127 = arith.cmpi sgt, %add3A_121, %sign3A_126 : vector<16xi32>
    %sign3A_128 = arith.extui %sign3A_127 : vector<16xi1> to vector<16xi32>
    %sign3A_129 = arith.constant 0 : i32
    %sign3A_130 = vector.broadcast %sign3A_129 : i32 to vector<16xi32>
    %sign3A_131 = arith.cmpi slt, %add3A_121, %sign3A_130 : vector<16xi32>
    %sign3A_132 = arith.extui %sign3A_131 : vector<16xi1> to vector<16xi32>
    %sign3A_133 = arith.subi %sign3A_128, %sign3A_132 : vector<16xi32>
    %sign3A_134 = arith.constant 0 : i32
    %sign3A_135 = arith.cmpi sgt, %jit3A_122, %sign3A_134 : i32
    %sign3A_136 = arith.extui %sign3A_135 : i1 to i32
    %sign3A_137 = arith.constant 0 : i32
    %sign3A_138 = arith.cmpi slt, %jit3A_122, %sign3A_137 : i32
    %sign3A_139 = arith.extui %sign3A_138 : i1 to i32
    %sign3A_140 = arith.subi %sign3A_136, %sign3A_139 : i32
    %ne3A_141 = vector.broadcast %sign3A_140 : i32 to vector<16xi32>
    %ne3A_142 = arith.cmpi ne, %sign3A_133, %ne3A_141 : vector<16xi32>
    %rem3A_143 = vector.broadcast %jit3A_122 : i32 to vector<16xi32>
    %rem3A_144 = arith.remsi %add3A_121, %rem3A_143 : vector<16xi32>
    %ne3A_145 = arith.constant 0 : i32
    %ne3A_146 = vector.broadcast %ne3A_145 : i32 to vector<16xi32>
    %ne3A_147 = arith.cmpi ne, %rem3A_144, %ne3A_146 : vector<16xi32>
    %and3A_148 = arith.andi %ne3A_142, %ne3A_147 : vector<16xi1>
    %sub3A_149 = arith.constant 1 : i32
    %sub3A_150 = vector.broadcast %sub3A_149 : i32 to vector<16xi32>
    %sub3A_151 = arith.subi %div3A_124, %sub3A_150 : vector<16xi32>
    %select_n3A_152 = arith.select %and3A_148, %sub3A_151, %div3A_124 : vector<16xi1>, vector<16xi32>
    %mul3A_153 = arith.constant 80 : i32
    %mul3A_154 = vector.broadcast %mul3A_153 : i32 to vector<16xi32>
    %mul3A_155 = arith.muli %select_n3A_152, %mul3A_154 : vector<16xi32>
    %sub3A_156 = arith.subi %add3A_121, %mul3A_155 : vector<16xi32>
    tpu.vector_store_idx %arg10[%select_n3A_152, %sub3A_156], %broadcast_in_dim3A_30 : memref<256x80xi32, #tpu.memory_space<vmem>>[vector<16xi32>, vector<16xi32>], vector<16xi32>,
    tpu.vector_store_idx %arg11[%select_n3A_152, %sub3A_156], %add3A_43 : memref<256x80xi32, #tpu.memory_space<vmem>>[vector<16xi32>, vector<16xi32>], vector<16xi32>,
    %add3A_157 = arith.addi %get3A_40, %iota3A : vector<16xi32>
    %add3A_158 = arith.constant 48 : i32
    %add3A_159 = vector.broadcast %add3A_158 : i32 to vector<16xi32>
    %add3A_160 = arith.addi %add3A_157, %add3A_159 : vector<16xi32>
    %jit3A_161 = arith.constant 80 : i32
    %div3A_162 = vector.broadcast %jit3A_161 : i32 to vector<16xi32>
    %div3A_163 = arith.divsi %add3A_160, %div3A_162 : vector<16xi32>
    %sign3A_164 = arith.constant 0 : i32
    %sign3A_165 = vector.broadcast %sign3A_164 : i32 to vector<16xi32>
    %sign3A_166 = arith.cmpi sgt, %add3A_160, %sign3A_165 : vector<16xi32>
    %sign3A_167 = arith.extui %sign3A_166 : vector<16xi1> to vector<16xi32>
    %sign3A_168 = arith.constant 0 : i32
    %sign3A_169 = vector.broadcast %sign3A_168 : i32 to vector<16xi32>
    %sign3A_170 = arith.cmpi slt, %add3A_160, %sign3A_169 : vector<16xi32>
    %sign3A_171 = arith.extui %sign3A_170 : vector<16xi1> to vector<16xi32>
    %sign3A_172 = arith.subi %sign3A_167, %sign3A_171 : vector<16xi32>
    %sign3A_173 = arith.constant 0 : i32
    %sign3A_174 = arith.cmpi sgt, %jit3A_161, %sign3A_173 : i32
    %sign3A_175 = arith.extui %sign3A_174 : i1 to i32
    %sign3A_176 = arith.constant 0 : i32
    %sign3A_177 = arith.cmpi slt, %jit3A_161, %sign3A_176 : i32
    %sign3A_178 = arith.extui %sign3A_177 : i1 to i32
    %sign3A_179 = arith.subi %sign3A_175, %sign3A_178 : i32
    %ne3A_180 = vector.broadcast %sign3A_179 : i32 to vector<16xi32>
    %ne3A_181 = arith.cmpi ne, %sign3A_172, %ne3A_180 : vector<16xi32>
    %rem3A_182 = vector.broadcast %jit3A_161 : i32 to vector<16xi32>
    %rem3A_183 = arith.remsi %add3A_160, %rem3A_182 : vector<16xi32>
    %ne3A_184 = arith.constant 0 : i32
    %ne3A_185 = vector.broadcast %ne3A_184 : i32 to vector<16xi32>
    %ne3A_186 = arith.cmpi ne, %rem3A_183, %ne3A_185 : vector<16xi32>
    %and3A_187 = arith.andi %ne3A_181, %ne3A_186 : vector<16xi1>
    %sub3A_188 = arith.constant 1 : i32
    %sub3A_189 = vector.broadcast %sub3A_188 : i32 to vector<16xi32>
    %sub3A_190 = arith.subi %div3A_163, %sub3A_189 : vector<16xi32>
    %select_n3A_191 = arith.select %and3A_187, %sub3A_190, %div3A_163 : vector<16xi1>, vector<16xi32>
    %mul3A_192 = arith.constant 80 : i32
    %mul3A_193 = vector.broadcast %mul3A_192 : i32 to vector<16xi32>
    %mul3A_194 = arith.muli %select_n3A_191, %mul3A_193 : vector<16xi32>
    %sub3A_195 = arith.subi %add3A_160, %mul3A_194 : vector<16xi32>
    tpu.vector_store_idx %arg10[%select_n3A_191, %sub3A_195], %broadcast_in_dim3A_30 : memref<256x80xi32, #tpu.memory_space<vmem>>[vector<16xi32>, vector<16xi32>], vector<16xi32>,
    tpu.vector_store_idx %arg11[%select_n3A_191, %sub3A_195], %add3A_43 : memref<256x80xi32, #tpu.memory_space<vmem>>[vector<16xi32>, vector<16xi32>], vector<16xi32>,
    %add3A_196 = arith.addi %get3A_40, %iota3A : vector<16xi32>
    %add3A_197 = arith.constant 64 : i32
    %add3A_198 = vector.broadcast %add3A_197 : i32 to vector<16xi32>
    %add3A_199 = arith.addi %add3A_196, %add3A_198 : vector<16xi32>
    %jit3A_200 = arith.constant 80 : i32
    %div3A_201 = vector.broadcast %jit3A_200 : i32 to vector<16xi32>
    %div3A_202 = arith.divsi %add3A_199, %div3A_201 : vector<16xi32>
    %sign3A_203 = arith.constant 0 : i32
    %sign3A_204 = vector.broadcast %sign3A_203 : i32 to vector<16xi32>
    %sign3A_205 = arith.cmpi sgt, %add3A_199, %sign3A_204 : vector<16xi32>
    %sign3A_206 = arith.extui %sign3A_205 : vector<16xi1> to vector<16xi32>
    %sign3A_207 = arith.constant 0 : i32
    %sign3A_208 = vector.broadcast %sign3A_207 : i32 to vector<16xi32>
    %sign3A_209 = arith.cmpi slt, %add3A_199, %sign3A_208 : vector<16xi32>
    %sign3A_210 = arith.extui %sign3A_209 : vector<16xi1> to vector<16xi32>
    %sign3A_211 = arith.subi %sign3A_206, %sign3A_210 : vector<16xi32>
    %sign3A_212 = arith.constant 0 : i32
    %sign3A_213 = arith.cmpi sgt, %jit3A_200, %sign3A_212 : i32
    %sign3A_214 = arith.extui %sign3A_213 : i1 to i32
    %sign3A_215 = arith.constant 0 : i32
    %sign3A_216 = arith.cmpi slt, %jit3A_200, %sign3A_215 : i32
    %sign3A_217 = arith.extui %sign3A_216 : i1 to i32
    %sign3A_218 = arith.subi %sign3A_214, %sign3A_217 : i32
    %ne3A_219 = vector.broadcast %sign3A_218 : i32 to vector<16xi32>
    %ne3A_220 = arith.cmpi ne, %sign3A_211, %ne3A_219 : vector<16xi32>
    %rem3A_221 = vector.broadcast %jit3A_200 : i32 to vector<16xi32>
    %rem3A_222 = arith.remsi %add3A_199, %rem3A_221 : vector<16xi32>
    %ne3A_223 = arith.constant 0 : i32
    %ne3A_224 = vector.broadcast %ne3A_223 : i32 to vector<16xi32>
    %ne3A_225 = arith.cmpi ne, %rem3A_222, %ne3A_224 : vector<16xi32>
    %and3A_226 = arith.andi %ne3A_220, %ne3A_225 : vector<16xi1>
    %sub3A_227 = arith.constant 1 : i32
    %sub3A_228 = vector.broadcast %sub3A_227 : i32 to vector<16xi32>
    %sub3A_229 = arith.subi %div3A_202, %sub3A_228 : vector<16xi32>
    %select_n3A_230 = arith.select %and3A_226, %sub3A_229, %div3A_202 : vector<16xi1>, vector<16xi32>
    %mul3A_231 = arith.constant 80 : i32
    %mul3A_232 = vector.broadcast %mul3A_231 : i32 to vector<16xi32>
    %mul3A_233 = arith.muli %select_n3A_230, %mul3A_232 : vector<16xi32>
    %sub3A_234 = arith.subi %add3A_199, %mul3A_233 : vector<16xi32>
    tpu.vector_store_idx %arg10[%select_n3A_230, %sub3A_234], %broadcast_in_dim3A_30 : memref<256x80xi32, #tpu.memory_space<vmem>>[vector<16xi32>, vector<16xi32>], vector<16xi32>,
    tpu.vector_store_idx %arg11[%select_n3A_230, %sub3A_234], %add3A_43 : memref<256x80xi32, #tpu.memory_space<vmem>>[vector<16xi32>, vector<16xi32>], vector<16xi32>,
    %reduce_max3A = arith.constant true
    %reduce_max3A_235 = vector.broadcast %reduce_max3A : i1 to vector<16xi1>
    %reduce_max3A_236 = arith.constant -2147483648 : i32
    %reduce_max3A_237 = vector.broadcast %reduce_max3A_236 : i32 to vector<16xi32>
    %reduce_max3A_238 = arith.xori %get3A_40, %reduce_max3A_237 : vector<16xi32>
    %reduce_max3A_239 = tpu.scan <max>, %reduce_max3A_238 masked %reduce_max3A_235 : vector<16xi32>, vector<16xi1> -> vector<16xi32>
    %reduce_max3A_240 = arith.xori %reduce_max3A_239, %reduce_max3A_237 : vector<16xi32>
    %reduce_max3A_241 = vector.extract %reduce_max3A_240[15] : i32 from vector<16xi32>
    %add3A_242 = arith.constant 79 : i32
    %add3A_243 = arith.addi %reduce_max3A_241, %add3A_242 : i32
    %jit3A_244 = arith.constant 80 : i32
    %div3A_245 = arith.divsi %add3A_243, %jit3A_244 : i32
    %sign3A_246 = arith.constant 0 : i32
    %sign3A_247 = arith.cmpi sgt, %add3A_243, %sign3A_246 : i32
    %sign3A_248 = arith.extui %sign3A_247 : i1 to i32
    %sign3A_249 = arith.constant 0 : i32
    %sign3A_250 = arith.cmpi slt, %add3A_243, %sign3A_249 : i32
    %sign3A_251 = arith.extui %sign3A_250 : i1 to i32
    %sign3A_252 = arith.subi %sign3A_248, %sign3A_251 : i32
    %sign3A_253 = arith.constant 0 : i32
    %sign3A_254 = arith.cmpi sgt, %jit3A_244, %sign3A_253 : i32
    %sign3A_255 = arith.extui %sign3A_254 : i1 to i32
    %sign3A_256 = arith.constant 0 : i32
    %sign3A_257 = arith.cmpi slt, %jit3A_244, %sign3A_256 : i32
    %sign3A_258 = arith.extui %sign3A_257 : i1 to i32
    %sign3A_259 = arith.subi %sign3A_255, %sign3A_258 : i32
    %ne3A_260 = arith.cmpi ne, %sign3A_252, %sign3A_259 : i32
    %rem3A_261 = arith.remsi %add3A_243, %jit3A_244 : i32
    %ne3A_262 = arith.constant 0 : i32
    %ne3A_263 = arith.cmpi ne, %rem3A_261, %ne3A_262 : i32
    %and3A_264 = arith.andi %ne3A_260, %ne3A_263 : i1
    %sub3A_265 = arith.constant 1 : i32
    %sub3A_266 = arith.subi %div3A_245, %sub3A_265 : i32
    %select_n3A_267 = arith.select %and3A_264, %sub3A_266, %div3A_245 : i32
    %mul3A_268 = arith.constant 256 : i32
    %mul3A_269 = arith.muli %arg1, %mul3A_268 : i32
    "tpu.region"() ({
      %run_scoped3A = tpu.sem_alloc : memref<!tpu.dma_semaphore, #tpu.memory_space<semaphore_mem>>
      %dma_start3A = arith.constant 0 : i32
      %dma_start3A_341 = tpu.memref_slice %arg7[%arg0, %mul3A_269, %dma_start3A] : memref<2x4096x80xi32, #tpu.memory_space<hbm>> -> memref<1x256x80xi32, #tpu.memory_space<hbm>>
      %dma_start3A_342 = tpu.memref_squeeze %dma_start3A_341 : memref<1x256x80xi32, #tpu.memory_space<hbm>> -> memref<256x80xi32, #tpu.memory_space<hbm>>
      %dma_start3A_343 = arith.constant 0 : i32
      %dma_start3A_344 = tpu.memref_slice %arg7[%arg0, %mul3A_269, %dma_start3A_343] : memref<2x4096x80xi32, #tpu.memory_space<hbm>> -> memref<1x256x80xi32, #tpu.memory_space<hbm>>
      %dma_start3A_345 = tpu.memref_squeeze %dma_start3A_344 : memref<1x256x80xi32, #tpu.memory_space<hbm>> -> memref<256x80xi32, #tpu.memory_space<hbm>>
      tpu.enqueue_dma source(%arg10 : memref<256x80xi32, #tpu.memory_space<vmem>>) target(%dma_start3A_345 : memref<256x80xi32, #tpu.memory_space<hbm>>) target_semaphore(%run_scoped3A : memref<!tpu.dma_semaphore, #tpu.memory_space<semaphore_mem>>)
      %dma_wait3A = arith.constant 0 : i32
      %dma_wait3A_346 = tpu.memref_slice %arg7[%arg0, %mul3A_269, %dma_wait3A] : memref<2x4096x80xi32, #tpu.memory_space<hbm>> -> memref<1x256x80xi32, #tpu.memory_space<hbm>>
      %dma_wait3A_347 = tpu.memref_squeeze %dma_wait3A_346 : memref<1x256x80xi32, #tpu.memory_space<hbm>> -> memref<256x80xi32, #tpu.memory_space<hbm>>
      %dma_wait3A_348 = arith.constant 0 : i32
      %dma_wait3A_349 = tpu.memref_slice %arg7[%arg0, %mul3A_269, %dma_wait3A_348] : memref<2x4096x80xi32, #tpu.memory_space<hbm>> -> memref<1x256x80xi32, #tpu.memory_space<hbm>>
      %dma_wait3A_350 = tpu.memref_squeeze %dma_wait3A_349 : memref<1x256x80xi32, #tpu.memory_space<hbm>> -> memref<256x80xi32, #tpu.memory_space<hbm>>
      tpu.wait_dma2 semaphore(%run_scoped3A : memref<!tpu.dma_semaphore, #tpu.memory_space<semaphore_mem>>) src(%arg10 : memref<256x80xi32, #tpu.memory_space<vmem>>) dst(%dma_wait3A_350 : memref<256x80xi32, #tpu.memory_space<hbm>>)
      tpu.yield
    }) : () -> ()
    %mul3A_270 = arith.constant 256 : i32
    %mul3A_271 = arith.muli %arg1, %mul3A_270 : i32
    "tpu.region"() ({
      %run_scoped3A = tpu.sem_alloc : memref<!tpu.dma_semaphore, #tpu.memory_space<semaphore_mem>>
      %dma_start3A = arith.constant 0 : i32
      %dma_start3A_341 = tpu.memref_slice %arg8[%arg0, %mul3A_271, %dma_start3A] : memref<2x4096x80xi32, #tpu.memory_space<hbm>> -> memref<1x256x80xi32, #tpu.memory_space<hbm>>
      %dma_start3A_342 = tpu.memref_squeeze %dma_start3A_341 : memref<1x256x80xi32, #tpu.memory_space<hbm>> -> memref<256x80xi32, #tpu.memory_space<hbm>>
      %dma_start3A_343 = arith.constant 0 : i32
      %dma_start3A_344 = tpu.memref_slice %arg8[%arg0, %mul3A_271, %dma_start3A_343] : memref<2x4096x80xi32, #tpu.memory_space<hbm>> -> memref<1x256x80xi32, #tpu.memory_space<hbm>>
      %dma_start3A_345 = tpu.memref_squeeze %dma_start3A_344 : memref<1x256x80xi32, #tpu.memory_space<hbm>> -> memref<256x80xi32, #tpu.memory_space<hbm>>
      tpu.enqueue_dma source(%arg11 : memref<256x80xi32, #tpu.memory_space<vmem>>) target(%dma_start3A_345 : memref<256x80xi32, #tpu.memory_space<hbm>>) target_semaphore(%run_scoped3A : memref<!tpu.dma_semaphore, #tpu.memory_space<semaphore_mem>>)
      %dma_wait3A = arith.constant 0 : i32
      %dma_wait3A_346 = tpu.memref_slice %arg8[%arg0, %mul3A_271, %dma_wait3A] : memref<2x4096x80xi32, #tpu.memory_space<hbm>> -> memref<1x256x80xi32, #tpu.memory_space<hbm>>
      %dma_wait3A_347 = tpu.memref_squeeze %dma_wait3A_346 : memref<1x256x80xi32, #tpu.memory_space<hbm>> -> memref<256x80xi32, #tpu.memory_space<hbm>>
      %dma_wait3A_348 = arith.constant 0 : i32
      %dma_wait3A_349 = tpu.memref_slice %arg8[%arg0, %mul3A_271, %dma_wait3A_348] : memref<2x4096x80xi32, #tpu.memory_space<hbm>> -> memref<1x256x80xi32, #tpu.memory_space<hbm>>
      %dma_wait3A_350 = tpu.memref_squeeze %dma_wait3A_349 : memref<1x256x80xi32, #tpu.memory_space<hbm>> -> memref<256x80xi32, #tpu.memory_space<hbm>>
      tpu.wait_dma2 semaphore(%run_scoped3A : memref<!tpu.dma_semaphore, #tpu.memory_space<semaphore_mem>>) src(%arg11 : memref<256x80xi32, #tpu.memory_space<vmem>>) dst(%dma_wait3A_350 : memref<256x80xi32, #tpu.memory_space<hbm>>)
      tpu.yield
    }) : () -> ()
    %mul3A_272 = arith.constant 16 : i32
    %mul3A_273 = arith.muli %arg1, %mul3A_272 : i32
    "tpu.region"() ({
      %run_scoped3A = tpu.sem_alloc : memref<!tpu.dma_semaphore, #tpu.memory_space<semaphore_mem>>
      %dma_start3A = tpu.memref_slice %arg9[%arg0, %mul3A_273] : memref<2x256xi32, #tpu.memory_space<hbm>> -> memref<1x16xi32, #tpu.memory_space<hbm>>
      %dma_start3A_341 = tpu.memref_squeeze %dma_start3A : memref<1x16xi32, #tpu.memory_space<hbm>> -> memref<16xi32, #tpu.memory_space<hbm>>
      %dma_start3A_342 = tpu.memref_slice %arg9[%arg0, %mul3A_273] : memref<2x256xi32, #tpu.memory_space<hbm>> -> memref<1x16xi32, #tpu.memory_space<hbm>>
      %dma_start3A_343 = tpu.memref_squeeze %dma_start3A_342 : memref<1x16xi32, #tpu.memory_space<hbm>> -> memref<16xi32, #tpu.memory_space<hbm>>
      tpu.enqueue_dma source(%arg15 : memref<16xi32, #tpu.memory_space<vmem>>) target(%dma_start3A_343 : memref<16xi32, #tpu.memory_space<hbm>>) target_semaphore(%run_scoped3A : memref<!tpu.dma_semaphore, #tpu.memory_space<semaphore_mem>>)
      %dma_wait3A = tpu.memref_slice %arg9[%arg0, %mul3A_273] : memref<2x256xi32, #tpu.memory_space<hbm>> -> memref<1x16xi32, #tpu.memory_space<hbm>>
      %dma_wait3A_344 = tpu.memref_squeeze %dma_wait3A : memref<1x16xi32, #tpu.memory_space<hbm>> -> memref<16xi32, #tpu.memory_space<hbm>>
      %dma_wait3A_345 = tpu.memref_slice %arg9[%arg0, %mul3A_273] : memref<2x256xi32, #tpu.memory_space<hbm>> -> memref<1x16xi32, #tpu.memory_space<hbm>>
      %dma_wait3A_346 = tpu.memref_squeeze %dma_wait3A_345 : memref<1x16xi32, #tpu.memory_space<hbm>> -> memref<16xi32, #tpu.memory_space<hbm>>
      tpu.wait_dma2 semaphore(%run_scoped3A : memref<!tpu.dma_semaphore, #tpu.memory_space<semaphore_mem>>) src(%arg15 : memref<16xi32, #tpu.memory_space<vmem>>) dst(%dma_wait3A_346 : memref<16xi32, #tpu.memory_space<hbm>>)
      tpu.yield
    }) : () -> ()
    %sub3A_274 = arith.constant 0 : i32
    %sub3A_275 = arith.subi %select_n3A, %sub3A_274 : i32
    %sub3A_276 = arith.constant 1 : i32
    %sub3A_277 = arith.constant 1 : i32
    %sub3A_278 = arith.subi %sub3A_276, %sub3A_277 : i32
    %add3A_279 = arith.addi %sub3A_275, %sub3A_278 : i32
    %div3A_280 = arith.constant 1 : i32
    %div3A_281 = arith.divsi %add3A_279, %div3A_280 : i32
    %while3A_282 = arith.constant 1 : i32
    %while3A_283 = arith.constant 0 : i32
    %while3A_284 = arith.constant 0 : i32
    %while3A_285 = arith.subi %div3A_281, %while3A_284 : i32
    %while3A_286 = arith.addi %while3A_284, %while3A_285 : i32
    %while3A_287 = arith.constant 1 : i32
    %while3A_288 = arith.divsi %while3A_285, %while3A_287 : i32
    %while3A_289 = arith.muli %while3A_288, %while3A_287 : i32
    %while3A_290 = arith.addi %while3A_284, %while3A_289 : i32
    %while3A_291 = arith.constant 1 : i32
    scf.for %while3A_341 = %while3A_284 to %while3A_290 step %while3A_291  : i32 {
      %mul3A_342 = arith.muli %while3A_341, %while3A_282 : i32
      %add3A_343 = arith.addi %while3A_283, %mul3A_342 : i32
      %mul3A_344 = arith.constant 320 : i32
      %mul3A_345 = arith.muli %arg1, %mul3A_344 : i32
      %mul3A_346 = arith.constant 8 : i32
      %mul3A_347 = arith.muli %add3A_343, %mul3A_346 : i32
      %add3A_348 = arith.addi %mul3A_345, %mul3A_347 : i32
      %dma_wait3A = arith.constant 0 : i32
      %dma_wait3A_349 = tpu.memref_slice %arg16[%add3A_348, %dma_wait3A] : memref<5008x128xf32, #tpu.memory_space<vmem_shared>> -> memref<8x128xf32, #tpu.memory_space<vmem_shared>>
      %dma_wait3A_350 = arith.constant 0 : i32
      %dma_wait3A_351 = tpu.memref_slice %arg16[%add3A_348, %dma_wait3A_350] : memref<5008x128xf32, #tpu.memory_space<vmem_shared>> -> memref<8x128xf32, #tpu.memory_space<vmem_shared>>
      tpu.wait_dma2 semaphore(%arg19 : memref<!tpu.dma_semaphore, #tpu.memory_space<semaphore_mem>>) src(%arg14 : memref<8x128xf32, #tpu.memory_space<vmem>>) dst(%dma_wait3A_351 : memref<8x128xf32, #tpu.memory_space<vmem_shared>>)
    }
    %while3A_292 = arith.constant 1 : i32
    scf.for %while3A_341 = %while3A_290 to %while3A_286 step %while3A_292  : i32 {
      %mul3A_342 = arith.muli %while3A_341, %while3A_282 : i32
      %add3A_343 = arith.addi %while3A_283, %mul3A_342 : i32
      %mul3A_344 = arith.constant 320 : i32
      %mul3A_345 = arith.muli %arg1, %mul3A_344 : i32
      %mul3A_346 = arith.constant 8 : i32
      %mul3A_347 = arith.muli %add3A_343, %mul3A_346 : i32
      %add3A_348 = arith.addi %mul3A_345, %mul3A_347 : i32
      %dma_wait3A = arith.constant 0 : i32
      %dma_wait3A_349 = tpu.memref_slice %arg16[%add3A_348, %dma_wait3A] : memref<5008x128xf32, #tpu.memory_space<vmem_shared>> -> memref<8x128xf32, #tpu.memory_space<vmem_shared>>
      %dma_wait3A_350 = arith.constant 0 : i32
      %dma_wait3A_351 = tpu.memref_slice %arg16[%add3A_348, %dma_wait3A_350] : memref<5008x128xf32, #tpu.memory_space<vmem_shared>> -> memref<8x128xf32, #tpu.memory_space<vmem_shared>>
      tpu.wait_dma2 semaphore(%arg19 : memref<!tpu.dma_semaphore, #tpu.memory_space<semaphore_mem>>) src(%arg14 : memref<8x128xf32, #tpu.memory_space<vmem>>) dst(%dma_wait3A_351 : memref<8x128xf32, #tpu.memory_space<vmem_shared>>)
    }
    %barrier3A = arith.constant 0 : index
    tpu.barrier barrier_id(%barrier3A)
    %ge3A = arith.constant 1 : i32
    %ge3A_293 = arith.cmpi sge, %select_n3A_267, %ge3A : i32
    %convert_element_type3A_294 = arith.extui %ge3A_293 : i1 to i32
    %cond3A_295 = arith.constant 0 : i32
    %cond3A_296 = arith.cmpi ne, %convert_element_type3A_294, %cond3A_295 : i32
    scf.if %cond3A_296 {
      %dma_start3A = arith.constant 0 : i32
      %dma_start3A_341 = arith.constant 0 : i32
      %dma_start3A_342 = tpu.memref_slice %arg10[%dma_start3A, %dma_start3A_341] : memref<256x80xi32, #tpu.memory_space<vmem>> -> memref<1x80xi32, #tpu.memory_space<vmem>>
      %dma_start3A_343 = tpu.memref_squeeze %dma_start3A_342 : memref<1x80xi32, #tpu.memory_space<vmem>> -> memref<80xi32, #tpu.memory_space<vmem>>
      %dma_start3A_344 = arith.constant 0 : i32
      %dma_start3A_345 = arith.constant 0 : i32
      %dma_start3A_346 = tpu.memref_slice %arg2[%dma_start3A_344, %dma_start3A_345] : memref<10000x128xf32, #tpu.memory_space<hbm>> -> memref<10000x128xf32, #tpu.memory_space<hbm>>
      tpu.enqueue_indirect_dma source(%dma_start3A_346 : memref<10000x128xf32, #tpu.memory_space<hbm>>) target(%arg12 : memref<80x128xf32, #tpu.memory_space<vmem>>) offsets(%dma_start3A_343 : memref<80xi32, #tpu.memory_space<vmem>>) semaphore(%arg17 : memref<!tpu.dma_semaphore, #tpu.memory_space<semaphore_mem>>)
    } else {
    }
    %ge3A_297 = arith.constant 2 : i32
    %ge3A_298 = arith.cmpi sge, %select_n3A_267, %ge3A_297 : i32
    %convert_element_type3A_299 = arith.extui %ge3A_298 : i1 to i32
    %cond3A_300 = arith.constant 0 : i32
    %cond3A_301 = arith.cmpi ne, %convert_element_type3A_299, %cond3A_300 : i32
    scf.if %cond3A_301 {
      %dma_start3A = arith.constant 1 : i32
      %dma_start3A_341 = arith.constant 0 : i32
      %dma_start3A_342 = tpu.memref_slice %arg10[%dma_start3A, %dma_start3A_341] : memref<256x80xi32, #tpu.memory_space<vmem>> -> memref<1x80xi32, #tpu.memory_space<vmem>>
      %dma_start3A_343 = tpu.memref_squeeze %dma_start3A_342 : memref<1x80xi32, #tpu.memory_space<vmem>> -> memref<80xi32, #tpu.memory_space<vmem>>
      %dma_start3A_344 = arith.constant 0 : i32
      %dma_start3A_345 = arith.constant 0 : i32
      %dma_start3A_346 = tpu.memref_slice %arg2[%dma_start3A_344, %dma_start3A_345] : memref<10000x128xf32, #tpu.memory_space<hbm>> -> memref<10000x128xf32, #tpu.memory_space<hbm>>
      tpu.enqueue_indirect_dma source(%dma_start3A_346 : memref<10000x128xf32, #tpu.memory_space<hbm>>) target(%arg13 : memref<80x128xf32, #tpu.memory_space<vmem>>) offsets(%dma_start3A_343 : memref<80xi32, #tpu.memory_space<vmem>>) semaphore(%arg18 : memref<!tpu.dma_semaphore, #tpu.memory_space<semaphore_mem>>)
    } else {
    }
    %sub3A_302 = arith.constant 0 : i32
    %sub3A_303 = arith.subi %select_n3A_267, %sub3A_302 : i32
    %sub3A_304 = arith.constant 2 : i32
    %sub3A_305 = arith.constant 1 : i32
    %sub3A_306 = arith.subi %sub3A_304, %sub3A_305 : i32
    %add3A_307 = arith.addi %sub3A_303, %sub3A_306 : i32
    %div3A_308 = arith.constant 2 : i32
    %div3A_309 = arith.divsi %add3A_307, %div3A_308 : i32
    %while3A_310 = arith.constant 2 : i32
    %while3A_311 = arith.constant 0 : i32
    %while3A_312 = arith.constant 0 : i32
    %while3A_313 = arith.subi %div3A_309, %while3A_312 : i32
    %while3A_314 = arith.addi %while3A_312, %while3A_313 : i32
    %while3A_315 = arith.constant 1 : i32
    %while3A_316 = arith.divsi %while3A_313, %while3A_315 : i32
    %while3A_317 = arith.muli %while3A_316, %while3A_315 : i32
    %while3A_318 = arith.addi %while3A_312, %while3A_317 : i32
    %while3A_319 = arith.constant 1 : i32
    scf.for %while3A_341 = %while3A_312 to %while3A_318 step %while3A_319  : i32 {
      %mul3A_342 = arith.muli %while3A_341, %while3A_310 : i32
      %add3A_343 = arith.addi %while3A_311, %mul3A_342 : i32
      %dma_wait3A = arith.constant 0 : i32
      %dma_wait3A_344 = tpu.memref_slice %arg10[%add3A_343, %dma_wait3A] : memref<256x80xi32, #tpu.memory_space<vmem>> -> memref<1x80xi32, #tpu.memory_space<vmem>>
      %dma_wait3A_345 = tpu.memref_squeeze %dma_wait3A_344 : memref<1x80xi32, #tpu.memory_space<vmem>> -> memref<80xi32, #tpu.memory_space<vmem>>
      %dma_wait3A_346 = arith.constant 0 : i32
      %dma_wait3A_347 = arith.constant 0 : i32
      %dma_wait3A_348 = tpu.memref_slice %arg2[%dma_wait3A_346, %dma_wait3A_347] : memref<10000x128xf32, #tpu.memory_space<hbm>> -> memref<10000x128xf32, #tpu.memory_space<hbm>>
      tpu.wait_indirect_dma semaphore(%arg17 : memref<!tpu.dma_semaphore, #tpu.memory_space<semaphore_mem>>) src(%dma_wait3A_348 : memref<10000x128xf32, #tpu.memory_space<hbm>>) dst(%arg12 : memref<80x128xf32, #tpu.memory_space<vmem>>)
      "tpu.region"() ({
        %run_scoped3A = tpu.sem_alloc : memref<!tpu.dma_semaphore, #tpu.memory_space<semaphore_mem>>
        %dma_start3A = arith.constant 0 : i32
        %dma_start3A_360 = tpu.memref_slice %arg11[%add3A_343, %dma_start3A] : memref<256x80xi32, #tpu.memory_space<vmem>> -> memref<1x80xi32, #tpu.memory_space<vmem>>
        %dma_start3A_361 = tpu.memref_squeeze %dma_start3A_360 : memref<1x80xi32, #tpu.memory_space<vmem>> -> memref<80xi32, #tpu.memory_space<vmem>>
        %dma_start3A_362 = arith.constant 0 : i32
        %dma_start3A_363 = arith.constant 0 : i32
        %dma_start3A_364 = tpu.memref_slice %arg16[%dma_start3A_362, %dma_start3A_363] : memref<5008x128xf32, #tpu.memory_space<vmem_shared>> -> memref<5008x128xf32, #tpu.memory_space<vmem_shared>>
        tpu.enqueue_indirect_dma source(%arg12 : memref<80x128xf32, #tpu.memory_space<vmem>>) target(%dma_start3A_364 : memref<5008x128xf32, #tpu.memory_space<vmem_shared>>) offsets(%dma_start3A_361 : memref<80xi32, #tpu.memory_space<vmem>>) semaphore(%run_scoped3A : memref<!tpu.dma_semaphore, #tpu.memory_space<semaphore_mem>>) {add = true}
        %dma_wait3A_365 = arith.constant 0 : i32
        %dma_wait3A_366 = tpu.memref_slice %arg11[%add3A_343, %dma_wait3A_365] : memref<256x80xi32, #tpu.memory_space<vmem>> -> memref<1x80xi32, #tpu.memory_space<vmem>>
        %dma_wait3A_367 = tpu.memref_squeeze %dma_wait3A_366 : memref<1x80xi32, #tpu.memory_space<vmem>> -> memref<80xi32, #tpu.memory_space<vmem>>
        %dma_wait3A_368 = arith.constant 0 : i32
        %dma_wait3A_369 = arith.constant 0 : i32
        %dma_wait3A_370 = tpu.memref_slice %arg16[%dma_wait3A_368, %dma_wait3A_369] : memref<5008x128xf32, #tpu.memory_space<vmem_shared>> -> memref<5008x128xf32, #tpu.memory_space<vmem_shared>>
        tpu.wait_indirect_dma semaphore(%run_scoped3A : memref<!tpu.dma_semaphore, #tpu.memory_space<semaphore_mem>>) src(%arg12 : memref<80x128xf32, #tpu.memory_space<vmem>>) dst(%dma_wait3A_370 : memref<5008x128xf32, #tpu.memory_space<vmem_shared>>)
        tpu.yield
      }) : () -> ()
      %add3A_349 = arith.constant 2 : i32
      %add3A_350 = arith.addi %add3A_343, %add3A_349 : i32
      %lt3A = arith.cmpi slt, %add3A_350, %select_n3A_267 : i32
      %convert_element_type3A_351 = arith.extui %lt3A : i1 to i32
      %cond3A_352 = arith.constant 0 : i32
      %cond3A_353 = arith.cmpi ne, %convert_element_type3A_351, %cond3A_352 : i32
      scf.if %cond3A_353 {
        %add3A_360 = arith.constant 2 : i32
        %add3A_361 = arith.addi %add3A_343, %add3A_360 : i32
        %dma_start3A = arith.constant 0 : i32
        %dma_start3A_362 = tpu.memref_slice %arg10[%add3A_361, %dma_start3A] : memref<256x80xi32, #tpu.memory_space<vmem>> -> memref<1x80xi32, #tpu.memory_space<vmem>>
        %dma_start3A_363 = tpu.memref_squeeze %dma_start3A_362 : memref<1x80xi32, #tpu.memory_space<vmem>> -> memref<80xi32, #tpu.memory_space<vmem>>
        %dma_start3A_364 = arith.constant 0 : i32
        %dma_start3A_365 = arith.constant 0 : i32
        %dma_start3A_366 = tpu.memref_slice %arg2[%dma_start3A_364, %dma_start3A_365] : memref<10000x128xf32, #tpu.memory_space<hbm>> -> memref<10000x128xf32, #tpu.memory_space<hbm>>
        tpu.enqueue_indirect_dma source(%dma_start3A_366 : memref<10000x128xf32, #tpu.memory_space<hbm>>) target(%arg12 : memref<80x128xf32, #tpu.memory_space<vmem>>) offsets(%dma_start3A_363 : memref<80xi32, #tpu.memory_space<vmem>>) semaphore(%arg17 : memref<!tpu.dma_semaphore, #tpu.memory_space<semaphore_mem>>)
      } else {
      }
      %add3A_354 = arith.constant 1 : i32
      %add3A_355 = arith.addi %add3A_343, %add3A_354 : i32
      %lt3A_356 = arith.cmpi slt, %add3A_355, %select_n3A_267 : i32
      %convert_element_type3A_357 = arith.extui %lt3A_356 : i1 to i32
      %cond3A_358 = arith.constant 0 : i32
      %cond3A_359 = arith.cmpi ne, %convert_element_type3A_357, %cond3A_358 : i32
      scf.if %cond3A_359 {
        %add3A_360 = arith.constant 1 : i32
        %add3A_361 = arith.addi %add3A_343, %add3A_360 : i32
        %dma_wait3A_362 = arith.constant 0 : i32
        %dma_wait3A_363 = tpu.memref_slice %arg10[%add3A_361, %dma_wait3A_362] : memref<256x80xi32, #tpu.memory_space<vmem>> -> memref<1x80xi32, #tpu.memory_space<vmem>>
        %dma_wait3A_364 = tpu.memref_squeeze %dma_wait3A_363 : memref<1x80xi32, #tpu.memory_space<vmem>> -> memref<80xi32, #tpu.memory_space<vmem>>
        %dma_wait3A_365 = arith.constant 0 : i32
        %dma_wait3A_366 = arith.constant 0 : i32
        %dma_wait3A_367 = tpu.memref_slice %arg2[%dma_wait3A_365, %dma_wait3A_366] : memref<10000x128xf32, #tpu.memory_space<hbm>> -> memref<10000x128xf32, #tpu.memory_space<hbm>>
        tpu.wait_indirect_dma semaphore(%arg18 : memref<!tpu.dma_semaphore, #tpu.memory_space<semaphore_mem>>) src(%dma_wait3A_367 : memref<10000x128xf32, #tpu.memory_space<hbm>>) dst(%arg13 : memref<80x128xf32, #tpu.memory_space<vmem>>)
        %add3A_368 = arith.constant 1 : i32
        %add3A_369 = arith.addi %add3A_343, %add3A_368 : i32
        "tpu.region"() ({
          %run_scoped3A = tpu.sem_alloc : memref<!tpu.dma_semaphore, #tpu.memory_space<semaphore_mem>>
          %dma_start3A = arith.constant 0 : i32
          %dma_start3A_376 = tpu.memref_slice %arg11[%add3A_369, %dma_start3A] : memref<256x80xi32, #tpu.memory_space<vmem>> -> memref<1x80xi32, #tpu.memory_space<vmem>>
          %dma_start3A_377 = tpu.memref_squeeze %dma_start3A_376 : memref<1x80xi32, #tpu.memory_space<vmem>> -> memref<80xi32, #tpu.memory_space<vmem>>
          %dma_start3A_378 = arith.constant 0 : i32
          %dma_start3A_379 = arith.constant 0 : i32
          %dma_start3A_380 = tpu.memref_slice %arg16[%dma_start3A_378, %dma_start3A_379] : memref<5008x128xf32, #tpu.memory_space<vmem_shared>> -> memref<5008x128xf32, #tpu.memory_space<vmem_shared>>
          tpu.enqueue_indirect_dma source(%arg13 : memref<80x128xf32, #tpu.memory_space<vmem>>) target(%dma_start3A_380 : memref<5008x128xf32, #tpu.memory_space<vmem_shared>>) offsets(%dma_start3A_377 : memref<80xi32, #tpu.memory_space<vmem>>) semaphore(%run_scoped3A : memref<!tpu.dma_semaphore, #tpu.memory_space<semaphore_mem>>) {add = true}
          %dma_wait3A_381 = arith.constant 0 : i32
          %dma_wait3A_382 = tpu.memref_slice %arg11[%add3A_369, %dma_wait3A_381] : memref<256x80xi32, #tpu.memory_space<vmem>> -> memref<1x80xi32, #tpu.memory_space<vmem>>
          %dma_wait3A_383 = tpu.memref_squeeze %dma_wait3A_382 : memref<1x80xi32, #tpu.memory_space<vmem>> -> memref<80xi32, #tpu.memory_space<vmem>>
          %dma_wait3A_384 = arith.constant 0 : i32
          %dma_wait3A_385 = arith.constant 0 : i32
          %dma_wait3A_386 = tpu.memref_slice %arg16[%dma_wait3A_384, %dma_wait3A_385] : memref<5008x128xf32, #tpu.memory_space<vmem_shared>> -> memref<5008x128xf32, #tpu.memory_space<vmem_shared>>
          tpu.wait_indirect_dma semaphore(%run_scoped3A : memref<!tpu.dma_semaphore, #tpu.memory_space<semaphore_mem>>) src(%arg13 : memref<80x128xf32, #tpu.memory_space<vmem>>) dst(%dma_wait3A_386 : memref<5008x128xf32, #tpu.memory_space<vmem_shared>>)
          tpu.yield
        }) : () -> ()
        %add3A_370 = arith.constant 3 : i32
        %add3A_371 = arith.addi %add3A_343, %add3A_370 : i32
        %lt3A_372 = arith.cmpi slt, %add3A_371, %select_n3A_267 : i32
        %convert_element_type3A_373 = arith.extui %lt3A_372 : i1 to i32
        %cond3A_374 = arith.constant 0 : i32
        %cond3A_375 = arith.cmpi ne, %convert_element_type3A_373, %cond3A_374 : i32
        scf.if %cond3A_375 {
          %add3A_376 = arith.constant 3 : i32
          %add3A_377 = arith.addi %add3A_343, %add3A_376 : i32
          %dma_start3A = arith.constant 0 : i32
          %dma_start3A_378 = tpu.memref_slice %arg10[%add3A_377, %dma_start3A] : memref<256x80xi32, #tpu.memory_space<vmem>> -> memref<1x80xi32, #tpu.memory_space<vmem>>
          %dma_start3A_379 = tpu.memref_squeeze %dma_start3A_378 : memref<1x80xi32, #tpu.memory_space<vmem>> -> memref<80xi32, #tpu.memory_space<vmem>>
          %dma_start3A_380 = arith.constant 0 : i32
          %dma_start3A_381 = arith.constant 0 : i32
          %dma_start3A_382 = tpu.memref_slice %arg2[%dma_start3A_380, %dma_start3A_381] : memref<10000x128xf32, #tpu.memory_space<hbm>> -> memref<10000x128xf32, #tpu.memory_space<hbm>>
          tpu.enqueue_indirect_dma source(%dma_start3A_382 : memref<10000x128xf32, #tpu.memory_space<hbm>>) target(%arg13 : memref<80x128xf32, #tpu.memory_space<vmem>>) offsets(%dma_start3A_379 : memref<80xi32, #tpu.memory_space<vmem>>) semaphore(%arg18 : memref<!tpu.dma_semaphore, #tpu.memory_space<semaphore_mem>>)
        } else {
        }
      } else {
      }
    }
    %while3A_320 = arith.constant 1 : i32
    scf.for %while3A_341 = %while3A_318 to %while3A_314 step %while3A_320  : i32 {
      %mul3A_342 = arith.muli %while3A_341, %while3A_310 : i32
      %add3A_343 = arith.addi %while3A_311, %mul3A_342 : i32
      %dma_wait3A = arith.constant 0 : i32
      %dma_wait3A_344 = tpu.memref_slice %arg10[%add3A_343, %dma_wait3A] : memref<256x80xi32, #tpu.memory_space<vmem>> -> memref<1x80xi32, #tpu.memory_space<vmem>>
      %dma_wait3A_345 = tpu.memref_squeeze %dma_wait3A_344 : memref<1x80xi32, #tpu.memory_space<vmem>> -> memref<80xi32, #tpu.memory_space<vmem>>
      %dma_wait3A_346 = arith.constant 0 : i32
      %dma_wait3A_347 = arith.constant 0 : i32
      %dma_wait3A_348 = tpu.memref_slice %arg2[%dma_wait3A_346, %dma_wait3A_347] : memref<10000x128xf32, #tpu.memory_space<hbm>> -> memref<10000x128xf32, #tpu.memory_space<hbm>>
      tpu.wait_indirect_dma semaphore(%arg17 : memref<!tpu.dma_semaphore, #tpu.memory_space<semaphore_mem>>) src(%dma_wait3A_348 : memref<10000x128xf32, #tpu.memory_space<hbm>>) dst(%arg12 : memref<80x128xf32, #tpu.memory_space<vmem>>)
      "tpu.region"() ({
        %run_scoped3A = tpu.sem_alloc : memref<!tpu.dma_semaphore, #tpu.memory_space<semaphore_mem>>
        %dma_start3A = arith.constant 0 : i32
        %dma_start3A_360 = tpu.memref_slice %arg11[%add3A_343, %dma_start3A] : memref<256x80xi32, #tpu.memory_space<vmem>> -> memref<1x80xi32, #tpu.memory_space<vmem>>
        %dma_start3A_361 = tpu.memref_squeeze %dma_start3A_360 : memref<1x80xi32, #tpu.memory_space<vmem>> -> memref<80xi32, #tpu.memory_space<vmem>>
        %dma_start3A_362 = arith.constant 0 : i32
        %dma_start3A_363 = arith.constant 0 : i32
        %dma_start3A_364 = tpu.memref_slice %arg16[%dma_start3A_362, %dma_start3A_363] : memref<5008x128xf32, #tpu.memory_space<vmem_shared>> -> memref<5008x128xf32, #tpu.memory_space<vmem_shared>>
        tpu.enqueue_indirect_dma source(%arg12 : memref<80x128xf32, #tpu.memory_space<vmem>>) target(%dma_start3A_364 : memref<5008x128xf32, #tpu.memory_space<vmem_shared>>) offsets(%dma_start3A_361 : memref<80xi32, #tpu.memory_space<vmem>>) semaphore(%run_scoped3A : memref<!tpu.dma_semaphore, #tpu.memory_space<semaphore_mem>>) {add = true}
        %dma_wait3A_365 = arith.constant 0 : i32
        %dma_wait3A_366 = tpu.memref_slice %arg11[%add3A_343, %dma_wait3A_365] : memref<256x80xi32, #tpu.memory_space<vmem>> -> memref<1x80xi32, #tpu.memory_space<vmem>>
        %dma_wait3A_367 = tpu.memref_squeeze %dma_wait3A_366 : memref<1x80xi32, #tpu.memory_space<vmem>> -> memref<80xi32, #tpu.memory_space<vmem>>
        %dma_wait3A_368 = arith.constant 0 : i32
        %dma_wait3A_369 = arith.constant 0 : i32
        %dma_wait3A_370 = tpu.memref_slice %arg16[%dma_wait3A_368, %dma_wait3A_369] : memref<5008x128xf32, #tpu.memory_space<vmem_shared>> -> memref<5008x128xf32, #tpu.memory_space<vmem_shared>>
        tpu.wait_indirect_dma semaphore(%run_scoped3A : memref<!tpu.dma_semaphore, #tpu.memory_space<semaphore_mem>>) src(%arg12 : memref<80x128xf32, #tpu.memory_space<vmem>>) dst(%dma_wait3A_370 : memref<5008x128xf32, #tpu.memory_space<vmem_shared>>)
        tpu.yield
      }) : () -> ()
      %add3A_349 = arith.constant 2 : i32
      %add3A_350 = arith.addi %add3A_343, %add3A_349 : i32
      %lt3A = arith.cmpi slt, %add3A_350, %select_n3A_267 : i32
      %convert_element_type3A_351 = arith.extui %lt3A : i1 to i32
      %cond3A_352 = arith.constant 0 : i32
      %cond3A_353 = arith.cmpi ne, %convert_element_type3A_351, %cond3A_352 : i32
      scf.if %cond3A_353 {
        %add3A_360 = arith.constant 2 : i32
        %add3A_361 = arith.addi %add3A_343, %add3A_360 : i32
        %dma_start3A = arith.constant 0 : i32
        %dma_start3A_362 = tpu.memref_slice %arg10[%add3A_361, %dma_start3A] : memref<256x80xi32, #tpu.memory_space<vmem>> -> memref<1x80xi32, #tpu.memory_space<vmem>>
        %dma_start3A_363 = tpu.memref_squeeze %dma_start3A_362 : memref<1x80xi32, #tpu.memory_space<vmem>> -> memref<80xi32, #tpu.memory_space<vmem>>
        %dma_start3A_364 = arith.constant 0 : i32
        %dma_start3A_365 = arith.constant 0 : i32
        %dma_start3A_366 = tpu.memref_slice %arg2[%dma_start3A_364, %dma_start3A_365] : memref<10000x128xf32, #tpu.memory_space<hbm>> -> memref<10000x128xf32, #tpu.memory_space<hbm>>
        tpu.enqueue_indirect_dma source(%dma_start3A_366 : memref<10000x128xf32, #tpu.memory_space<hbm>>) target(%arg12 : memref<80x128xf32, #tpu.memory_space<vmem>>) offsets(%dma_start3A_363 : memref<80xi32, #tpu.memory_space<vmem>>) semaphore(%arg17 : memref<!tpu.dma_semaphore, #tpu.memory_space<semaphore_mem>>)
      } else {
      }
      %add3A_354 = arith.constant 1 : i32
      %add3A_355 = arith.addi %add3A_343, %add3A_354 : i32
      %lt3A_356 = arith.cmpi slt, %add3A_355, %select_n3A_267 : i32
      %convert_element_type3A_357 = arith.extui %lt3A_356 : i1 to i32
      %cond3A_358 = arith.constant 0 : i32
      %cond3A_359 = arith.cmpi ne, %convert_element_type3A_357, %cond3A_358 : i32
      scf.if %cond3A_359 {
        %add3A_360 = arith.constant 1 : i32
        %add3A_361 = arith.addi %add3A_343, %add3A_360 : i32
        %dma_wait3A_362 = arith.constant 0 : i32
        %dma_wait3A_363 = tpu.memref_slice %arg10[%add3A_361, %dma_wait3A_362] : memref<256x80xi32, #tpu.memory_space<vmem>> -> memref<1x80xi32, #tpu.memory_space<vmem>>
        %dma_wait3A_364 = tpu.memref_squeeze %dma_wait3A_363 : memref<1x80xi32, #tpu.memory_space<vmem>> -> memref<80xi32, #tpu.memory_space<vmem>>
        %dma_wait3A_365 = arith.constant 0 : i32
        %dma_wait3A_366 = arith.constant 0 : i32
        %dma_wait3A_367 = tpu.memref_slice %arg2[%dma_wait3A_365, %dma_wait3A_366] : memref<10000x128xf32, #tpu.memory_space<hbm>> -> memref<10000x128xf32, #tpu.memory_space<hbm>>
        tpu.wait_indirect_dma semaphore(%arg18 : memref<!tpu.dma_semaphore, #tpu.memory_space<semaphore_mem>>) src(%dma_wait3A_367 : memref<10000x128xf32, #tpu.memory_space<hbm>>) dst(%arg13 : memref<80x128xf32, #tpu.memory_space<vmem>>)
        %add3A_368 = arith.constant 1 : i32
        %add3A_369 = arith.addi %add3A_343, %add3A_368 : i32
        "tpu.region"() ({
          %run_scoped3A = tpu.sem_alloc : memref<!tpu.dma_semaphore, #tpu.memory_space<semaphore_mem>>
          %dma_start3A = arith.constant 0 : i32
          %dma_start3A_376 = tpu.memref_slice %arg11[%add3A_369, %dma_start3A] : memref<256x80xi32, #tpu.memory_space<vmem>> -> memref<1x80xi32, #tpu.memory_space<vmem>>
          %dma_start3A_377 = tpu.memref_squeeze %dma_start3A_376 : memref<1x80xi32, #tpu.memory_space<vmem>> -> memref<80xi32, #tpu.memory_space<vmem>>
          %dma_start3A_378 = arith.constant 0 : i32
          %dma_start3A_379 = arith.constant 0 : i32
          %dma_start3A_380 = tpu.memref_slice %arg16[%dma_start3A_378, %dma_start3A_379] : memref<5008x128xf32, #tpu.memory_space<vmem_shared>> -> memref<5008x128xf32, #tpu.memory_space<vmem_shared>>
          tpu.enqueue_indirect_dma source(%arg13 : memref<80x128xf32, #tpu.memory_space<vmem>>) target(%dma_start3A_380 : memref<5008x128xf32, #tpu.memory_space<vmem_shared>>) offsets(%dma_start3A_377 : memref<80xi32, #tpu.memory_space<vmem>>) semaphore(%run_scoped3A : memref<!tpu.dma_semaphore, #tpu.memory_space<semaphore_mem>>) {add = true}
          %dma_wait3A_381 = arith.constant 0 : i32
          %dma_wait3A_382 = tpu.memref_slice %arg11[%add3A_369, %dma_wait3A_381] : memref<256x80xi32, #tpu.memory_space<vmem>> -> memref<1x80xi32, #tpu.memory_space<vmem>>
          %dma_wait3A_383 = tpu.memref_squeeze %dma_wait3A_382 : memref<1x80xi32, #tpu.memory_space<vmem>> -> memref<80xi32, #tpu.memory_space<vmem>>
          %dma_wait3A_384 = arith.constant 0 : i32
          %dma_wait3A_385 = arith.constant 0 : i32
          %dma_wait3A_386 = tpu.memref_slice %arg16[%dma_wait3A_384, %dma_wait3A_385] : memref<5008x128xf32, #tpu.memory_space<vmem_shared>> -> memref<5008x128xf32, #tpu.memory_space<vmem_shared>>
          tpu.wait_indirect_dma semaphore(%run_scoped3A : memref<!tpu.dma_semaphore, #tpu.memory_space<semaphore_mem>>) src(%arg13 : memref<80x128xf32, #tpu.memory_space<vmem>>) dst(%dma_wait3A_386 : memref<5008x128xf32, #tpu.memory_space<vmem_shared>>)
          tpu.yield
        }) : () -> ()
        %add3A_370 = arith.constant 3 : i32
        %add3A_371 = arith.addi %add3A_343, %add3A_370 : i32
        %lt3A_372 = arith.cmpi slt, %add3A_371, %select_n3A_267 : i32
        %convert_element_type3A_373 = arith.extui %lt3A_372 : i1 to i32
        %cond3A_374 = arith.constant 0 : i32
        %cond3A_375 = arith.cmpi ne, %convert_element_type3A_373, %cond3A_374 : i32
        scf.if %cond3A_375 {
          %add3A_376 = arith.constant 3 : i32
          %add3A_377 = arith.addi %add3A_343, %add3A_376 : i32
          %dma_start3A = arith.constant 0 : i32
          %dma_start3A_378 = tpu.memref_slice %arg10[%add3A_377, %dma_start3A] : memref<256x80xi32, #tpu.memory_space<vmem>> -> memref<1x80xi32, #tpu.memory_space<vmem>>
          %dma_start3A_379 = tpu.memref_squeeze %dma_start3A_378 : memref<1x80xi32, #tpu.memory_space<vmem>> -> memref<80xi32, #tpu.memory_space<vmem>>
          %dma_start3A_380 = arith.constant 0 : i32
          %dma_start3A_381 = arith.constant 0 : i32
          %dma_start3A_382 = tpu.memref_slice %arg2[%dma_start3A_380, %dma_start3A_381] : memref<10000x128xf32, #tpu.memory_space<hbm>> -> memref<10000x128xf32, #tpu.memory_space<hbm>>
          tpu.enqueue_indirect_dma source(%dma_start3A_382 : memref<10000x128xf32, #tpu.memory_space<hbm>>) target(%arg13 : memref<80x128xf32, #tpu.memory_space<vmem>>) offsets(%dma_start3A_379 : memref<80xi32, #tpu.memory_space<vmem>>) semaphore(%arg18 : memref<!tpu.dma_semaphore, #tpu.memory_space<semaphore_mem>>)
        } else {
        }
      } else {
      }
    }
    %barrier3A_321 = arith.constant 0 : index
    tpu.barrier barrier_id(%barrier3A_321)
    %sub3A_322 = arith.constant 0 : i32
    %sub3A_323 = arith.subi %select_n3A, %sub3A_322 : i32
    %sub3A_324 = arith.constant 1 : i32
    %sub3A_325 = arith.constant 1 : i32
    %sub3A_326 = arith.subi %sub3A_324, %sub3A_325 : i32
    %add3A_327 = arith.addi %sub3A_323, %sub3A_326 : i32
    %div3A_328 = arith.constant 1 : i32
    %div3A_329 = arith.divsi %add3A_327, %div3A_328 : i32
    %while3A_330 = arith.constant 1 : i32
    %while3A_331 = arith.constant 0 : i32
    %while3A_332 = arith.constant 0 : i32
    %while3A_333 = arith.subi %div3A_329, %while3A_332 : i32
    %while3A_334 = arith.addi %while3A_332, %while3A_333 : i32
    %while3A_335 = arith.constant 1 : i32
    %while3A_336 = arith.divsi %while3A_333, %while3A_335 : i32
    %while3A_337 = arith.muli %while3A_336, %while3A_335 : i32
    %while3A_338 = arith.addi %while3A_332, %while3A_337 : i32
    %while3A_339 = arith.constant 1 : i32
    scf.for %while3A_341 = %while3A_332 to %while3A_338 step %while3A_339  : i32 {
      %mul3A_342 = arith.muli %while3A_341, %while3A_330 : i32
      %add3A_343 = arith.addi %while3A_331, %mul3A_342 : i32
      %mul3A_344 = arith.constant 320 : i32
      %mul3A_345 = arith.muli %arg1, %mul3A_344 : i32
      %mul3A_346 = arith.constant 8 : i32
      %mul3A_347 = arith.muli %add3A_343, %mul3A_346 : i32
      %add3A_348 = arith.addi %mul3A_345, %mul3A_347 : i32
      "tpu.region"() ({
        %run_scoped3A = tpu.sem_alloc : memref<!tpu.dma_semaphore, #tpu.memory_space<semaphore_mem>>
        %dma_start3A = arith.constant 0 : i32
        %dma_start3A_352 = tpu.memref_slice %arg16[%add3A_348, %dma_start3A] : memref<5008x128xf32, #tpu.memory_space<vmem_shared>> -> memref<8x128xf32, #tpu.memory_space<vmem_shared>>
        %dma_start3A_353 = arith.constant 0 : i32
        %dma_start3A_354 = tpu.memref_slice %arg16[%add3A_348, %dma_start3A_353] : memref<5008x128xf32, #tpu.memory_space<vmem_shared>> -> memref<8x128xf32, #tpu.memory_space<vmem_shared>>
        tpu.enqueue_dma source(%dma_start3A_354 : memref<8x128xf32, #tpu.memory_space<vmem_shared>>) target(%arg14 : memref<8x128xf32, #tpu.memory_space<vmem>>) target_semaphore(%run_scoped3A : memref<!tpu.dma_semaphore, #tpu.memory_space<semaphore_mem>>)
        %dma_wait3A = arith.constant 0 : i32
        %dma_wait3A_355 = tpu.memref_slice %arg16[%add3A_348, %dma_wait3A] : memref<5008x128xf32, #tpu.memory_space<vmem_shared>> -> memref<8x128xf32, #tpu.memory_space<vmem_shared>>
        %dma_wait3A_356 = arith.constant 0 : i32
        %dma_wait3A_357 = tpu.memref_slice %arg16[%add3A_348, %dma_wait3A_356] : memref<5008x128xf32, #tpu.memory_space<vmem_shared>> -> memref<8x128xf32, #tpu.memory_space<vmem_shared>>
        tpu.wait_dma2 semaphore(%run_scoped3A : memref<!tpu.dma_semaphore, #tpu.memory_space<semaphore_mem>>) src(%dma_wait3A_357 : memref<8x128xf32, #tpu.memory_space<vmem_shared>>) dst(%arg14 : memref<8x128xf32, #tpu.memory_space<vmem>>)
        tpu.yield
      }) : () -> ()
      %mul3A_349 = arith.constant 5000 : i32
      %mul3A_350 = arith.muli %arg0, %mul3A_349 : i32
      %add3A_351 = arith.addi %mul3A_350, %add3A_348 : i32
      "tpu.region"() ({
        %run_scoped3A = tpu.sem_alloc : memref<!tpu.dma_semaphore, #tpu.memory_space<semaphore_mem>>
        %dma_start3A = arith.constant 0 : i32
        %dma_start3A_352 = tpu.memref_slice %arg6[%add3A_351, %dma_start3A] : memref<10000x128xf32, #tpu.memory_space<hbm>> -> memref<8x128xf32, #tpu.memory_space<hbm>>
        %dma_start3A_353 = arith.constant 0 : i32
        %dma_start3A_354 = tpu.memref_slice %arg6[%add3A_351, %dma_start3A_353] : memref<10000x128xf32, #tpu.memory_space<hbm>> -> memref<8x128xf32, #tpu.memory_space<hbm>>
        tpu.enqueue_dma source(%arg14 : memref<8x128xf32, #tpu.memory_space<vmem>>) target(%dma_start3A_354 : memref<8x128xf32, #tpu.memory_space<hbm>>) target_semaphore(%run_scoped3A : memref<!tpu.dma_semaphore, #tpu.memory_space<semaphore_mem>>)
        %dma_wait3A = arith.constant 0 : i32
        %dma_wait3A_355 = tpu.memref_slice %arg6[%add3A_351, %dma_wait3A] : memref<10000x128xf32, #tpu.memory_space<hbm>> -> memref<8x128xf32, #tpu.memory_space<hbm>>
        %dma_wait3A_356 = arith.constant 0 : i32
        %dma_wait3A_357 = tpu.memref_slice %arg6[%add3A_351, %dma_wait3A_356] : memref<10000x128xf32, #tpu.memory_space<hbm>> -> memref<8x128xf32, #tpu.memory_space<hbm>>
        tpu.wait_dma2 semaphore(%run_scoped3A : memref<!tpu.dma_semaphore, #tpu.memory_space<semaphore_mem>>) src(%arg14 : memref<8x128xf32, #tpu.memory_space<vmem>>) dst(%dma_wait3A_357 : memref<8x128xf32, #tpu.memory_space<hbm>>)
        tpu.yield
      }) : () -> ()
    }
    %while3A_340 = arith.constant 1 : i32
    scf.for %while3A_341 = %while3A_338 to %while3A_334 step %while3A_340  : i32 {
      %mul3A_342 = arith.muli %while3A_341, %while3A_330 : i32
      %add3A_343 = arith.addi %while3A_331, %mul3A_342 : i32
      %mul3A_344 = arith.constant 320 : i32
      %mul3A_345 = arith.muli %arg1, %mul3A_344 : i32
      %mul3A_346 = arith.constant 8 : i32
      %mul3A_347 = arith.muli %add3A_343, %mul3A_346 : i32
      %add3A_348 = arith.addi %mul3A_345, %mul3A_347 : i32
      "tpu.region"() ({
        %run_scoped3A = tpu.sem_alloc : memref<!tpu.dma_semaphore, #tpu.memory_space<semaphore_mem>>
        %dma_start3A = arith.constant 0 : i32
        %dma_start3A_352 = tpu.memref_slice %arg16[%add3A_348, %dma_start3A] : memref<5008x128xf32, #tpu.memory_space<vmem_shared>> -> memref<8x128xf32, #tpu.memory_space<vmem_shared>>
        %dma_start3A_353 = arith.constant 0 : i32
        %dma_start3A_354 = tpu.memref_slice %arg16[%add3A_348, %dma_start3A_353] : memref<5008x128xf32, #tpu.memory_space<vmem_shared>> -> memref<8x128xf32, #tpu.memory_space<vmem_shared>>
        tpu.enqueue_dma source(%dma_start3A_354 : memref<8x128xf32, #tpu.memory_space<vmem_shared>>) target(%arg14 : memref<8x128xf32, #tpu.memory_space<vmem>>) target_semaphore(%run_scoped3A : memref<!tpu.dma_semaphore, #tpu.memory_space<semaphore_mem>>)
        %dma_wait3A = arith.constant 0 : i32
        %dma_wait3A_355 = tpu.memref_slice %arg16[%add3A_348, %dma_wait3A] : memref<5008x128xf32, #tpu.memory_space<vmem_shared>> -> memref<8x128xf32, #tpu.memory_space<vmem_shared>>
        %dma_wait3A_356 = arith.constant 0 : i32
        %dma_wait3A_357 = tpu.memref_slice %arg16[%add3A_348, %dma_wait3A_356] : memref<5008x128xf32, #tpu.memory_space<vmem_shared>> -> memref<8x128xf32, #tpu.memory_space<vmem_shared>>
        tpu.wait_dma2 semaphore(%run_scoped3A : memref<!tpu.dma_semaphore, #tpu.memory_space<semaphore_mem>>) src(%dma_wait3A_357 : memref<8x128xf32, #tpu.memory_space<vmem_shared>>) dst(%arg14 : memref<8x128xf32, #tpu.memory_space<vmem>>)
        tpu.yield
      }) : () -> ()
      %mul3A_349 = arith.constant 5000 : i32
      %mul3A_350 = arith.muli %arg0, %mul3A_349 : i32
      %add3A_351 = arith.addi %mul3A_350, %add3A_348 : i32
      "tpu.region"() ({
        %run_scoped3A = tpu.sem_alloc : memref<!tpu.dma_semaphore, #tpu.memory_space<semaphore_mem>>
        %dma_start3A = arith.constant 0 : i32
        %dma_start3A_352 = tpu.memref_slice %arg6[%add3A_351, %dma_start3A] : memref<10000x128xf32, #tpu.memory_space<hbm>> -> memref<8x128xf32, #tpu.memory_space<hbm>>
        %dma_start3A_353 = arith.constant 0 : i32
        %dma_start3A_354 = tpu.memref_slice %arg6[%add3A_351, %dma_start3A_353] : memref<10000x128xf32, #tpu.memory_space<hbm>> -> memref<8x128xf32, #tpu.memory_space<hbm>>
        tpu.enqueue_dma source(%arg14 : memref<8x128xf32, #tpu.memory_space<vmem>>) target(%dma_start3A_354 : memref<8x128xf32, #tpu.memory_space<hbm>>) target_semaphore(%run_scoped3A : memref<!tpu.dma_semaphore, #tpu.memory_space<semaphore_mem>>)
        %dma_wait3A = arith.constant 0 : i32
        %dma_wait3A_355 = tpu.memref_slice %arg6[%add3A_351, %dma_wait3A] : memref<10000x128xf32, #tpu.memory_space<hbm>> -> memref<8x128xf32, #tpu.memory_space<hbm>>
        %dma_wait3A_356 = arith.constant 0 : i32
        %dma_wait3A_357 = tpu.memref_slice %arg6[%add3A_351, %dma_wait3A_356] : memref<10000x128xf32, #tpu.memory_space<hbm>> -> memref<8x128xf32, #tpu.memory_space<hbm>>
        tpu.wait_dma2 semaphore(%run_scoped3A : memref<!tpu.dma_semaphore, #tpu.memory_space<semaphore_mem>>) src(%arg14 : memref<8x128xf32, #tpu.memory_space<vmem>>) dst(%dma_wait3A_357 : memref<8x128xf32, #tpu.memory_space<hbm>>)
        tpu.yield
      }) : () -> ()
    }
    return
  }
}

#map = affine_map<(d0, d1) -> (0, 0)>
#map1 = affine_map<(d0, d1) -> (0, 0, 0)>
module attributes {stable_mosaic.version = 14 : i64} {
  func.func @_sc_pre_agg_body(%arg0: i32, %arg1: i32, %arg2: memref<10000x128xf32, #tpu.memory_space<hbm>>, %arg3: memref<2x4096x80xi32, #tpu.memory_space<hbm>>, %arg4: memref<2x4096x80xi32, #tpu.memory_space<hbm>>, %arg5: memref<2x256xi32, #tpu.memory_space<hbm>>, %arg6: memref<10000x128xf32, #tpu.memory_space<hbm>>, %arg7: memref<256x80xi32, #tpu.memory_space<vmem>>, %arg8: memref<256x80xi32, #tpu.memory_space<vmem>>, %arg9: memref<80x128xf32, #tpu.memory_space<vmem>>, %arg10: memref<80x128xf32, #tpu.memory_space<vmem>>, %arg11: memref<8x128xf32, #tpu.memory_space<vmem>>, %arg12: memref<16xi32, #tpu.memory_space<vmem>>, %arg13: memref<5008x128xf32, #tpu.memory_space<vmem_shared>>, %arg14: memref<!tpu.dma_semaphore, #tpu.memory_space<semaphore_mem>>, %arg15: memref<!tpu.dma_semaphore, #tpu.memory_space<semaphore_mem>>, %arg16: memref<!tpu.dma_semaphore, #tpu.memory_space<semaphore_mem>>) attributes {dimension_semantics = [#tpu.dimension_semantics<core_parallel>, #tpu.dimension_semantics<subcore_parallel>], iteration_bounds = array<i64: 2, 16>, scalar_prefetch = 0 : i64, scratch_operands = 10 : i64, tpu.core_type = #tpu.core_type<sc_vector_subcore>, window_params = [{transform_indices = #map}, {transform_indices = #map1}, {transform_indices = #map1}, {transform_indices = #map}, {transform_indices = #map}]} {
    %eq3A = arith.constant 15 : i32
    %eq3A_0 = arith.cmpi eq, %arg1, %eq3A : i32
    %jit3A = arith.constant 25 : i32
    %jit3A_1 = arith.constant 40 : i32
    %select_n3A = arith.select %eq3A_0, %jit3A, %jit3A_1 : i32
    %scan3A = arith.constant 0 : i32
    %scan3A_2 = arith.constant 8 : i32
    %scan3A_3 = arith.addi %scan3A, %scan3A_2 : i32
    %scan3A_4 = arith.constant 1 : i32
    scf.for %scan3A_121 = %scan3A to %scan3A_3 step %scan3A_4  : i32 {
      %mul3A_122 = arith.constant 1 : i32
      %mul3A_123 = arith.muli %scan3A_121, %mul3A_122 : i32
      %add3A_124 = arith.constant 0 : i32
      %add3A_125 = arith.addi %add3A_124, %mul3A_123 : i32
      %scan3A_126 = arith.constant 0 : i32
      %scan3A_127 = arith.constant 8 : i32
      %scan3A_128 = arith.addi %scan3A_126, %scan3A_127 : i32
      %scan3A_129 = arith.constant 1 : i32
      scf.for %scan3A_131 = %scan3A_126 to %scan3A_128 step %scan3A_129  : i32 {
        %mul3A_132 = arith.constant 16 : i32
        %mul3A_133 = arith.muli %scan3A_131, %mul3A_132 : i32
        %add3A_134 = arith.constant 0 : i32
        %add3A_135 = arith.addi %add3A_134, %mul3A_133 : i32
        %broadcast_in_dim3A = arith.constant 0.000000e+00 : f32
        %broadcast_in_dim3A_136 = vector.broadcast %broadcast_in_dim3A : f32 to vector<16xf32>
        %swap3A = arith.index_cast %add3A_125 : i32 to index
        %swap3A_137 = arith.index_cast %add3A_135 : i32 to index
        %swap3A_138 = tpu.vector_load %arg11[%swap3A, %swap3A_137] {strides = array<i32>} : memref<8x128xf32, #tpu.memory_space<vmem>>, vector<16xf32>,
        tpu.vector_store %arg11[%swap3A, %swap3A_137], %broadcast_in_dim3A_136 {strides = array<i32>} : memref<8x128xf32, #tpu.memory_space<vmem>>, vector<16xf32>,
      }
      %scan3A_130 = arith.constant 8 : i32
    }
    %scan3A_5 = arith.constant 8 : i32
    %sub3A = arith.constant 0 : i32
    %sub3A_6 = arith.subi %select_n3A, %sub3A : i32
    %sub3A_7 = arith.constant 1 : i32
    %sub3A_8 = arith.constant 1 : i32
    %sub3A_9 = arith.subi %sub3A_7, %sub3A_8 : i32
    %add3A = arith.addi %sub3A_6, %sub3A_9 : i32
    %div3A = arith.constant 1 : i32
    %div3A_10 = arith.divsi %add3A, %div3A : i32
    %while3A = arith.constant 1 : i32
    %while3A_11 = arith.constant 0 : i32
    %while3A_12 = arith.constant 0 : i32
    %while3A_13 = arith.subi %div3A_10, %while3A_12 : i32
    %while3A_14 = arith.addi %while3A_12, %while3A_13 : i32
    %while3A_15 = arith.constant 1 : i32
    %while3A_16 = arith.divsi %while3A_13, %while3A_15 : i32
    %while3A_17 = arith.muli %while3A_16, %while3A_15 : i32
    %while3A_18 = arith.addi %while3A_12, %while3A_17 : i32
    %while3A_19 = arith.constant 1 : i32
    scf.for %while3A_121 = %while3A_12 to %while3A_18 step %while3A_19  : i32 {
      %mul3A_122 = arith.muli %while3A_121, %while3A : i32
      %add3A_123 = arith.addi %while3A_11, %mul3A_122 : i32
      %mul3A_124 = arith.constant 320 : i32
      %mul3A_125 = arith.muli %arg1, %mul3A_124 : i32
      %mul3A_126 = arith.constant 8 : i32
      %mul3A_127 = arith.muli %add3A_123, %mul3A_126 : i32
      %add3A_128 = arith.addi %mul3A_125, %mul3A_127 : i32
      %dma_start3A = arith.constant 0 : i32
      %dma_start3A_129 = tpu.memref_slice %arg13[%add3A_128, %dma_start3A] : memref<5008x128xf32, #tpu.memory_space<vmem_shared>> -> memref<8x128xf32, #tpu.memory_space<vmem_shared>>
      %dma_start3A_130 = arith.constant 0 : i32
      %dma_start3A_131 = tpu.memref_slice %arg13[%add3A_128, %dma_start3A_130] : memref<5008x128xf32, #tpu.memory_space<vmem_shared>> -> memref<8x128xf32, #tpu.memory_space<vmem_shared>>
      tpu.enqueue_dma source(%arg11 : memref<8x128xf32, #tpu.memory_space<vmem>>) target(%dma_start3A_131 : memref<8x128xf32, #tpu.memory_space<vmem_shared>>) target_semaphore(%arg16 : memref<!tpu.dma_semaphore, #tpu.memory_space<semaphore_mem>>)
    }
    %while3A_20 = arith.constant 1 : i32
    scf.for %while3A_121 = %while3A_18 to %while3A_14 step %while3A_20  : i32 {
      %mul3A_122 = arith.muli %while3A_121, %while3A : i32
      %add3A_123 = arith.addi %while3A_11, %mul3A_122 : i32
      %mul3A_124 = arith.constant 320 : i32
      %mul3A_125 = arith.muli %arg1, %mul3A_124 : i32
      %mul3A_126 = arith.constant 8 : i32
      %mul3A_127 = arith.muli %add3A_123, %mul3A_126 : i32
      %add3A_128 = arith.addi %mul3A_125, %mul3A_127 : i32
      %dma_start3A = arith.constant 0 : i32
      %dma_start3A_129 = tpu.memref_slice %arg13[%add3A_128, %dma_start3A] : memref<5008x128xf32, #tpu.memory_space<vmem_shared>> -> memref<8x128xf32, #tpu.memory_space<vmem_shared>>
      %dma_start3A_130 = arith.constant 0 : i32
      %dma_start3A_131 = tpu.memref_slice %arg13[%add3A_128, %dma_start3A_130] : memref<5008x128xf32, #tpu.memory_space<vmem_shared>> -> memref<8x128xf32, #tpu.memory_space<vmem_shared>>
      tpu.enqueue_dma source(%arg11 : memref<8x128xf32, #tpu.memory_space<vmem>>) target(%dma_start3A_131 : memref<8x128xf32, #tpu.memory_space<vmem_shared>>) target_semaphore(%arg16 : memref<!tpu.dma_semaphore, #tpu.memory_space<semaphore_mem>>)
    }
    %mul3A = arith.constant 256 : i32
    %mul3A_21 = arith.muli %arg1, %mul3A : i32
    "tpu.region"() ({
      %run_scoped3A = tpu.sem_alloc : memref<!tpu.dma_semaphore, #tpu.memory_space<semaphore_mem>>
      %dma_start3A = arith.constant 0 : i32
      %dma_start3A_121 = tpu.memref_slice %arg3[%arg0, %mul3A_21, %dma_start3A] : memref<2x4096x80xi32, #tpu.memory_space<hbm>> -> memref<1x256x80xi32, #tpu.memory_space<hbm>>
      %dma_start3A_122 = tpu.memref_squeeze %dma_start3A_121 : memref<1x256x80xi32, #tpu.memory_space<hbm>> -> memref<256x80xi32, #tpu.memory_space<hbm>>
      %dma_start3A_123 = arith.constant 0 : i32
      %dma_start3A_124 = tpu.memref_slice %arg3[%arg0, %mul3A_21, %dma_start3A_123] : memref<2x4096x80xi32, #tpu.memory_space<hbm>> -> memref<1x256x80xi32, #tpu.memory_space<hbm>>
      %dma_start3A_125 = tpu.memref_squeeze %dma_start3A_124 : memref<1x256x80xi32, #tpu.memory_space<hbm>> -> memref<256x80xi32, #tpu.memory_space<hbm>>
      tpu.enqueue_dma source(%dma_start3A_125 : memref<256x80xi32, #tpu.memory_space<hbm>>) target(%arg7 : memref<256x80xi32, #tpu.memory_space<vmem>>) target_semaphore(%run_scoped3A : memref<!tpu.dma_semaphore, #tpu.memory_space<semaphore_mem>>)
      %dma_wait3A = arith.constant 0 : i32
      %dma_wait3A_126 = tpu.memref_slice %arg3[%arg0, %mul3A_21, %dma_wait3A] : memref<2x4096x80xi32, #tpu.memory_space<hbm>> -> memref<1x256x80xi32, #tpu.memory_space<hbm>>
      %dma_wait3A_127 = tpu.memref_squeeze %dma_wait3A_126 : memref<1x256x80xi32, #tpu.memory_space<hbm>> -> memref<256x80xi32, #tpu.memory_space<hbm>>
      %dma_wait3A_128 = arith.constant 0 : i32
      %dma_wait3A_129 = tpu.memref_slice %arg3[%arg0, %mul3A_21, %dma_wait3A_128] : memref<2x4096x80xi32, #tpu.memory_space<hbm>> -> memref<1x256x80xi32, #tpu.memory_space<hbm>>
      %dma_wait3A_130 = tpu.memref_squeeze %dma_wait3A_129 : memref<1x256x80xi32, #tpu.memory_space<hbm>> -> memref<256x80xi32, #tpu.memory_space<hbm>>
      tpu.wait_dma2 semaphore(%run_scoped3A : memref<!tpu.dma_semaphore, #tpu.memory_space<semaphore_mem>>) src(%dma_wait3A_130 : memref<256x80xi32, #tpu.memory_space<hbm>>) dst(%arg7 : memref<256x80xi32, #tpu.memory_space<vmem>>)
      tpu.yield
    }) : () -> ()
    %mul3A_22 = arith.constant 256 : i32
    %mul3A_23 = arith.muli %arg1, %mul3A_22 : i32
    "tpu.region"() ({
      %run_scoped3A = tpu.sem_alloc : memref<!tpu.dma_semaphore, #tpu.memory_space<semaphore_mem>>
      %dma_start3A = arith.constant 0 : i32
      %dma_start3A_121 = tpu.memref_slice %arg4[%arg0, %mul3A_23, %dma_start3A] : memref<2x4096x80xi32, #tpu.memory_space<hbm>> -> memref<1x256x80xi32, #tpu.memory_space<hbm>>
      %dma_start3A_122 = tpu.memref_squeeze %dma_start3A_121 : memref<1x256x80xi32, #tpu.memory_space<hbm>> -> memref<256x80xi32, #tpu.memory_space<hbm>>
      %dma_start3A_123 = arith.constant 0 : i32
      %dma_start3A_124 = tpu.memref_slice %arg4[%arg0, %mul3A_23, %dma_start3A_123] : memref<2x4096x80xi32, #tpu.memory_space<hbm>> -> memref<1x256x80xi32, #tpu.memory_space<hbm>>
      %dma_start3A_125 = tpu.memref_squeeze %dma_start3A_124 : memref<1x256x80xi32, #tpu.memory_space<hbm>> -> memref<256x80xi32, #tpu.memory_space<hbm>>
      tpu.enqueue_dma source(%dma_start3A_125 : memref<256x80xi32, #tpu.memory_space<hbm>>) target(%arg8 : memref<256x80xi32, #tpu.memory_space<vmem>>) target_semaphore(%run_scoped3A : memref<!tpu.dma_semaphore, #tpu.memory_space<semaphore_mem>>)
      %dma_wait3A = arith.constant 0 : i32
      %dma_wait3A_126 = tpu.memref_slice %arg4[%arg0, %mul3A_23, %dma_wait3A] : memref<2x4096x80xi32, #tpu.memory_space<hbm>> -> memref<1x256x80xi32, #tpu.memory_space<hbm>>
      %dma_wait3A_127 = tpu.memref_squeeze %dma_wait3A_126 : memref<1x256x80xi32, #tpu.memory_space<hbm>> -> memref<256x80xi32, #tpu.memory_space<hbm>>
      %dma_wait3A_128 = arith.constant 0 : i32
      %dma_wait3A_129 = tpu.memref_slice %arg4[%arg0, %mul3A_23, %dma_wait3A_128] : memref<2x4096x80xi32, #tpu.memory_space<hbm>> -> memref<1x256x80xi32, #tpu.memory_space<hbm>>
      %dma_wait3A_130 = tpu.memref_squeeze %dma_wait3A_129 : memref<1x256x80xi32, #tpu.memory_space<hbm>> -> memref<256x80xi32, #tpu.memory_space<hbm>>
      tpu.wait_dma2 semaphore(%run_scoped3A : memref<!tpu.dma_semaphore, #tpu.memory_space<semaphore_mem>>) src(%dma_wait3A_130 : memref<256x80xi32, #tpu.memory_space<hbm>>) dst(%arg8 : memref<256x80xi32, #tpu.memory_space<vmem>>)
      tpu.yield
    }) : () -> ()
    %mul3A_24 = arith.constant 16 : i32
    %mul3A_25 = arith.muli %arg1, %mul3A_24 : i32
    "tpu.region"() ({
      %run_scoped3A = tpu.sem_alloc : memref<!tpu.dma_semaphore, #tpu.memory_space<semaphore_mem>>
      %dma_start3A = tpu.memref_slice %arg5[%arg0, %mul3A_25] : memref<2x256xi32, #tpu.memory_space<hbm>> -> memref<1x16xi32, #tpu.memory_space<hbm>>
      %dma_start3A_121 = tpu.memref_squeeze %dma_start3A : memref<1x16xi32, #tpu.memory_space<hbm>> -> memref<16xi32, #tpu.memory_space<hbm>>
      %dma_start3A_122 = tpu.memref_slice %arg5[%arg0, %mul3A_25] : memref<2x256xi32, #tpu.memory_space<hbm>> -> memref<1x16xi32, #tpu.memory_space<hbm>>
      %dma_start3A_123 = tpu.memref_squeeze %dma_start3A_122 : memref<1x16xi32, #tpu.memory_space<hbm>> -> memref<16xi32, #tpu.memory_space<hbm>>
      tpu.enqueue_dma source(%dma_start3A_123 : memref<16xi32, #tpu.memory_space<hbm>>) target(%arg12 : memref<16xi32, #tpu.memory_space<vmem>>) target_semaphore(%run_scoped3A : memref<!tpu.dma_semaphore, #tpu.memory_space<semaphore_mem>>)
      %dma_wait3A = tpu.memref_slice %arg5[%arg0, %mul3A_25] : memref<2x256xi32, #tpu.memory_space<hbm>> -> memref<1x16xi32, #tpu.memory_space<hbm>>
      %dma_wait3A_124 = tpu.memref_squeeze %dma_wait3A : memref<1x16xi32, #tpu.memory_space<hbm>> -> memref<16xi32, #tpu.memory_space<hbm>>
      %dma_wait3A_125 = tpu.memref_slice %arg5[%arg0, %mul3A_25] : memref<2x256xi32, #tpu.memory_space<hbm>> -> memref<1x16xi32, #tpu.memory_space<hbm>>
      %dma_wait3A_126 = tpu.memref_squeeze %dma_wait3A_125 : memref<1x16xi32, #tpu.memory_space<hbm>> -> memref<16xi32, #tpu.memory_space<hbm>>
      tpu.wait_dma2 semaphore(%run_scoped3A : memref<!tpu.dma_semaphore, #tpu.memory_space<semaphore_mem>>) src(%dma_wait3A_126 : memref<16xi32, #tpu.memory_space<hbm>>) dst(%arg12 : memref<16xi32, #tpu.memory_space<vmem>>)
      tpu.yield
    }) : () -> ()
    %get3A = arith.constant 0 : index
    %get3A_26 = tpu.vector_load %arg12[%get3A] {strides = array<i32>} : memref<16xi32, #tpu.memory_space<vmem>>, vector<16xi32>,
    %reduce_max3A = arith.constant true
    %reduce_max3A_27 = vector.broadcast %reduce_max3A : i1 to vector<16xi1>
    %reduce_max3A_28 = arith.constant -2147483648 : i32
    %reduce_max3A_29 = vector.broadcast %reduce_max3A_28 : i32 to vector<16xi32>
    %reduce_max3A_30 = arith.xori %get3A_26, %reduce_max3A_29 : vector<16xi32>
    %reduce_max3A_31 = tpu.scan <max>, %reduce_max3A_30 masked %reduce_max3A_27 : vector<16xi32>, vector<16xi1> -> vector<16xi32>
    %reduce_max3A_32 = arith.xori %reduce_max3A_31, %reduce_max3A_29 : vector<16xi32>
    %reduce_max3A_33 = vector.extract %reduce_max3A_32[15] : i32 from vector<16xi32>
    %add3A_34 = arith.constant 79 : i32
    %add3A_35 = arith.addi %reduce_max3A_33, %add3A_34 : i32
    %jit3A_36 = arith.constant 80 : i32
    %div3A_37 = arith.divsi %add3A_35, %jit3A_36 : i32
    %sign3A = arith.constant 0 : i32
    %sign3A_38 = arith.cmpi sgt, %add3A_35, %sign3A : i32
    %sign3A_39 = arith.extui %sign3A_38 : i1 to i32
    %sign3A_40 = arith.constant 0 : i32
    %sign3A_41 = arith.cmpi slt, %add3A_35, %sign3A_40 : i32
    %sign3A_42 = arith.extui %sign3A_41 : i1 to i32
    %sign3A_43 = arith.subi %sign3A_39, %sign3A_42 : i32
    %sign3A_44 = arith.constant 0 : i32
    %sign3A_45 = arith.cmpi sgt, %jit3A_36, %sign3A_44 : i32
    %sign3A_46 = arith.extui %sign3A_45 : i1 to i32
    %sign3A_47 = arith.constant 0 : i32
    %sign3A_48 = arith.cmpi slt, %jit3A_36, %sign3A_47 : i32
    %sign3A_49 = arith.extui %sign3A_48 : i1 to i32
    %sign3A_50 = arith.subi %sign3A_46, %sign3A_49 : i32
    %ne3A = arith.cmpi ne, %sign3A_43, %sign3A_50 : i32
    %rem3A = arith.remsi %add3A_35, %jit3A_36 : i32
    %ne3A_51 = arith.constant 0 : i32
    %ne3A_52 = arith.cmpi ne, %rem3A, %ne3A_51 : i32
    %and3A = arith.andi %ne3A, %ne3A_52 : i1
    %sub3A_53 = arith.constant 1 : i32
    %sub3A_54 = arith.subi %div3A_37, %sub3A_53 : i32
    %select_n3A_55 = arith.select %and3A, %sub3A_54, %div3A_37 : i32
    %sub3A_56 = arith.constant 0 : i32
    %sub3A_57 = arith.subi %select_n3A, %sub3A_56 : i32
    %sub3A_58 = arith.constant 1 : i32
    %sub3A_59 = arith.constant 1 : i32
    %sub3A_60 = arith.subi %sub3A_58, %sub3A_59 : i32
    %add3A_61 = arith.addi %sub3A_57, %sub3A_60 : i32
    %div3A_62 = arith.constant 1 : i32
    %div3A_63 = arith.divsi %add3A_61, %div3A_62 : i32
    %while3A_64 = arith.constant 1 : i32
    %while3A_65 = arith.constant 0 : i32
    %while3A_66 = arith.constant 0 : i32
    %while3A_67 = arith.subi %div3A_63, %while3A_66 : i32
    %while3A_68 = arith.addi %while3A_66, %while3A_67 : i32
    %while3A_69 = arith.constant 1 : i32
    %while3A_70 = arith.divsi %while3A_67, %while3A_69 : i32
    %while3A_71 = arith.muli %while3A_70, %while3A_69 : i32
    %while3A_72 = arith.addi %while3A_66, %while3A_71 : i32
    %while3A_73 = arith.constant 1 : i32
    scf.for %while3A_121 = %while3A_66 to %while3A_72 step %while3A_73  : i32 {
      %mul3A_122 = arith.muli %while3A_121, %while3A_64 : i32
      %add3A_123 = arith.addi %while3A_65, %mul3A_122 : i32
      %mul3A_124 = arith.constant 320 : i32
      %mul3A_125 = arith.muli %arg1, %mul3A_124 : i32
      %mul3A_126 = arith.constant 8 : i32
      %mul3A_127 = arith.muli %add3A_123, %mul3A_126 : i32
      %add3A_128 = arith.addi %mul3A_125, %mul3A_127 : i32
      %dma_wait3A = arith.constant 0 : i32
      %dma_wait3A_129 = tpu.memref_slice %arg13[%add3A_128, %dma_wait3A] : memref<5008x128xf32, #tpu.memory_space<vmem_shared>> -> memref<8x128xf32, #tpu.memory_space<vmem_shared>>
      %dma_wait3A_130 = arith.constant 0 : i32
      %dma_wait3A_131 = tpu.memref_slice %arg13[%add3A_128, %dma_wait3A_130] : memref<5008x128xf32, #tpu.memory_space<vmem_shared>> -> memref<8x128xf32, #tpu.memory_space<vmem_shared>>
      tpu.wait_dma2 semaphore(%arg16 : memref<!tpu.dma_semaphore, #tpu.memory_space<semaphore_mem>>) src(%arg11 : memref<8x128xf32, #tpu.memory_space<vmem>>) dst(%dma_wait3A_131 : memref<8x128xf32, #tpu.memory_space<vmem_shared>>)
    }
    %while3A_74 = arith.constant 1 : i32
    scf.for %while3A_121 = %while3A_72 to %while3A_68 step %while3A_74  : i32 {
      %mul3A_122 = arith.muli %while3A_121, %while3A_64 : i32
      %add3A_123 = arith.addi %while3A_65, %mul3A_122 : i32
      %mul3A_124 = arith.constant 320 : i32
      %mul3A_125 = arith.muli %arg1, %mul3A_124 : i32
      %mul3A_126 = arith.constant 8 : i32
      %mul3A_127 = arith.muli %add3A_123, %mul3A_126 : i32
      %add3A_128 = arith.addi %mul3A_125, %mul3A_127 : i32
      %dma_wait3A = arith.constant 0 : i32
      %dma_wait3A_129 = tpu.memref_slice %arg13[%add3A_128, %dma_wait3A] : memref<5008x128xf32, #tpu.memory_space<vmem_shared>> -> memref<8x128xf32, #tpu.memory_space<vmem_shared>>
      %dma_wait3A_130 = arith.constant 0 : i32
      %dma_wait3A_131 = tpu.memref_slice %arg13[%add3A_128, %dma_wait3A_130] : memref<5008x128xf32, #tpu.memory_space<vmem_shared>> -> memref<8x128xf32, #tpu.memory_space<vmem_shared>>
      tpu.wait_dma2 semaphore(%arg16 : memref<!tpu.dma_semaphore, #tpu.memory_space<semaphore_mem>>) src(%arg11 : memref<8x128xf32, #tpu.memory_space<vmem>>) dst(%dma_wait3A_131 : memref<8x128xf32, #tpu.memory_space<vmem_shared>>)
    }
    %barrier3A = arith.constant 0 : index
    tpu.barrier barrier_id(%barrier3A)
    %ge3A = arith.constant 1 : i32
    %ge3A_75 = arith.cmpi sge, %select_n3A_55, %ge3A : i32
    %convert_element_type3A = arith.extui %ge3A_75 : i1 to i32
    %cond3A = arith.constant 0 : i32
    %cond3A_76 = arith.cmpi ne, %convert_element_type3A, %cond3A : i32
    scf.if %cond3A_76 {
      %dma_start3A = arith.constant 0 : i32
      %dma_start3A_121 = arith.constant 0 : i32
      %dma_start3A_122 = tpu.memref_slice %arg7[%dma_start3A, %dma_start3A_121] : memref<256x80xi32, #tpu.memory_space<vmem>> -> memref<1x80xi32, #tpu.memory_space<vmem>>
      %dma_start3A_123 = tpu.memref_squeeze %dma_start3A_122 : memref<1x80xi32, #tpu.memory_space<vmem>> -> memref<80xi32, #tpu.memory_space<vmem>>
      %dma_start3A_124 = arith.constant 0 : i32
      %dma_start3A_125 = arith.constant 0 : i32
      %dma_start3A_126 = tpu.memref_slice %arg2[%dma_start3A_124, %dma_start3A_125] : memref<10000x128xf32, #tpu.memory_space<hbm>> -> memref<10000x128xf32, #tpu.memory_space<hbm>>
      tpu.enqueue_indirect_dma source(%dma_start3A_126 : memref<10000x128xf32, #tpu.memory_space<hbm>>) target(%arg9 : memref<80x128xf32, #tpu.memory_space<vmem>>) offsets(%dma_start3A_123 : memref<80xi32, #tpu.memory_space<vmem>>) semaphore(%arg14 : memref<!tpu.dma_semaphore, #tpu.memory_space<semaphore_mem>>)
    } else {
    }
    %ge3A_77 = arith.constant 2 : i32
    %ge3A_78 = arith.cmpi sge, %select_n3A_55, %ge3A_77 : i32
    %convert_element_type3A_79 = arith.extui %ge3A_78 : i1 to i32
    %cond3A_80 = arith.constant 0 : i32
    %cond3A_81 = arith.cmpi ne, %convert_element_type3A_79, %cond3A_80 : i32
    scf.if %cond3A_81 {
      %dma_start3A = arith.constant 1 : i32
      %dma_start3A_121 = arith.constant 0 : i32
      %dma_start3A_122 = tpu.memref_slice %arg7[%dma_start3A, %dma_start3A_121] : memref<256x80xi32, #tpu.memory_space<vmem>> -> memref<1x80xi32, #tpu.memory_space<vmem>>
      %dma_start3A_123 = tpu.memref_squeeze %dma_start3A_122 : memref<1x80xi32, #tpu.memory_space<vmem>> -> memref<80xi32, #tpu.memory_space<vmem>>
      %dma_start3A_124 = arith.constant 0 : i32
      %dma_start3A_125 = arith.constant 0 : i32
      %dma_start3A_126 = tpu.memref_slice %arg2[%dma_start3A_124, %dma_start3A_125] : memref<10000x128xf32, #tpu.memory_space<hbm>> -> memref<10000x128xf32, #tpu.memory_space<hbm>>
      tpu.enqueue_indirect_dma source(%dma_start3A_126 : memref<10000x128xf32, #tpu.memory_space<hbm>>) target(%arg10 : memref<80x128xf32, #tpu.memory_space<vmem>>) offsets(%dma_start3A_123 : memref<80xi32, #tpu.memory_space<vmem>>) semaphore(%arg15 : memref<!tpu.dma_semaphore, #tpu.memory_space<semaphore_mem>>)
    } else {
    }
    %sub3A_82 = arith.constant 0 : i32
    %sub3A_83 = arith.subi %select_n3A_55, %sub3A_82 : i32
    %sub3A_84 = arith.constant 2 : i32
    %sub3A_85 = arith.constant 1 : i32
    %sub3A_86 = arith.subi %sub3A_84, %sub3A_85 : i32
    %add3A_87 = arith.addi %sub3A_83, %sub3A_86 : i32
    %div3A_88 = arith.constant 2 : i32
    %div3A_89 = arith.divsi %add3A_87, %div3A_88 : i32
    %while3A_90 = arith.constant 2 : i32
    %while3A_91 = arith.constant 0 : i32
    %while3A_92 = arith.constant 0 : i32
    %while3A_93 = arith.subi %div3A_89, %while3A_92 : i32
    %while3A_94 = arith.addi %while3A_92, %while3A_93 : i32
    %while3A_95 = arith.constant 1 : i32
    %while3A_96 = arith.divsi %while3A_93, %while3A_95 : i32
    %while3A_97 = arith.muli %while3A_96, %while3A_95 : i32
    %while3A_98 = arith.addi %while3A_92, %while3A_97 : i32
    %while3A_99 = arith.constant 1 : i32
    scf.for %while3A_121 = %while3A_92 to %while3A_98 step %while3A_99  : i32 {
      %mul3A_122 = arith.muli %while3A_121, %while3A_90 : i32
      %add3A_123 = arith.addi %while3A_91, %mul3A_122 : i32
      %dma_wait3A = arith.constant 0 : i32
      %dma_wait3A_124 = tpu.memref_slice %arg7[%add3A_123, %dma_wait3A] : memref<256x80xi32, #tpu.memory_space<vmem>> -> memref<1x80xi32, #tpu.memory_space<vmem>>
      %dma_wait3A_125 = tpu.memref_squeeze %dma_wait3A_124 : memref<1x80xi32, #tpu.memory_space<vmem>> -> memref<80xi32, #tpu.memory_space<vmem>>
      %dma_wait3A_126 = arith.constant 0 : i32
      %dma_wait3A_127 = arith.constant 0 : i32
      %dma_wait3A_128 = tpu.memref_slice %arg2[%dma_wait3A_126, %dma_wait3A_127] : memref<10000x128xf32, #tpu.memory_space<hbm>> -> memref<10000x128xf32, #tpu.memory_space<hbm>>
      tpu.wait_indirect_dma semaphore(%arg14 : memref<!tpu.dma_semaphore, #tpu.memory_space<semaphore_mem>>) src(%dma_wait3A_128 : memref<10000x128xf32, #tpu.memory_space<hbm>>) dst(%arg9 : memref<80x128xf32, #tpu.memory_space<vmem>>)
      "tpu.region"() ({
        %run_scoped3A = tpu.sem_alloc : memref<!tpu.dma_semaphore, #tpu.memory_space<semaphore_mem>>
        %dma_start3A = arith.constant 0 : i32
        %dma_start3A_140 = tpu.memref_slice %arg8[%add3A_123, %dma_start3A] : memref<256x80xi32, #tpu.memory_space<vmem>> -> memref<1x80xi32, #tpu.memory_space<vmem>>
        %dma_start3A_141 = tpu.memref_squeeze %dma_start3A_140 : memref<1x80xi32, #tpu.memory_space<vmem>> -> memref<80xi32, #tpu.memory_space<vmem>>
        %dma_start3A_142 = arith.constant 0 : i32
        %dma_start3A_143 = arith.constant 0 : i32
        %dma_start3A_144 = tpu.memref_slice %arg13[%dma_start3A_142, %dma_start3A_143] : memref<5008x128xf32, #tpu.memory_space<vmem_shared>> -> memref<5008x128xf32, #tpu.memory_space<vmem_shared>>
        tpu.enqueue_indirect_dma source(%arg9 : memref<80x128xf32, #tpu.memory_space<vmem>>) target(%dma_start3A_144 : memref<5008x128xf32, #tpu.memory_space<vmem_shared>>) offsets(%dma_start3A_141 : memref<80xi32, #tpu.memory_space<vmem>>) semaphore(%run_scoped3A : memref<!tpu.dma_semaphore, #tpu.memory_space<semaphore_mem>>) {add = true}
        %dma_wait3A_145 = arith.constant 0 : i32
        %dma_wait3A_146 = tpu.memref_slice %arg8[%add3A_123, %dma_wait3A_145] : memref<256x80xi32, #tpu.memory_space<vmem>> -> memref<1x80xi32, #tpu.memory_space<vmem>>
        %dma_wait3A_147 = tpu.memref_squeeze %dma_wait3A_146 : memref<1x80xi32, #tpu.memory_space<vmem>> -> memref<80xi32, #tpu.memory_space<vmem>>
        %dma_wait3A_148 = arith.constant 0 : i32
        %dma_wait3A_149 = arith.constant 0 : i32
        %dma_wait3A_150 = tpu.memref_slice %arg13[%dma_wait3A_148, %dma_wait3A_149] : memref<5008x128xf32, #tpu.memory_space<vmem_shared>> -> memref<5008x128xf32, #tpu.memory_space<vmem_shared>>
        tpu.wait_indirect_dma semaphore(%run_scoped3A : memref<!tpu.dma_semaphore, #tpu.memory_space<semaphore_mem>>) src(%arg9 : memref<80x128xf32, #tpu.memory_space<vmem>>) dst(%dma_wait3A_150 : memref<5008x128xf32, #tpu.memory_space<vmem_shared>>)
        tpu.yield
      }) : () -> ()
      %add3A_129 = arith.constant 2 : i32
      %add3A_130 = arith.addi %add3A_123, %add3A_129 : i32
      %lt3A = arith.cmpi slt, %add3A_130, %select_n3A_55 : i32
      %convert_element_type3A_131 = arith.extui %lt3A : i1 to i32
      %cond3A_132 = arith.constant 0 : i32
      %cond3A_133 = arith.cmpi ne, %convert_element_type3A_131, %cond3A_132 : i32
      scf.if %cond3A_133 {
        %add3A_140 = arith.constant 2 : i32
        %add3A_141 = arith.addi %add3A_123, %add3A_140 : i32
        %dma_start3A = arith.constant 0 : i32
        %dma_start3A_142 = tpu.memref_slice %arg7[%add3A_141, %dma_start3A] : memref<256x80xi32, #tpu.memory_space<vmem>> -> memref<1x80xi32, #tpu.memory_space<vmem>>
        %dma_start3A_143 = tpu.memref_squeeze %dma_start3A_142 : memref<1x80xi32, #tpu.memory_space<vmem>> -> memref<80xi32, #tpu.memory_space<vmem>>
        %dma_start3A_144 = arith.constant 0 : i32
        %dma_start3A_145 = arith.constant 0 : i32
        %dma_start3A_146 = tpu.memref_slice %arg2[%dma_start3A_144, %dma_start3A_145] : memref<10000x128xf32, #tpu.memory_space<hbm>> -> memref<10000x128xf32, #tpu.memory_space<hbm>>
        tpu.enqueue_indirect_dma source(%dma_start3A_146 : memref<10000x128xf32, #tpu.memory_space<hbm>>) target(%arg9 : memref<80x128xf32, #tpu.memory_space<vmem>>) offsets(%dma_start3A_143 : memref<80xi32, #tpu.memory_space<vmem>>) semaphore(%arg14 : memref<!tpu.dma_semaphore, #tpu.memory_space<semaphore_mem>>)
      } else {
      }
      %add3A_134 = arith.constant 1 : i32
      %add3A_135 = arith.addi %add3A_123, %add3A_134 : i32
      %lt3A_136 = arith.cmpi slt, %add3A_135, %select_n3A_55 : i32
      %convert_element_type3A_137 = arith.extui %lt3A_136 : i1 to i32
      %cond3A_138 = arith.constant 0 : i32
      %cond3A_139 = arith.cmpi ne, %convert_element_type3A_137, %cond3A_138 : i32
      scf.if %cond3A_139 {
        %add3A_140 = arith.constant 1 : i32
        %add3A_141 = arith.addi %add3A_123, %add3A_140 : i32
        %dma_wait3A_142 = arith.constant 0 : i32
        %dma_wait3A_143 = tpu.memref_slice %arg7[%add3A_141, %dma_wait3A_142] : memref<256x80xi32, #tpu.memory_space<vmem>> -> memref<1x80xi32, #tpu.memory_space<vmem>>
        %dma_wait3A_144 = tpu.memref_squeeze %dma_wait3A_143 : memref<1x80xi32, #tpu.memory_space<vmem>> -> memref<80xi32, #tpu.memory_space<vmem>>
        %dma_wait3A_145 = arith.constant 0 : i32
        %dma_wait3A_146 = arith.constant 0 : i32
        %dma_wait3A_147 = tpu.memref_slice %arg2[%dma_wait3A_145, %dma_wait3A_146] : memref<10000x128xf32, #tpu.memory_space<hbm>> -> memref<10000x128xf32, #tpu.memory_space<hbm>>
        tpu.wait_indirect_dma semaphore(%arg15 : memref<!tpu.dma_semaphore, #tpu.memory_space<semaphore_mem>>) src(%dma_wait3A_147 : memref<10000x128xf32, #tpu.memory_space<hbm>>) dst(%arg10 : memref<80x128xf32, #tpu.memory_space<vmem>>)
        %add3A_148 = arith.constant 1 : i32
        %add3A_149 = arith.addi %add3A_123, %add3A_148 : i32
        "tpu.region"() ({
          %run_scoped3A = tpu.sem_alloc : memref<!tpu.dma_semaphore, #tpu.memory_space<semaphore_mem>>
          %dma_start3A = arith.constant 0 : i32
          %dma_start3A_156 = tpu.memref_slice %arg8[%add3A_149, %dma_start3A] : memref<256x80xi32, #tpu.memory_space<vmem>> -> memref<1x80xi32, #tpu.memory_space<vmem>>
          %dma_start3A_157 = tpu.memref_squeeze %dma_start3A_156 : memref<1x80xi32, #tpu.memory_space<vmem>> -> memref<80xi32, #tpu.memory_space<vmem>>
          %dma_start3A_158 = arith.constant 0 : i32
          %dma_start3A_159 = arith.constant 0 : i32
          %dma_start3A_160 = tpu.memref_slice %arg13[%dma_start3A_158, %dma_start3A_159] : memref<5008x128xf32, #tpu.memory_space<vmem_shared>> -> memref<5008x128xf32, #tpu.memory_space<vmem_shared>>
          tpu.enqueue_indirect_dma source(%arg10 : memref<80x128xf32, #tpu.memory_space<vmem>>) target(%dma_start3A_160 : memref<5008x128xf32, #tpu.memory_space<vmem_shared>>) offsets(%dma_start3A_157 : memref<80xi32, #tpu.memory_space<vmem>>) semaphore(%run_scoped3A : memref<!tpu.dma_semaphore, #tpu.memory_space<semaphore_mem>>) {add = true}
          %dma_wait3A_161 = arith.constant 0 : i32
          %dma_wait3A_162 = tpu.memref_slice %arg8[%add3A_149, %dma_wait3A_161] : memref<256x80xi32, #tpu.memory_space<vmem>> -> memref<1x80xi32, #tpu.memory_space<vmem>>
          %dma_wait3A_163 = tpu.memref_squeeze %dma_wait3A_162 : memref<1x80xi32, #tpu.memory_space<vmem>> -> memref<80xi32, #tpu.memory_space<vmem>>
          %dma_wait3A_164 = arith.constant 0 : i32
          %dma_wait3A_165 = arith.constant 0 : i32
          %dma_wait3A_166 = tpu.memref_slice %arg13[%dma_wait3A_164, %dma_wait3A_165] : memref<5008x128xf32, #tpu.memory_space<vmem_shared>> -> memref<5008x128xf32, #tpu.memory_space<vmem_shared>>
          tpu.wait_indirect_dma semaphore(%run_scoped3A : memref<!tpu.dma_semaphore, #tpu.memory_space<semaphore_mem>>) src(%arg10 : memref<80x128xf32, #tpu.memory_space<vmem>>) dst(%dma_wait3A_166 : memref<5008x128xf32, #tpu.memory_space<vmem_shared>>)
          tpu.yield
        }) : () -> ()
        %add3A_150 = arith.constant 3 : i32
        %add3A_151 = arith.addi %add3A_123, %add3A_150 : i32
        %lt3A_152 = arith.cmpi slt, %add3A_151, %select_n3A_55 : i32
        %convert_element_type3A_153 = arith.extui %lt3A_152 : i1 to i32
        %cond3A_154 = arith.constant 0 : i32
        %cond3A_155 = arith.cmpi ne, %convert_element_type3A_153, %cond3A_154 : i32
        scf.if %cond3A_155 {
          %add3A_156 = arith.constant 3 : i32
          %add3A_157 = arith.addi %add3A_123, %add3A_156 : i32
          %dma_start3A = arith.constant 0 : i32
          %dma_start3A_158 = tpu.memref_slice %arg7[%add3A_157, %dma_start3A] : memref<256x80xi32, #tpu.memory_space<vmem>> -> memref<1x80xi32, #tpu.memory_space<vmem>>
          %dma_start3A_159 = tpu.memref_squeeze %dma_start3A_158 : memref<1x80xi32, #tpu.memory_space<vmem>> -> memref<80xi32, #tpu.memory_space<vmem>>
          %dma_start3A_160 = arith.constant 0 : i32
          %dma_start3A_161 = arith.constant 0 : i32
          %dma_start3A_162 = tpu.memref_slice %arg2[%dma_start3A_160, %dma_start3A_161] : memref<10000x128xf32, #tpu.memory_space<hbm>> -> memref<10000x128xf32, #tpu.memory_space<hbm>>
          tpu.enqueue_indirect_dma source(%dma_start3A_162 : memref<10000x128xf32, #tpu.memory_space<hbm>>) target(%arg10 : memref<80x128xf32, #tpu.memory_space<vmem>>) offsets(%dma_start3A_159 : memref<80xi32, #tpu.memory_space<vmem>>) semaphore(%arg15 : memref<!tpu.dma_semaphore, #tpu.memory_space<semaphore_mem>>)
        } else {
        }
      } else {
      }
    }
    %while3A_100 = arith.constant 1 : i32
    scf.for %while3A_121 = %while3A_98 to %while3A_94 step %while3A_100  : i32 {
      %mul3A_122 = arith.muli %while3A_121, %while3A_90 : i32
      %add3A_123 = arith.addi %while3A_91, %mul3A_122 : i32
      %dma_wait3A = arith.constant 0 : i32
      %dma_wait3A_124 = tpu.memref_slice %arg7[%add3A_123, %dma_wait3A] : memref<256x80xi32, #tpu.memory_space<vmem>> -> memref<1x80xi32, #tpu.memory_space<vmem>>
      %dma_wait3A_125 = tpu.memref_squeeze %dma_wait3A_124 : memref<1x80xi32, #tpu.memory_space<vmem>> -> memref<80xi32, #tpu.memory_space<vmem>>
      %dma_wait3A_126 = arith.constant 0 : i32
      %dma_wait3A_127 = arith.constant 0 : i32
      %dma_wait3A_128 = tpu.memref_slice %arg2[%dma_wait3A_126, %dma_wait3A_127] : memref<10000x128xf32, #tpu.memory_space<hbm>> -> memref<10000x128xf32, #tpu.memory_space<hbm>>
      tpu.wait_indirect_dma semaphore(%arg14 : memref<!tpu.dma_semaphore, #tpu.memory_space<semaphore_mem>>) src(%dma_wait3A_128 : memref<10000x128xf32, #tpu.memory_space<hbm>>) dst(%arg9 : memref<80x128xf32, #tpu.memory_space<vmem>>)
      "tpu.region"() ({
        %run_scoped3A = tpu.sem_alloc : memref<!tpu.dma_semaphore, #tpu.memory_space<semaphore_mem>>
        %dma_start3A = arith.constant 0 : i32
        %dma_start3A_140 = tpu.memref_slice %arg8[%add3A_123, %dma_start3A] : memref<256x80xi32, #tpu.memory_space<vmem>> -> memref<1x80xi32, #tpu.memory_space<vmem>>
        %dma_start3A_141 = tpu.memref_squeeze %dma_start3A_140 : memref<1x80xi32, #tpu.memory_space<vmem>> -> memref<80xi32, #tpu.memory_space<vmem>>
        %dma_start3A_142 = arith.constant 0 : i32
        %dma_start3A_143 = arith.constant 0 : i32
        %dma_start3A_144 = tpu.memref_slice %arg13[%dma_start3A_142, %dma_start3A_143] : memref<5008x128xf32, #tpu.memory_space<vmem_shared>> -> memref<5008x128xf32, #tpu.memory_space<vmem_shared>>
        tpu.enqueue_indirect_dma source(%arg9 : memref<80x128xf32, #tpu.memory_space<vmem>>) target(%dma_start3A_144 : memref<5008x128xf32, #tpu.memory_space<vmem_shared>>) offsets(%dma_start3A_141 : memref<80xi32, #tpu.memory_space<vmem>>) semaphore(%run_scoped3A : memref<!tpu.dma_semaphore, #tpu.memory_space<semaphore_mem>>) {add = true}
        %dma_wait3A_145 = arith.constant 0 : i32
        %dma_wait3A_146 = tpu.memref_slice %arg8[%add3A_123, %dma_wait3A_145] : memref<256x80xi32, #tpu.memory_space<vmem>> -> memref<1x80xi32, #tpu.memory_space<vmem>>
        %dma_wait3A_147 = tpu.memref_squeeze %dma_wait3A_146 : memref<1x80xi32, #tpu.memory_space<vmem>> -> memref<80xi32, #tpu.memory_space<vmem>>
        %dma_wait3A_148 = arith.constant 0 : i32
        %dma_wait3A_149 = arith.constant 0 : i32
        %dma_wait3A_150 = tpu.memref_slice %arg13[%dma_wait3A_148, %dma_wait3A_149] : memref<5008x128xf32, #tpu.memory_space<vmem_shared>> -> memref<5008x128xf32, #tpu.memory_space<vmem_shared>>
        tpu.wait_indirect_dma semaphore(%run_scoped3A : memref<!tpu.dma_semaphore, #tpu.memory_space<semaphore_mem>>) src(%arg9 : memref<80x128xf32, #tpu.memory_space<vmem>>) dst(%dma_wait3A_150 : memref<5008x128xf32, #tpu.memory_space<vmem_shared>>)
        tpu.yield
      }) : () -> ()
      %add3A_129 = arith.constant 2 : i32
      %add3A_130 = arith.addi %add3A_123, %add3A_129 : i32
      %lt3A = arith.cmpi slt, %add3A_130, %select_n3A_55 : i32
      %convert_element_type3A_131 = arith.extui %lt3A : i1 to i32
      %cond3A_132 = arith.constant 0 : i32
      %cond3A_133 = arith.cmpi ne, %convert_element_type3A_131, %cond3A_132 : i32
      scf.if %cond3A_133 {
        %add3A_140 = arith.constant 2 : i32
        %add3A_141 = arith.addi %add3A_123, %add3A_140 : i32
        %dma_start3A = arith.constant 0 : i32
        %dma_start3A_142 = tpu.memref_slice %arg7[%add3A_141, %dma_start3A] : memref<256x80xi32, #tpu.memory_space<vmem>> -> memref<1x80xi32, #tpu.memory_space<vmem>>
        %dma_start3A_143 = tpu.memref_squeeze %dma_start3A_142 : memref<1x80xi32, #tpu.memory_space<vmem>> -> memref<80xi32, #tpu.memory_space<vmem>>
        %dma_start3A_144 = arith.constant 0 : i32
        %dma_start3A_145 = arith.constant 0 : i32
        %dma_start3A_146 = tpu.memref_slice %arg2[%dma_start3A_144, %dma_start3A_145] : memref<10000x128xf32, #tpu.memory_space<hbm>> -> memref<10000x128xf32, #tpu.memory_space<hbm>>
        tpu.enqueue_indirect_dma source(%dma_start3A_146 : memref<10000x128xf32, #tpu.memory_space<hbm>>) target(%arg9 : memref<80x128xf32, #tpu.memory_space<vmem>>) offsets(%dma_start3A_143 : memref<80xi32, #tpu.memory_space<vmem>>) semaphore(%arg14 : memref<!tpu.dma_semaphore, #tpu.memory_space<semaphore_mem>>)
      } else {
      }
      %add3A_134 = arith.constant 1 : i32
      %add3A_135 = arith.addi %add3A_123, %add3A_134 : i32
      %lt3A_136 = arith.cmpi slt, %add3A_135, %select_n3A_55 : i32
      %convert_element_type3A_137 = arith.extui %lt3A_136 : i1 to i32
      %cond3A_138 = arith.constant 0 : i32
      %cond3A_139 = arith.cmpi ne, %convert_element_type3A_137, %cond3A_138 : i32
      scf.if %cond3A_139 {
        %add3A_140 = arith.constant 1 : i32
        %add3A_141 = arith.addi %add3A_123, %add3A_140 : i32
        %dma_wait3A_142 = arith.constant 0 : i32
        %dma_wait3A_143 = tpu.memref_slice %arg7[%add3A_141, %dma_wait3A_142] : memref<256x80xi32, #tpu.memory_space<vmem>> -> memref<1x80xi32, #tpu.memory_space<vmem>>
        %dma_wait3A_144 = tpu.memref_squeeze %dma_wait3A_143 : memref<1x80xi32, #tpu.memory_space<vmem>> -> memref<80xi32, #tpu.memory_space<vmem>>
        %dma_wait3A_145 = arith.constant 0 : i32
        %dma_wait3A_146 = arith.constant 0 : i32
        %dma_wait3A_147 = tpu.memref_slice %arg2[%dma_wait3A_145, %dma_wait3A_146] : memref<10000x128xf32, #tpu.memory_space<hbm>> -> memref<10000x128xf32, #tpu.memory_space<hbm>>
        tpu.wait_indirect_dma semaphore(%arg15 : memref<!tpu.dma_semaphore, #tpu.memory_space<semaphore_mem>>) src(%dma_wait3A_147 : memref<10000x128xf32, #tpu.memory_space<hbm>>) dst(%arg10 : memref<80x128xf32, #tpu.memory_space<vmem>>)
        %add3A_148 = arith.constant 1 : i32
        %add3A_149 = arith.addi %add3A_123, %add3A_148 : i32
        "tpu.region"() ({
          %run_scoped3A = tpu.sem_alloc : memref<!tpu.dma_semaphore, #tpu.memory_space<semaphore_mem>>
          %dma_start3A = arith.constant 0 : i32
          %dma_start3A_156 = tpu.memref_slice %arg8[%add3A_149, %dma_start3A] : memref<256x80xi32, #tpu.memory_space<vmem>> -> memref<1x80xi32, #tpu.memory_space<vmem>>
          %dma_start3A_157 = tpu.memref_squeeze %dma_start3A_156 : memref<1x80xi32, #tpu.memory_space<vmem>> -> memref<80xi32, #tpu.memory_space<vmem>>
          %dma_start3A_158 = arith.constant 0 : i32
          %dma_start3A_159 = arith.constant 0 : i32
          %dma_start3A_160 = tpu.memref_slice %arg13[%dma_start3A_158, %dma_start3A_159] : memref<5008x128xf32, #tpu.memory_space<vmem_shared>> -> memref<5008x128xf32, #tpu.memory_space<vmem_shared>>
          tpu.enqueue_indirect_dma source(%arg10 : memref<80x128xf32, #tpu.memory_space<vmem>>) target(%dma_start3A_160 : memref<5008x128xf32, #tpu.memory_space<vmem_shared>>) offsets(%dma_start3A_157 : memref<80xi32, #tpu.memory_space<vmem>>) semaphore(%run_scoped3A : memref<!tpu.dma_semaphore, #tpu.memory_space<semaphore_mem>>) {add = true}
          %dma_wait3A_161 = arith.constant 0 : i32
          %dma_wait3A_162 = tpu.memref_slice %arg8[%add3A_149, %dma_wait3A_161] : memref<256x80xi32, #tpu.memory_space<vmem>> -> memref<1x80xi32, #tpu.memory_space<vmem>>
          %dma_wait3A_163 = tpu.memref_squeeze %dma_wait3A_162 : memref<1x80xi32, #tpu.memory_space<vmem>> -> memref<80xi32, #tpu.memory_space<vmem>>
          %dma_wait3A_164 = arith.constant 0 : i32
          %dma_wait3A_165 = arith.constant 0 : i32
          %dma_wait3A_166 = tpu.memref_slice %arg13[%dma_wait3A_164, %dma_wait3A_165] : memref<5008x128xf32, #tpu.memory_space<vmem_shared>> -> memref<5008x128xf32, #tpu.memory_space<vmem_shared>>
          tpu.wait_indirect_dma semaphore(%run_scoped3A : memref<!tpu.dma_semaphore, #tpu.memory_space<semaphore_mem>>) src(%arg10 : memref<80x128xf32, #tpu.memory_space<vmem>>) dst(%dma_wait3A_166 : memref<5008x128xf32, #tpu.memory_space<vmem_shared>>)
          tpu.yield
        }) : () -> ()
        %add3A_150 = arith.constant 3 : i32
        %add3A_151 = arith.addi %add3A_123, %add3A_150 : i32
        %lt3A_152 = arith.cmpi slt, %add3A_151, %select_n3A_55 : i32
        %convert_element_type3A_153 = arith.extui %lt3A_152 : i1 to i32
        %cond3A_154 = arith.constant 0 : i32
        %cond3A_155 = arith.cmpi ne, %convert_element_type3A_153, %cond3A_154 : i32
        scf.if %cond3A_155 {
          %add3A_156 = arith.constant 3 : i32
          %add3A_157 = arith.addi %add3A_123, %add3A_156 : i32
          %dma_start3A = arith.constant 0 : i32
          %dma_start3A_158 = tpu.memref_slice %arg7[%add3A_157, %dma_start3A] : memref<256x80xi32, #tpu.memory_space<vmem>> -> memref<1x80xi32, #tpu.memory_space<vmem>>
          %dma_start3A_159 = tpu.memref_squeeze %dma_start3A_158 : memref<1x80xi32, #tpu.memory_space<vmem>> -> memref<80xi32, #tpu.memory_space<vmem>>
          %dma_start3A_160 = arith.constant 0 : i32
          %dma_start3A_161 = arith.constant 0 : i32
          %dma_start3A_162 = tpu.memref_slice %arg2[%dma_start3A_160, %dma_start3A_161] : memref<10000x128xf32, #tpu.memory_space<hbm>> -> memref<10000x128xf32, #tpu.memory_space<hbm>>
          tpu.enqueue_indirect_dma source(%dma_start3A_162 : memref<10000x128xf32, #tpu.memory_space<hbm>>) target(%arg10 : memref<80x128xf32, #tpu.memory_space<vmem>>) offsets(%dma_start3A_159 : memref<80xi32, #tpu.memory_space<vmem>>) semaphore(%arg15 : memref<!tpu.dma_semaphore, #tpu.memory_space<semaphore_mem>>)
        } else {
        }
      } else {
      }
    }
    %barrier3A_101 = arith.constant 0 : index
    tpu.barrier barrier_id(%barrier3A_101)
    %sub3A_102 = arith.constant 0 : i32
    %sub3A_103 = arith.subi %select_n3A, %sub3A_102 : i32
    %sub3A_104 = arith.constant 1 : i32
    %sub3A_105 = arith.constant 1 : i32
    %sub3A_106 = arith.subi %sub3A_104, %sub3A_105 : i32
    %add3A_107 = arith.addi %sub3A_103, %sub3A_106 : i32
    %div3A_108 = arith.constant 1 : i32
    %div3A_109 = arith.divsi %add3A_107, %div3A_108 : i32
    %while3A_110 = arith.constant 1 : i32
    %while3A_111 = arith.constant 0 : i32
    %while3A_112 = arith.constant 0 : i32
    %while3A_113 = arith.subi %div3A_109, %while3A_112 : i32
    %while3A_114 = arith.addi %while3A_112, %while3A_113 : i32
    %while3A_115 = arith.constant 1 : i32
    %while3A_116 = arith.divsi %while3A_113, %while3A_115 : i32
    %while3A_117 = arith.muli %while3A_116, %while3A_115 : i32
    %while3A_118 = arith.addi %while3A_112, %while3A_117 : i32
    %while3A_119 = arith.constant 1 : i32
    scf.for %while3A_121 = %while3A_112 to %while3A_118 step %while3A_119  : i32 {
      %mul3A_122 = arith.muli %while3A_121, %while3A_110 : i32
      %add3A_123 = arith.addi %while3A_111, %mul3A_122 : i32
      %mul3A_124 = arith.constant 320 : i32
      %mul3A_125 = arith.muli %arg1, %mul3A_124 : i32
      %mul3A_126 = arith.constant 8 : i32
      %mul3A_127 = arith.muli %add3A_123, %mul3A_126 : i32
      %add3A_128 = arith.addi %mul3A_125, %mul3A_127 : i32
      "tpu.region"() ({
        %run_scoped3A = tpu.sem_alloc : memref<!tpu.dma_semaphore, #tpu.memory_space<semaphore_mem>>
        %dma_start3A = arith.constant 0 : i32
        %dma_start3A_132 = tpu.memref_slice %arg13[%add3A_128, %dma_start3A] : memref<5008x128xf32, #tpu.memory_space<vmem_shared>> -> memref<8x128xf32, #tpu.memory_space<vmem_shared>>
        %dma_start3A_133 = arith.constant 0 : i32
        %dma_start3A_134 = tpu.memref_slice %arg13[%add3A_128, %dma_start3A_133] : memref<5008x128xf32, #tpu.memory_space<vmem_shared>> -> memref<8x128xf32, #tpu.memory_space<vmem_shared>>
        tpu.enqueue_dma source(%dma_start3A_134 : memref<8x128xf32, #tpu.memory_space<vmem_shared>>) target(%arg11 : memref<8x128xf32, #tpu.memory_space<vmem>>) target_semaphore(%run_scoped3A : memref<!tpu.dma_semaphore, #tpu.memory_space<semaphore_mem>>)
        %dma_wait3A = arith.constant 0 : i32
        %dma_wait3A_135 = tpu.memref_slice %arg13[%add3A_128, %dma_wait3A] : memref<5008x128xf32, #tpu.memory_space<vmem_shared>> -> memref<8x128xf32, #tpu.memory_space<vmem_shared>>
        %dma_wait3A_136 = arith.constant 0 : i32
        %dma_wait3A_137 = tpu.memref_slice %arg13[%add3A_128, %dma_wait3A_136] : memref<5008x128xf32, #tpu.memory_space<vmem_shared>> -> memref<8x128xf32, #tpu.memory_space<vmem_shared>>
        tpu.wait_dma2 semaphore(%run_scoped3A : memref<!tpu.dma_semaphore, #tpu.memory_space<semaphore_mem>>) src(%dma_wait3A_137 : memref<8x128xf32, #tpu.memory_space<vmem_shared>>) dst(%arg11 : memref<8x128xf32, #tpu.memory_space<vmem>>)
        tpu.yield
      }) : () -> ()
      %mul3A_129 = arith.constant 5000 : i32
      %mul3A_130 = arith.muli %arg0, %mul3A_129 : i32
      %add3A_131 = arith.addi %mul3A_130, %add3A_128 : i32
      "tpu.region"() ({
        %run_scoped3A = tpu.sem_alloc : memref<!tpu.dma_semaphore, #tpu.memory_space<semaphore_mem>>
        %dma_start3A = arith.constant 0 : i32
        %dma_start3A_132 = tpu.memref_slice %arg6[%add3A_131, %dma_start3A] : memref<10000x128xf32, #tpu.memory_space<hbm>> -> memref<8x128xf32, #tpu.memory_space<hbm>>
        %dma_start3A_133 = arith.constant 0 : i32
        %dma_start3A_134 = tpu.memref_slice %arg6[%add3A_131, %dma_start3A_133] : memref<10000x128xf32, #tpu.memory_space<hbm>> -> memref<8x128xf32, #tpu.memory_space<hbm>>
        tpu.enqueue_dma source(%arg11 : memref<8x128xf32, #tpu.memory_space<vmem>>) target(%dma_start3A_134 : memref<8x128xf32, #tpu.memory_space<hbm>>) target_semaphore(%run_scoped3A : memref<!tpu.dma_semaphore, #tpu.memory_space<semaphore_mem>>)
        %dma_wait3A = arith.constant 0 : i32
        %dma_wait3A_135 = tpu.memref_slice %arg6[%add3A_131, %dma_wait3A] : memref<10000x128xf32, #tpu.memory_space<hbm>> -> memref<8x128xf32, #tpu.memory_space<hbm>>
        %dma_wait3A_136 = arith.constant 0 : i32
        %dma_wait3A_137 = tpu.memref_slice %arg6[%add3A_131, %dma_wait3A_136] : memref<10000x128xf32, #tpu.memory_space<hbm>> -> memref<8x128xf32, #tpu.memory_space<hbm>>
        tpu.wait_dma2 semaphore(%run_scoped3A : memref<!tpu.dma_semaphore, #tpu.memory_space<semaphore_mem>>) src(%arg11 : memref<8x128xf32, #tpu.memory_space<vmem>>) dst(%dma_wait3A_137 : memref<8x128xf32, #tpu.memory_space<hbm>>)
        tpu.yield
      }) : () -> ()
    }
    %while3A_120 = arith.constant 1 : i32
    scf.for %while3A_121 = %while3A_118 to %while3A_114 step %while3A_120  : i32 {
      %mul3A_122 = arith.muli %while3A_121, %while3A_110 : i32
      %add3A_123 = arith.addi %while3A_111, %mul3A_122 : i32
      %mul3A_124 = arith.constant 320 : i32
      %mul3A_125 = arith.muli %arg1, %mul3A_124 : i32
      %mul3A_126 = arith.constant 8 : i32
      %mul3A_127 = arith.muli %add3A_123, %mul3A_126 : i32
      %add3A_128 = arith.addi %mul3A_125, %mul3A_127 : i32
      "tpu.region"() ({
        %run_scoped3A = tpu.sem_alloc : memref<!tpu.dma_semaphore, #tpu.memory_space<semaphore_mem>>
        %dma_start3A = arith.constant 0 : i32
        %dma_start3A_132 = tpu.memref_slice %arg13[%add3A_128, %dma_start3A] : memref<5008x128xf32, #tpu.memory_space<vmem_shared>> -> memref<8x128xf32, #tpu.memory_space<vmem_shared>>
        %dma_start3A_133 = arith.constant 0 : i32
        %dma_start3A_134 = tpu.memref_slice %arg13[%add3A_128, %dma_start3A_133] : memref<5008x128xf32, #tpu.memory_space<vmem_shared>> -> memref<8x128xf32, #tpu.memory_space<vmem_shared>>
        tpu.enqueue_dma source(%dma_start3A_134 : memref<8x128xf32, #tpu.memory_space<vmem_shared>>) target(%arg11 : memref<8x128xf32, #tpu.memory_space<vmem>>) target_semaphore(%run_scoped3A : memref<!tpu.dma_semaphore, #tpu.memory_space<semaphore_mem>>)
        %dma_wait3A = arith.constant 0 : i32
        %dma_wait3A_135 = tpu.memref_slice %arg13[%add3A_128, %dma_wait3A] : memref<5008x128xf32, #tpu.memory_space<vmem_shared>> -> memref<8x128xf32, #tpu.memory_space<vmem_shared>>
        %dma_wait3A_136 = arith.constant 0 : i32
        %dma_wait3A_137 = tpu.memref_slice %arg13[%add3A_128, %dma_wait3A_136] : memref<5008x128xf32, #tpu.memory_space<vmem_shared>> -> memref<8x128xf32, #tpu.memory_space<vmem_shared>>
        tpu.wait_dma2 semaphore(%run_scoped3A : memref<!tpu.dma_semaphore, #tpu.memory_space<semaphore_mem>>) src(%dma_wait3A_137 : memref<8x128xf32, #tpu.memory_space<vmem_shared>>) dst(%arg11 : memref<8x128xf32, #tpu.memory_space<vmem>>)
        tpu.yield
      }) : () -> ()
      %mul3A_129 = arith.constant 5000 : i32
      %mul3A_130 = arith.muli %arg0, %mul3A_129 : i32
      %add3A_131 = arith.addi %mul3A_130, %add3A_128 : i32
      "tpu.region"() ({
        %run_scoped3A = tpu.sem_alloc : memref<!tpu.dma_semaphore, #tpu.memory_space<semaphore_mem>>
        %dma_start3A = arith.constant 0 : i32
        %dma_start3A_132 = tpu.memref_slice %arg6[%add3A_131, %dma_start3A] : memref<10000x128xf32, #tpu.memory_space<hbm>> -> memref<8x128xf32, #tpu.memory_space<hbm>>
        %dma_start3A_133 = arith.constant 0 : i32
        %dma_start3A_134 = tpu.memref_slice %arg6[%add3A_131, %dma_start3A_133] : memref<10000x128xf32, #tpu.memory_space<hbm>> -> memref<8x128xf32, #tpu.memory_space<hbm>>
        tpu.enqueue_dma source(%arg11 : memref<8x128xf32, #tpu.memory_space<vmem>>) target(%dma_start3A_134 : memref<8x128xf32, #tpu.memory_space<hbm>>) target_semaphore(%run_scoped3A : memref<!tpu.dma_semaphore, #tpu.memory_space<semaphore_mem>>)
        %dma_wait3A = arith.constant 0 : i32
        %dma_wait3A_135 = tpu.memref_slice %arg6[%add3A_131, %dma_wait3A] : memref<10000x128xf32, #tpu.memory_space<hbm>> -> memref<8x128xf32, #tpu.memory_space<hbm>>
        %dma_wait3A_136 = arith.constant 0 : i32
        %dma_wait3A_137 = tpu.memref_slice %arg6[%add3A_131, %dma_wait3A_136] : memref<10000x128xf32, #tpu.memory_space<hbm>> -> memref<8x128xf32, #tpu.memory_space<hbm>>
        tpu.wait_dma2 semaphore(%run_scoped3A : memref<!tpu.dma_semaphore, #tpu.memory_space<semaphore_mem>>) src(%arg11 : memref<8x128xf32, #tpu.memory_space<vmem>>) dst(%dma_wait3A_137 : memref<8x128xf32, #tpu.memory_space<hbm>>)
        tpu.yield
      }) : () -> ()
    }
    return
  }
}

module attributes {stable_mosaic.version = 14 : i64} {
  func.func @_combine_body(%arg0: i32, %arg1: memref<1000x128xf32, #tpu.memory_space<vmem>>, %arg2: memref<1000x128xf32, #tpu.memory_space<vmem>>, %arg3: memref<128x128xf32, #tpu.memory_space<vmem>>, %arg4: memref<128x128xf32, #tpu.memory_space<vmem>>, %arg5: memref<1x128xf32, #tpu.memory_space<vmem>>, %arg6: memref<1000x128xf32, #tpu.memory_space<vmem>>) attributes {dimension_semantics = [#tpu.dimension_semantics<arbitrary>], iteration_bounds = array<i64: 10>, scalar_prefetch = 0 : i64, scratch_operands = 0 : i64, tpu.core_type = #tpu.core_type<tc>, window_params = [{transform_indices = @transform_0, window_bounds = array<i64: 1000, 128>}, {transform_indices = @transform_1, window_bounds = array<i64: 1000, 128>}, {pipeline_mode = #tpu.pipeline_mode<synchronous>, transform_indices = @transform_2, window_bounds = array<i64: 128, 128>}, {pipeline_mode = #tpu.pipeline_mode<synchronous>, transform_indices = @transform_3, window_bounds = array<i64: 128, 128>}, {pipeline_mode = #tpu.pipeline_mode<synchronous>, transform_indices = @transform_4, window_bounds = array<i64: 1, 128>}, {transform_indices = @transform_5, window_bounds = array<i64: 1000, 128>}]} {
    %get3A = arith.constant 0 : index
    %get3A_0 = arith.constant 0 : index
    %get3A_1 = vector.load %arg1[%get3A, %get3A_0] : memref<1000x128xf32, #tpu.memory_space<vmem>>, vector<1000x128xf32>
    %get3A_2 = arith.constant 0 : index
    %get3A_3 = arith.constant 0 : index
    %get3A_4 = vector.load %arg3[%get3A_2, %get3A_3] : memref<128x128xf32, #tpu.memory_space<vmem>>, vector<128x128xf32>
    %dot_general3A = arith.constant dense<0.000000e+00> : vector<1000x128xf32>
    %dot_general3A_5 = tpu.matmul %get3A_1, %get3A_4, %dot_general3A {dimension_numbers = #tpu.dot_dimension_numbers<[1], [0], [0], [1], [0, 0, 1, 1], [], []>, precision = #tpu.contract_precision<fp32>, transpose_lhs_hint = false} : vector<1000x128xf32>, vector<128x128xf32>, vector<1000x128xf32> -> vector<1000x128xf32>
    %get3A_6 = arith.constant 0 : index
    %get3A_7 = arith.constant 0 : index
    %get3A_8 = vector.load %arg2[%get3A_6, %get3A_7] : memref<1000x128xf32, #tpu.memory_space<vmem>>, vector<1000x128xf32>
    %get3A_9 = arith.constant 0 : index
    %get3A_10 = arith.constant 0 : index
    %get3A_11 = vector.load %arg4[%get3A_9, %get3A_10] : memref<128x128xf32, #tpu.memory_space<vmem>>, vector<128x128xf32>
    %dot_general3A_12 = arith.constant dense<0.000000e+00> : vector<1000x128xf32>
    %dot_general3A_13 = tpu.matmul %get3A_8, %get3A_11, %dot_general3A_12 {dimension_numbers = #tpu.dot_dimension_numbers<[1], [0], [0], [1], [0, 0, 1, 1], [], []>, precision = #tpu.contract_precision<fp32>, transpose_lhs_hint = false} : vector<1000x128xf32>, vector<128x128xf32>, vector<1000x128xf32> -> vector<1000x128xf32>
    %add3A = arith.addf %dot_general3A_5, %dot_general3A_13 : vector<1000x128xf32>
    %get3A_14 = arith.constant 0 : index
    %get3A_15 = arith.constant 0 : index
    %get3A_16 = vector.load %arg5[%get3A_14, %get3A_15] : memref<1x128xf32, #tpu.memory_space<vmem>>, vector<1x128xf32>
    %add3A_17 = vector.broadcast %get3A_16 : vector<1x128xf32> to vector<1000x128xf32>
    %add3A_18 = arith.addf %add3A, %add3A_17 : vector<1000x128xf32>
    %tanh3A = math.tanh %add3A_18 : vector<1000x128xf32>
    %swap3A = arith.constant 0 : index
    %swap3A_19 = arith.constant 0 : index
    %swap3A_20 = vector.load %arg6[%swap3A, %swap3A_19] : memref<1000x128xf32, #tpu.memory_space<vmem>>, vector<1000x128xf32>
    tpu.vector_store %arg6[%swap3A, %swap3A_19], %tanh3A {strides = array<i32>} : memref<1000x128xf32, #tpu.memory_space<vmem>>, vector<1000x128xf32>,
    return
  }
  func.func @transform_0(%arg0: i32) -> (i32, i32) {
    %c0_i32 = arith.constant 0 : i32
    %c0_i32_0 = arith.constant 0 : i32
    return %arg0, %c0_i32 : i32, i32
  }
  func.func @transform_1(%arg0: i32) -> (i32, i32) {
    %c0_i32 = arith.constant 0 : i32
    %c0_i32_0 = arith.constant 0 : i32
    return %arg0, %c0_i32 : i32, i32
  }
  func.func @transform_2(%arg0: i32) -> (i32, i32) {
    %c0_i32 = arith.constant 0 : i32
    %c0_i32_0 = arith.constant 0 : i32
    %c0_i32_1 = arith.constant 0 : i32
    return %c0_i32, %c0_i32_0 : i32, i32
  }
  func.func @transform_3(%arg0: i32) -> (i32, i32) {
    %c0_i32 = arith.constant 0 : i32
    %c0_i32_0 = arith.constant 0 : i32
    %c0_i32_1 = arith.constant 0 : i32
    return %c0_i32, %c0_i32_0 : i32, i32
  }
  func.func @transform_4(%arg0: i32) -> (i32, i32) {
    %c0_i32 = arith.constant 0 : i32
    %c0_i32_0 = arith.constant 0 : i32
    %c0_i32_1 = arith.constant 0 : i32
    return %c0_i32, %c0_i32_0 : i32, i32
  }
  func.func @transform_5(%arg0: i32) -> (i32, i32) {
    %c0_i32 = arith.constant 0 : i32
    %c0_i32_0 = arith.constant 0 : i32
    return %arg0, %c0_i32 : i32, i32
  }
}

module attributes {stable_mosaic.version = 14 : i64} {
  func.func @_final_body(%arg0: i32, %arg1: memref<1000x128xf32, #tpu.memory_space<vmem>>, %arg2: memref<1000x128xf32, #tpu.memory_space<vmem>>, %arg3: memref<128x128xf32, #tpu.memory_space<vmem>>, %arg4: memref<128x128xf32, #tpu.memory_space<vmem>>, %arg5: memref<1x128xf32, #tpu.memory_space<vmem>>, %arg6: memref<1x1x1000xi32, #tpu.memory_space<vmem>>, %arg7: memref<128x128xf32, #tpu.memory_space<vmem>>, %arg8: memref<1x128xf32, #tpu.memory_space<vmem>>, %arg9: memref<128x10xf32, #tpu.memory_space<vmem>>, %arg10: memref<1x10xf32, #tpu.memory_space<vmem>>, %arg11: memref<64x10xf32, #tpu.memory_space<vmem>>, %arg12: memref<64x128xf32, #tpu.memory_space<vmem>>) attributes {dimension_semantics = [#tpu.dimension_semantics<arbitrary>], iteration_bounds = array<i64: 10>, scalar_prefetch = 0 : i64, scratch_operands = 1 : i64, tpu.core_type = #tpu.core_type<tc>, window_params = [{transform_indices = @transform_0, window_bounds = array<i64: 1000, 128>}, {transform_indices = @transform_1, window_bounds = array<i64: 1000, 128>}, {pipeline_mode = #tpu.pipeline_mode<synchronous>, transform_indices = @transform_2, window_bounds = array<i64: 128, 128>}, {pipeline_mode = #tpu.pipeline_mode<synchronous>, transform_indices = @transform_3, window_bounds = array<i64: 128, 128>}, {pipeline_mode = #tpu.pipeline_mode<synchronous>, transform_indices = @transform_4, window_bounds = array<i64: 1, 128>}, {transform_indices = @transform_5, window_bounds = array<i64: 1, 1, 1000>}, {pipeline_mode = #tpu.pipeline_mode<synchronous>, transform_indices = @transform_6, window_bounds = array<i64: 128, 128>}, {pipeline_mode = #tpu.pipeline_mode<synchronous>, transform_indices = @transform_7, window_bounds = array<i64: 1, 128>}, {pipeline_mode = #tpu.pipeline_mode<synchronous>, transform_indices = @transform_8, window_bounds = array<i64: 128, 10>}, {pipeline_mode = #tpu.pipeline_mode<synchronous>, transform_indices = @transform_9, window_bounds = array<i64: 1, 10>}, {pipeline_mode = #tpu.pipeline_mode<synchronous>, transform_indices = @transform_10, window_bounds = array<i64: 64, 10>}]} {
    %get3A = arith.constant 0 : index
    %get3A_0 = arith.constant 0 : index
    %get3A_1 = vector.load %arg1[%get3A, %get3A_0] : memref<1000x128xf32, #tpu.memory_space<vmem>>, vector<1000x128xf32>
    %get3A_2 = arith.constant 0 : index
    %get3A_3 = arith.constant 0 : index
    %get3A_4 = vector.load %arg3[%get3A_2, %get3A_3] : memref<128x128xf32, #tpu.memory_space<vmem>>, vector<128x128xf32>
    %dot_general3A = arith.constant dense<0.000000e+00> : vector<1000x128xf32>
    %dot_general3A_5 = tpu.matmul %get3A_1, %get3A_4, %dot_general3A {dimension_numbers = #tpu.dot_dimension_numbers<[1], [0], [0], [1], [0, 0, 1, 1], [], []>, precision = #tpu.contract_precision<fp32>, transpose_lhs_hint = false} : vector<1000x128xf32>, vector<128x128xf32>, vector<1000x128xf32> -> vector<1000x128xf32>
    %get3A_6 = arith.constant 0 : index
    %get3A_7 = arith.constant 0 : index
    %get3A_8 = vector.load %arg2[%get3A_6, %get3A_7] : memref<1000x128xf32, #tpu.memory_space<vmem>>, vector<1000x128xf32>
    %get3A_9 = arith.constant 0 : index
    %get3A_10 = arith.constant 0 : index
    %get3A_11 = vector.load %arg4[%get3A_9, %get3A_10] : memref<128x128xf32, #tpu.memory_space<vmem>>, vector<128x128xf32>
    %dot_general3A_12 = arith.constant dense<0.000000e+00> : vector<1000x128xf32>
    %dot_general3A_13 = tpu.matmul %get3A_8, %get3A_11, %dot_general3A_12 {dimension_numbers = #tpu.dot_dimension_numbers<[1], [0], [0], [1], [0, 0, 1, 1], [], []>, precision = #tpu.contract_precision<fp32>, transpose_lhs_hint = false} : vector<1000x128xf32>, vector<128x128xf32>, vector<1000x128xf32> -> vector<1000x128xf32>
    %add3A = arith.addf %dot_general3A_5, %dot_general3A_13 : vector<1000x128xf32>
    %get3A_14 = arith.constant 0 : index
    %get3A_15 = arith.constant 0 : index
    %get3A_16 = vector.load %arg5[%get3A_14, %get3A_15] : memref<1x128xf32, #tpu.memory_space<vmem>>, vector<1x128xf32>
    %add3A_17 = vector.broadcast %get3A_16 : vector<1x128xf32> to vector<1000x128xf32>
    %add3A_18 = arith.addf %add3A, %add3A_17 : vector<1000x128xf32>
    %tanh3A = math.tanh %add3A_18 : vector<1000x128xf32>
    %iota3A = tpu.iota {dimensions = array<i32: 0>} : vector<64x1000xi32>
    %get3A_19 = arith.constant 0 : index
    %get3A_20 = arith.constant 0 : index
    %get3A_21 = arith.constant 0 : index
    %get3A_22 = vector.load %arg6[%get3A_19, %get3A_20, %get3A_21] : memref<1x1x1000xi32, #tpu.memory_space<vmem>>, vector<1x1x1000xi32>
    %get3A_23 = vector.shape_cast %get3A_22 : vector<1x1x1000xi32> to vector<1x1000xi32>
    %eq3A = vector.broadcast %get3A_23 : vector<1x1000xi32> to vector<64x1000xi32>
    %eq3A_24 = arith.cmpi eq, %iota3A, %eq3A : vector<64x1000xi32>
    %convert_element_type3A = arith.extui %eq3A_24 : vector<64x1000xi1> to vector<64x1000xi32>
    %convert_element_type3A_25 = arith.sitofp %convert_element_type3A : vector<64x1000xi32> to vector<64x1000xf32>
    %dot_general3A_26 = arith.constant dense<0.000000e+00> : vector<64x128xf32>
    %dot_general3A_27 = tpu.matmul %convert_element_type3A_25, %tanh3A, %dot_general3A_26 {dimension_numbers = #tpu.dot_dimension_numbers<[1], [0], [0], [1], [0, 0, 1, 1], [], []>, precision = #tpu.contract_precision<fp32>, transpose_lhs_hint = false} : vector<64x1000xf32>, vector<1000x128xf32>, vector<64x128xf32> -> vector<64x128xf32>
    %eq3A_28 = arith.constant 0 : i32
    %eq3A_29 = arith.cmpi eq, %arg0, %eq3A_28 : i32
    %convert_element_type3A_30 = arith.extui %eq3A_29 : i1 to i32
    %cond3A = arith.constant 0 : i32
    %cond3A_31 = arith.cmpi ne, %convert_element_type3A_30, %cond3A : i32
    scf.if %cond3A_31 {
      %swap3A = arith.constant 0 : index
      %swap3A_41 = arith.constant 0 : index
      %swap3A_42 = vector.load %arg12[%swap3A, %swap3A_41] : memref<64x128xf32, #tpu.memory_space<vmem>>, vector<64x128xf32>
      tpu.vector_store %arg12[%swap3A, %swap3A_41], %dot_general3A_27 {strides = array<i32>} : memref<64x128xf32, #tpu.memory_space<vmem>>, vector<64x128xf32>,
    } else {
    }
    %gt3A = arith.constant 0 : i32
    %gt3A_32 = arith.cmpi sgt, %arg0, %gt3A : i32
    %convert_element_type3A_33 = arith.extui %gt3A_32 : i1 to i32
    %cond3A_34 = arith.constant 0 : i32
    %cond3A_35 = arith.cmpi ne, %convert_element_type3A_33, %cond3A_34 : i32
    scf.if %cond3A_35 {
      %get3A_41 = arith.constant 0 : index
      %get3A_42 = arith.constant 0 : index
      %get3A_43 = vector.load %arg12[%get3A_41, %get3A_42] : memref<64x128xf32, #tpu.memory_space<vmem>>, vector<64x128xf32>
      %add3A_44 = arith.addf %get3A_43, %dot_general3A_27 : vector<64x128xf32>
      %swap3A = arith.constant 0 : index
      %swap3A_45 = arith.constant 0 : index
      %swap3A_46 = vector.load %arg12[%swap3A, %swap3A_45] : memref<64x128xf32, #tpu.memory_space<vmem>>, vector<64x128xf32>
      tpu.vector_store %arg12[%swap3A, %swap3A_45], %add3A_44 {strides = array<i32>} : memref<64x128xf32, #tpu.memory_space<vmem>>, vector<64x128xf32>,
    } else {
    }
    %eq3A_36 = arith.constant 9 : i32
    %eq3A_37 = arith.cmpi eq, %arg0, %eq3A_36 : i32
    %convert_element_type3A_38 = arith.extui %eq3A_37 : i1 to i32
    %cond3A_39 = arith.constant 0 : i32
    %cond3A_40 = arith.cmpi ne, %convert_element_type3A_38, %cond3A_39 : i32
    scf.if %cond3A_40 {
      %get3A_41 = arith.constant 0 : index
      %get3A_42 = arith.constant 0 : index
      %get3A_43 = vector.load %arg12[%get3A_41, %get3A_42] : memref<64x128xf32, #tpu.memory_space<vmem>>, vector<64x128xf32>
      %get3A_44 = arith.constant 0 : index
      %get3A_45 = arith.constant 0 : index
      %get3A_46 = vector.load %arg7[%get3A_44, %get3A_45] : memref<128x128xf32, #tpu.memory_space<vmem>>, vector<128x128xf32>
      %dot_general3A_47 = arith.constant dense<0.000000e+00> : vector<64x128xf32>
      %dot_general3A_48 = tpu.matmul %get3A_43, %get3A_46, %dot_general3A_47 {dimension_numbers = #tpu.dot_dimension_numbers<[1], [0], [0], [1], [0, 0, 1, 1], [], []>, precision = #tpu.contract_precision<fp32>, transpose_lhs_hint = false} : vector<64x128xf32>, vector<128x128xf32>, vector<64x128xf32> -> vector<64x128xf32>
      %get3A_49 = arith.constant 0 : index
      %get3A_50 = arith.constant 0 : index
      %get3A_51 = vector.load %arg8[%get3A_49, %get3A_50] : memref<1x128xf32, #tpu.memory_space<vmem>>, vector<1x128xf32>
      %add3A_52 = vector.broadcast %get3A_51 : vector<1x128xf32> to vector<64x128xf32>
      %add3A_53 = arith.addf %dot_general3A_48, %add3A_52 : vector<64x128xf32>
      %max3A = arith.constant 0.000000e+00 : f32
      %max3A_54 = vector.broadcast %max3A : f32 to vector<64x128xf32>
      %max3A_55 = arith.maximumf %add3A_53, %max3A_54 : vector<64x128xf32>
      %get3A_56 = arith.constant 0 : index
      %get3A_57 = arith.constant 0 : index
      %get3A_58 = vector.load %arg9[%get3A_56, %get3A_57] : memref<128x10xf32, #tpu.memory_space<vmem>>, vector<128x10xf32>
      %dot_general3A_59 = arith.constant dense<0.000000e+00> : vector<64x10xf32>
      %dot_general3A_60 = tpu.matmul %max3A_55, %get3A_58, %dot_general3A_59 {dimension_numbers = #tpu.dot_dimension_numbers<[1], [0], [0], [1], [0, 0, 1, 1], [], []>, precision = #tpu.contract_precision<fp32>, transpose_lhs_hint = false} : vector<64x128xf32>, vector<128x10xf32>, vector<64x10xf32> -> vector<64x10xf32>
      %get3A_61 = arith.constant 0 : index
      %get3A_62 = arith.constant 0 : index
      %get3A_63 = vector.load %arg10[%get3A_61, %get3A_62] : memref<1x10xf32, #tpu.memory_space<vmem>>, vector<1x10xf32>
      %add3A_64 = vector.broadcast %get3A_63 : vector<1x10xf32> to vector<64x10xf32>
      %add3A_65 = arith.addf %dot_general3A_60, %add3A_64 : vector<64x10xf32>
      %logistic3A = arith.negf %add3A_65 : vector<64x10xf32>
      %logistic3A_66 = math.exp %logistic3A : vector<64x10xf32>
      %logistic3A_67 = arith.constant 1.000000e+00 : f32
      %logistic3A_68 = vector.broadcast %logistic3A_67 : f32 to vector<64x10xf32>
      %logistic3A_69 = arith.addf %logistic3A_68, %logistic3A_66 : vector<64x10xf32>
      %logistic3A_70 = arith.divf %logistic3A_68, %logistic3A_69 : vector<64x10xf32>
      %swap3A = arith.constant 0 : index
      %swap3A_71 = arith.constant 0 : index
      %swap3A_72 = vector.load %arg11[%swap3A, %swap3A_71] : memref<64x10xf32, #tpu.memory_space<vmem>>, vector<64x10xf32>
      tpu.vector_store %arg11[%swap3A, %swap3A_71], %logistic3A_70 {strides = array<i32>} : memref<64x10xf32, #tpu.memory_space<vmem>>, vector<64x10xf32>,
    } else {
    }
    return
  }
  func.func @transform_0(%arg0: i32) -> (i32, i32) {
    %c0_i32 = arith.constant 0 : i32
    %c0_i32_0 = arith.constant 0 : i32
    return %arg0, %c0_i32 : i32, i32
  }
  func.func @transform_1(%arg0: i32) -> (i32, i32) {
    %c0_i32 = arith.constant 0 : i32
    %c0_i32_0 = arith.constant 0 : i32
    return %arg0, %c0_i32 : i32, i32
  }
  func.func @transform_2(%arg0: i32) -> (i32, i32) {
    %c0_i32 = arith.constant 0 : i32
    %c0_i32_0 = arith.constant 0 : i32
    %c0_i32_1 = arith.constant 0 : i32
    return %c0_i32, %c0_i32_0 : i32, i32
  }
  func.func @transform_3(%arg0: i32) -> (i32, i32) {
    %c0_i32 = arith.constant 0 : i32
    %c0_i32_0 = arith.constant 0 : i32
    %c0_i32_1 = arith.constant 0 : i32
    return %c0_i32, %c0_i32_0 : i32, i32
  }
  func.func @transform_4(%arg0: i32) -> (i32, i32) {
    %c0_i32 = arith.constant 0 : i32
    %c0_i32_0 = arith.constant 0 : i32
    %c0_i32_1 = arith.constant 0 : i32
    return %c0_i32, %c0_i32_0 : i32, i32
  }
  func.func @transform_5(%arg0: i32) -> (i32, i32, i32) {
    %c0_i32 = arith.constant 0 : i32
    %c0_i32_0 = arith.constant 0 : i32
    %c0_i32_1 = arith.constant 0 : i32
    return %arg0, %c0_i32, %c0_i32_0 : i32, i32, i32
  }
  func.func @transform_6(%arg0: i32) -> (i32, i32) {
    %c0_i32 = arith.constant 0 : i32
    %c0_i32_0 = arith.constant 0 : i32
    %c0_i32_1 = arith.constant 0 : i32
    return %c0_i32, %c0_i32_0 : i32, i32
  }
  func.func @transform_7(%arg0: i32) -> (i32, i32) {
    %c0_i32 = arith.constant 0 : i32
    %c0_i32_0 = arith.constant 0 : i32
    %c0_i32_1 = arith.constant 0 : i32
    return %c0_i32, %c0_i32_0 : i32, i32
  }
  func.func @transform_8(%arg0: i32) -> (i32, i32) {
    %c0_i32 = arith.constant 0 : i32
    %c0_i32_0 = arith.constant 0 : i32
    %c0_i32_1 = arith.constant 0 : i32
    return %c0_i32, %c0_i32_0 : i32, i32
  }
  func.func @transform_9(%arg0: i32) -> (i32, i32) {
    %c0_i32 = arith.constant 0 : i32
    %c0_i32_0 = arith.constant 0 : i32
    %c0_i32_1 = arith.constant 0 : i32
    return %c0_i32, %c0_i32_0 : i32, i32
  }
  func.func @transform_10(%arg0: i32) -> (i32, i32) {
    %c0_i32 = arith.constant 0 : i32
    %c0_i32_0 = arith.constant 0 : i32
    %c0_i32_1 = arith.constant 0 : i32
    return %c0_i32, %c0_i32_0 : i32, i32
  }
}

</mosaic_0001>

<sc_bundles>
// kernel: kernel.6.cloned.1.call-start
scs
__scs_entry_jumppad:
0x0: {  	(pc) =	sbr.rel $0x88, $3  }
0x1: {  	(tag) =	ssettag $0x0;
	lr =	simm.s32 $0x1  }
0x2: {  	[smem:$0x3F94] =	sst lr;
	_ =	strace $0xD0000000  }
0x3: {  	_ = 	snop  }
0x4: {  	_ = 	snop  }
0x5: {  	_ = 	snop  }
0x6: {  	_ = 	snop  }
0x7: {  	_ = 	snop  }
__scs_overlays_trampoline_lowered:
0x8: {  	[smem:$0x3FA3] =	sst s0  }
0x9: {  	[smem:$0x3FA4] =	sst s1  }
0xa: {  	[smem:$0x3FA5] =	sst s2  }
0xb: {  	[smem:$0x3FA6] =	sst s3  }
0xc: {  	[smem:$0x3FA7] =	sst s4  }
0xd: {  	[smem:$0x3FA8] =	sst s5  }
0xe: {  	[smem:$0x3FA9] =	sst s6  }
0xf: {  	[smem:$0x3FAA] =	sst s7  }
0x10: {  	[smem:$0x3FAB] =	sst s8  }
0x11: {  	[smem:$0x3FAC] =	sst s9;
	s0 =	simm.s32 @!p0 $0x0  }
0x12: {  	s1 =	sld [smem:$0x3F92];
	s0 =	simm.s32 @p0 $0x1  }
0x13: {  	[smem:$0x3FAD] =	sst s0;
	s0 =	simm.s32 @!p1 $0x0  }
0x14: {  	s2 =	sld [smem:$0x3F91];
	s0 =	simm.s32 @p1 $0x1  }
0x15: {  	[smem:$0x3FAE] =	sst s0;
	s0 =	simm.s32 @!p2 $0x0  }
0x16: {  	s3 =	sld [smem:$0x3FDB];
	s0 =	simm.s32 @p2 $0x1  }
0x17: {  	s4 =	simm.s32 $0x1BF5;
	[smem:$0x3FB0] =	sst s0  }
0x18: {  	s0 =	sld [smem:$0x3F93];
	_ =	swait.ge [sflag:s4], $0x0  }
0x19: {  	s7 =	sld [smem:$0x3F94]  }
0x1a: {  	s8 =	sadd.s32 $0xFFFFE003, lr  }
0x1b: {  	s9 =	sadd.s32 $0xFFFFFEF7, lr;
	s5 =	simm.s32 $0xFFFFFFFF;
	p2 =	slt.u32 s8, $0xFFFFF086  }
0x1c: {  	p1 =	slt.u32 s9, $0xF7A;
	s5 =	simm.s32 @!p2 $0x0  }
0x1d: {  	s5 =	simm.s32 @p1 $0x1;
	p0 =	seq.s32 s7, s2  }
0x1e: {  	s7 =	smul.u32 @!p0 $0xF7A, s2;
	p2 =	seq.s32 @!p0 s5, $0x0  }
0x1f: {  	s9 =	smul.u32 $0xF7A, s1;
	s8 =	simm.s32 @!p0 $0x1BF5;
	p2 =	por !p2, p0  }
0x20: {  	[sflag:s8] =	ssyncset.s32 @!p0 $0xFFFFF086;
	s6 =	sadd.s32 @!p0 s3, s7;
	s7 =	simm.s32 @!p0 $0x108  }
0x21: {  	s3 =	sadd.s32 s3, s9;
	s6 =	sadd.s32 @!p0 $0x88, s6;
	s7 =	simm.s32 @p2 $0x1082  }
0x22: {  	[simem:s7], [sflag:s8] =	dma.local @!p0 [hbm:s6], $0xF7A  }
0x23: {  	s9 =	sor.u32 $0xD0000000, s2;
	s6 =	simm.s32 $0x108;
	_ =	swait.ge @!p0 [sflag:s8], $0x0  }
0x24: {  	s3 =	sadd.s32 $0x88, s3;
	s6 =	simm.s32 @!p1 $0x1082;
	[sflag:s4] =	ssyncset.s32 $0xFFFFF086  }
0x25: {  	[simem:s6], [sflag:s4] =	dma.local [hbm:s3], $0xF7A  }
0x26: {  	[smem:$0x3F94] =	sst s1;
	(tag) =	ssettag s2;
	_ =	strace s9  }
0x27: {  	s1 =	sld [smem:$0x3FA4]  }
0x28: {  	s2 =	sld [smem:$0x3FA5]  }
0x29: {  	s4 =	sld [smem:$0x3FA7]  }
0x2a: {  	p0 =	seq.s32 s5, $0x0;
	s5 =	sld [smem:$0x3FA8]  }
0x2b: {  	s6 =	sld [smem:$0x3FA9]  }
0x2c: {  	s7 =	sld [smem:$0x3FAA]  }
0x2d: {  	s3 =	simm.s32 $0x108;
	s8 =	sld [smem:$0x3FAB]  }
0x2e: {  	s3 =	simm.s32 @!p0 $0x1082;
	s9 =	sld [smem:$0x3FAC]  }
0x2f: {  	lr =	sadd.s32 s0, s3;
	s0 =	sld [smem:$0x3FA3]  }
0x30: {  	s3 =	sld [smem:$0x3FA6]  }
0x31: {  	[smem:$0x3FAF] =	sst s10  }
0x32: {  	s10 =	sld [smem:$0x3FAD];
	_ =	sdelay $0x3  }
0x33: {  	p0 =	seq.s32 s10, $0x1;
	s10 =	sld [smem:$0x3FAF];
	_ =	sdelay $0x3  }
0x34: {  	[smem:$0x3FAF] =	sst s10  }
0x35: {  	s10 =	sld [smem:$0x3FAE];
	_ =	sdelay $0x3  }
0x36: {  	p1 =	seq.s32 s10, $0x1;
	s10 =	sld [smem:$0x3FAF];
	_ =	sdelay $0x3  }
0x37: {  	[smem:$0x3FAF] =	sst s10  }
0x38: {  	s10 =	sld [smem:$0x3FB0]  }
0x39: {  	_ = 	snop;
	(pc) =	sbr.ind lr, $3  }
0x3a: {  	_ = 	snop  }
0x3b: {  	_ = 	snop  }
0x3c: {  	p2 =	seq.s32 s10, $0x1;
	s10 =	sld [smem:$0x3FAF]  }
0x3d: {  	_ =	shalt  }
0x3e: {  	_ =	shalt  }
0x3f: {  	_ =	shalt  }
0x40: {  	_ =	shalt  }
0x41: {  	_ =	shalt  }
0x42: {  	_ =	shalt  }
0x43: {  	_ =	shalt  }
0x44: {  	_ =	shalt  }
0x45: {  	_ =	shalt  }
0x46: {  	_ =	shalt  }
0x47: {  	_ =	shalt  }
0x48: {  	_ =	shalt  }
0x49: {  	_ =	shalt  }
0x4a: {  	_ =	shalt  }
0x4b: {  	_ =	shalt  }
0x4c: {  	_ =	shalt  }
0x4d: {  	_ =	shalt  }
0x4e: {  	_ =	shalt  }
0x4f: {  	_ =	shalt  }
0x50: {  	_ =	shalt  }
0x51: {  	_ =	shalt  }
0x52: {  	_ =	shalt  }
0x53: {  	_ =	shalt  }
0x54: {  	_ =	shalt  }
0x55: {  	_ =	shalt  }
0x56: {  	_ =	shalt  }
0x57: {  	_ =	shalt  }
0x58: {  	_ =	shalt  }
0x59: {  	_ =	shalt  }
0x5a: {  	_ =	shalt  }
0x5b: {  	_ =	shalt  }
0x5c: {  	_ =	shalt  }
0x5d: {  	_ =	shalt  }
0x5e: {  	_ =	shalt  }
0x5f: {  	_ =	shalt  }
0x60: {  	_ =	shalt  }
0x61: {  	_ =	shalt  }
0x62: {  	_ =	shalt  }
0x63: {  	_ =	shalt  }
0x64: {  	_ =	shalt  }
0x65: {  	_ =	shalt  }
0x66: {  	_ =	shalt  }
0x67: {  	_ =	shalt  }
0x68: {  	_ =	shalt  }
0x69: {  	_ =	shalt  }
0x6a: {  	_ =	shalt  }
0x6b: {  	_ =	shalt  }
0x6c: {  	_ =	shalt  }
0x6d: {  	_ =	shalt  }
0x6e: {  	_ =	shalt  }
0x6f: {  	_ =	shalt  }
0x70: {  	_ =	shalt  }
0x71: {  	_ =	shalt  }
0x72: {  	_ =	shalt  }
0x73: {  	_ =	shalt  }
0x74: {  	_ =	shalt  }
0x75: {  	_ =	shalt  }
0x76: {  	_ =	shalt  }
0x77: {  	_ =	shalt  }
0x78: {  	_ =	shalt  }
0x79: {  	_ =	shalt  }
0x7a: {  	_ =	shalt  }
0x7b: {  	_ =	shalt  }
0x7c: {  	_ =	shalt  }
0x7d: {  	_ =	shalt  }
0x7e: {  	_ =	shalt  }
0x7f: {  	_ =	shalt  }
0x80: {  	_ =	shalt  }
0x81: {  	_ =	shalt  }
0x82: {  	_ =	shalt  }
0x83: {  	_ =	shalt  }
0x84: {  	_ =	shalt  }
0x85: {  	_ =	shalt  }
0x86: {  	_ =	shalt  }
0x87: {  	_ =	shalt  }
.Lfunc_end0:
.L_simem_size_0:
called_computation_lowered:
.L_overlay_start_0:
0x88: {  	s2 =	sld [smem:$0x3FD9]  }
0x89: {  	s3 =	sld [smem:$0x3FFE];
	_ =	sdelay $0x1  }
0x8a: {  	s1 =	srdreg.scid  }
0x8b: {  	s0 =	sand.u32 $0x1, s1  }
0x8c: {  	s17 =	sshll.u32 s0, $0xA;
	s2 =	sadd.s32 s3, s2  }
0x8d: {  	s2 =	sadd.s32 s2, s17  }
0x8e: {  	[smem:$0x3FBB] =	sst s2  }
0x8f: {  	_ = 	snop  }
0x90: {  	s2 =	sld [smem:$0x3FC9]  }
0x91: {  	s18 =	sld [smem:$0x3FD0];
	(tm) =	ssettm $0x1  }
0x92: {  	s4 =	sld [smem:$0x3FFB];
	_ =	sdelay $0x3  }
0x93: {  	_ =	strace s4  }
0x94: {  	s4 =	sld [smem:$0x3FFC];
	_ =	sdelay $0x3  }
0x95: {  	_ =	strace s4  }
0x96: {  	s4 =	sld [smem:$0x3FFD];
	_ =	sdelay $0x3  }
0x97: {  	_ =	strace s4  }
0x98: {  	_ =	strace $0x8FFFFFFF  }
0x99: {  	s19 =	sld [smem:$0x3FDB];
	_ =	sdelay $0x1  }
0x9a: {  	s5 =	simm.s32 $_scs_section_size  }
0x9b: {  	s6 =	simm.s32 $_size__tile_overlayer_lowered;
	s7 =	simm.s32 $_tile_overlayer_lowered  }
0x9c: {  	s22 =	simm.s32 $0x1BFF;
	s21 =	sshll.u32 s7, $0x1;
	s4 =	sadd.s32 s5, s19  }
0x9d: {  	s8 =	simm.s32 $0x0;
	s20 =	sshll.u32 s6, $0x1;
	s6 =	sadd.s32 s21, s4  }
0x9e: {  	[timem:s8], [sflag:s22] =	dma.local [hbm:s6], s20  }
0x9f: {  	_ =	swait.ge [sflag:s22], s20  }
0xa0: {  	s5 =	ssub.s32 $0x0, s20;
	[sflag:s22] =	ssyncset.done $0x0  }
0xa1: {  	[sflag:s22] =	ssyncadd.s32 s5;
	_ =	sdelay $0x1  }
0xa2: {  	s23 =	simm.s32 $0x1B8B  }
0xa3: {  	_ =	swait.ge [sflag:s23], $0x1  }
0xa4: {  	[sflag:s23] =	ssyncset.done $0x0  }
0xa5: {  	s25 =	simm.s32 $0x1B8E;
	s24 =	sld [smem:$0x3FFE];
	[sflag:s23] =	ssyncadd.s32 $0xFFFFFFFF  }
0xa6: {  	s26 =	simm.s32 $execute0_lowered;
	[smem:$0x3FD2] =	sst s25  }
0xa7: {  	s6 =	sshll.u32 s26, $0x1;
	_ =	strace $0x80000046;
	[dreg:$0x1] =	wrdreg $0xFFFFFFFF  }
0xa8: {  	s28 =	simm.s32 $_size_execute0_lowered;
	s4 =	sadd.s32 s4, s6;
	[dreg:$0x0] =	wrdreg $0x0  }
0xa9: {  	s6 =	sshll.u32 s28, $0x1;
	[dreg:$0x2] =	wrdreg s4  }
0xaa: {  	[dreg:$0x3] =	wrdreg s6  }
0xab: {  	[dreg:$0x4] =	wrdreg $0xC0  }
0xac: {  	_ =	task [dreg:s8], $0x5FFFF  }
0xad: {  	[dreg:$0x1] =	wrdreg $0xFFFFFFFF  }
0xae: {  	[dreg:$0x0] =	wrdreg $0x60  }
0xaf: {  	[dreg:$0x2] =	wrdreg s2  }
0xb0: {  	[dreg:$0x3] =	wrdreg s24  }
0xb1: {  	[dreg:$0x4] =	wrdreg s18  }
0xb2: {  	[dreg:$0x5] =	wrdreg $0x154800  }
0xb3: {  	[dreg:$0x6] =	wrdreg $0x9  }
0xb4: {  	_ =	task.clear_ibuf [dreg:s8], $0x7FFFF;
	_ =	strace $0x90000046  }
0xb5: {  	s29 =	simm.s32 $0x9;
	_ =	strace $0x80000048  }
0xb6: {  	_ =	swait.ge [sflag:s29], $0x1  }
0xb7: {  	[sflag:s29] =	ssyncadd.s32 $0xFFFFFFFF  }
0xb8: {  	_ =	strace $0x90000048  }
0xb9: {  	_ =	sfence  }
0xba: {  	s30 =	sld [smem:$0x0];
	_ =	sdelay $0x2  }
0xbb: {  	s31 =	sshll.u32 s1, $0xD;
	s1 =	sshrl.u32 s1, $0x2  }
0xbc: {  	s3 =	sand.u32 $0x4000, s31;
	s1 =	sadd.s32 s1, s30  }
0xbd: {  	s0 =	sor.u32 s3, s0;
	s1 =	sshll.u32 s1, $0x11  }
0xbe: {  	s0 =	sor.u32 s1, s0  }
0xbf: {  	s0 =	sadd.s32 $0x8F2B, s0  }
0xc0: {  	[sflag:s0] =	ssyncadd.remote.s32 $0x1  }
0xc1: {  	_ =	sfence.sel $0xFFFF  }
0xc2: {  	[dreg:$0x0] =	wrdreg $0xFFFFFFFF;
	(pc) =	sbr.abs _section_cstart, $3  }
0xc3: {  	[dreg:$0x1] =	wrdreg $0xFFFFFFFF  }
0xc4: {  	_ =	task.clear_ibuf [dreg:s8], $0x2FFFF;
	_ =	strace $0x9FFFFFFF  }
0xc5: {  	(tm) =	ssettm $0x7FFFFFFF  }
tec
execute0_lowered:
.L_overlay_start_1:
0x0: {  	(tag) =	ssettag $0x1  }
0x1: {  	s0 =	rddreg [dreg:$0x1]  }
0x2: {  	s2 =	rddreg [dreg:$0x2]  }
0x3: {  	s3 =	rddreg [dreg:$0x3];
	s4 =	simm.s32 $0x0  }
0x4: {  	s1 =	stileid.u32;
	s6 =	srdreg.scid;
	s17 =	simm.s32 $0x19  }
0x5: {  	s14 =	simm.s32 $0x15000;
	s15 =	simm.s32 $0x4;
	[smem:$0x7FF] =	sst s4  }
0x6: {  	s5 =	sshll.u32 s1, $0xC;
	s6 =	sand.u32 $0x1, s6;
	s11 =	smul.u32 $0x28000, s1  }
0x7: {  	p0 =	seq.s32 s1, $0xF;
	s24 =	sshll.u32 s1, $0x2;
	s26 =	sshll.u32 s1, $0x1  }
0x8: {  	s28 =	smul.u32 $0x1400, s1;
	_ =	strace $0x80000047;
	s7 =	sadd.s32 s5, s0  }
0x9: {  	s8 =	smul.u32 $0x13880, s6;
	s9 =	sshll.u32 s6, $0x10;
	s10 =	ssub.s32 $0x2, s6  }
0xa: {  	s17 =	simm.s32 @!p0 $0x28;
	p0 =	seq.s32 s6, $0x1;
	s25 =	sand.u32 $0x20, s24  }
0xb: {  	s6 =	sshll.u32 s6, $0x4;
	s5 =	sor.u32 s5, s9;
	s19 =	sshrl.u32 s10, $0x1  }
0xc: {  	s21 =	sshrl.u32 s11, $0x2;
	s22 =	sadd.s32 $0x23200, s7;
	s2 =	sadd.s32 s2, s6  }
0xd: {  	s9 =	sand.u32 $0xE, s26;
	[dreg:$0x5] =	wrdreg s17;
	s8 =	sadd.s32 s8, s0  }
0xe: {  	v2 =	vimm.s32 $0xECA86420;
	v0 =	vimm.f32 $0.0e+00;
	v1 =	vimm.s32 $0x1;
	s0 =	sadd.s32 s5, s0;
	s3 =	sadd.s32 s21, s3;
	[dreg:$0x7] =	wrdreg s22  }
0xf: {  	vm5 =	vcmask $0xB08;
	vm6 =	vcmask $0x1310;
	vm8 =	vcmask $0x1B18;
	s20 =	ssub.s32 s10, s19;
	s23 =	sadd.s32 $0x5A400, s0;
	[dreg:$0x6] =	wrdreg s3  }
0x10: {  	v3 =	vlaneseq.u32;
	vm3 =	vmmov $0xff;
	v6 =	vimm.s32 $0x0;
	s0 =	sadd.s32 $0x7A400, s0;
	s30 =	smax.u32 s20, $0x1;
	[dreg:$0x8] =	wrdreg s23  }
0x11: {  	v7 =	vimm.s32 $0x1388;
	v16 =	vimm.s32 $0x0;
	v2 =	vunpack.c.l.s4.s8 v2;
	[dreg:$0x9] =	wrdreg s0;
	s0 =	sadd.s32 s25, s2;
	s2 =	simm.s32 $0x13200  }
0x12: {  	v4 =	vmul.u32 $0x2, v3;
	v5 =	vmul.u32 $0xFFFFFFFF, v3;
	v8 =	vor.u32 $0x10, v3;
	[dreg:$0xb] =	wrdreg s30;
	s0 =	sadd.s32 s9, s0;
	s2 =	simm.s32 @!p0 $0x3200  }
0x13: {  	v10 =	vor.u32 $0x20, v3;
	v12 =	vor.u32 $0x30, v3;
	v14 =	vor.u32 $0x40, v3;
	s29 =	sadd.s32 s28, s8;
	[dreg:$0xa] =	wrdreg s0;
	s31 =	sadd.s32 s2, s7  }
0x14: {  	s18 =	simm.s32 $0x3;
	v16 =	vsel vm3, $0xFFFFFFFF, v16;
	v2 =	vunpack.c.0.s8.s32 v2;
	v9 =	vadd.s32 $0xFFFFFFF0, v5;
	s0 =	sadd.s32 $0x33200, s29;
	[dreg:$0xc] =	wrdreg s31  }
0x15: {  	s1 =	simm.s32 $0x0;
	[tilespmem:$0x1FFF0] =	vst v16;
	v11 =	vadd.s32 $0xFFFFFFE0, v5;
	v13 =	vadd.s32 $0xFFFFFFD0, v5;
	v15 =	vadd.s32 $0xFFFFFFC0, v5;
	s19 =	simm.s32 $0x8000;
	[dreg:$0xd] =	wrdreg s0  }
.LBB2_1:
0x16: {  	[tilespmem:$0x15000] =	vst v0  }
0x17: {  	[tilespmem:$0x15010] =	vst v0  }
0x18: {  	[tilespmem:$0x15020] =	vst v0  }
0x19: {  	[tilespmem:$0x15030] =	vst v0  }
0x1a: {  	[tilespmem:$0x15040] =	vst v0  }
0x1b: {  	[tilespmem:$0x15050] =	vst v0  }
0x1c: {  	[tilespmem:$0x15060] =	vst v0  }
0x1d: {  	[tilespmem:$0x15070] =	vst v0  }
0x1e: {  	[tilespmem:$0x15080] =	vst v0  }
0x1f: {  	[tilespmem:$0x15090] =	vst v0  }
0x20: {  	[tilespmem:$0x150A0] =	vst v0  }
0x21: {  	[tilespmem:$0x150B0] =	vst v0  }
0x22: {  	[tilespmem:$0x150C0] =	vst v0  }
0x23: {  	[tilespmem:$0x150D0] =	vst v0  }
0x24: {  	[tilespmem:$0x150E0] =	vst v0  }
0x25: {  	[tilespmem:$0x150F0] =	vst v0  }
0x26: {  	[tilespmem:$0x15100] =	vst v0  }
0x27: {  	[tilespmem:$0x15110] =	vst v0  }
0x28: {  	[tilespmem:$0x15120] =	vst v0  }
0x29: {  	[tilespmem:$0x15130] =	vst v0  }
0x2a: {  	[tilespmem:$0x15140] =	vst v0  }
0x2b: {  	[tilespmem:$0x15150] =	vst v0  }
0x2c: {  	[tilespmem:$0x15160] =	vst v0  }
0x2d: {  	[tilespmem:$0x15170] =	vst v0  }
0x2e: {  	[tilespmem:$0x15180] =	vst v0  }
0x2f: {  	[tilespmem:$0x15190] =	vst v0  }
0x30: {  	[tilespmem:$0x151A0] =	vst v0  }
0x31: {  	[tilespmem:$0x151B0] =	vst v0  }
0x32: {  	[tilespmem:$0x151C0] =	vst v0  }
0x33: {  	[tilespmem:$0x151D0] =	vst v0  }
0x34: {  	[tilespmem:$0x151E0] =	vst v0  }
0x35: {  	[tilespmem:$0x151F0] =	vst v0  }
0x36: {  	[tilespmem:$0x15200] =	vst v0  }
0x37: {  	[tilespmem:$0x15210] =	vst v0  }
0x38: {  	[tilespmem:$0x15220] =	vst v0  }
0x39: {  	[tilespmem:$0x15230] =	vst v0  }
0x3a: {  	[tilespmem:$0x15240] =	vst v0  }
0x3b: {  	[tilespmem:$0x15250] =	vst v0  }
0x3c: {  	[tilespmem:$0x15260] =	vst v0  }
0x3d: {  	[tilespmem:$0x15270] =	vst v0  }
0x3e: {  	[tilespmem:$0x15280] =	vst v0  }
0x3f: {  	[tilespmem:$0x15290] =	vst v0  }
0x40: {  	[tilespmem:$0x152A0] =	vst v0  }
0x41: {  	[tilespmem:$0x152B0] =	vst v0  }
0x42: {  	[tilespmem:$0x152C0] =	vst v0  }
0x43: {  	[tilespmem:$0x152D0] =	vst v0  }
0x44: {  	[tilespmem:$0x152E0] =	vst v0  }
0x45: {  	[tilespmem:$0x152F0] =	vst v0  }
0x46: {  	[tilespmem:$0x15300] =	vst v0  }
0x47: {  	[tilespmem:$0x15310] =	vst v0  }
0x48: {  	[tilespmem:$0x15320] =	vst v0  }
0x49: {  	[tilespmem:$0x15330] =	vst v0  }
0x4a: {  	[tilespmem:$0x15340] =	vst v0  }
0x4b: {  	[tilespmem:$0x15350] =	vst v0  }
0x4c: {  	[tilespmem:$0x15360] =	vst v0  }
0x4d: {  	[tilespmem:$0x15370] =	vst v0  }
0x4e: {  	[tilespmem:$0x15380] =	vst v0  }
0x4f: {  	[tilespmem:$0x15390] =	vst v0  }
0x50: {  	[tilespmem:$0x153A0] =	vst v0  }
0x51: {  	[tilespmem:$0x153B0] =	vst v0;
	p0 =	sne.s32 s17, $0x1  }
.Ltmp0:
0x52: {  	[tilespmem:$0x153C0] =	vst v0;
	(pc) =	sbr.rel @!p0 .LBB2_3-.Ltmp0, $4  }
0x53: {  	[tilespmem:$0x153D0] =	vst v0  }
0x54: {  	[tilespmem:$0x153E0] =	vst v0  }
0x55: {  	[dreg:$0xe] =	wrdreg s1;
	[tilespmem:$0x153F0] =	vst v0;
	s0 =	sadd.s32 $0xFFFFFFFF, s17;
	s2 =	smov.u32 s3  }
0x56: {  	[spmem:s3] =	stream.linear.scatter [tilespmem:s14], [sflag:$0x3], $0x400, $0x38;
	[tilespmem:$0x1F100] =	vst v63  }
.LBB2_2:
0x57: {  	p1 =	sne.s32 s0, $0x1  }
.Ltmp1:
0x58: {  	_ = 	snop;
	(pc) =	sbr.rel @p1 .LBB2_2-.Ltmp1, $3  }
0x59: {  	_ = 	snop  }
0x5a: {  	s0 =	sadd.s32 $0xFFFFFFFF, s0;
	s2 =	sadd.s32 $0x400, s2;
	_ =	sdelay $0x1  }
0x5b: {  	[spmem:s2] =	stream.linear.scatter [tilespmem:s14], [sflag:$0x3], $0x400, $0x38;
	[tilespmem:$0x1F100] =	vst v63  }
.LBB2_3:
0x5c: {  	s1 =	simm.s32 $0x0;
	s0 =	rddreg [dreg:$0x7]  }
0x5d: {  	[tilespmem:s1], [sflag:$0x4] =	stream.linear.gather [hbm4b:s0+s1], $0x8000, $0x38;
	[tilespmem:$0x1F100] =	vst v63  }
0x5e: {  	_ =	swait.ge [sflag:s15], $0x8000  }
0x5f: {  	[sflag:s15] =	ssyncset.done $0x0  }
0x60: {  	s31 =	rddreg [dreg:$0xc];
	[sflag:s15] =	ssyncadd.s32 $0xFFFF8000  }
0x61: {  	[tilespmem:s19], [sflag:$0x4] =	stream.linear.gather [hbm4b:s31+s1], $0x8000, $0x38;
	[tilespmem:$0x1F100] =	vst v63  }
0x62: {  	_ =	swait.ge [sflag:s15], $0x8000  }
0x63: {  	[sflag:s15] =	ssyncset.done $0x0  }
0x64: {  	v16 =	vimm.s32 $0x0;
	[sflag:s15] =	ssyncadd.s32 $0xFFFF8000  }
0x65: {  	[tilespmem:$0x15400] =	vst v16  }
.LBB2_4:
0x66: {  	s24 =	sshra.s32 s1, $0x2  }
0x67: {  	v17 =	vld [tilespmem:s24+$0x8000];
	_ =	sdelay $0x4  }
0x68: {  	vm10 =	vlt.s32 v17, $0x1388  }
0x69: {  	(xrf0) =	vadd.scan.msk.s32 vm10, v1;
	_ =	sdelay $0x5  }
0x6a: {  	v18, _, _ =	vpop (xrf0)  }
0x6b: {  	v18 =	vadd.s32 v18, v16  }
0x6c: {  	v18 =	vadd.s32 $0xFFFFFFFF, v18  }
0x6d: {  	(v2sf) =	vpush v18, $0xD;
	_ =	sdelay $0x1  }
0x6e: {  	(v2sf) =	vpush v18, $0xC;
	_ =	sdelay $0x1  }
0x6f: {  	(v2sf) =	vpush v18, $0xE;
	_ =	sdelay $0x1  }
0x70: {  	(v2sf) =	vpush v18, $0xF;
	_ =	sdelay $0x1  }
0x71: {  	(v2sf) =	vpush v18, $0x9;
	_ =	sdelay $0x1  }
0x72: {  	(v2sf) =	vpush v18, $0x8;
	_ =	sdelay $0x1  }
0x73: {  	(v2sf) =	vpush v18, $0xA;
	_ =	sdelay $0x1  }
0x74: {  	(v2sf) =	vpush v18, $0xB  }
0x75: {  	s0 =	spop (v2sf)  }
0x76: {  	(v2sf) =	vpush v18, $0x0;
	s2 =	smulhi.u32 $0x66666667, s0;
	s0 =	sshra.s32 s0, $0x1F  }
0x77: {  	s5 =	spop (v2sf);
	s0 =	smul.u32 $0x66666667, s0  }
0x78: {  	(v2sf) =	vpush v18, $0x1;
	s6 =	smulhi.u32 $0x66666667, s5;
	s5 =	sshra.s32 s5, $0x1F  }
0x79: {  	s7 =	spop (v2sf);
	(v2sf) =	vpush v18, $0x2;
	s5 =	smul.u32 $0x66666667, s5  }
0x7a: {  	s8 =	smulhi.u32 $0x66666667, s7;
	s7 =	sshra.s32 s7, $0x1F;
	(v2sf) =	vpush v18, $0x3  }
0x7b: {  	s9 =	spop (v2sf);
	s7 =	smul.u32 $0x66666667, s7;
	(v2sf) =	vpush v18, $0x4  }
0x7c: {  	[dreg:$0xf] =	wrdreg s1;
	s10 =	smulhi.u32 $0x66666667, s9;
	s9 =	sshra.s32 s9, $0x1F;
	(v2sf) =	vpush v18, $0x5  }
0x7d: {  	s11 =	spop (v2sf);
	s9 =	smul.u32 $0x66666667, s9;
	(v2sf) =	vpush v18, $0x6  }
0x7e: {  	s0 =	sadd.s32 s0, s2;
	s13 =	smulhi.u32 $0x66666667, s11;
	s11 =	sshra.s32 s11, $0x1F;
	(v2sf) =	vpush v18, $0x7  }
0x7f: {  	s31 =	spop (v2sf);
	s12 =	sshrl.u32 s0, $0x1F;
	s11 =	smul.u32 $0x66666667, s11  }
0x80: {  	s6 =	sadd.s32 s5, s6;
	s17 =	smulhi.u32 $0x66666667, s31;
	s2 =	sshra.s32 s31, $0x1F  }
0x81: {  	s0 =	sshra.s32 s0, $0x5;
	s1 =	spop (v2sf);
	s22 =	smul.u32 $0x66666667, s2  }
0x82: {  	s25 =	sshrl.u32 s6, $0x1F;
	s26 =	smulhi.u32 $0x66666667, s1;
	s3 =	sshra.s32 s1, $0x1F  }
0x83: {  	s2 =	sadd.s32 s7, s8;
	s31 =	spop (v2sf);
	s4 =	smul.u32 $0x66666667, s3  }
0x84: {  	s5 =	sadd.s32 s9, s10;
	s29 =	smulhi.u32 $0x66666667, s31;
	s1 =	sshra.s32 s31, $0x1F  }
0x85: {  	s28 =	sshrl.u32 s2, $0x1F;
	s3 =	smul.u32 $0x66666667, s1;
	s16 =	spop (v2sf)  }
0x86: {  	s30 =	sshrl.u32 s5, $0x1F;
	s10 =	smulhi.u32 $0x66666667, s16;
	s31 =	sshra.s32 s16, $0x1F  }
0x87: {  	s7 =	sadd.s32 s11, s13;
	s23 =	spop (v2sf);
	s19 =	smul.u32 $0x66666667, s31  }
0x88: {  	s31 =	smulhi.u32 $0x66666667, s23;
	s16 =	sshra.s32 s23, $0x1F;
	s20 =	spop (v2sf)  }
0x89: {  	s11 =	sadd.s32 s22, s17;
	s16 =	smul.u32 $0x66666667, s16;
	s1 =	spop (v2sf)  }
0x8a: {  	s22 =	smulhi.u32 $0x66666667, s20;
	s20 =	sshra.s32 s20, $0x1F;
	s21 =	spop (v2sf)  }
0x8b: {  	s8 =	sadd.s32 s4, s26;
	s20 =	smul.u32 $0x66666667, s20;
	s26 =	spop (v2sf)  }
0x8c: {  	s4 =	smulhi.u32 $0x66666667, s1;
	s17 =	sshra.s32 s1, $0x1F;
	s23 =	spop (v2sf)  }
0x8d: {  	s9 =	sadd.s32 s3, s29;
	s17 =	smul.u32 $0x66666667, s17;
	s3 =	spop (v2sf)  }
0x8e: {  	s13 =	sadd.s32 s19, s10;
	s19 =	smulhi.u32 $0x66666667, s3;
	s29 =	sshra.s32 s3, $0x1F  }
0x8f: {  	vm1 =	vcmask $0x300;
	vm0 =	vcmask $0x704;
	vm13 =	vcmask $0xF0C;
	s1 =	sshrl.u32 s7, $0x1F;
	s16 =	sadd.s32 s16, s31;
	s29 =	smul.u32 $0x66666667, s29  }
0x90: {  	vm14 =	vcmask $0x1714;
	vm2 =	vmmov vm6;
	v20 =	vmov s25;
	s31 =	sshrl.u32 s11, $0x1F;
	s20 =	sadd.s32 s20, s22;
	s22 =	sshrl.u32 s8, $0x1F  }
0x91: {  	vm15 =	vcmask $0x1F1C;
	vm7 =	vcmask $0x3330;
	v20 =	vsel vm5, s12, v20;
	s12 =	smulhi.u32 $0x66666667, s26;
	s4 =	sadd.s32 s17, s4;
	s10 =	sadd.s32 s29, s19  }
0x92: {  	vm3 =	vcmask $0x2724;
	vm4 =	vcmask $0x3B38;
	v22 =	vmov s31;
	s17 =	sshrl.u32 s9, $0x1F;
	s25 =	sshrl.u32 s20, $0x1F;
	s3 =	sshra.s32 s10, $0x1F  }
0x93: {  	vm12 =	vcmask $0x3734;
	v22 =	vsel vm5, s1, v22;
	s29 =	smulhi.u32 $0x66666667, s21;
	s21 =	sshra.s32 s21, $0x1F;
	s19 =	sshra.s32 s13, $0x5;
	v19 =	vmov s3  }
0x94: {  	v20 =	vsel vm6, s28, v20;
	v22 =	vsel vm6, s22, v22;
	s3 =	smul.u32 $0x66666667, s21;
	s21 =	sshrl.u32 s13, $0x1F;
	s13 =	sshra.s32 s13, $0x1F;
	v19 =	vsel vm1, s19, v19  }
0x95: {  	v20 =	vsel vm8, s30, v20;
	s22 =	sshra.s32 s6, $0x5;
	v22 =	vsel vm8, s17, v22;
	v19 =	vsel vm0, s13, v19;
	s13 =	sshra.s32 s26, $0x1F;
	s26 =	sshra.s32 s16, $0x5  }
0x96: {  	s28 =	sshra.s32 s20, $0x5;
	v32 =	vmov s22;
	s19 =	sshrl.u32 s16, $0x1F;
	v21 =	vmov s21;
	s16 =	sshra.s32 s16, $0x1F;
	v19 =	vsel vm5, s26, v19  }
0x97: {  	s31 =	sshra.s32 s4, $0x5;
	v20 =	vcombine.low v22, v20;
	v21 =	vnsel vm1, $0x0, v21;
	s3 =	sadd.s32 s3, s29;
	s13 =	smul.u32 $0x66666667, s13;
	v19 =	vsel vm13, s16, v19  }
0x98: {  	s29 =	sshra.s32 s20, $0x1F;
	vm1 =	vmmov vm5;
	v21 =	vsel vm5, s19, v21;
	s26 =	smulhi.u32 $0x66666667, s23;
	s23 =	sshra.s32 s23, $0x1F;
	v19 =	vsel vm6, s28, v19  }
0x99: {  	s21 =	sshrl.u32 s4, $0x1F;
	s4 =	sshra.s32 s4, $0x1F;
	vm5 =	vcmask $0x2320;
	v21 =	vsel vm6, s25, v21;
	s23 =	smul.u32 $0x66666667, s23;
	v19 =	vsel vm14, s29, v19  }
0x9a: {  	s30 =	sshrl.u32 s3, $0x1F;
	v22 =	vsel vm1, s0, v32;
	v21 =	vsel vm8, s21, v21;
	s12 =	sadd.s32 s13, s12;
	s21 =	sshra.s32 s3, $0x5;
	v19 =	vsel vm8, s31, v19  }
0x9b: {  	vm6 =	vcmask $0x2B28;
	s28 =	sshra.s32 s2, $0x5;
	v21 =	vsel vm5, s30, v21;
	s19 =	sadd.s32 s23, s26;
	s23 =	sshra.s32 s11, $0x5;
	v19 =	vsel vm15, s4, v19  }
0x9c: {  	s25 =	sshra.s32 s7, $0x5;
	s3 =	sshra.s32 s3, $0x1F;
	s16 =	sshrl.u32 s12, $0x1F;
	v22 =	vsel vm2, s28, v22;
	v23 =	vmov s23;
	v19 =	vsel vm5, s21, v19  }
0x9d: {  	s26 =	sshra.s32 s12, $0x5;
	v21 =	vsel vm6, s16, v21;
	v23 =	vsel vm1, s25, v23;
	v19 =	vsel vm3, s3, v19  }
0x9e: {  	s29 =	sshra.s32 s8, $0x5;
	s30 =	sshra.s32 s12, $0x1F;
	s20 =	sshrl.u32 s19, $0x1F;
	vm15 =	vmmov vm8;
	vm8 =	vcmask $0x2F2C;
	v19 =	vsel vm6, s26, v19  }
0x9f: {  	v33 =	vld [tilespmem:$0x1FFF0];
	s31 =	sshra.s32 s5, $0x5;
	v21 =	vsel vm7, s20, v21;
	s4 =	sshra.s32 s19, $0x5;
	v23 =	vsel vm2, s29, v23;
	s3 =	sshra.s32 s9, $0x5;
	v19 =	vsel vm8, s30, v19  }
0xa0: {  	s5 =	sshrl.u32 s10, $0x1F;
	s6 =	sshra.s32 s19, $0x1F;
	v22 =	vsel vm15, s31, v22;
	v23 =	vsel vm15, s3, v23;
	v19 =	vsel vm7, s4, v19  }
0xa1: {  	s7 =	sshra.s32 s10, $0x5;
	v21 =	vsel vm4, s5, v21;
	v22 =	vcombine.low v23, v22;
	v19 =	vsel vm12, s6, v19  }
0xa2: {  	v20 =	vperm.xlane v20, v2;
	v21 =	vperm.xlane v21, v4;
	v19 =	vsel vm4, s7, v19  }
0xa3: {  	v22 =	vperm.xlane v22, v2;
	v19 =	vperm.xlane v19, v4  }
0xa4: {  	vm0 =	vnez.u8 v33  }
0xa5: {  	v20 =	vsel vm0, v21, v20;
	v19 =	vsel vm0, v19, v22  }
0xa6: {  	v19 =	vadd.s32 v20, v19  }
0xa7: {  	v20 =	vmul.u32 $0xFFFFFFB0, v19  }
0xa8: {  	v34 =	vsub.s32 $0x0, v18  }
0xa9: {  	vm9 =	vlt.s32 v18, $0x1;
	vm11 =	vne.s32 v20, v34  }
0xaa: {  	vm9 =	vmand vm9, vm11  }
0xab: {  	v35 =	vsel vm9, $0xFFFFFFFF, v6  }
0xac: {  	v19 =	vadd.s32 v35, v19  }
0xad: {  	v20 =	vmul.u32 $0xFFFFFFB0, v19;
	_ =	sdelay $0x1  }
0xae: {  	v18 =	vadd.s32 v18, v20  }
0xaf: {  	v19 =	vshll.u32 v19, $0x7;
	v20 =	vand.u32 $0xFFFFFF80, v18  }
0xb0: {  	v18 =	vand.u32 $0x7F, v18;
	v19 =	vadd.s32 v19, v20  }
0xb1: {  	v36 =	vld [tilespmem:s24+$0x0];
	v18 =	vor.u32 v18, v19;
	_ =	sdelay $0x3  }
0xb2: {  	s8 =	simm.s32 $0x0  }
0xb3: {  	s9 =	simm.s32 $0x8000;
	[tilespmem:v18+s8+$0x0] =	vst.idx.msk vm10, v36  }
0xb4: {  	[tilespmem:v18+s9+$0x0] =	vst.idx.msk vm10, v17  }
0xb5: {  	v17 =	vld [tilespmem:s24+$0x8010];
	_ =	sdelay $0x4  }
0xb6: {  	vm9 =	vlt.s32 v17, $0x1388  }
0xb7: {  	(xrf0) =	vadd.scan.msk.s32 vm9, v1;
	_ =	sdelay $0x1  }
0xb8: {  	v18 =	vmpcnt.ones.xlane vm10;
	_ =	sdelay $0x3  }
0xb9: {  	v16 =	vadd.s32 v16, v18;
	v18, _, _ =	vpop (xrf0)  }
0xba: {  	v19 =	vadd.s32 v18, v16  }
0xbb: {  	v18 =	vadd.s32 $0xFFFFFFFF, v19  }
0xbc: {  	(v2sf) =	vpush v18, $0xD;
	_ =	sdelay $0x1  }
0xbd: {  	(v2sf) =	vpush v18, $0xC;
	_ =	sdelay $0x1  }
0xbe: {  	(v2sf) =	vpush v18, $0xE;
	_ =	sdelay $0x1  }
0xbf: {  	(v2sf) =	vpush v18, $0xF;
	_ =	sdelay $0x1  }
0xc0: {  	(v2sf) =	vpush v18, $0x9;
	_ =	sdelay $0x1  }
0xc1: {  	(v2sf) =	vpush v18, $0x8;
	_ =	sdelay $0x1  }
0xc2: {  	(v2sf) =	vpush v18, $0xA;
	_ =	sdelay $0x1  }
0xc3: {  	(v2sf) =	vpush v18, $0xB  }
0xc4: {  	s10 =	spop (v2sf)  }
0xc5: {  	(v2sf) =	vpush v18, $0x0;
	s11 =	smulhi.u32 $0x66666667, s10;
	s0 =	sshra.s32 s10, $0x1F  }
0xc6: {  	s12 =	spop (v2sf);
	s0 =	smul.u32 $0x66666667, s0  }
0xc7: {  	(v2sf) =	vpush v18, $0x1;
	s13 =	smulhi.u32 $0x66666667, s12;
	s2 =	sshra.s32 s12, $0x1F  }
0xc8: {  	(v2sf) =	vpush v18, $0x2;
	s16 =	spop (v2sf);
	s2 =	smul.u32 $0x66666667, s2  }
0xc9: {  	(v2sf) =	vpush v18, $0x3;
	s17 =	smulhi.u32 $0x66666667, s16;
	s4 =	sshra.s32 s16, $0x1F  }
0xca: {  	(v2sf) =	vpush v18, $0x4;
	s19 =	spop (v2sf);
	s4 =	smul.u32 $0x66666667, s4  }
0xcb: {  	(v2sf) =	vpush v18, $0x5;
	s20 =	smulhi.u32 $0x66666667, s19;
	s6 =	sshra.s32 s19, $0x1F  }
0xcc: {  	(v2sf) =	vpush v18, $0x6;
	s30 =	spop (v2sf);
	s29 =	smul.u32 $0x66666667, s6  }
0xcd: {  	(v2sf) =	vpush v18, $0x7;
	s9 =	smulhi.u32 $0x66666667, s30;
	s6 =	sshra.s32 s30, $0x1F  }
0xce: {  	s0 =	sadd.s32 s0, s11;
	s21 =	spop (v2sf);
	s31 =	smul.u32 $0x66666667, s6  }
0xcf: {  	s12 =	sshrl.u32 s0, $0x1F;
	s10 =	smulhi.u32 $0x66666667, s21;
	s22 =	sshra.s32 s21, $0x1F  }
0xd0: {  	s0 =	sshra.s32 s0, $0x5;
	s23 =	spop (v2sf);
	s3 =	smul.u32 $0x66666667, s22  }
0xd1: {  	s6 =	sadd.s32 s2, s13;
	s16 =	smulhi.u32 $0x66666667, s23;
	s25 =	sshra.s32 s23, $0x1F  }
0xd2: {  	s2 =	sadd.s32 s4, s17;
	s26 =	spop (v2sf);
	s4 =	smul.u32 $0x66666667, s25  }
0xd3: {  	s13 =	sshrl.u32 s6, $0x1F;
	s19 =	smulhi.u32 $0x66666667, s26;
	s28 =	sshra.s32 s26, $0x1F  }
0xd4: {  	s5 =	sadd.s32 s29, s20;
	s29 =	spop (v2sf);
	s20 =	smul.u32 $0x66666667, s28  }
0xd5: {  	s17 =	sshrl.u32 s2, $0x1F;
	s22 =	smulhi.u32 $0x66666667, s29;
	s30 =	sshra.s32 s29, $0x1F  }
0xd6: {  	s7 =	sadd.s32 s31, s9;
	s26 =	spop (v2sf);
	s31 =	smul.u32 $0x66666667, s30  }
0xd7: {  	s23 =	smulhi.u32 $0x66666667, s26;
	s8 =	sshra.s32 s26, $0x1F;
	s28 =	spop (v2sf)  }
0xd8: {  	s11 =	sadd.s32 s3, s10;
	s3 =	smul.u32 $0x66666667, s8;
	s29 =	spop (v2sf)  }
0xd9: {  	s25 =	smulhi.u32 $0x66666667, s28;
	s9 =	sshra.s32 s28, $0x1F;
	s26 =	spop (v2sf)  }
0xda: {  	s8 =	sadd.s32 s4, s16;
	s4 =	smul.u32 $0x66666667, s9;
	s16 =	spop (v2sf)  }
0xdb: {  	s28 =	smulhi.u32 $0x66666667, s29;
	s10 =	sshra.s32 s29, $0x1F;
	s29 =	spop (v2sf)  }
0xdc: {  	s9 =	sadd.s32 s20, s19;
	s10 =	smul.u32 $0x66666667, s10;
	s30 =	spop (v2sf)  }
0xdd: {  	s1 =	sadd.s32 s31, s22;
	s31 =	smulhi.u32 $0x66666667, s30;
	s19 =	sshra.s32 s30, $0x1F  }
0xde: {  	s21 =	sshrl.u32 s5, $0x1F;
	s22 =	sshrl.u32 s7, $0x1F;
	s19 =	smul.u32 $0x66666667, s19  }
0xdf: {  	v38 =	vmov s13;
	s3 =	sadd.s32 s3, s23;
	s23 =	sshrl.u32 s11, $0x1F;
	s4 =	sadd.s32 s4, s25  }
0xe0: {  	v21 =	vsel vm1, s12, v38;
	s25 =	sshrl.u32 s8, $0x1F;
	s28 =	sadd.s32 s10, s28;
	s10 =	sadd.s32 s19, s31  }
0xe1: {  	v21 =	vsel vm2, s17, v21;
	s13 =	sshrl.u32 s3, $0x1F;
	v40 =	vmov s23;
	s23 =	sshra.s32 s11, $0x5;
	s31 =	sshra.s32 s10, $0x1F  }
0xe2: {  	vm8 =	vcmask $0x300;
	v21 =	vsel vm15, s21, v21;
	s21 =	sshra.s32 s4, $0x5;
	s20 =	sshra.s32 s26, $0x1F;
	v37 =	vmov s31;
	s31 =	sshra.s32 s1, $0x5  }
0xe3: {  	vm3 =	vcmask $0x704;
	s19 =	smulhi.u32 $0x66666667, s26;
	s26 =	sshrl.u32 s1, $0x1F;
	s1 =	sshra.s32 s1, $0x1F;
	v20 =	vsel vm8, s31, v37  }
0xe4: {  	vm12 =	vcmask $0x1F1C;
	s20 =	smul.u32 $0x66666667, s20;
	s12 =	sshra.s32 s16, $0x1F;
	v39 =	vmov s26;
	s26 =	sshra.s32 s3, $0x5;
	v20 =	vsel vm3, s1, v20  }
0xe5: {  	v23 =	vsel vm1, s22, v40;
	s22 =	sshra.s32 s6, $0x5;
	s12 =	smul.u32 $0x66666667, s12;
	s3 =	sshra.s32 s3, $0x1F;
	v22 =	vnsel vm8, $0x0, v39;
	v20 =	vsel vm1, s26, v20  }
0xe6: {  	vm10 =	vcmask $0x2F2C;
	s30 =	sshrl.u32 s9, $0x1F;
	v22 =	vsel vm1, s13, v22;
	s13 =	smulhi.u32 $0x66666667, s29;
	s29 =	sshra.s32 s29, $0x1F;
	v20 =	vsel vm13, s3, v20  }
0xe7: {  	v24 =	vmov s23;
	v23 =	vsel vm2, s25, v23;
	s31 =	sshrl.u32 s4, $0x1F;
	s17 =	smul.u32 $0x66666667, s29;
	s26 =	sshra.s32 s4, $0x1F;
	v20 =	vsel vm2, s21, v20  }
0xe8: {  	v41 =	vmov s22;
	s1 =	smulhi.u32 $0x66666667, s16;
	s16 =	sshrl.u32 s28, $0x1F;
	v22 =	vsel vm2, s31, v22;
	s31 =	sshra.s32 s28, $0x5;
	v20 =	vsel vm14, s26, v20  }
0xe9: {  	v23 =	vsel vm15, s30, v23;
	s19 =	sadd.s32 s20, s19;
	v22 =	vsel vm15, s16, v22;
	s16 =	sadd.s32 s17, s13;
	s17 =	sshra.s32 s28, $0x1F;
	v20 =	vsel vm15, s31, v20  }
0xea: {  	v21 =	vcombine.low v23, v21;
	v23 =	vsel vm1, s0, v41;
	s29 =	sshrl.u32 s19, $0x1F;
	s1 =	sadd.s32 s12, s1;
	s21 =	sshra.s32 s19, $0x5;
	v20 =	vsel vm12, s17, v20  }
0xeb: {  	s25 =	sshra.s32 s19, $0x1F;
	vm8 =	vcmask $0x2724;
	v22 =	vsel vm5, s29, v22;
	s29 =	sshra.s32 s2, $0x5;
	s12 =	sshrl.u32 s1, $0x1F;
	v20 =	vsel vm5, s21, v20  }
0xec: {  	s20 =	sshrl.u32 s16, $0x1F;
	s28 =	sshra.s32 s1, $0x5;
	v23 =	vsel vm2, s29, v23;
	v22 =	vsel vm6, s12, v22;
	s26 =	sshra.s32 s7, $0x5;
	v20 =	vsel vm8, s25, v20  }
0xed: {  	s30 =	sshra.s32 s8, $0x5;
	s1 =	sshra.s32 s1, $0x1F;
	v22 =	vsel vm7, s20, v22;
	v24 =	vsel vm1, s26, v24;
	s31 =	sshra.s32 s5, $0x5;
	v20 =	vsel vm6, s28, v20  }
0xee: {  	s3 =	sshra.s32 s9, $0x5;
	s4 =	sshra.s32 s16, $0x5;
	v24 =	vsel vm2, s30, v24;
	v23 =	vsel vm15, s31, v23;
	v20 =	vsel vm10, s1, v20  }
0xef: {  	s6 =	sshra.s32 s16, $0x1F;
	s5 =	sshrl.u32 s10, $0x1F;
	v24 =	vsel vm15, s3, v24;
	vm10 =	vcmask $0x3734;
	v20 =	vsel vm7, s4, v20  }
0xf0: {  	s7 =	sshra.s32 s10, $0x5;
	v22 =	vsel vm4, s5, v22;
	v23 =	vcombine.low v24, v23;
	v20 =	vsel vm10, s6, v20  }
0xf1: {  	v21 =	vperm.xlane v21, v2;
	v22 =	vperm.xlane v22, v4;
	v20 =	vsel vm4, s7, v20  }
0xf2: {  	v23 =	vperm.xlane v23, v2;
	v20 =	vperm.xlane v20, v4;
	_ =	sdelay $0x1  }
0xf3: {  	v21 =	vsel vm0, v22, v21;
	v20 =	vsel vm0, v20, v23  }
0xf4: {  	v20 =	vadd.s32 v21, v20  }
0xf5: {  	v21 =	vmul.u32 $0xFFFFFFB0, v20  }
0xf6: {  	v19 =	vsub.s32 $0x1, v19  }
0xf7: {  	vm10 =	vlt.s32 v18, $0x1;
	vm11 =	vne.s32 v21, v19  }
0xf8: {  	vm10 =	vmand vm10, vm11  }
0xf9: {  	v19 =	vsel vm10, $0xFFFFFFFF, v6  }
0xfa: {  	v19 =	vadd.s32 v19, v20  }
0xfb: {  	v20 =	vmul.u32 $0xFFFFFFB0, v19;
	_ =	sdelay $0x1  }
0xfc: {  	v18 =	vadd.s32 v18, v20  }
0xfd: {  	v19 =	vshll.u32 v19, $0x7;
	v20 =	vand.u32 $0xFFFFFF80, v18  }
0xfe: {  	v18 =	vand.u32 $0x7F, v18;
	v19 =	vadd.s32 v19, v20  }
0xff: {  	v42 =	vld [tilespmem:s24+$0x10];
	v18 =	vor.u32 v18, v19;
	_ =	sdelay $0x3  }
0x100: {  	s8 =	simm.s32 $0x0  }
0x101: {  	s9 =	simm.s32 $0x8000;
	[tilespmem:v18+s8+$0x0] =	vst.idx.msk vm9, v42  }
0x102: {  	[tilespmem:v18+s9+$0x0] =	vst.idx.msk vm9, v17  }
0x103: {  	v17 =	vld [tilespmem:s24+$0x8020];
	_ =	sdelay $0x4  }
0x104: {  	vm10 =	vlt.s32 v17, $0x1388  }
0x105: {  	(xrf0) =	vadd.scan.msk.s32 vm10, v1;
	_ =	sdelay $0x1  }
0x106: {  	v18 =	vmpcnt.ones.xlane vm9;
	_ =	sdelay $0x3  }
0x107: {  	v16 =	vadd.s32 v16, v18;
	v18, _, _ =	vpop (xrf0)  }
0x108: {  	v19 =	vadd.s32 v18, v16  }
0x109: {  	v18 =	vadd.s32 $0xFFFFFFFF, v19  }
0x10a: {  	(v2sf) =	vpush v18, $0xD;
	_ =	sdelay $0x1  }
0x10b: {  	(v2sf) =	vpush v18, $0xC;
	_ =	sdelay $0x1  }
0x10c: {  	(v2sf) =	vpush v18, $0xE;
	_ =	sdelay $0x1  }
0x10d: {  	(v2sf) =	vpush v18, $0xF;
	_ =	sdelay $0x1  }
0x10e: {  	(v2sf) =	vpush v18, $0x9;
	_ =	sdelay $0x1  }
0x10f: {  	(v2sf) =	vpush v18, $0x8;
	_ =	sdelay $0x1  }
0x110: {  	(v2sf) =	vpush v18, $0xA;
	_ =	sdelay $0x1  }
0x111: {  	(v2sf) =	vpush v18, $0xB  }
0x112: {  	s10 =	spop (v2sf)  }
0x113: {  	(v2sf) =	vpush v18, $0x0;
	s11 =	smulhi.u32 $0x66666667, s10;
	s0 =	sshra.s32 s10, $0x1F  }
0x114: {  	s12 =	spop (v2sf);
	s0 =	smul.u32 $0x66666667, s0  }
0x115: {  	(v2sf) =	vpush v18, $0x1;
	s13 =	smulhi.u32 $0x66666667, s12;
	s2 =	sshra.s32 s12, $0x1F  }
0x116: {  	(v2sf) =	vpush v18, $0x2;
	s16 =	spop (v2sf);
	s2 =	smul.u32 $0x66666667, s2  }
0x117: {  	(v2sf) =	vpush v18, $0x3;
	s17 =	smulhi.u32 $0x66666667, s16;
	s4 =	sshra.s32 s16, $0x1F  }
0x118: {  	(v2sf) =	vpush v18, $0x4;
	s19 =	spop (v2sf);
	s4 =	smul.u32 $0x66666667, s4  }
0x119: {  	(v2sf) =	vpush v18, $0x5;
	s20 =	smulhi.u32 $0x66666667, s19;
	s6 =	sshra.s32 s19, $0x1F  }
0x11a: {  	(v2sf) =	vpush v18, $0x6;
	s30 =	spop (v2sf);
	s29 =	smul.u32 $0x66666667, s6  }
0x11b: {  	(v2sf) =	vpush v18, $0x7;
	s9 =	smulhi.u32 $0x66666667, s30;
	s6 =	sshra.s32 s30, $0x1F  }
0x11c: {  	s0 =	sadd.s32 s0, s11;
	s21 =	spop (v2sf);
	s31 =	smul.u32 $0x66666667, s6  }
0x11d: {  	s12 =	sshrl.u32 s0, $0x1F;
	s10 =	smulhi.u32 $0x66666667, s21;
	s22 =	sshra.s32 s21, $0x1F  }
0x11e: {  	s0 =	sshra.s32 s0, $0x5;
	s23 =	spop (v2sf);
	s3 =	smul.u32 $0x66666667, s22  }
0x11f: {  	s6 =	sadd.s32 s2, s13;
	s16 =	smulhi.u32 $0x66666667, s23;
	s25 =	sshra.s32 s23, $0x1F  }
0x120: {  	s2 =	sadd.s32 s4, s17;
	s26 =	spop (v2sf);
	s4 =	smul.u32 $0x66666667, s25  }
0x121: {  	s13 =	sshrl.u32 s6, $0x1F;
	s19 =	smulhi.u32 $0x66666667, s26;
	s28 =	sshra.s32 s26, $0x1F  }
0x122: {  	s5 =	sadd.s32 s29, s20;
	s29 =	spop (v2sf);
	s20 =	smul.u32 $0x66666667, s28  }
0x123: {  	s17 =	sshrl.u32 s2, $0x1F;
	s22 =	smulhi.u32 $0x66666667, s29;
	s30 =	sshra.s32 s29, $0x1F  }
0x124: {  	s7 =	sadd.s32 s31, s9;
	s26 =	spop (v2sf);
	s31 =	smul.u32 $0x66666667, s30  }
0x125: {  	s23 =	smulhi.u32 $0x66666667, s26;
	s8 =	sshra.s32 s26, $0x1F;
	s28 =	spop (v2sf)  }
0x126: {  	s11 =	sadd.s32 s3, s10;
	s3 =	smul.u32 $0x66666667, s8;
	s29 =	spop (v2sf)  }
0x127: {  	s25 =	smulhi.u32 $0x66666667, s28;
	s9 =	sshra.s32 s28, $0x1F;
	s26 =	spop (v2sf)  }
0x128: {  	s8 =	sadd.s32 s4, s16;
	s4 =	smul.u32 $0x66666667, s9;
	s16 =	spop (v2sf)  }
0x129: {  	s28 =	smulhi.u32 $0x66666667, s29;
	s10 =	sshra.s32 s29, $0x1F;
	s29 =	spop (v2sf)  }
0x12a: {  	s9 =	sadd.s32 s20, s19;
	s10 =	smul.u32 $0x66666667, s10;
	s30 =	spop (v2sf)  }
0x12b: {  	s1 =	sadd.s32 s31, s22;
	s31 =	smulhi.u32 $0x66666667, s30;
	s19 =	sshra.s32 s30, $0x1F  }
0x12c: {  	s21 =	sshrl.u32 s5, $0x1F;
	s22 =	sshrl.u32 s7, $0x1F;
	s19 =	smul.u32 $0x66666667, s19  }
0x12d: {  	v44 =	vmov s13;
	s3 =	sadd.s32 s3, s23;
	s23 =	sshrl.u32 s11, $0x1F;
	s4 =	sadd.s32 s4, s25  }
0x12e: {  	v21 =	vsel vm1, s12, v44;
	s25 =	sshrl.u32 s8, $0x1F;
	s28 =	sadd.s32 s10, s28;
	s10 =	sadd.s32 s19, s31  }
0x12f: {  	v21 =	vsel vm2, s17, v21;
	s13 =	sshrl.u32 s3, $0x1F;
	v46 =	vmov s23;
	s23 =	sshra.s32 s11, $0x5;
	s31 =	sshra.s32 s10, $0x1F  }
0x130: {  	vm9 =	vcmask $0x300;
	v21 =	vsel vm15, s21, v21;
	s21 =	sshra.s32 s4, $0x5;
	s20 =	sshra.s32 s26, $0x1F;
	v43 =	vmov s31;
	s31 =	sshra.s32 s1, $0x5  }
0x131: {  	s19 =	smulhi.u32 $0x66666667, s26;
	s26 =	sshrl.u32 s1, $0x1F;
	s1 =	sshra.s32 s1, $0x1F;
	v20 =	vsel vm9, s31, v43  }
0x132: {  	s20 =	smul.u32 $0x66666667, s20;
	s12 =	sshra.s32 s16, $0x1F;
	v45 =	vmov s26;
	s26 =	sshra.s32 s3, $0x5;
	v20 =	vsel vm3, s1, v20  }
0x133: {  	v23 =	vsel vm1, s22, v46;
	s22 =	sshra.s32 s6, $0x5;
	s12 =	smul.u32 $0x66666667, s12;
	s3 =	sshra.s32 s3, $0x1F;
	v22 =	vnsel vm9, $0x0, v45;
	v20 =	vsel vm1, s26, v20  }
0x134: {  	s30 =	sshrl.u32 s9, $0x1F;
	v22 =	vsel vm1, s13, v22;
	s13 =	smulhi.u32 $0x66666667, s29;
	s29 =	sshra.s32 s29, $0x1F;
	v20 =	vsel vm13, s3, v20  }
0x135: {  	v48 =	vmov s23;
	v23 =	vsel vm2, s25, v23;
	s31 =	sshrl.u32 s4, $0x1F;
	s17 =	smul.u32 $0x66666667, s29;
	s26 =	sshra.s32 s4, $0x1F;
	v20 =	vsel vm2, s21, v20  }
0x136: {  	v47 =	vmov s22;
	s1 =	smulhi.u32 $0x66666667, s16;
	s16 =	sshrl.u32 s28, $0x1F;
	v22 =	vsel vm2, s31, v22;
	s31 =	sshra.s32 s28, $0x5;
	v20 =	vsel vm14, s26, v20  }
0x137: {  	v23 =	vsel vm15, s30, v23;
	s19 =	sadd.s32 s20, s19;
	v22 =	vsel vm15, s16, v22;
	s16 =	sadd.s32 s17, s13;
	s17 =	sshra.s32 s28, $0x1F;
	v20 =	vsel vm15, s31, v20  }
0x138: {  	v21 =	vcombine.low v23, v21;
	v23 =	vsel vm1, s0, v47;
	s29 =	sshrl.u32 s19, $0x1F;
	s1 =	sadd.s32 s12, s1;
	s21 =	sshra.s32 s19, $0x5;
	v20 =	vsel vm12, s17, v20  }
0x139: {  	s25 =	sshra.s32 s19, $0x1F;
	vm9 =	vcmask $0x2F2C;
	v22 =	vsel vm5, s29, v22;
	s29 =	sshra.s32 s2, $0x5;
	s12 =	sshrl.u32 s1, $0x1F;
	v20 =	vsel vm5, s21, v20  }
0x13a: {  	s20 =	sshrl.u32 s16, $0x1F;
	s28 =	sshra.s32 s1, $0x5;
	v23 =	vsel vm2, s29, v23;
	v22 =	vsel vm6, s12, v22;
	s26 =	sshra.s32 s7, $0x5;
	v20 =	vsel vm8, s25, v20  }
0x13b: {  	s30 =	sshra.s32 s8, $0x5;
	s1 =	sshra.s32 s1, $0x1F;
	v22 =	vsel vm7, s20, v22;
	v24 =	vsel vm1, s26, v48;
	s31 =	sshra.s32 s5, $0x5;
	v20 =	vsel vm6, s28, v20  }
0x13c: {  	s3 =	sshra.s32 s9, $0x5;
	s4 =	sshra.s32 s16, $0x5;
	v24 =	vsel vm2, s30, v24;
	v23 =	vsel vm15, s31, v23;
	v20 =	vsel vm9, s1, v20  }
0x13d: {  	s6 =	sshra.s32 s16, $0x1F;
	s5 =	sshrl.u32 s10, $0x1F;
	v24 =	vsel vm15, s3, v24;
	vm9 =	vcmask $0x3734;
	v20 =	vsel vm7, s4, v20  }
0x13e: {  	s7 =	sshra.s32 s10, $0x5;
	v22 =	vsel vm4, s5, v22;
	v23 =	vcombine.low v24, v23;
	v20 =	vsel vm9, s6, v20  }
0x13f: {  	v21 =	vperm.xlane v21, v2;
	v22 =	vperm.xlane v22, v4;
	v20 =	vsel vm4, s7, v20  }
0x140: {  	v23 =	vperm.xlane v23, v2;
	v20 =	vperm.xlane v20, v4;
	_ =	sdelay $0x1  }
0x141: {  	v21 =	vsel vm0, v22, v21;
	v20 =	vsel vm0, v20, v23  }
0x142: {  	v20 =	vadd.s32 v21, v20  }
0x143: {  	v21 =	vmul.u32 $0xFFFFFFB0, v20  }
0x144: {  	v19 =	vsub.s32 $0x1, v19  }
0x145: {  	vm9 =	vlt.s32 v18, $0x1;
	vm11 =	vne.s32 v21, v19  }
0x146: {  	vm9 =	vmand vm9, vm11  }
0x147: {  	v19 =	vsel vm9, $0xFFFFFFFF, v6  }
0x148: {  	v19 =	vadd.s32 v19, v20  }
0x149: {  	v20 =	vmul.u32 $0xFFFFFFB0, v19;
	_ =	sdelay $0x1  }
0x14a: {  	v18 =	vadd.s32 v18, v20  }
0x14b: {  	v19 =	vshll.u32 v19, $0x7;
	v20 =	vand.u32 $0xFFFFFF80, v18  }
0x14c: {  	v18 =	vand.u32 $0x7F, v18;
	v19 =	vadd.s32 v19, v20  }
0x14d: {  	v49 =	vld [tilespmem:s24+$0x20];
	v18 =	vor.u32 v18, v19;
	_ =	sdelay $0x3  }
0x14e: {  	[smem:$0x7FD] =	sst s24;
	s8 =	smov.u32 s24;
	s24 =	simm.s32 $0x0  }
0x14f: {  	s9 =	simm.s32 $0x8000;
	[tilespmem:v18+s24+$0x0] =	vst.idx.msk vm10, v49  }
0x150: {  	[tilespmem:v18+s9+$0x0] =	vst.idx.msk vm10, v17  }
0x151: {  	v17 =	vld [tilespmem:s8+$0x8030];
	_ =	sdelay $0x4  }
0x152: {  	vm9 =	vlt.s32 v17, $0x1388  }
0x153: {  	(xrf0) =	vadd.scan.msk.s32 vm9, v1;
	_ =	sdelay $0x1  }
0x154: {  	v18 =	vmpcnt.ones.xlane vm10;
	_ =	sdelay $0x3  }
0x155: {  	v16 =	vadd.s32 v16, v18;
	v18, _, _ =	vpop (xrf0)  }
0x156: {  	v19 =	vadd.s32 v18, v16  }
0x157: {  	v18 =	vadd.s32 $0xFFFFFFFF, v19  }
0x158: {  	(v2sf) =	vpush v18, $0xD;
	_ =	sdelay $0x1  }
0x159: {  	(v2sf) =	vpush v18, $0xC;
	_ =	sdelay $0x1  }
0x15a: {  	(v2sf) =	vpush v18, $0xE;
	_ =	sdelay $0x1  }
0x15b: {  	(v2sf) =	vpush v18, $0xF;
	_ =	sdelay $0x1  }
0x15c: {  	(v2sf) =	vpush v18, $0x9;
	_ =	sdelay $0x1  }
0x15d: {  	(v2sf) =	vpush v18, $0x8;
	_ =	sdelay $0x1  }
0x15e: {  	(v2sf) =	vpush v18, $0xA;
	_ =	sdelay $0x1  }
0x15f: {  	(v2sf) =	vpush v18, $0xB  }
0x160: {  	s10 =	spop (v2sf)  }
0x161: {  	(v2sf) =	vpush v18, $0x0;
	s11 =	smulhi.u32 $0x66666667, s10;
	s0 =	sshra.s32 s10, $0x1F  }
0x162: {  	s12 =	spop (v2sf);
	s0 =	smul.u32 $0x66666667, s0  }
0x163: {  	(v2sf) =	vpush v18, $0x1;
	s13 =	smulhi.u32 $0x66666667, s12;
	s2 =	sshra.s32 s12, $0x1F  }
0x164: {  	(v2sf) =	vpush v18, $0x2;
	s16 =	spop (v2sf);
	s2 =	smul.u32 $0x66666667, s2  }
0x165: {  	(v2sf) =	vpush v18, $0x3;
	s17 =	smulhi.u32 $0x66666667, s16;
	s4 =	sshra.s32 s16, $0x1F  }
0x166: {  	(v2sf) =	vpush v18, $0x4;
	s19 =	spop (v2sf);
	s4 =	smul.u32 $0x66666667, s4  }
0x167: {  	(v2sf) =	vpush v18, $0x5;
	s20 =	smulhi.u32 $0x66666667, s19;
	s6 =	sshra.s32 s19, $0x1F  }
0x168: {  	s30 =	spop (v2sf);
	(v2sf) =	vpush v18, $0x6;
	s29 =	smul.u32 $0x66666667, s6  }
0x169: {  	s9 =	smulhi.u32 $0x66666667, s30;
	s6 =	sshra.s32 s30, $0x1F;
	(v2sf) =	vpush v18, $0x7  }
0x16a: {  	s0 =	sadd.s32 s0, s11;
	s21 =	spop (v2sf);
	s31 =	smul.u32 $0x66666667, s6  }
0x16b: {  	s12 =	sshrl.u32 s0, $0x1F;
	s10 =	smulhi.u32 $0x66666667, s21;
	s22 =	sshra.s32 s21, $0x1F  }
0x16c: {  	s0 =	sshra.s32 s0, $0x5;
	s23 =	spop (v2sf);
	s3 =	smul.u32 $0x66666667, s22  }
0x16d: {  	s6 =	sadd.s32 s2, s13;
	s16 =	smulhi.u32 $0x66666667, s23;
	s25 =	sshra.s32 s23, $0x1F  }
0x16e: {  	s2 =	sadd.s32 s4, s17;
	s26 =	spop (v2sf);
	s4 =	smul.u32 $0x66666667, s25  }
0x16f: {  	s13 =	sshrl.u32 s6, $0x1F;
	s19 =	smulhi.u32 $0x66666667, s26;
	s28 =	sshra.s32 s26, $0x1F  }
0x170: {  	s5 =	sadd.s32 s29, s20;
	s29 =	spop (v2sf);
	s20 =	smul.u32 $0x66666667, s28  }
0x171: {  	s17 =	sshrl.u32 s2, $0x1F;
	s22 =	smulhi.u32 $0x66666667, s29;
	s30 =	sshra.s32 s29, $0x1F  }
0x172: {  	s7 =	sadd.s32 s31, s9;
	s26 =	spop (v2sf);
	s31 =	smul.u32 $0x66666667, s30  }
0x173: {  	s23 =	smulhi.u32 $0x66666667, s26;
	s8 =	sshra.s32 s26, $0x1F;
	s28 =	spop (v2sf)  }
0x174: {  	s11 =	sadd.s32 s3, s10;
	s3 =	smul.u32 $0x66666667, s8;
	s29 =	spop (v2sf)  }
0x175: {  	s25 =	smulhi.u32 $0x66666667, s28;
	s9 =	sshra.s32 s28, $0x1F;
	s26 =	spop (v2sf)  }
0x176: {  	s8 =	sadd.s32 s4, s16;
	s4 =	smul.u32 $0x66666667, s9;
	s16 =	spop (v2sf)  }
0x177: {  	s28 =	smulhi.u32 $0x66666667, s29;
	s10 =	sshra.s32 s29, $0x1F;
	s29 =	spop (v2sf)  }
0x178: {  	s1 =	sadd.s32 s31, s22;
	s10 =	smul.u32 $0x66666667, s10;
	s30 =	spop (v2sf)  }
0x179: {  	s9 =	sadd.s32 s20, s19;
	s31 =	smulhi.u32 $0x66666667, s30;
	s19 =	sshra.s32 s30, $0x1F  }
0x17a: {  	s21 =	sshrl.u32 s5, $0x1F;
	s3 =	sadd.s32 s3, s23;
	s19 =	smul.u32 $0x66666667, s19  }
0x17b: {  	v51 =	vmov s13;
	s22 =	sshrl.u32 s7, $0x1F;
	s23 =	sshrl.u32 s11, $0x1F;
	s13 =	sshrl.u32 s3, $0x1F  }
0x17c: {  	s20 =	sshra.s32 s26, $0x1F;
	s28 =	sadd.s32 s10, s28;
	s10 =	sadd.s32 s19, s31  }
0x17d: {  	v21 =	vsel vm1, s12, v51;
	s4 =	sadd.s32 s4, s25;
	s25 =	sshrl.u32 s8, $0x1F;
	s31 =	sshra.s32 s10, $0x1F  }
0x17e: {  	vm10 =	vcmask $0x300;
	v21 =	vsel vm2, s17, v21;
	s20 =	smul.u32 $0x66666667, s20;
	s12 =	sshra.s32 s16, $0x1F;
	v50 =	vmov s31;
	s31 =	sshra.s32 s1, $0x5  }
0x17f: {  	v21 =	vsel vm15, s21, v21;
	v53 =	vmov s23;
	s19 =	smulhi.u32 $0x66666667, s26;
	s26 =	sshrl.u32 s1, $0x1F;
	s1 =	sshra.s32 s1, $0x1F;
	v20 =	vsel vm10, s31, v50  }
0x180: {  	v23 =	vsel vm1, s22, v53;
	s12 =	smul.u32 $0x66666667, s12;
	s30 =	sshrl.u32 s9, $0x1F;
	v52 =	vmov s26;
	s26 =	sshra.s32 s3, $0x5;
	v20 =	vsel vm3, s1, v20  }
0x181: {  	v23 =	vsel vm2, s25, v23;
	s23 =	sshra.s32 s28, $0x1F;
	s3 =	sshra.s32 s3, $0x1F;
	v22 =	vnsel vm10, $0x0, v52;
	s19 =	sadd.s32 s20, s19;
	v20 =	vsel vm1, s26, v20  }
0x182: {  	v23 =	vsel vm15, s30, v23;
	v22 =	vsel vm1, s13, v22;
	s13 =	smulhi.u32 $0x66666667, s29;
	s26 =	sshra.s32 s29, $0x1F;
	s29 =	sshra.s32 s4, $0x5;
	v20 =	vsel vm13, s3, v20  }
0x183: {  	v21 =	vcombine.low v23, v21;
	s20 =	sshra.s32 s28, $0x5;
	s31 =	sshrl.u32 s4, $0x1F;
	s4 =	sshra.s32 s4, $0x1F;
	v20 =	vsel vm2, s29, v20  }
0x184: {  	s1 =	smulhi.u32 $0x66666667, s16;
	vm3 =	vmmov vm10;
	s16 =	sshrl.u32 s28, $0x1F;
	v22 =	vsel vm2, s31, v22;
	s28 =	sshra.s32 s6, $0x5;
	v20 =	vsel vm14, s4, v20  }
0x185: {  	s31 =	sshra.s32 s7, $0x5;
	s7 =	sshra.s32 s2, $0x5;
	v22 =	vsel vm15, s16, v22;
	s16 =	sshrl.u32 s19, $0x1F;
	v54 =	vmov s28;
	v20 =	vsel vm15, s20, v20  }
0x186: {  	vm10 =	vcmask $0x2F2C;
	s17 =	smul.u32 $0x66666667, s26;
	s1 =	sadd.s32 s12, s1;
	s26 =	sshra.s32 s19, $0x5;
	v23 =	vsel vm1, s0, v54;
	v20 =	vsel vm12, s23, v20  }
0x187: {  	s30 =	sshra.s32 s19, $0x1F;
	v22 =	vsel vm5, s16, v22;
	s21 =	sshrl.u32 s1, $0x1F;
	s29 =	sshra.s32 s11, $0x5;
	v23 =	vsel vm2, s7, v23;
	v20 =	vsel vm5, s26, v20  }
0x188: {  	s6 =	sshra.s32 s1, $0x5;
	s11 =	sshra.s32 s5, $0x5;
	s22 =	sadd.s32 s17, s13;
	v22 =	vsel vm6, s21, v22;
	v55 =	vmov s29;
	v20 =	vsel vm8, s30, v20  }
0x189: {  	s8 =	sshra.s32 s8, $0x5;
	s1 =	sshra.s32 s1, $0x1F;
	v23 =	vsel vm15, s11, v23;
	s25 =	sshrl.u32 s22, $0x1F;
	v24 =	vsel vm1, s31, v55;
	v20 =	vsel vm6, s6, v20  }
0x18a: {  	s13 =	sshra.s32 s9, $0x5;
	s16 =	sshra.s32 s22, $0x5;
	v22 =	vsel vm7, s25, v22;
	v24 =	vsel vm2, s8, v24;
	v20 =	vsel vm10, s1, v20  }
0x18b: {  	s17 =	sshrl.u32 s10, $0x1F;
	s19 =	sshra.s32 s22, $0x1F;
	v24 =	vsel vm15, s13, v24;
	vm10 =	vcmask $0x3734;
	v20 =	vsel vm7, s16, v20  }
0x18c: {  	s20 =	sshra.s32 s10, $0x5;
	v22 =	vsel vm4, s17, v22;
	v23 =	vcombine.low v24, v23;
	v20 =	vsel vm10, s19, v20  }
0x18d: {  	v21 =	vperm.xlane v21, v2;
	v22 =	vperm.xlane v22, v4;
	v20 =	vsel vm4, s20, v20  }
0x18e: {  	v23 =	vperm.xlane v23, v2;
	v20 =	vperm.xlane v20, v4;
	_ =	sdelay $0x1  }
0x18f: {  	v21 =	vsel vm0, v22, v21;
	v20 =	vsel vm0, v20, v23  }
0x190: {  	v20 =	vadd.s32 v21, v20  }
0x191: {  	v21 =	vmul.u32 $0xFFFFFFB0, v20  }
0x192: {  	v19 =	vsub.s32 $0x1, v19  }
0x193: {  	vm10 =	vlt.s32 v18, $0x1;
	vm11 =	vne.s32 v21, v19  }
0x194: {  	vm10 =	vmand vm10, vm11  }
0x195: {  	v19 =	vsel vm10, $0xFFFFFFFF, v6  }
0x196: {  	v19 =	vadd.s32 v19, v20  }
0x197: {  	v20 =	vmul.u32 $0xFFFFFFB0, v19;
	_ =	sdelay $0x1  }
0x198: {  	s21 =	sld [smem:$0x7FD];
	v18 =	vadd.s32 v18, v20  }
0x199: {  	v19 =	vshll.u32 v19, $0x7;
	v20 =	vand.u32 $0xFFFFFF80, v18  }
0x19a: {  	v18 =	vand.u32 $0x7F, v18;
	v19 =	vadd.s32 v19, v20  }
0x19b: {  	v56 =	vld [tilespmem:s21+$0x30];
	v18 =	vor.u32 v18, v19;
	_ =	sdelay $0x4  }
0x19c: {  	s22 =	simm.s32 $0x8000;
	[tilespmem:v18+s24+$0x0] =	vst.idx.msk vm9, v56  }
0x19d: {  	[tilespmem:v18+s22+$0x0] =	vst.idx.msk vm9, v17  }
0x19e: {  	v17 =	vld [tilespmem:s21+$0x8040];
	_ =	sdelay $0x4  }
0x19f: {  	vm10 =	vlt.s32 v17, $0x1388  }
0x1a0: {  	(xrf0) =	vadd.scan.msk.s32 vm10, v1;
	_ =	sdelay $0x1  }
0x1a1: {  	v18 =	vmpcnt.ones.xlane vm9;
	_ =	sdelay $0x3  }
0x1a2: {  	v16 =	vadd.s32 v16, v18;
	v18, _, _ =	vpop (xrf0)  }
0x1a3: {  	v19 =	vadd.s32 v18, v16  }
0x1a4: {  	v18 =	vadd.s32 $0xFFFFFFFF, v19  }
0x1a5: {  	(v2sf) =	vpush v18, $0xD;
	_ =	sdelay $0x1  }
0x1a6: {  	(v2sf) =	vpush v18, $0xC;
	_ =	sdelay $0x1  }
0x1a7: {  	(v2sf) =	vpush v18, $0xE;
	_ =	sdelay $0x1  }
0x1a8: {  	(v2sf) =	vpush v18, $0xF;
	_ =	sdelay $0x1  }
0x1a9: {  	(v2sf) =	vpush v18, $0x9;
	_ =	sdelay $0x1  }
0x1aa: {  	(v2sf) =	vpush v18, $0x8;
	_ =	sdelay $0x1  }
0x1ab: {  	(v2sf) =	vpush v18, $0xA;
	_ =	sdelay $0x1  }
0x1ac: {  	(v2sf) =	vpush v18, $0xB  }
0x1ad: {  	s23 =	spop (v2sf)  }
0x1ae: {  	(v2sf) =	vpush v18, $0x0;
	s1 =	smulhi.u32 $0x66666667, s23;
	s0 =	sshra.s32 s23, $0x1F  }
0x1af: {  	(v2sf) =	vpush v18, $0x1;
	s25 =	spop (v2sf);
	s0 =	smul.u32 $0x66666667, s0  }
0x1b0: {  	s3 =	smulhi.u32 $0x66666667, s25;
	s2 =	sshra.s32 s25, $0x1F  }
0x1b1: {  	(v2sf) =	vpush v18, $0x2;
	s26 =	spop (v2sf);
	s5 =	smul.u32 $0x66666667, s2  }
0x1b2: {  	s7 =	smulhi.u32 $0x66666667, s26;
	s4 =	sshra.s32 s26, $0x1F  }
0x1b3: {  	(v2sf) =	vpush v18, $0x3;
	s28 =	spop (v2sf);
	s4 =	smul.u32 $0x66666667, s4  }
0x1b4: {  	s9 =	smulhi.u32 $0x66666667, s28;
	s2 =	sshra.s32 s28, $0x1F  }
0x1b5: {  	(v2sf) =	vpush v18, $0x4;
	s29 =	spop (v2sf);
	s11 =	smul.u32 $0x66666667, s2  }
0x1b6: {  	(v2sf) =	vpush v18, $0x5;
	s13 =	smulhi.u32 $0x66666667, s29;
	s6 =	sshra.s32 s29, $0x1F  }
0x1b7: {  	(v2sf) =	vpush v18, $0x6;
	s30 =	spop (v2sf);
	s17 =	smul.u32 $0x66666667, s6  }
0x1b8: {  	(v2sf) =	vpush v18, $0x7;
	s20 =	smulhi.u32 $0x66666667, s30;
	s30 =	sshra.s32 s30, $0x1F  }
0x1b9: {  	s31 =	spop (v2sf);
	s21 =	smul.u32 $0x66666667, s30  }
0x1ba: {  	s23 =	smulhi.u32 $0x66666667, s31;
	s31 =	sshra.s32 s31, $0x1F  }
0x1bb: {  	s12 =	spop (v2sf);
	s26 =	smul.u32 $0x66666667, s31  }
0x1bc: {  	s2 =	sadd.s32 s0, s1;
	s29 =	smulhi.u32 $0x66666667, s12;
	s6 =	sshra.s32 s12, $0x1F  }
0x1bd: {  	s0 =	sadd.s32 s11, s9;
	s16 =	spop (v2sf);
	s1 =	smul.u32 $0x66666667, s6  }
0x1be: {  	s19 =	spop (v2sf);
	s6 =	sadd.s32 s5, s3;
	s3 =	smulhi.u32 $0x66666667, s16  }
0x1bf: {  	s5 =	sshra.s32 s16, $0x1F;
	s16 =	sshrl.u32 s2, $0x1F;
	s11 =	sadd.s32 s21, s20  }
0x1c0: {  	s8 =	spop (v2sf);
	s30 =	sshrl.u32 s6, $0x1F;
	s31 =	smul.u32 $0x66666667, s5  }
0x1c1: {  	s5 =	sadd.s32 s4, s7;
	s4 =	smulhi.u32 $0x66666667, s19;
	s10 =	sshra.s32 s19, $0x1F  }
0x1c2: {  	s6 =	sshra.s32 s6, $0x5;
	s22 =	spop (v2sf);
	s9 =	smul.u32 $0x66666667, s10  }
0x1c3: {  	s19 =	sshrl.u32 s5, $0x1F;
	s10 =	sadd.s32 s17, s13;
	s13 =	smulhi.u32 $0x66666667, s8  }
0x1c4: {  	s8 =	sshra.s32 s8, $0x1F;
	s17 =	sshrl.u32 s0, $0x1F;
	s25 =	spop (v2sf)  }
0x1c5: {  	s7 =	sadd.s32 s1, s29;
	s20 =	smul.u32 $0x66666667, s8;
	s28 =	spop (v2sf)  }
0x1c6: {  	s21 =	smulhi.u32 $0x66666667, s22;
	s22 =	sshra.s32 s22, $0x1F;
	s12 =	spop (v2sf)  }
0x1c7: {  	s8 =	sadd.s32 s26, s23;
	s1 =	smul.u32 $0x66666667, s22;
	s26 =	spop (v2sf)  }
0x1c8: {  	s3 =	sadd.s32 s31, s3;
	s23 =	smulhi.u32 $0x66666667, s26;
	s22 =	sshra.s32 s26, $0x1F  }
0x1c9: {  	s4 =	sadd.s32 s9, s4;
	s31 =	sshra.s32 s25, $0x1F;
	s29 =	smul.u32 $0x66666667, s22  }
0x1ca: {  	v58 =	vmov s30;
	s13 =	sadd.s32 s20, s13;
	s20 =	smulhi.u32 $0x66666667, s25;
	s25 =	sshrl.u32 s11, $0x1F  }
0x1cb: {  	v21 =	vsel vm1, s16, v58;
	s30 =	sshrl.u32 s4, $0x1F;
	s16 =	smulhi.u32 $0x66666667, s28;
	s9 =	sadd.s32 s29, s23  }
0x1cc: {  	s28 =	sshra.s32 s28, $0x1F;
	s11 =	sshra.s32 s11, $0x5;
	s29 =	sshra.s32 s9, $0x1F  }
0x1cd: {  	s1 =	sadd.s32 s1, s21;
	s21 =	sshra.s32 s3, $0x5;
	s28 =	smul.u32 $0x66666667, s28;
	v57 =	vmov s29  }
0x1ce: {  	vm9 =	vcmask $0x704;
	v21 =	vsel vm2, s19, v21;
	s22 =	smul.u32 $0x66666667, s31;
	s31 =	sshrl.u32 s3, $0x1F;
	s3 =	sshra.s32 s3, $0x1F;
	v20 =	vsel vm3, s21, v57  }
0x1cf: {  	v21 =	vsel vm15, s17, v21;
	s19 =	sshrl.u32 s13, $0x1F;
	s17 =	smulhi.u32 $0x66666667, s12;
	v59 =	vmov s31;
	s31 =	sshra.s32 s4, $0x5;
	v20 =	vsel vm9, s3, v20  }
0x1d0: {  	v61 =	vmov s6;
	v60 =	vmov s25;
	s12 =	sshra.s32 s12, $0x1F;
	s26 =	sshrl.u32 s10, $0x1F;
	s4 =	sshra.s32 s4, $0x1F;
	v20 =	vsel vm1, s31, v20  }
0x1d1: {  	v62 =	vmov s11;
	s25 =	sadd.s32 s28, s16;
	s16 =	sshra.s32 s10, $0x5;
	v23 =	vsel vm1, s26, v60;
	s29 =	sshra.s32 s13, $0x5;
	v20 =	vsel vm13, s4, v20  }
0x1d2: {  	s28 =	sshra.s32 s1, $0x5;
	v24 =	vsel vm1, s16, v62;
	s23 =	sshrl.u32 s8, $0x1F;
	v22 =	vnsel vm3, $0x0, v59;
	s21 =	sshra.s32 s13, $0x1F;
	v20 =	vsel vm2, s29, v20  }
0x1d3: {  	s20 =	sadd.s32 s22, s20;
	s22 =	sshrl.u32 s7, $0x1F;
	v22 =	vsel vm1, s30, v22;
	v23 =	vsel vm2, s23, v23;
	s31 =	smul.u32 $0x66666667, s12;
	v20 =	vsel vm14, s21, v20  }
0x1d4: {  	s30 =	sshrl.u32 s1, $0x1F;
	s1 =	sshra.s32 s1, $0x1F;
	v22 =	vsel vm2, s19, v22;
	v23 =	vsel vm15, s22, v23;
	v20 =	vsel vm15, s28, v20  }
0x1d5: {  	s2 =	sshra.s32 s2, $0x5;
	v22 =	vsel vm15, s30, v22;
	v21 =	vcombine.low v23, v21;
	s4 =	sadd.s32 s31, s17;
	s31 =	sshra.s32 s20, $0x5;
	v20 =	vsel vm12, s1, v20  }
0x1d6: {  	s26 =	sshrl.u32 s20, $0x1F;
	s19 =	sshra.s32 s5, $0x5;
	s13 =	sshra.s32 s20, $0x1F;
	v23 =	vsel vm1, s2, v61;
	vm3 =	vcmask $0x2F2C;
	v20 =	vsel vm5, s31, v20  }
0x1d7: {  	s0 =	sshra.s32 s0, $0x5;
	v22 =	vsel vm5, s26, v22;
	v23 =	vsel vm2, s19, v23;
	s29 =	sshrl.u32 s25, $0x1F;
	s17 =	sshra.s32 s25, $0x5;
	v20 =	vsel vm8, s13, v20  }
0x1d8: {  	v23 =	vsel vm15, s0, v23;
	s20 =	sshra.s32 s8, $0x5;
	v22 =	vsel vm6, s29, v22;
	s30 =	sshrl.u32 s4, $0x1F;
	s21 =	sshra.s32 s25, $0x1F;
	v20 =	vsel vm6, s17, v20  }
0x1d9: {  	s22 =	sshra.s32 s7, $0x5;
	v24 =	vsel vm2, s20, v24;
	s23 =	sshra.s32 s4, $0x5;
	v22 =	vsel vm7, s30, v22;
	v20 =	vsel vm3, s21, v20  }
0x1da: {  	s25 =	sshrl.u32 s9, $0x1F;
	v24 =	vsel vm15, s22, v24;
	s28 =	sshra.s32 s4, $0x1F;
	vm3 =	vcmask $0x3734;
	v20 =	vsel vm7, s23, v20  }
0x1db: {  	s29 =	sshra.s32 s9, $0x5;
	v23 =	vcombine.low v24, v23;
	v22 =	vsel vm4, s25, v22;
	v20 =	vsel vm3, s28, v20  }
0x1dc: {  	v21 =	vperm.xlane v21, v2;
	v22 =	vperm.xlane v22, v4;
	v20 =	vsel vm4, s29, v20  }
0x1dd: {  	v23 =	vperm.xlane v23, v2;
	v20 =	vperm.xlane v20, v4;
	_ =	sdelay $0x1  }
0x1de: {  	v21 =	vsel vm0, v22, v21;
	v20 =	vsel vm0, v20, v23  }
0x1df: {  	v20 =	vadd.s32 v21, v20  }
0x1e0: {  	v21 =	vmul.u32 $0xFFFFFFB0, v20  }
0x1e1: {  	v19 =	vsub.s32 $0x1, v19  }
0x1e2: {  	vm9 =	vlt.s32 v18, $0x1;
	vm11 =	vne.s32 v21, v19  }
0x1e3: {  	vm9 =	vmand vm9, vm11  }
0x1e4: {  	v19 =	vsel vm9, $0xFFFFFFFF, v6  }
0x1e5: {  	v19 =	vadd.s32 v19, v20  }
0x1e6: {  	v20 =	vmul.u32 $0xFFFFFFB0, v19;
	_ =	sdelay $0x1  }
0x1e7: {  	s30 =	sld [smem:$0x7FD];
	v18 =	vadd.s32 v18, v20  }
0x1e8: {  	v19 =	vshll.u32 v19, $0x7;
	v20 =	vand.u32 $0xFFFFFF80, v18  }
0x1e9: {  	v18 =	vand.u32 $0x7F, v18;
	v19 =	vadd.s32 v19, v20  }
0x1ea: {  	v63 =	vld [tilespmem:s30+$0x40];
	v18 =	vor.u32 v18, v19  }
0x1eb: {  	s26 =	rddreg [dreg:$0xf]  }
0x1ec: {  	p1 =	sne.s32 s26, $0x1F200  }
.Ltmp2:
0x1ed: {  	_ = 	snop;
	(pc) =	sbr.rel @p1 .LBB2_4-.Ltmp2, $4  }
0x1ee: {  	s24 =	simm.s32 $0x0;
	v19 =	vmpcnt.ones.xlane vm10  }
0x1ef: {  	s31 =	simm.s32 $0x8000;
	[tilespmem:v18+s24+$0x0] =	vst.idx.msk vm10, v63  }
0x1f0: {  	v16 =	vadd.s32 v16, v19;
	[tilespmem:v18+s31+$0x0] =	vst.idx.msk vm10, v17  }
0x1f1: {  	s1 =	sadd.s32 $0x200, s26;
	vm5 =	vmmov vm1;
	vm8 =	vmmov vm15;
	vm6 =	vmmov vm2;
	[tilespmem:$0x15400] =	vst v16  }
0x1f2: {  	v19 =	vadd.s32 v3, v16  }
0x1f3: {  	(v2sf) =	vpush v19, $0xD  }
0x1f4: {  	(v2sf) =	vpush v19, $0xC;
	_ =	sdelay $0x3  }
0x1f5: {  	(v2sf) =	vpush v19, $0xE;
	_ =	sdelay $0x1  }
0x1f6: {  	(v2sf) =	vpush v19, $0xF;
	_ =	sdelay $0x1  }
0x1f7: {  	(v2sf) =	vpush v19, $0x9;
	_ =	sdelay $0x1  }
0x1f8: {  	(v2sf) =	vpush v19, $0x8  }
0x1f9: {  	(v2sf) =	vpush v19, $0xA;
	_ =	sdelay $0x1  }
0x1fa: {  	(v2sf) =	vpush v19, $0xB  }
0x1fb: {  	s0 =	spop (v2sf);
	(v2sf) =	vpush v19, $0x0  }
0x1fc: {  	s23 =	spop (v2sf);
	(v2sf) =	vpush v19, $0x1;
	_ =	sdelay $0x1  }
0x1fd: {  	s1 =	smulhi.u32 $0x66666667, s0;
	s0 =	sshra.s32 s0, $0x1F;
	(v2sf) =	vpush v19, $0x2  }
0x1fe: {  	s12 =	smul.u32 $0x66666667, s0  }
0x1ff: {  	s11 =	smulhi.u32 $0x66666667, s23;
	s0 =	sshra.s32 s23, $0x1F;
	s24 =	spop (v2sf);
	(v2sf) =	vpush v19, $0x3  }
0x200: {  	s16 =	smul.u32 $0x66666667, s0;
	s0 =	sshra.s32 s24, $0x1F  }
0x201: {  	s25 =	spop (v2sf);
	s19 =	smul.u32 $0x66666667, s0;
	(v2sf) =	vpush v19, $0x4  }
0x202: {  	s17 =	smulhi.u32 $0x66666667, s25;
	s0 =	sshra.s32 s25, $0x1F  }
0x203: {  	s26 =	spop (v2sf);
	s21 =	smul.u32 $0x66666667, s0;
	(v2sf) =	vpush v19, $0x5  }
0x204: {  	s20 =	smulhi.u32 $0x66666667, s26;
	s0 =	sshra.s32 s26, $0x1F  }
0x205: {  	s28 =	spop (v2sf);
	s23 =	smul.u32 $0x66666667, s0;
	(v2sf) =	vpush v19, $0x6  }
0x206: {  	s22 =	smulhi.u32 $0x66666667, s28;
	s0 =	sshra.s32 s28, $0x1F;
	s29 =	spop (v2sf);
	(v2sf) =	vpush v19, $0x7  }
0x207: {  	[smem:$0x789] =	sst s1;
	s25 =	smul.u32 $0x66666667, s0;
	s0 =	sshra.s32 s29, $0x1F  }
0x208: {  	s30 =	spop (v2sf);
	s28 =	smul.u32 $0x66666667, s0  }
0x209: {  	s26 =	smulhi.u32 $0x66666667, s30;
	s0 =	sshra.s32 s30, $0x1F;
	s31 =	spop (v2sf)  }
0x20a: {  	v17 =	vadd.s32 v8, v16;
	s30 =	smul.u32 $0x66666667, s0;
	s0 =	sshra.s32 s31, $0x1F;
	s1 =	spop (v2sf)  }
0x20b: {  	(v2sf) =	vpush v17, $0xD;
	s10 =	smul.u32 $0x66666667, s0;
	s0 =	sshra.s32 s1, $0x1F  }
0x20c: {  	s2 =	spop (v2sf);
	s6 =	smul.u32 $0x66666667, s0  }
0x20d: {  	s3 =	smulhi.u32 $0x66666667, s2;
	s0 =	sshra.s32 s2, $0x1F  }
0x20e: {  	s4 =	spop (v2sf);
	s5 =	smul.u32 $0x66666667, s0  }
0x20f: {  	(v2sf) =	vpush v17, $0xC;
	s7 =	smulhi.u32 $0x66666667, s4;
	s0 =	sshra.s32 s4, $0x1F  }
0x210: {  	s8 =	spop (v2sf);
	s9 =	smul.u32 $0x66666667, s0  }
0x211: {  	[smem:$0x78A] =	sst s3;
	s2 =	smulhi.u32 $0x66666667, s8;
	s0 =	sshra.s32 s8, $0x1F  }
0x212: {  	s3 =	spop (v2sf);
	s4 =	smul.u32 $0x66666667, s0  }
0x213: {  	(v2sf) =	vpush v17, $0xE;
	[smem:$0x78B] =	sst s7;
	s7 =	smulhi.u32 $0x66666667, s3  }
0x214: {  	s8 =	spop (v2sf);
	[smem:$0x78C] =	sst s2  }
0x215: {  	s0 =	sshra.s32 s3, $0x1F;
	s2 =	smulhi.u32 $0x66666667, s8;
	s3 =	spop (v2sf)  }
0x216: {  	[smem:$0x78D] =	sst s7;
	s7 =	smul.u32 $0x66666667, s0  }
0x217: {  	(v2sf) =	vpush v17, $0xF;
	s0 =	sshra.s32 s8, $0x1F;
	s8 =	smulhi.u32 $0x66666667, s3  }
0x218: {  	[smem:$0x78E] =	sst s2  }
0x219: {  	s2 =	smul.u32 $0x66666667, s0;
	s0 =	sshra.s32 s3, $0x1F;
	[smem:$0x78F] =	sst s8  }
0x21a: {  	s8 =	smul.u32 $0x66666667, s0;
	s0 =	spop (v2sf)  }
0x21b: {  	(v2sf) =	vpush v17, $0x9;
	s3 =	smulhi.u32 $0x66666667, s0;
	s0 =	sshra.s32 s0, $0x1F  }
0x21c: {  	s0 =	smul.u32 $0x66666667, s0;
	_ =	sdelay $0x1  }
0x21d: {  	[smem:$0x791] =	sst s0;
	s0 =	spop (v2sf)  }
0x21e: {  	(v2sf) =	vpush v17, $0x8;
	[smem:$0x790] =	sst s3;
	s3 =	smulhi.u32 $0x66666667, s0;
	s0 =	sshra.s32 s0, $0x1F  }
0x21f: {  	s0 =	smul.u32 $0x66666667, s0;
	_ =	sdelay $0x1  }
0x220: {  	[smem:$0x793] =	sst s0;
	s0 =	spop (v2sf)  }
0x221: {  	(v2sf) =	vpush v17, $0xA;
	[smem:$0x792] =	sst s3;
	s3 =	smulhi.u32 $0x66666667, s0;
	s0 =	sshra.s32 s0, $0x1F  }
0x222: {  	s0 =	smul.u32 $0x66666667, s0;
	_ =	sdelay $0x1  }
0x223: {  	[smem:$0x795] =	sst s0;
	s0 =	spop (v2sf)  }
0x224: {  	(v2sf) =	vpush v17, $0xB;
	[smem:$0x794] =	sst s3;
	s3 =	smulhi.u32 $0x66666667, s0;
	s0 =	sshra.s32 s0, $0x1F  }
0x225: {  	s0 =	smul.u32 $0x66666667, s0;
	_ =	sdelay $0x1  }
0x226: {  	[smem:$0x797] =	sst s0;
	s0 =	spop (v2sf)  }
0x227: {  	(v2sf) =	vpush v17, $0x0;
	[smem:$0x796] =	sst s3;
	s3 =	smulhi.u32 $0x66666667, s0;
	s0 =	sshra.s32 s0, $0x1F  }
0x228: {  	s0 =	smul.u32 $0x66666667, s0  }
0x229: {  	(v2sf) =	vpush v17, $0x1  }
0x22a: {  	[smem:$0x799] =	sst s0;
	s0 =	spop (v2sf)  }
0x22b: {  	[smem:$0x798] =	sst s3;
	s3 =	smulhi.u32 $0x66666667, s0;
	s0 =	sshra.s32 s0, $0x1F  }
0x22c: {  	s0 =	smul.u32 $0x66666667, s0  }
0x22d: {  	s13 =	smulhi.u32 $0x66666667, s24;
	(v2sf) =	vpush v17, $0x2  }
0x22e: {  	[smem:$0x79B] =	sst s0;
	s0 =	spop (v2sf)  }
0x22f: {  	[smem:$0x79A] =	sst s3;
	s3 =	smulhi.u32 $0x66666667, s0;
	s0 =	sshra.s32 s0, $0x1F  }
0x230: {  	s0 =	smul.u32 $0x66666667, s0  }
0x231: {  	s24 =	smulhi.u32 $0x66666667, s29;
	(v2sf) =	vpush v17, $0x3  }
0x232: {  	[smem:$0x79D] =	sst s0;
	s0 =	spop (v2sf)  }
0x233: {  	[smem:$0x79C] =	sst s3;
	s3 =	smulhi.u32 $0x66666667, s0;
	s0 =	sshra.s32 s0, $0x1F  }
0x234: {  	s0 =	smul.u32 $0x66666667, s0  }
0x235: {  	s29 =	smulhi.u32 $0x66666667, s31;
	(v2sf) =	vpush v17, $0x4  }
0x236: {  	[smem:$0x79F] =	sst s0;
	s0 =	spop (v2sf)  }
0x237: {  	[smem:$0x79E] =	sst s3;
	s3 =	smulhi.u32 $0x66666667, s0  }
0x238: {  	s31 =	smulhi.u32 $0x66666667, s1;
	s1 =	spop (v2sf)  }
0x239: {  	(v2sf) =	vpush v17, $0x5;
	[smem:$0x7A0] =	sst s3;
	s3 =	smulhi.u32 $0x66666667, s1;
	s1 =	sshra.s32 s1, $0x1F  }
0x23a: {  	s1 =	smul.u32 $0x66666667, s1;
	_ =	sdelay $0x1  }
0x23b: {  	[smem:$0x7A2] =	sst s1;
	s1 =	spop (v2sf)  }
0x23c: {  	(v2sf) =	vpush v17, $0x6;
	[smem:$0x7A1] =	sst s3;
	s3 =	smulhi.u32 $0x66666667, s1;
	s1 =	sshra.s32 s1, $0x1F  }
0x23d: {  	s1 =	smul.u32 $0x66666667, s1;
	_ =	sdelay $0x1  }
0x23e: {  	[smem:$0x7A4] =	sst s1;
	s1 =	spop (v2sf)  }
0x23f: {  	(v2sf) =	vpush v17, $0x7;
	[smem:$0x7A3] =	sst s3;
	s3 =	smulhi.u32 $0x66666667, s1;
	s1 =	sshra.s32 s1, $0x1F  }
0x240: {  	s1 =	smul.u32 $0x66666667, s1;
	_ =	sdelay $0x1  }
0x241: {  	v18 =	vadd.s32 v10, v16;
	[smem:$0x7A6] =	sst s1;
	s1 =	spop (v2sf)  }
0x242: {  	(v2sf) =	vpush v18, $0xD;
	[smem:$0x7A5] =	sst s3;
	s3 =	smulhi.u32 $0x66666667, s1;
	s1 =	sshra.s32 s1, $0x1F  }
0x243: {  	s1 =	smul.u32 $0x66666667, s1;
	_ =	sdelay $0x1  }
0x244: {  	[smem:$0x7A8] =	sst s1;
	s1 =	spop (v2sf)  }
0x245: {  	(v2sf) =	vpush v18, $0xC;
	[smem:$0x7A7] =	sst s3;
	s3 =	smulhi.u32 $0x66666667, s1;
	s1 =	sshra.s32 s1, $0x1F  }
0x246: {  	s1 =	smul.u32 $0x66666667, s1;
	_ =	sdelay $0x1  }
0x247: {  	[smem:$0x7AA] =	sst s1;
	s1 =	spop (v2sf)  }
0x248: {  	(v2sf) =	vpush v18, $0xE;
	[smem:$0x7A9] =	sst s3;
	s3 =	smulhi.u32 $0x66666667, s1;
	s1 =	sshra.s32 s1, $0x1F  }
0x249: {  	s1 =	smul.u32 $0x66666667, s1;
	_ =	sdelay $0x1  }
0x24a: {  	[smem:$0x7AC] =	sst s1;
	s1 =	spop (v2sf)  }
0x24b: {  	(v2sf) =	vpush v18, $0xF;
	[smem:$0x7AB] =	sst s3;
	s3 =	smulhi.u32 $0x66666667, s1;
	s1 =	sshra.s32 s1, $0x1F  }
0x24c: {  	s1 =	smul.u32 $0x66666667, s1;
	_ =	sdelay $0x1  }
0x24d: {  	s11 =	sadd.s32 s16, s11;
	[smem:$0x7AE] =	sst s1;
	s1 =	spop (v2sf)  }
0x24e: {  	[smem:$0x7AD] =	sst s3;
	s3 =	smulhi.u32 $0x66666667, s1;
	s1 =	sshra.s32 s1, $0x1F  }
0x24f: {  	[smem:$0x7CA] =	sst s11;
	s13 =	sadd.s32 s19, s13;
	s1 =	smul.u32 $0x66666667, s1  }
0x250: {  	[smem:$0x7CB] =	sst s13;
	(v2sf) =	vpush v18, $0x9  }
0x251: {  	s19 =	sadd.s32 s21, s17;
	(v2sf) =	vpush v18, $0x8;
	[smem:$0x7B0] =	sst s1;
	s1 =	spop (v2sf)  }
0x252: {  	[smem:$0x7AF] =	sst s3;
	s3 =	smulhi.u32 $0x66666667, s1;
	s1 =	sshra.s32 s1, $0x1F  }
0x253: {  	[smem:$0x7CD] =	sst s19;
	s23 =	sadd.s32 s23, s20;
	(v2sf) =	vpush v18, $0xA;
	s1 =	smul.u32 $0x66666667, s1  }
0x254: {  	[smem:$0x7CE] =	sst s23  }
0x255: {  	s19 =	sadd.s32 s30, s26;
	[smem:$0x7B2] =	sst s1;
	s1 =	spop (v2sf)  }
0x256: {  	(v2sf) =	vpush v18, $0xB;
	[smem:$0x7B1] =	sst s3;
	s3 =	smulhi.u32 $0x66666667, s1;
	s1 =	sshra.s32 s1, $0x1F  }
0x257: {  	[smem:$0x7D4] =	sst s19;
	s1 =	smul.u32 $0x66666667, s1  }
0x258: {  	s23 =	sld [smem:$0x78A];
	(v2sf) =	vpush v18, $0x0  }
0x259: {  	[smem:$0x7B4] =	sst s1;
	s1 =	spop (v2sf)  }
0x25a: {  	(v2sf) =	vpush v18, $0x1;
	[smem:$0x7B3] =	sst s3;
	s3 =	smulhi.u32 $0x66666667, s1  }
0x25b: {  	s26 =	sld [smem:$0x78B]  }
0x25c: {  	s1 =	sshra.s32 s1, $0x1F;
	[smem:$0x7B5] =	sst s3  }
0x25d: {  	s1 =	smul.u32 $0x66666667, s1;
	s3 =	sld [smem:$0x789]  }
0x25e: {  	s30 =	sld [smem:$0x78C];
	(v2sf) =	vpush v18, $0x2  }
0x25f: {  	[smem:$0x7B6] =	sst s1;
	s1 =	spop (v2sf)  }
0x260: {  	s16 =	spop (v2sf);
	s3 =	sadd.s32 s12, s3;
	s12 =	smulhi.u32 $0x66666667, s1  }
0x261: {  	s19 =	sld [smem:$0x78F];
	s21 =	smulhi.u32 $0x66666667, s16  }
0x262: {  	s1 =	sshra.s32 s1, $0x1F;
	s11 =	spop (v2sf);
	[smem:$0x7C9] =	sst s3  }
0x263: {  	s1 =	smul.u32 $0x66666667, s1;
	[smem:$0x7B7] =	sst s12  }
0x264: {  	s13 =	smulhi.u32 $0x66666667, s11;
	[smem:$0x7B9] =	sst s21  }
0x265: {  	(v2sf) =	vpush v18, $0x3;
	s17 =	spop (v2sf);
	s12 =	sadd.s32 s25, s22;
	[smem:$0x7B8] =	sst s1  }
0x266: {  	s31 =	sadd.s32 s6, s31;
	s20 =	smulhi.u32 $0x66666667, s17;
	[smem:$0x7CF] =	sst s12  }
0x267: {  	s21 =	spop (v2sf);
	s1 =	sshra.s32 s16, $0x1F;
	[smem:$0x7BB] =	sst s13  }
0x268: {  	s16 =	sadd.s32 s28, s24;
	s6 =	smulhi.u32 $0x66666667, s21;
	s13 =	sld [smem:$0x78E]  }
0x269: {  	s22 =	sshra.s32 s21, $0x1F;
	s25 =	spop (v2sf);
	s21 =	sld [smem:$0x790]  }
0x26a: {  	s1 =	smul.u32 $0x66666667, s1;
	[smem:$0x7D1] =	sst s16  }
0x26b: {  	s28 =	sadd.s32 s10, s29;
	[smem:$0x7BC] =	sst s20;
	s29 =	smulhi.u32 $0x66666667, s25  }
0x26c: {  	[smem:$0x7BA] =	sst s1  }
0x26d: {  	s10 =	spop (v2sf);
	[smem:$0x7BE] =	sst s29  }
0x26e: {  	s1 =	sshra.s32 s11, $0x1F;
	s11 =	sld [smem:$0x78D];
	s12 =	smulhi.u32 $0x66666667, s10  }
0x26f: {  	s29 =	sld [smem:$0x793];
	s24 =	smul.u32 $0x66666667, s1;
	s1 =	sshra.s32 s17, $0x1F  }
0x270: {  	s1 =	smul.u32 $0x66666667, s1;
	[smem:$0x7C0] =	sst s12  }
0x271: {  	s12 =	sld [smem:$0x798]  }
0x272: {  	[smem:$0x7BD] =	sst s1  }
0x273: {  	s1 =	sadd.s32 s5, s23;
	s5 =	smul.u32 $0x66666667, s22;
	s22 =	sld [smem:$0x791]  }
0x274: {  	(v2sf) =	vpush v18, $0x4;
	s3 =	sshra.s32 s25, $0x1F;
	s17 =	spop (v2sf);
	[smem:$0x7D0] =	sst s1  }
0x275: {  	s20 =	smulhi.u32 $0x66666667, s17;
	s1 =	sadd.s32 s9, s26;
	s26 =	sld [smem:$0x792]  }
0x276: {  	s9 =	smul.u32 $0x66666667, s3;
	s3 =	sshra.s32 s10, $0x1F;
	s10 =	sld [smem:$0x797]  }
0x277: {  	(v2sf) =	vpush v18, $0x5;
	[smem:$0x7D2] =	sst s1  }
0x278: {  	[smem:$0x7C2] =	sst s20  }
0x279: {  	s16 =	smul.u32 $0x66666667, s3;
	s3 =	sld [smem:$0x794]  }
0x27a: {  	s1 =	sadd.s32 s4, s30;
	s4 =	sld [smem:$0x795]  }
0x27b: {  	s20 =	sld [smem:$0x79B]  }
0x27c: {  	[smem:$0x7D3] =	sst s1  }
0x27d: {  	(v2sf) =	vpush v18, $0x6;
	[smem:$0x7BF] =	sst s9  }
0x27e: {  	s6 =	sadd.s32 s5, s6;
	s9 =	sld [smem:$0x796]  }
0x27f: {  	s1 =	sadd.s32 s7, s11;
	[smem:$0x7EF] =	sst s6  }
0x280: {  	[smem:$0x7D5] =	sst s1  }
0x281: {  	[smem:$0x7C1] =	sst s16  }
0x282: {  	s1 =	sadd.s32 s2, s13;
	s13 =	sld [smem:$0x799]  }
0x283: {  	s25 =	spop (v2sf);
	s2 =	sshra.s32 s17, $0x1F;
	[smem:$0x7D6] =	sst s1  }
0x284: {  	s30 =	smulhi.u32 $0x66666667, s25;
	s1 =	sadd.s32 s8, s19;
	s19 =	sld [smem:$0x79A]  }
0x285: {  	s23 =	smul.u32 $0x66666667, s2;
	[smem:$0x7CC] =	sst s1  }
0x286: {  	s2 =	sshra.s32 s25, $0x1F;
	s8 =	spop (v2sf);
	[smem:$0x7C4] =	sst s30  }
0x287: {  	s1 =	sadd.s32 s22, s21;
	s7 =	smul.u32 $0x66666667, s2;
	s22 =	sld [smem:$0x79C]  }
0x288: {  	s11 =	smulhi.u32 $0x66666667, s8;
	s2 =	sshra.s32 s8, $0x1F;
	s8 =	sld [smem:$0x7A2]  }
0x289: {  	[smem:$0x7D7] =	sst s1  }
0x28a: {  	[smem:$0x7C3] =	sst s23  }
0x28b: {  	s23 =	sld [smem:$0x79D]  }
0x28c: {  	s17 =	spop (v2sf);
	s1 =	sadd.s32 s29, s26;
	s26 =	sld [smem:$0x79E]  }
0x28d: {  	s16 =	smul.u32 $0x66666667, s2;
	s29 =	sld [smem:$0x79F]  }
0x28e: {  	s21 =	smulhi.u32 $0x66666667, s17;
	s2 =	sshra.s32 s17, $0x1F;
	s17 =	sld [smem:$0x7A8]  }
0x28f: {  	[smem:$0x7D8] =	sst s1  }
0x290: {  	[smem:$0x7C5] =	sst s7  }
0x291: {  	(v2sf) =	vpush v18, $0x7;
	[smem:$0x7C6] =	sst s11  }
0x292: {  	v20 =	vadd.s32 v12, v16;
	s1 =	sadd.s32 s4, s3;
	s3 =	sld [smem:$0x7A0]  }
0x293: {  	(v2sf) =	vpush v20, $0xD;
	s7 =	sld [smem:$0x7A1]  }
0x294: {  	[smem:$0x7D9] =	sst s1  }
0x295: {  	[smem:$0x7C7] =	sst s16  }
0x296: {  	[smem:$0x7C8] =	sst s21  }
0x297: {  	s1 =	sadd.s32 s10, s9;
	s9 =	sld [smem:$0x7A3]  }
0x298: {  	s10 =	sld [smem:$0x7A4]  }
0x299: {  	s16 =	sld [smem:$0x7A7]  }
0x29a: {  	s21 =	sld [smem:$0x7AA]  }
0x29b: {  	[smem:$0x7DA] =	sst s1  }
0x29c: {  	s1 =	sadd.s32 s13, s12;
	s12 =	sld [smem:$0x7A5]  }
0x29d: {  	s0 =	sshra.s32 s0, $0x1F;
	s13 =	sld [smem:$0x7A6]  }
0x29e: {  	s0 =	smul.u32 $0x66666667, s0;
	(v2sf) =	vpush v20, $0xC;
	[smem:$0x7DB] =	sst s1  }
0x29f: {  	(v2sf) =	vpush v20, $0xE;
	s1 =	sadd.s32 s20, s19;
	s20 =	sld [smem:$0x7A9]  }
0x2a0: {  	s25 =	spop (v2sf);
	s0 =	sadd.s32 s0, s3;
	s3 =	sld [smem:$0x7AB]  }
0x2a1: {  	(v2sf) =	vpush v20, $0xF;
	s30 =	smul.u32 $0x66666667, s2;
	s2 =	sshra.s32 s25, $0x1F;
	[smem:$0x7DD] =	sst s1  }
0x2a2: {  	s4 =	spop (v2sf);
	s1 =	sadd.s32 s23, s22;
	[smem:$0x7DE] =	sst s0  }
0x2a3: {  	[smem:$0x7DF] =	sst s1;
	s1 =	sadd.s32 s29, s26;
	s29 =	smulhi.u32 $0x66666667, s25  }
0x2a4: {  	s0 =	sshra.s32 s4, $0x1F;
	s26 =	smulhi.u32 $0x66666667, s4;
	s4 =	sld [smem:$0x7AC]  }
0x2a5: {  	s25 =	smul.u32 $0x66666667, s2;
	s2 =	sld [smem:$0x7B4]  }
0x2a6: {  	[smem:$0x7E1] =	sst s1  }
0x2a7: {  	(v2sf) =	vpush v20, $0x9;
	s1 =	sadd.s32 s8, s7;
	s8 =	sld [smem:$0x7AD]  }
0x2a8: {  	[smem:$0x7E0] =	sst s1  }
0x2a9: {  	s22 =	smul.u32 $0x66666667, s0;
	s1 =	sadd.s32 s10, s9;
	s9 =	sld [smem:$0x7AE]  }
0x2aa: {  	s10 =	sld [smem:$0x7AF]  }
0x2ab: {  	s22 =	sadd.s32 s22, s26;
	[smem:$0x7E2] =	sst s1  }
0x2ac: {  	(v2sf) =	vpush v20, $0x8;
	s1 =	sadd.s32 s13, s12;
	[dreg:$0x1d] =	wrdreg s22  }
0x2ad: {  	s11 =	spop (v2sf);
	[smem:$0x7E3] =	sst s1  }
0x2ae: {  	s19 =	spop (v2sf);
	s1 =	sadd.s32 s17, s16;
	s16 =	sld [smem:$0x7B0]  }
0x2af: {  	s23 =	smulhi.u32 $0x66666667, s11;
	s0 =	sshra.s32 s11, $0x1F;
	[smem:$0x7E4] =	sst s1  }
0x2b0: {  	s7 =	spop (v2sf);
	s1 =	sadd.s32 s21, s20;
	s20 =	sld [smem:$0x7B1]  }
0x2b1: {  	s13 =	smul.u32 $0x66666667, s0;
	s0 =	sshra.s32 s19, $0x1F;
	s21 =	sld [smem:$0x7B2]  }
0x2b2: {  	s11 =	smul.u32 $0x66666667, s0;
	s0 =	sadd.s32 s9, s8;
	s8 =	sld [smem:$0x7B7]  }
0x2b3: {  	(v2sf) =	vpush v20, $0xA;
	s12 =	smulhi.u32 $0x66666667, s7;
	[smem:$0x7E5] =	sst s1  }
0x2b4: {  	s17 =	smulhi.u32 $0x66666667, s19;
	s13 =	sadd.s32 s13, s23;
	[smem:$0x7DC] =	sst s0  }
0x2b5: {  	s1 =	sadd.s32 s4, s3;
	s3 =	sshra.s32 s7, $0x1F;
	s7 =	sld [smem:$0x7B6]  }
0x2b6: {  	s19 =	spop (v2sf);
	[dreg:$0x1c] =	wrdreg s13  }
0x2b7: {  	s4 =	sshra.s32 s19, $0x1F;
	[smem:$0x7E6] =	sst s1  }
0x2b8: {  	s0 =	sadd.s32 s16, s10;
	s10 =	smul.u32 $0x66666667, s3;
	s1 =	sld [smem:$0x7B3]  }
0x2b9: {  	s9 =	smul.u32 $0x66666667, s4;
	s4 =	sld [smem:$0x7B5]  }
0x2ba: {  	s16 =	smulhi.u32 $0x66666667, s19;
	[smem:$0x7E7] =	sst s0  }
0x2bb: {  	s3 =	spop (v2sf);
	s0 =	sadd.s32 s21, s20;
	s21 =	sld [smem:$0x7B8]  }
0x2bc: {  	(v2sf) =	vpush v20, $0xB;
	s20 =	smulhi.u32 $0x66666667, s3;
	s19 =	sshra.s32 s3, $0x1F;
	s3 =	sld [smem:$0x7B9]  }
0x2bd: {  	[smem:$0x7E8] =	sst s0;
	s10 =	sadd.s32 s10, s12  }
0x2be: {  	(v2sf) =	vpush v20, $0x0;
	s9 =	sadd.s32 s9, s16;
	[dreg:$0x1b] =	wrdreg s10  }
0x2bf: {  	s0 =	sadd.s32 s2, s1;
	[dreg:$0x1a] =	wrdreg s9  }
0x2c0: {  	[smem:$0x7E9] =	sst s0  }
0x2c1: {  	s19 =	smul.u32 $0x66666667, s19;
	s0 =	sadd.s32 s7, s4;
	s4 =	sld [smem:$0x7BA]  }
0x2c2: {  	s2 =	spop (v2sf);
	s7 =	sld [smem:$0x7BB]  }
0x2c3: {  	s19 =	sadd.s32 s19, s20;
	[smem:$0x7EA] =	sst s0;
	s0 =	sadd.s32 s21, s8  }
0x2c4: {  	s8 =	smulhi.u32 $0x66666667, s2;
	s21 =	sshra.s32 s2, $0x1F;
	s2 =	sld [smem:$0x7BE]  }
0x2c5: {  	[dreg:$0x19] =	wrdreg s19  }
0x2c6: {  	s19 =	sld [smem:$0x7CC]  }
0x2c7: {  	[smem:$0x7EB] =	sst s0  }
0x2c8: {  	s0 =	sadd.s32 s4, s3;
	s3 =	sld [smem:$0x7BC]  }
0x2c9: {  	s21 =	smul.u32 $0x66666667, s21;
	s4 =	sld [smem:$0x7BD]  }
0x2ca: {  	[smem:$0x7EC] =	sst s0;
	s0 =	sadd.s32 s24, s7  }
0x2cb: {  	s24 =	spop (v2sf);
	s8 =	sadd.s32 s21, s8;
	[smem:$0x7ED] =	sst s0  }
0x2cc: {  	s7 =	smulhi.u32 $0x66666667, s24;
	s0 =	sshra.s32 s24, $0x1F;
	[dreg:$0x1e] =	wrdreg s8  }
0x2cd: {  	(v2sf) =	vpush v20, $0x1;
	s24 =	spop (v2sf);
	s1 =	sadd.s32 s4, s3;
	s3 =	sld [smem:$0x7BF]  }
0x2ce: {  	s5 =	smul.u32 $0x66666667, s0;
	s4 =	sld [smem:$0x7C0]  }
0x2cf: {  	s6 =	smulhi.u32 $0x66666667, s24;
	s0 =	sshra.s32 s24, $0x1F;
	s24 =	sld [smem:$0x7C1]  }
0x2d0: {  	(v2sf) =	vpush v20, $0x2;
	[smem:$0x7EE] =	sst s1  }
0x2d1: {  	s1 =	sadd.s32 s3, s2;
	s3 =	sld [smem:$0x7C2]  }
0x2d2: {  	[smem:$0x7F0] =	sst s1  }
0x2d3: {  	(v2sf) =	vpush v20, $0x3;
	s1 =	sadd.s32 s24, s4;
	s24 =	sld [smem:$0x7C3]  }
0x2d4: {  	s2 =	sld [smem:$0x7C4]  }
0x2d5: {  	(v2sf) =	vpush v20, $0x4;
	[smem:$0x7F1] =	sst s1  }
0x2d6: {  	s1 =	sadd.s32 s24, s3;
	s24 =	sld [smem:$0x7C5]  }
0x2d7: {  	(v2sf) =	vpush v20, $0x5;
	s8 =	sld [smem:$0x7CB]  }
0x2d8: {  	[smem:$0x7F2] =	sst s1  }
0x2d9: {  	(v2sf) =	vpush v20, $0x6;
	s1 =	sadd.s32 s24, s2;
	s24 =	sld [smem:$0x7C7]  }
0x2da: {  	(v2sf) =	vpush v20, $0x7;
	[smem:$0x7F3] =	sst s1  }
0x2db: {  	s1 =	sld [smem:$0x7C6]  }
0x2dc: {  	s5 =	sadd.s32 s5, s7;
	s4 =	smul.u32 $0x66666667, s0;
	s0 =	spop (v2sf)  }
0x2dd: {  	[dreg:$0x18] =	wrdreg s5;
	s3 =	smulhi.u32 $0x66666667, s0  }
0x2de: {  	s0 =	sshra.s32 s0, $0x1F;
	s1 =	sadd.s32 s24, s1;
	s24 =	sld [smem:$0x7C8]  }
0x2df: {  	s4 =	sadd.s32 s4, s6;
	s2 =	smul.u32 $0x66666667, s0;
	s0 =	spop (v2sf)  }
0x2e0: {  	[smem:$0x7F4] =	sst s1;
	s1 =	smulhi.u32 $0x66666667, s0;
	s0 =	sshra.s32 s0, $0x1F  }
0x2e1: {  	[dreg:$0x17] =	wrdreg s4;
	s0 =	smul.u32 $0x66666667, s0;
	s24 =	sadd.s32 s30, s24  }
0x2e2: {  	s26 =	sadd.s32 s11, s17;
	s30 =	spop (v2sf);
	[dreg:$0x1f] =	wrdreg s24  }
0x2e3: {  	s24 =	sadd.s32 s25, s29;
	s25 =	smulhi.u32 $0x66666667, s30;
	s30 =	sshra.s32 s30, $0x1F  }
0x2e4: {  	s2 =	sadd.s32 s2, s3;
	s29 =	spop (v2sf);
	s22 =	smul.u32 $0x66666667, s30  }
0x2e5: {  	[dreg:$0x16] =	wrdreg s2;
	s13 =	smulhi.u32 $0x66666667, s29;
	s30 =	sshra.s32 s29, $0x1F  }
0x2e6: {  	s0 =	sadd.s32 s0, s1;
	s29 =	spop (v2sf);
	s11 =	smul.u32 $0x66666667, s30  }
0x2e7: {  	[dreg:$0x15] =	wrdreg s0;
	s10 =	smulhi.u32 $0x66666667, s29;
	s30 =	sshra.s32 s29, $0x1F  }
0x2e8: {  	s17 =	spop (v2sf);
	s9 =	smul.u32 $0x66666667, s30  }
0x2e9: {  	s20 =	smulhi.u32 $0x66666667, s17;
	s12 =	sshra.s32 s17, $0x1F;
	s23 =	spop (v2sf)  }
0x2ea: {  	s6 =	sadd.s32 s22, s25;
	s17 =	sshra.s32 s28, $0x5;
	s22 =	sld [smem:$0x7CE]  }
0x2eb: {  	s25 =	sshrl.u32 s31, $0x1F;
	s21 =	smul.u32 $0x66666667, s12;
	[dreg:$0x14] =	wrdreg s6  }
0x2ec: {  	s29 =	smulhi.u32 $0x66666667, s23;
	s7 =	sadd.s32 s11, s13;
	s13 =	sld [smem:$0x7C9]  }
0x2ed: {  	s30 =	sshra.s32 s23, $0x1F;
	[dreg:$0x13] =	wrdreg s7;
	s10 =	sadd.s32 s9, s10  }
0x2ee: {  	s23 =	sshra.s32 s31, $0x5;
	s4 =	smul.u32 $0x66666667, s30;
	[dreg:$0x11] =	wrdreg s10  }
0x2ef: {  	s11 =	sadd.s32 s21, s20;
	s10 =	sld [smem:$0x7CD];
	s20 =	sshrl.u32 s28, $0x1F  }
0x2f0: {  	s21 =	sshra.s32 s28, $0x1F;
	s28 =	sshra.s32 s31, $0x1F;
	s31 =	sld [smem:$0x7D0]  }
0x2f1: {  	[dreg:$0x10] =	wrdreg s11  }
0x2f2: {  	s9 =	sshra.s32 s19, $0x1F;
	s12 =	sadd.s32 s4, s29;
	s29 =	sld [smem:$0x7CA]  }
0x2f3: {  	vm9 =	vcmask $0x300;
	s7 =	sshra.s32 s8, $0x5;
	v21 =	vmov s9;
	v22 =	vmov s20;
	s20 =	sld [smem:$0x7D1]  }
0x2f4: {  	vm0 =	vcmask $0x704;
	s9 =	sshra.s32 s22, $0x5;
	s16 =	sshrl.u32 s13, $0x1F;
	v21 =	vsel vm9, s17, v21;
	[dreg:$0x12] =	wrdreg s12  }
0x2f5: {  	s6 =	sshra.s32 s13, $0x5;
	s4 =	sshrl.u32 s8, $0x1F;
	v21 =	vsel vm0, s21, v21;
	s21 =	sld [smem:$0x7D2]  }
0x2f6: {  	s8 =	sshrl.u32 s22, $0x1F;
	s12 =	sld [smem:$0x7D7];
	s11 =	sshrl.u32 s10, $0x1F  }
0x2f7: {  	vm11 =	vcmask $0xF0C;
	s13 =	sshrl.u32 s31, $0x1F;
	s17 =	sshra.s32 s31, $0x1F;
	s30 =	sshrl.u32 s29, $0x1F  }
0x2f8: {  	vm13 =	vcmask $0x1714;
	v21 =	vsel vm5, s23, v21;
	s2 =	sshra.s32 s29, $0x5;
	s29 =	sld [smem:$0x7CF];
	s3 =	sshra.s32 s20, $0x5;
	v23 =	vmov s30  }
0x2f9: {  	v22 =	vnsel vm9, $0x0, v22;
	v21 =	vsel vm11, s28, v21;
	s22 =	sshrl.u32 s21, $0x1F;
	v23 =	vsel vm5, s16, v23;
	s16 =	sshra.s32 s31, $0x5;
	s31 =	sld [smem:$0x7D5]  }
0x2fa: {  	vm14 =	vcmask $0x1F1C;
	v22 =	vsel vm5, s25, v22;
	s25 =	sshra.s32 s21, $0x5;
	s28 =	sshra.s32 s21, $0x1F;
	v21 =	vsel vm6, s16, v21;
	s16 =	sld [smem:$0x7D3]  }
0x2fb: {  	vm3 =	vcmask $0x2724;
	s30 =	sshrl.u32 s29, $0x1F;
	s1 =	sshra.s32 s29, $0x5;
	v23 =	vsel vm6, s4, v23;
	s29 =	sld [smem:$0x7D4];
	v21 =	vsel vm13, s17, v21  }
0x2fc: {  	v24 =	vsel vm6, s13, v22;
	s4 =	sshrl.u32 s20, $0x1F;
	s20 =	sld [smem:$0x7D6];
	v57 =	vsel vm8, s11, v23;
	s11 =	sshra.s32 s19, $0x5;
	v21 =	vsel vm8, s25, v21  }
0x2fd: {  	v58 =	vsel vm8, s22, v24;
	vm5 =	vcmask $0x2320;
	s17 =	sshrl.u32 s31, $0x1F;
	s23 =	sshrl.u32 s16, $0x1F;
	v21 =	vsel vm14, s28, v21;
	s22 =	sshra.s32 s16, $0x5  }
0x2fe: {  	v59 =	vmov s30;
	s25 =	sshrl.u32 s19, $0x1F;
	s19 =	sld [smem:$0x7D8];
	v23 =	vsel vm5, s23, v58;
	v21 =	vsel vm5, s22, v21;
	s23 =	sshra.s32 s16, $0x1F  }
0x2ff: {  	vm6 =	vcmask $0x2B28;
	v24 =	vsel vm1, s8, v59;
	s30 =	sshrl.u32 s29, $0x1F;
	s8 =	sshra.s32 s29, $0x5;
	v21 =	vsel vm3, s23, v21;
	s23 =	sld [smem:$0x7DA]  }
0x300: {  	vm7 =	vcmask $0x3330;
	vm4 =	vcmask $0x3B38;
	s21 =	sshrl.u32 s20, $0x1F;
	s28 =	sshra.s32 s31, $0x5;
	v23 =	vsel vm6, s17, v23;
	s17 =	sld [smem:$0x7DC]  }
0x301: {  	vm12 =	vcmask $0x3734;
	v24 =	vsel vm2, s4, v24;
	s29 =	sshra.s32 s31, $0x1F;
	s31 =	sshra.s32 s20, $0x1F;
	v23 =	vsel vm7, s21, v23;
	s21 =	sld [smem:$0x7D9]  }
0x302: {  	v24 =	vsel vm8, s30, v24;
	s30 =	sshra.s32 s20, $0x5;
	vm8 =	vcmask $0x2F2C;
	s20 =	sshrl.u32 s19, $0x1F;
	v21 =	vsel vm6, s28, v21;
	s28 =	sld [smem:$0x7DB]  }
0x303: {  	s0 =	sshra.s32 s10, $0x5;
	v26 =	vmov s1;
	v61 =	vmov s20;
	s20 =	sld [smem:$0x7DF];
	v21 =	vsel vm8, s29, v21  }
0x304: {  	v25 =	vmov s2;
	s13 =	sshrl.u32 s12, $0x1F;
	v26 =	vsel vm1, s9, v26;
	s9 =	sshra.s32 s19, $0x5;
	v21 =	vsel vm7, s30, v21;
	s30 =	sld [smem:$0x7DD]  }
0x305: {  	v25 =	vsel vm1, s6, v25;
	v23 =	vsel vm4, s25, v23;
	s25 =	sshrl.u32 s23, $0x1F;
	s29 =	sshra.s32 s17, $0x1F;
	v21 =	vsel vm12, s31, v21;
	s31 =	sld [smem:$0x7DE]  }
0x306: {  	v25 =	vsel vm2, s7, v25;
	s22 =	sshrl.u32 s21, $0x1F;
	s6 =	sshra.s32 s21, $0x5;
	s21 =	sld [smem:$0x7E0]  }
0x307: {  	v28 =	vsel vm15, s0, v25;
	s0 =	sshrl.u32 s28, $0x1F;
	s7 =	sshra.s32 s28, $0x5;
	s28 =	sld [smem:$0x7E1]  }
0x308: {  	v26 =	vsel vm2, s3, v26;
	s5 =	sshra.s32 s23, $0x5;
	v62 =	vmov s29;
	s10 =	sshrl.u32 s20, $0x1F;
	s29 =	sld [smem:$0x7E2]  }
0x309: {  	v29 =	vsel vm15, s8, v26;
	v60 =	vsel vm4, s11, v21;
	v21 =	vsel vm1, s13, v61;
	s1 =	sshrl.u32 s30, $0x1F;
	s8 =	sshrl.u32 s31, $0x1F;
	s16 =	sshra.s32 s31, $0x5  }
0x30a: {  	s4 =	sshra.s32 s30, $0x5;
	v21 =	vsel vm2, s22, v21;
	s19 =	sshra.s32 s31, $0x1F;
	s22 =	sshrl.u32 s21, $0x1F;
	v27 =	vmov s8;
	v26 =	vsel vm9, s16, v62  }
0x30b: {  	s23 =	sshra.s32 s21, $0x5;
	v63 =	vsel vm15, s25, v21;
	s25 =	sshra.s32 s21, $0x1F;
	s31 =	sld [smem:$0x7E3];
	v30 =	vsel vm0, s19, v26;
	v27 =	vnsel vm9, $0x0, v27  }
0x30c: {  	s30 =	sshrl.u32 s29, $0x1F;
	s21 =	sshra.s32 s29, $0x1F;
	v40 =	vsel vm1, s22, v27;
	v41 =	vsel vm1, s23, v30;
	s22 =	sld [smem:$0x7E4]  }
0x30d: {  	s8 =	sshra.s32 s20, $0x5;
	s20 =	sshra.s32 s29, $0x5;
	s29 =	sld [smem:$0x7E5];
	v27 =	vsel vm11, s25, v41  }
0x30e: {  	s2 =	sshra.s32 s12, $0x5;
	v32 =	vmov s9;
	s19 =	sshrl.u32 s31, $0x1F;
	v21 =	vsel vm2, s30, v40;
	v27 =	vsel vm2, s20, v27;
	s20 =	sld [smem:$0x7E6]  }
0x30f: {  	v43 =	vsel vm1, s2, v32;
	s13 =	sld [smem:$0x7F3];
	s11 =	sshrl.u32 s28, $0x1F;
	v42 =	vmov s1;
	v21 =	vsel vm15, s19, v21;
	s23 =	sshrl.u32 s22, $0x1F  }
0x310: {  	s12 =	sshra.s32 s28, $0x5;
	v30 =	vsel vm1, s0, v42;
	s25 =	sshra.s32 s31, $0x5;
	s30 =	sshrl.u32 s29, $0x1F;
	v27 =	vsel vm13, s21, v27;
	v21 =	vsel vm5, s23, v21  }
0x311: {  	s16 =	sshra.s32 s17, $0x5;
	s28 =	sshra.s32 s31, $0x1F;
	v30 =	vsel vm2, s10, v30;
	v27 =	vsel vm15, s25, v27;
	v21 =	vsel vm6, s30, v21;
	s21 =	sshrl.u32 s20, $0x1F  }
0x312: {  	v31 =	vsel vm15, s11, v30;
	s31 =	sshra.s32 s22, $0x5;
	v27 =	vsel vm14, s28, v27;
	s28 =	sshrl.u32 s17, $0x1F;
	s30 =	sld [smem:$0x7E7];
	v21 =	vsel vm7, s21, v21  }
0x313: {  	s3 =	sshra.s32 s13, $0x1F;
	s19 =	sshra.s32 s22, $0x1F;
	v27 =	vsel vm5, s31, v27;
	v30 =	vsel vm4, s28, v21;
	v21 =	vsel vm2, s6, v43;
	s6 =	sld [smem:$0x7E8]  }
0x314: {  	s22 =	sshra.s32 s29, $0x5;
	s25 =	sshra.s32 s29, $0x1F;
	v27 =	vsel vm3, s19, v27;
	s19 =	sld [smem:$0x7E9]  }
0x315: {  	s29 =	sshra.s32 s20, $0x5;
	s10 =	sshra.s32 s20, $0x1F;
	s21 =	sld [smem:$0x7EA];
	v45 =	vsel vm6, s22, v27  }
0x316: {  	s31 =	sshrl.u32 s30, $0x1F;
	v27 =	vsel vm8, s25, v45;
	s25 =	sld [smem:$0x7EB];
	s9 =	sshrl.u32 s6, $0x1F  }
0x317: {  	s20 =	sshrl.u32 s19, $0x1F;
	s11 =	sshra.s32 s19, $0x5;
	s19 =	sld [smem:$0x7EE]  }
0x318: {  	s23 =	sshra.s32 s30, $0x5;
	s22 =	sshrl.u32 s21, $0x1F;
	v27 =	vsel vm7, s29, v27;
	s29 =	sld [smem:$0x7EC];
	v34 =	vmov s9  }
0x319: {  	s2 =	sshra.s32 s21, $0x5;
	s0 =	sshra.s32 s6, $0x5;
	v34 =	vsel vm1, s31, v34;
	s31 =	sld [smem:$0x7ED]  }
0x31a: {  	v33 =	vsel vm15, s5, v21;
	s28 =	sshrl.u32 s25, $0x1F;
	v34 =	vsel vm2, s20, v34;
	s5 =	sshra.s32 s19, $0x5;
	s20 =	sld [smem:$0x7EF]  }
0x31b: {  	v44 =	vmov s4;
	v27 =	vsel vm12, s10, v27;
	s6 =	sshra.s32 s25, $0x5;
	s30 =	sshrl.u32 s29, $0x1F;
	[smem:$0x7F5] =	sst s5  }
0x31c: {  	v32 =	vsel vm1, s7, v44;
	v35 =	vsel vm4, s16, v27;
	s17 =	sshra.s32 s29, $0x5;
	s4 =	sshrl.u32 s19, $0x1F;
	v27 =	vsel vm15, s22, v34;
	s22 =	sld [smem:$0x7F0]  }
0x31d: {  	v32 =	vsel vm2, s8, v32;
	v21 =	vadd.s32 v14, v16;
	v46 =	vmov s30;
	s30 =	sld [smem:$0x7F2];
	s9 =	sshrl.u32 s31, $0x1F;
	s10 =	sshra.s32 s31, $0x5  }
0x31e: {  	v36 =	vsel vm15, s12, v32;
	(v2sf) =	vpush v21, $0xD;
	v32 =	vsel vm1, s28, v46;
	s28 =	sld [smem:$0x7F1];
	s21 =	sshrl.u32 s20, $0x1F;
	s8 =	sshra.s32 s20, $0x5  }
0x31f: {  	s12 =	sshra.s32 s20, $0x1F;
	v32 =	vsel vm2, s9, v32;
	s9 =	sshra.s32 s24, $0x1F;
	s25 =	sshrl.u32 s22, $0x1F  }
0x320: {  	v47 =	vmov s21;
	s7 =	sshra.s32 s22, $0x5;
	s16 =	sshra.s32 s22, $0x1F;
	s31 =	sshrl.u32 s30, $0x1F  }
0x321: {  	s21 =	sshra.s32 s30, $0x5;
	v37 =	vmov s9;
	s22 =	sshrl.u32 s13, $0x1F;
	v34 =	vnsel vm9, $0x0, v47;
	s29 =	sshrl.u32 s28, $0x1F  }
0x322: {  	s19 =	sshra.s32 s28, $0x5;
	s20 =	sshra.s32 s28, $0x1F;
	v37 =	vsel vm9, s8, v37;
	v34 =	vsel vm1, s25, v34;
	s25 =	sld [smem:$0x7F4]  }
0x323: {  	v37 =	vsel vm0, s12, v37;
	s12 =	rddreg [dreg:$0x1f];
	v34 =	vsel vm2, s29, v34;
	s29 =	sshra.s32 s30, $0x1F;
	s30 =	sshra.s32 s13, $0x5  }
0x324: {  	s13 =	sshrl.u32 s12, $0x1F;
	s9 =	sshra.s32 s12, $0x5;
	v37 =	vsel vm1, s7, v37;
	s7 =	rddreg [dreg:$0x1d]  }
0x325: {  	s5 =	sshrl.u32 s7, $0x1F;
	s1 =	sshra.s32 s7, $0x5;
	s7 =	rddreg [dreg:$0x17]  }
0x326: {  	v34 =	vsel vm15, s31, v34;
	s28 =	sshrl.u32 s25, $0x1F;
	s31 =	sshra.s32 s25, $0x5;
	[smem:$0x7F6] =	sst s1  }
0x327: {  	(v2sf) =	vpush v21, $0xC;
	v32 =	vsel vm15, s4, v32;
	v37 =	vsel vm11, s16, v37;
	s4 =	sshra.s32 s25, $0x1F;
	s25 =	sshra.s32 s12, $0x1F;
	s12 =	rddreg [dreg:$0x1c]  }
0x328: {  	(v2sf) =	vpush v21, $0xE;
	v38 =	vmov s0;
	v37 =	vsel vm2, s19, v37;
	s19 =	rddreg [dreg:$0x1b]  }
0x329: {  	(v2sf) =	vpush v21, $0xF;
	v38 =	vsel vm1, s23, v38;
	v34 =	vsel vm5, s22, v34;
	s22 =	sshra.s32 s24, $0x5;
	s1 =	rddreg [dreg:$0x18]  }
0x32a: {  	v38 =	vsel vm2, s11, v38;
	v48 =	vmov s17;
	s17 =	sshrl.u32 s7, $0x1F;
	s11 =	sshra.s32 s7, $0x1F;
	v37 =	vsel vm13, s20, v37;
	s20 =	rddreg [dreg:$0x1a]  }
0x32b: {  	v34 =	vsel vm6, s28, v34;
	s28 =	sshrl.u32 s24, $0x1F;
	s0 =	sshra.s32 s19, $0x5;
	s24 =	rddreg [dreg:$0x19]  }
0x32c: {  	(v2sf) =	vpush v21, $0x9;
	s16 =	sshrl.u32 s12, $0x1F;
	v34 =	vsel vm7, s13, v34;
	s13 =	sshra.s32 s26, $0x5;
	[smem:$0x7F8] =	sst s0  }
0x32d: {  	v37 =	vsel vm15, s21, v37;
	s0 =	sshra.s32 s1, $0x5;
	s8 =	spop (v2sf);
	[smem:$0x7F7] =	sst s13  }
0x32e: {  	(v2sf) =	vpush v21, $0x8;
	v34 =	vsel vm4, s28, v34;
	s28 =	sshrl.u32 s26, $0x1F;
	s26 =	sshrl.u32 s19, $0x1F;
	v39 =	vsel vm14, s29, v37;
	s29 =	rddreg [dreg:$0x1e]  }
0x32f: {  	v22 =	vcombine.low v24, v57;
	v28 =	vcombine.low v29, v28;
	s19 =	sshrl.u32 s20, $0x1F;
	s13 =	sshra.s32 s20, $0x5;
	[smem:$0x7F9] =	sst s0  }
0x330: {  	(v2sf) =	vpush v21, $0xA;
	s20 =	sshrl.u32 s24, $0x1F;
	v37 =	vsel vm15, s2, v38;
	v38 =	vsel vm1, s6, v48;
	s2 =	smulhi.u32 $0x66666667, s8;
	s6 =	rddreg [dreg:$0x16]  }
0x331: {  	v22 =	vperm.xlane v22, v2;
	(v2sf) =	vpush v21, $0xB;
	s12 =	sshra.s32 s12, $0x5;
	s23 =	sshra.s32 s24, $0x5;
	v42 =	vmov s20;
	s20 =	sld [smem:$0x7F7]  }
0x332: {  	v28 =	vperm.xlane v28, v2;
	(v2sf) =	vpush v21, $0x0;
	v45 =	vmov s23;
	s21 =	sshrl.u32 s29, $0x1F;
	s24 =	sshra.s32 s29, $0x5;
	[smem:$0x7FA] =	sst s2  }
0x333: {  	(v2sf) =	vpush v21, $0x1;
	s29 =	sshrl.u32 s1, $0x1F;
	v39 =	vsel vm5, s30, v39;
	s1 =	sshra.s32 s7, $0x5;
	v45 =	vsel vm1, s13, v45;
	s2 =	sld [smem:$0x7F5]  }
0x334: {  	(v2sf) =	vpush v21, $0x2;
	s7 =	sshrl.u32 s6, $0x1F;
	v39 =	vsel vm3, s3, v39;
	s3 =	sshra.s32 s8, $0x1F;
	v57 =	vsel vm2, s24, v45;
	s24 =	sld [smem:$0x7F9]  }
0x335: {  	v41 =	vmov s17;
	v38 =	vsel vm2, s10, v38;
	s17 =	sshra.s32 s6, $0x1F;
	v39 =	vsel vm6, s31, v39;
	s10 =	smul.u32 $0x66666667, s3;
	s3 =	rddreg [dreg:$0x15]  }
0x336: {  	v23 =	vperm.xlane v23, v4;
	(v2sf) =	vpush v21, $0x3;
	s31 =	sshra.s32 s6, $0x5;
	s6 =	rddreg [dreg:$0x13];
	v40 =	vsel vm8, s4, v39;
	s4 =	sshrl.u32 s3, $0x1F  }
0x337: {  	v25 =	vperm.xlane v60, v4;
	v61 =	vcombine.low v31, v63;
	v50 =	vnsel vm9, $0x0, v41;
	s8 =	sshra.s32 s3, $0x5;
	[smem:$0x7FB] =	sst s10;
	s10 =	spop (v2sf)  }
0x338: {  	v36 =	vcombine.low v36, v33;
	s30 =	sshrl.u32 s6, $0x1F;
	v49 =	vsel vm7, s9, v40;
	v40 =	vsel vm1, s7, v50;
	s9 =	spop (v2sf);
	s7 =	smulhi.u32 $0x66666667, s10  }
0x339: {  	v46 =	vperm.xlane v35, v4;
	v51 =	vmov s16;
	v39 =	vsel vm15, s2, v38;
	s2 =	rddreg [dreg:$0x14];
	s16 =	sshra.s32 s10, $0x1F;
	s0 =	spop (v2sf)  }
0x33a: {  	(v2sf) =	vpush v21, $0x4;
	v41 =	vsel vm1, s5, v51;
	v38 =	vsel vm12, s25, v49;
	s25 =	sshra.s32 s3, $0x1F;
	s10 =	smul.u32 $0x66666667, s16;
	[smem:$0x7FC] =	sst s7  }
0x33b: {  	v41 =	vsel vm2, s28, v41;
	v40 =	vsel vm2, s4, v40;
	v38 =	vsel vm4, s22, v38;
	s22 =	sshrl.u32 s2, $0x1F;
	s3 =	spop (v2sf);
	s7 =	rddreg [dreg:$0x11]  }
0x33c: {  	v56 =	vmov s12;
	v43 =	vsel vm15, s22, v40;
	v40 =	vsel vm15, s26, v41;
	s26 =	rddreg [dreg:$0x12];
	s22 =	smulhi.u32 $0x66666667, s9;
	s9 =	sshra.s32 s9, $0x1F  }
0x33d: {  	(v2sf) =	vpush v21, $0x5;
	v52 =	vsel vm1, s19, v42;
	s5 =	spop (v2sf);
	v53 =	vsel vm5, s30, v43;
	s4 =	sshrl.u32 s7, $0x1F;
	s16 =	sshra.s32 s26, $0x1F  }
0x33e: {  	s12 =	smov.u32 s2;
	v41 =	vsel vm2, s21, v52;
	s9 =	smul.u32 $0x66666667, s9;
	v43 =	vsel vm6, s4, v53;
	v44 =	vmov s16;
	s4 =	rddreg [dreg:$0x10]  }
0x33f: {  	v27 =	vcombine.low v32, v27;
	v42 =	vsel vm15, s29, v41;
	s29 =	sshrl.u32 s26, $0x1F;
	s19 =	spop (v2sf);
	s28 =	sshrl.u32 s4, $0x1F;
	v55 =	vsel vm9, s1, v44  }
0x340: {  	v59 =	vld [tilespmem:$0x1FFF0];
	(v2sf) =	vpush v21, $0x6;
	s21 =	sshra.s32 s3, $0x1F;
	s16 =	smulhi.u32 $0x66666667, s0;
	s30 =	spop (v2sf);
	v54 =	vsel vm7, s28, v43;
	v43 =	vsel vm0, s11, v55  }
0x341: {  	v27 =	vperm.xlane v27, v2;
	v45 =	vperm.xlane v30, v4;
	s0 =	sshra.s32 s0, $0x1F;
	s28 =	spop (v2sf);
	s11 =	sld [smem:$0x7F6];
	v43 =	vsel vm1, s31, v43  }
0x342: {  	v24 =	vsel vm15, s24, v57;
	v57 =	vcombine.low v39, v37;
	s1 =	sshra.s32 s12, $0x1F;
	s31 =	smul.u32 $0x66666667, s0;
	s23 =	spop (v2sf);
	v43 =	vsel vm11, s17, v43  }
0x343: {  	(v2sf) =	vpush v21, $0x7;
	v41 =	vsel vm4, s29, v54;
	s0 =	sshra.s32 s2, $0x5;
	s29 =	smulhi.u32 $0x66666667, s3;
	s3 =	sshra.s32 s6, $0x5;
	v43 =	vsel vm2, s8, v43  }
0x344: {  	v52 =	vsub.s32 v9, v16;
	s6 =	sshra.s32 s6, $0x1F;
	s17 =	spop (v2sf);
	v44 =	vsel vm1, s11, v56;
	s11 =	smul.u32 $0x66666667, s21;
	v43 =	vsel vm13, s25, v43  }
0x345: {  	vm9 =	vlt.s32 v19, $0x1;
	vm0 =	vnez.u8 v59;
	s2 =	sshra.s32 s7, $0x5;
	s12 =	spop (v2sf);
	s21 =	smulhi.u32 $0x66666667, s5;
	v58 =	vsel vm15, s0, v43  }
0x346: {  	v59 =	vperm.xlane v38, v4;
	v22 =	vsel vm0, v23, v22;
	s0 =	sshra.s32 s5, $0x1F;
	s5 =	smov.u32 s4;
	v29 =	vsel vm14, s1, v58;
	s1 =	sld [smem:$0x7FA]  }
0x347: {  	v60 =	vsel vm0, v25, v28;
	v23 =	vperm.xlane v61, v2;
	s16 =	sadd.s32 s31, s16;
	v29 =	vsel vm5, s3, v29;
	s3 =	sshra.s32 s5, $0x1F;
	s5 =	sld [smem:$0x7FB]  }
0x348: {  	v28 =	vperm.xlane v36, v2;
	v22 =	vadd.s32 v22, v60;
	s31 =	smulhi.u32 $0x66666667, s23;
	v44 =	vsel vm2, s20, v44;
	s20 =	sshra.s32 s7, $0x1F;
	s25 =	sshra.s32 s4, $0x5  }
0x349: {  	v61 =	vcombine.low v42, v40;
	v63 =	vmul.u32 $0xFFFFFFB0, v22;
	s7 =	sld [smem:$0x7F8];
	s4 =	smul.u32 $0x66666667, s0;
	v29 =	vsel vm3, s6, v29;
	s6 =	sshra.s32 s19, $0x1F  }
0x34a: {  	v23 =	vsel vm0, v45, v23;
	v49 =	vsel vm0, v46, v28;
	s13 =	spop (v2sf);
	v62 =	vsel vm6, s2, v29;
	s0 =	smul.u32 $0x66666667, s6;
	s24 =	sadd.s32 s5, s1  }
0x34b: {  	v46 =	vsub.s32 v13, v16;
	v58 =	vperm.xlane v34, v4;
	s5 =	smulhi.u32 $0x66666667, s19;
	s19 =	sshra.s32 s26, $0x5;
	v25 =	vsel vm8, s20, v62;
	s20 =	sld [smem:$0x7FC]  }
0x34c: {  	v23 =	vadd.s32 v23, v49;
	v43 =	vsel vm15, s7, v44;
	v44 =	vsub.s32 v5, v16;
	s1 =	smulhi.u32 $0x66666667, s30;
	s26 =	sshra.s32 s30, $0x1F;
	s30 =	sshra.s32 s28, $0x1F  }
0x34d: {  	s8 =	spop (v2sf);
	v26 =	vmul.u32 $0xFFFFFFB0, v23;
	vm10 =	vne.s32 v63, v44;
	v27 =	vsel vm0, v58, v27;
	s30 =	smul.u32 $0x66666667, s30  }
0x34e: {  	v24 =	vcombine.low v24, v43;
	v63 =	vperm.xlane v41, v4;
	v44 =	vsub.s32 v11, v16;
	s6 =	sadd.s32 s10, s20;
	s20 =	sadd.s32 s9, s22;
	s22 =	smul.u32 $0x66666667, s26  }
0x34f: {  	s7 =	spop (v2sf);
	vm9 =	vmand vm9, vm10;
	vm10 =	vlt.s32 v17, $0x1;
	v29 =	vperm.xlane v57, v2;
	s2 =	sshrl.u32 s24, $0x1F;
	s26 =	smulhi.u32 $0x66666667, s28  }
0x350: {  	v48 =	vsel vm9, $0xFFFFFFFF, v6;
	vm9 =	vne.s32 v26, v52;
	v25 =	vsel vm7, s25, v25;
	s28 =	sshrl.u32 s16, $0x1F;
	s10 =	sshra.s32 s23, $0x1F;
	s9 =	sshrl.u32 s6, $0x1F  }
0x351: {  	v24 =	vperm.xlane v24, v2;
	v25 =	vsel vm12, s3, v25;
	s25 =	sshrl.u32 s20, $0x1F;
	s3 =	smul.u32 $0x66666667, s10;
	s10 =	sadd.s32 s0, s5;
	v47 =	vmov s9  }
0x352: {  	v22 =	vadd.s32 v48, v22;
	vm9 =	vmand vm10, vm9;
	s0 =	smulhi.u32 $0x66666667, s17;
	s9 =	sadd.s32 s11, s29;
	s11 =	sadd.s32 s4, s21;
	v30 =	vsel vm1, s2, v47  }
0x353: {  	v29 =	vsel vm0, v59, v29;
	v48 =	vsub.s32 v15, v16;
	s21 =	smulhi.u32 $0x66666667, s12;
	s2 =	sadd.s32 s3, s31;
	v50 =	vsel vm2, s25, v30;
	s25 =	sshra.s32 s17, $0x1F  }
0x354: {  	v51 =	vmul.u32 $0xFFFFFFB0, v22;
	v55 =	vsel vm9, $0xFFFFFFFF, v6;
	vm9 =	vcmask $0x300;
	s17 =	sadd.s32 s30, s26;
	s30 =	spop (v2sf);
	s5 =	smul.u32 $0x66666667, s25  }
0x355: {  	v27 =	vadd.s32 v27, v29;
	v22 =	vshll.u32 v22, $0x7;
	v28 =	vsel vm15, s28, v50;
	s28 =	sshrl.u32 s11, $0x1F;
	s31 =	smulhi.u32 $0x66666667, s30;
	s25 =	sshra.s32 s30, $0x1F  }
0x356: {  	v25 =	vsel vm4, s19, v25;
	v23 =	vadd.s32 v55, v23;
	s29 =	sshrl.u32 s10, $0x1F;
	s23 =	sshrl.u32 s9, $0x1F;
	v53 =	vmov s28;
	s4 =	smul.u32 $0x66666667, s25  }
0x357: {  	v43 =	vmul.u32 $0xFFFFFFB0, v27;
	v19 =	vadd.s32 v19, v51;
	s12 =	sshra.s32 s12, $0x1F;
	s26 =	sshrl.u32 s17, $0x1F;
	s30 =	smulhi.u32 $0x66666667, s13;
	v31 =	vsel vm1, s23, v53  }
0x358: {  	v25 =	vperm.xlane v25, v4;
	v42 =	vand.u32 $0xFFFFFF80, v19;
	s28 =	sshrl.u32 s2, $0x1F;
	v54 =	vsel vm2, s29, v31;
	s29 =	smul.u32 $0x66666667, s12;
	s12 =	sadd.s32 s4, s31  }
0x359: {  	vm10 =	vne.s32 v43, v44;
	v19 =	vand.u32 $0x7F, v19;
	v56 =	vmov s26;
	s31 =	sshra.s32 s13, $0x1F;
	s13 =	sadd.s32 s22, s1;
	s22 =	sshra.s32 s12, $0x1F  }
0x35a: {  	v24 =	vsel vm0, v25, v24;
	s25 =	sshra.s32 s17, $0x5;
	v30 =	vnsel vm9, $0x0, v56;
	s0 =	sadd.s32 s5, s0;
	s19 =	smul.u32 $0x66666667, s31;
	v60 =	vmov s22  }
0x35b: {  	v30 =	vsel vm1, s28, v30;
	s26 =	sshrl.u32 s0, $0x1F;
	s28 =	sshra.s32 s17, $0x1F;
	s17 =	smulhi.u32 $0x66666667, s7;
	v33 =	vsel vm9, s25, v60;
	vm9 =	vcmask $0x704  }
0x35c: {  	v22 =	vadd.s32 v22, v42;
	v50 =	vmul.u32 $0xFFFFFFB0, v23;
	s7 =	sshra.s32 s7, $0x1F;
	s1 =	sadd.s32 s19, s30;
	s30 =	sshra.s32 s2, $0x5;
	v62 =	vsel vm9, s28, v33  }
0x35d: {  	v19 =	vor.u32 v19, v22;
	v31 =	vperm.xlane v61, v2;
	s7 =	smul.u32 $0x66666667, s7;
	s5 =	sadd.s32 s29, s21;
	s2 =	sshra.s32 s2, $0x1F;
	v32 =	vsel vm1, s30, v62  }
0x35e: {  	v23 =	vshll.u32 v23, $0x7;
	v17 =	vadd.s32 v17, v50;
	s29 =	smulhi.u32 $0x66666667, s8;
	s8 =	sshra.s32 s8, $0x1F;
	s19 =	sshra.s32 s0, $0x5;
	v32 =	vsel vm11, s2, v32  }
0x35f: {  	v30 =	vsel vm2, s26, v30;
	s21 =	sshrl.u32 s13, $0x1F;
	v34 =	vsel vm0, v63, v31;
	s31 =	sshrl.u32 s5, $0x1F;
	s0 =	sshra.s32 s0, $0x1F;
	v32 =	vsel vm2, s19, v32  }
0x360: {  	s8 =	smul.u32 $0x66666667, s8;
	s23 =	sshra.s32 s5, $0x5;
	s4 =	sadd.s32 s7, s17;
	v26 =	vsel vm15, s21, v54;
	v24 =	vadd.s32 v34, v24;
	v35 =	vsel vm13, s0, v32  }
0x361: {  	s26 =	sshra.s32 s5, $0x1F;
	v30 =	vsel vm15, s31, v30;
	s22 =	sshrl.u32 s1, $0x1F;
	v26 =	vcombine.low v26, v28;
	s31 =	sshra.s32 s11, $0x5;
	v37 =	vsel vm15, s23, v35  }
0x362: {  	vm9 =	vlt.s32 v18, $0x1;
	s3 =	sadd.s32 s8, s29;
	v36 =	vsel vm5, s22, v30;
	s29 =	sshra.s32 s1, $0x5;
	s30 =	sshra.s32 s6, $0x5;
	v30 =	vsel vm14, s26, v37  }
0x363: {  	s7 =	sshra.s32 s9, $0x5;
	s1 =	sshra.s32 s1, $0x1F;
	v40 =	vmov s31;
	s25 =	sshrl.u32 s3, $0x1F;
	v39 =	vmov s30;
	v38 =	vsel vm5, s29, v30  }
0x364: {  	s11 =	sshra.s32 s10, $0x5;
	s6 =	sshra.s32 s24, $0x5;
	s8 =	sshra.s32 s3, $0x5;
	v31 =	vsel vm1, s7, v40;
	v25 =	vsel vm6, s25, v36;
	v28 =	vsel vm3, s1, v38  }
0x365: {  	s9 =	sshra.s32 s20, $0x5;
	s28 =	sshrl.u32 s4, $0x1F;
	s17 =	sshra.s32 s3, $0x1F;
	v31 =	vsel vm2, s11, v31;
	v30 =	vsel vm1, s6, v39;
	v28 =	vsel vm6, s8, v28  }
0x366: {  	s20 =	sshra.s32 s13, $0x5;
	s21 =	sshra.s32 s4, $0x5;
	s19 =	sshra.s32 s16, $0x5;
	v25 =	vsel vm7, s28, v25;
	v30 =	vsel vm2, s9, v30;
	v28 =	vsel vm8, s17, v28  }
0x367: {  	s22 =	sshrl.u32 s12, $0x1F;
	v31 =	vsel vm15, s20, v31;
	s23 =	sshra.s32 s4, $0x1F;
	v30 =	vsel vm15, s19, v30;
	v28 =	vsel vm7, s21, v28  }
0x368: {  	s24 =	sshra.s32 s12, $0x5;
	v25 =	vsel vm4, s22, v25;
	v30 =	vcombine.low v31, v30;
	v28 =	vsel vm12, s23, v28  }
0x369: {  	v26 =	vperm.xlane v26, v2;
	v25 =	vperm.xlane v25, v4;
	v28 =	vsel vm4, s24, v28  }
0x36a: {  	v45 =	vmul.u32 $0xFFFFFFB0, v24;
	v41 =	vperm.xlane v30, v2;
	v28 =	vperm.xlane v28, v4  }
0x36b: {  	v53 =	vand.u32 $0xFFFFFF80, v17;
	v17 =	vand.u32 $0x7F, v17;
	vm9 =	vmand vm9, vm10  }
0x36c: {  	vm10 =	vne.s32 v45, v46;
	v25 =	vsel vm0, v25, v26;
	v28 =	vsel vm0, v28, v41  }
0x36d: {  	v49 =	vsel vm9, $0xFFFFFFFF, v6;
	vm9 =	vlt.s32 v20, $0x1;
	v25 =	vadd.s32 v25, v28  }
0x36e: {  	v55 =	vadd.s32 v23, v53;
	vm9 =	vmand vm9, vm10;
	v47 =	vmul.u32 $0xFFFFFFB0, v25  }
0x36f: {  	vm10 =	vlt.s32 v21, $0x1;
	v52 =	vadd.s32 v49, v27;
	v51 =	vsel vm9, $0xFFFFFFFF, v6  }
0x370: {  	v56 =	vadd.s32 v51, v24;
	v28 =	vmul.u32 $0xFFFFFFB0, v52;
	vm11 =	vne.s32 v47, v48  }
0x371: {  	v17 =	vor.u32 v17, v55;
	v58 =	vmul.u32 $0xFFFFFFB0, v56;
	vm10 =	vmand vm10, vm11  }
0x372: {  	v26 =	vshll.u32 v52, $0x7;
	v18 =	vadd.s32 v18, v28;
	v54 =	vsel vm10, $0xFFFFFFFF, v6  }
0x373: {  	v20 =	vadd.s32 v20, v58;
	v57 =	vand.u32 $0xFFFFFF80, v18;
	v60 =	vadd.s32 v54, v25  }
0x374: {  	v18 =	vand.u32 $0x7F, v18;
	v59 =	vadd.s32 v26, v57;
	v25 =	vmul.u32 $0xFFFFFFB0, v60  }
0x375: {  	s25 =	simm.s32 $0x0;
	v23 =	vshll.u32 v56, $0x7;
	v61 =	vand.u32 $0xFFFFFF80, v20;
	v18 =	vor.u32 v18, v59  }
0x376: {  	[tilespmem:v19+s25+$0x0] =	vst.idx.msk $0xffff, v6;
	s26 =	simm.s32 $0x8000;
	v20 =	vand.u32 $0x7F, v20;
	v22 =	vadd.s32 v23, v61;
	v21 =	vadd.s32 v21, v25  }
0x377: {  	[tilespmem:v19+s26+$0x0] =	vst.idx.msk $0xffff, v7;
	v19 =	vor.u32 v20, v22;
	v63 =	vshll.u32 v60, $0x7;
	v62 =	vand.u32 $0xFFFFFF80, v21  }
0x378: {  	[tilespmem:v17+s25+$0x0] =	vst.idx.msk $0xffff, v6;
	v21 =	vand.u32 $0x7F, v21;
	v20 =	vadd.s32 v63, v62  }
0x379: {  	[tilespmem:v17+s26+$0x0] =	vst.idx.msk $0xffff, v7;
	v17 =	vor.u32 v21, v20  }
0x37a: {  	[tilespmem:v18+s25+$0x0] =	vst.idx.msk $0xffff, v6  }
0x37b: {  	[tilespmem:v18+s26+$0x0] =	vst.idx.msk $0xffff, v7  }
0x37c: {  	[tilespmem:v19+s25+$0x0] =	vst.idx.msk $0xffff, v6  }
0x37d: {  	[tilespmem:v19+s26+$0x0] =	vst.idx.msk $0xffff, v7  }
0x37e: {  	[tilespmem:v17+s25+$0x0] =	vst.idx.msk $0xffff, v6  }
0x37f: {  	s28 =	rddreg [dreg:$0x8];
	[tilespmem:v17+s26+$0x0] =	vst.idx.msk $0xffff, v7  }
0x380: {  	[hbm4b:s28+s25] =	stream.linear.scatter [tilespmem:s25], [sflag:$0x4], $0x8000, $0x38;
	[tilespmem:$0x1F100] =	vst v63  }
0x381: {  	_ =	swait.ge [sflag:s15], $0x8000  }
0x382: {  	[sflag:s15] =	ssyncset.done $0x0  }
0x383: {  	s29 =	rddreg [dreg:$0x9];
	[sflag:s15] =	ssyncadd.s32 $0xFFFF8000  }
0x384: {  	[hbm4b:s29+s25] =	stream.linear.scatter [tilespmem:s26], [sflag:$0x4], $0x8000, $0x38;
	[tilespmem:$0x1F100] =	vst v63  }
0x385: {  	_ =	swait.ge [sflag:s15], $0x8000  }
0x386: {  	[sflag:s15] =	ssyncset.done $0x0  }
0x387: {  	s31 =	simm.s32 $0x15400;
	s30 =	rddreg [dreg:$0xa];
	[sflag:s15] =	ssyncadd.s32 $0xFFFF8000  }
0x388: {  	[hbm4b:s30+s25] =	stream.linear.scatter [tilespmem:s31], [sflag:$0x4], $0x10, $0x38;
	[tilespmem:$0x1F100] =	vst v63  }
0x389: {  	_ =	swait.ge [sflag:s15], $0x10  }
.Ltmp3:
0x38a: {  	[sflag:s15] =	ssyncset.done $0x0;
	(pc) =	sbr.rel @!p0 .LBB2_7-.Ltmp3, $4  }
0x38b: {  	[sflag:s15] =	ssyncadd.s32 $0xFFFFFFF0  }
0x38c: {  	_ =	swait.ge [sflag:s18], $0x400  }
0x38d: {  	s16 =	simm.s32 $0x0;
	s17 =	rddreg [dreg:$0x5]  }
0x38e: {  	vm5 =	vmmov vm1;
	vm6 =	vmmov vm2;
	s19 =	simm.s32 $0x8000;
	vm8 =	vmmov vm15;
	[sflag:s18] =	ssyncset.done $0x0;
	s0 =	sadd.s32 $0xFFFFFFFF, s17  }
.LBB2_6:
0x38f: {  	p1 =	sne.s32 s0, $0x1;
	s0 =	sadd.s32 $0xFFFFFFFF, s0;
	[sflag:s18] =	ssyncadd.s32 $0xFFFFFC00  }
.Ltmp4:
0x390: {  	(pc) =	sbr.rel @p1 .LBB2_6-.Ltmp4, $3  }
0x391: {  	_ =	sdelay $0x1  }
0x392: {  	_ =	swait.ge [sflag:s18], $0x400  }
0x393: {  	[sflag:s18] =	ssyncset.done $0x0  }
.LBB2_7:
0x394: {  	v16 =	vxor.u32 $0x80000000, v16  }
0x395: {  	(xrf0) =	vmax.scan.msk.u32 $0xffff, v16;
	_ =	sdelay $0x5  }
0x396: {  	v16, _, _ =	vpop (xrf0)  }
0x397: {  	(v2sf) =	vpush v16, $0xF;
	_ =	sdelay $0xe  }
0x398: {  	s0 =	spop (v2sf)  }
0x399: {  	s1 =	sadd.s32 $0x8000004F, s0  }
0x39a: {  	s2 =	smulhi.u32 $0x66666667, s1;
	s3 =	sshra.s32 s1, $0x1F  }
0x39b: {  	s3 =	smul.u32 $0x66666667, s3;
	_ =	sdelay $0x1  }
0x39c: {  	s2 =	sadd.s32 s3, s2  }
0x39d: {  	s3 =	sshrl.u32 s2, $0x1F;
	s2 =	sshra.s32 s2, $0x5  }
0x39e: {  	s2 =	sadd.s32 s3, s2  }
0x39f: {  	s3 =	smul.u32 $0xFFFFFFB0, s2  }
0x3a0: {  	s0 =	ssub.s32 $0x7FFFFFB1, s0  }
0x3a1: {  	p1 =	slt.s32 s1, $0x1;
	p2 =	sne.s32 s3, s0  }
0x3a2: {  	p1 =	por !p1, !p2  }
0x3a3: {  	s0 =	simm.s32 $0x1;
	p1 =	por !p1, !p1  }
0x3a4: {  	s0 =	simm.s32 @!p1 $0x0  }
0x3a5: {  	s0 =	ssub.s32 s2, s0  }
0x3a6: {  	p1 =	slt.s32 s0, $0x1  }
.Ltmp5:
0x3a7: {  	_ = 	snop;
	(pc) =	sbr.rel @p1 .LBB2_11-.Ltmp5, $4  }
0x3a8: {  	[sflag:s18] =	ssyncadd.s32 $0xFFFFFC00  }
0x3a9: {  	[bflag:$0x0] =	sbarrier.arrive $0xFFFF  }
0x3aa: {  	s20 =	simm.s32 $0x50;
	s12 =	rddreg [dreg:$0x0]  }
0x3ab: {  	s21 =	simm.s32 $0x10000;
	s22 =	simm.s32 $0x1;
	s13 =	rddreg [dreg:$0x3]  }
0x3ac: {  	[tilespmem:s21], [sflag:$0x1] =	stream.indirect.gather [hbm4b:s12+s20], $0x80, s16, s20, $0xb8;
	[tilespmem:$0x1F100] =	vst v63  }
0x3ad: {  	p1 =	seq.s32 s0, $0x1;
	s30 =	sadd.s32 $0x1, s0  }
0x3ae: {  	s1 =	simm.s32 @!p1 $0x50;
	s2 =	simm.s32 @!p1 $0x80;
	s3 =	simm.s32 @!p1 $0x12800  }
0x3af: {  	[tilespmem:s3], [sflag:$0x2] =	stream.indirect.gather @!p1 [hbm4b:s12+s1], $0x80, s2, s1, $0xb8;
	[tilespmem:$0x1F100] =	vst v63  }
0x3b0: {  	s31 =	simm.s32 $0x8000;
	p3 =	sle.s32 s0, $0x2;
	_ =	swait.ge [sflag:s22], $0x2800  }
0x3b1: {  	s5 =	simm.s32 $0x200;
	s4 =	simm.s32 @!p3 $0x10000;
	[sflag:s22] =	ssyncset.done $0x0  }
0x3b2: {  	s1 =	sshrl.u32 s30, $0x1;
	p1 =	sle.s32 s0, $0x1;
	[sflag:s22] =	ssyncadd.s32 $0xFFFFD800  }
0x3b3: {  	[spmem:s13] =	stream.indirect.scatter.add.f32 [tilespmem:s21], [sflag:$0x4], $0x80, s31, s20, $0xb8;
	[tilespmem:$0x1F100] =	vst v63  }
0x3b4: {  	s3 =	simm.s32 @!p3 $0x50;
	s2 =	sadd.s32 $0xFFFFFFFF, s1;
	_ =	swait.ge [sflag:s15], $0x2800  }
0x3b5: {  	s1 =	simm.s32 $0x100;
	s7 =	simm.s32 @!p1 $0x2;
	[sflag:s15] =	ssyncset.done $0x0  }
0x3b6: {  	s8 =	simm.s32 @!p1 $0x4;
	p2 =	sne.s32 s2, $0x0;
	[sflag:s15] =	ssyncadd.s32 $0xFFFFD800  }
0x3b7: {  	[tilespmem:s4], [sflag:$0x1] =	stream.indirect.gather @!p3 [hbm4b:s12+s3], $0x80, s1, s3, $0xb8;
	[tilespmem:$0x1F100] =	vst v63  }
0x3b8: {  	s1 =	simm.s32 @!p1 $0x50;
	s3 =	simm.s32 @!p1 $0x12800;
	_ =	swait.ge @!p1 [sflag:s7], $0x2800  }
.Ltmp6:
0x3b9: {  	p3 =	sle.s32 @!p1 s0, $0x3;
	[sflag:s7] =	ssyncset.done @!p1 $0x0;
	(pc) =	sbr.rel @!p2 .LBB2_10-.Ltmp6, $4  }
0x3ba: {  	s4 =	simm.s32 @!p1 $0x8080;
	p3 =	por p3, p1;
	[sflag:s7] =	ssyncadd.s32 @!p1 $0xFFFFD800  }
0x3bb: {  	[spmem:s13] =	stream.indirect.scatter.add.f32 @!p1 [tilespmem:s3], [sflag:$0x4], $0x80, s4, s1, $0xb8;
	[tilespmem:$0x1F100] =	vst v63  }
0x3bc: {  	s6 =	simm.s32 $0x3;
	s9 =	simm.s32 @!p3 $0x180;
	_ =	swait.ge @!p1 [sflag:s8], $0x2800  }
0x3bd: {  	s10 =	simm.s32 @!p3 $0x12800;
	s7 =	simm.s32 $0x8100;
	[sflag:s8] =	ssyncset.done @!p1 $0x0  }
.LBB2_9:
0x3be: {  	s2 =	sadd.s32 $0xFFFFFFFF, s2;
	[sflag:s8] =	ssyncadd.s32 @!p1 $0xFFFFD800;
	s1 =	simm.s32 @!p3 $0x50  }
0x3bf: {  	[tilespmem:s10], [sflag:$0x2] =	stream.indirect.gather @!p3 [hbm4b:s12+s1], $0x80, s9, s1, $0xb8;
	[tilespmem:$0x1F100] =	vst v63  }
0x3c0: {  	p2 =	sne.s32 s2, $0x0;
	s1 =	smov.u32 s5;
	_ =	swait.ge [sflag:s22], $0x2800  }
0x3c1: {  	s3 =	smov.u32 s6;
	s5 =	sadd.s32 $0x100, s5;
	[sflag:s22] =	ssyncset.done $0x0  }
0x3c2: {  	s6 =	sadd.s32 $0x2, s6;
	s4 =	sadd.s32 $0x1, s3;
	[sflag:s22] =	ssyncadd.s32 $0xFFFFD800  }
0x3c3: {  	[spmem:s13] =	stream.indirect.scatter.add.f32 [tilespmem:s21], [sflag:$0x4], $0x80, s7, s20, $0xb8;
	[tilespmem:$0x1F100] =	vst v63  }
0x3c4: {  	p1 =	sge.s32 s3, s0;
	p3 =	sge.s32 s4, s0;
	_ =	swait.ge [sflag:s15], $0x2800  }
0x3c5: {  	s4 =	simm.s32 @!p3 $0x50;
	s8 =	simm.s32 @!p3 $0x10000;
	[sflag:s15] =	ssyncset.done $0x0  }
0x3c6: {  	s9 =	simm.s32 @!p1 $0x2;
	s3 =	sadd.s32 @!p1 $0x2, s3;
	[sflag:s15] =	ssyncadd.s32 $0xFFFFD800  }
0x3c7: {  	[tilespmem:s8], [sflag:$0x1] =	stream.indirect.gather @!p3 [hbm4b:s12+s4], $0x80, s1, s4, $0xb8;
	[tilespmem:$0x1F100] =	vst v63  }
0x3c8: {  	s10 =	simm.s32 @!p1 $0x12800;
	s4 =	simm.s32 @!p1 $0x50;
	_ =	swait.ge @!p1 [sflag:s9], $0x2800  }
.Ltmp7:
0x3c9: {  	s11 =	sadd.s32 @!p1 $0x80, s7;
	[sflag:s9] =	ssyncset.done @!p1 $0x0;
	(pc) =	sbr.rel @p2 .LBB2_9-.Ltmp7, $4  }
0x3ca: {  	s8 =	simm.s32 @!p1 $0x4;
	p3 =	sge.s32 @!p1 s3, s0;
	[sflag:s9] =	ssyncadd.s32 @!p1 $0xFFFFD800  }
0x3cb: {  	[spmem:s13] =	stream.indirect.scatter.add.f32 @!p1 [tilespmem:s10], [sflag:$0x4], $0x80, s11, s4, $0xb8;
	[tilespmem:$0x1F100] =	vst v63  }
0x3cc: {  	s7 =	sadd.s32 $0x100, s7;
	p3 =	por p3, p1;
	_ =	swait.ge @!p1 [sflag:s8], $0x2800  }
0x3cd: {  	s9 =	sadd.s32 @!p3 $0x80, s1;
	s10 =	simm.s32 @!p3 $0x12800;
	[sflag:s8] =	ssyncset.done @!p1 $0x0  }
.LBB2_10:
0x3ce: {  	[sflag:s8] =	ssyncadd.s32 @!p1 $0xFFFFD800;
	s0 =	simm.s32 @!p3 $0x50  }
0x3cf: {  	[tilespmem:s10], [sflag:$0x2] =	stream.indirect.gather @!p3 [hbm4b:s12+s0], $0x80, s9, s0, $0xb8;
	[tilespmem:$0x1F100] =	vst v63  }
.LBB2_11:
0x3d0: {  	[bflag:$0x0] =	sbarrier.arrive $0xFFFF  }
0x3d1: {  	s3 =	rddreg [dreg:$0x6]  }
0x3d2: {  	[tilespmem:s14], [sflag:$0x4] =	stream.linear.gather [spmem:s3], $0x400, $0x38;
	[tilespmem:$0x1F100] =	vst v63  }
0x3d3: {  	_ =	swait.ge [sflag:s15], $0x400  }
.Ltmp8:
0x3d4: {  	[sflag:s15] =	ssyncset.done $0x0;
	(pc) =	sbr.rel @!p0 .LBB2_13-.Ltmp8, $4  }
0x3d5: {  	s5 =	rddreg [dreg:$0xd];
	[sflag:s15] =	ssyncadd.s32 $0xFFFFFC00  }
0x3d6: {  	[hbm4b:s5+s16] =	stream.linear.scatter [tilespmem:s14], [sflag:$0x4], $0x400, $0x38;
	[tilespmem:$0x1F100] =	vst v63  }
0x3d7: {  	_ =	swait.ge [sflag:s15], $0x400  }
0x3d8: {  	s0 =	sadd.s32 $0xFFFFFFFF, s17;
	s2 =	smov.u32 s3;
	[sflag:s15] =	ssyncset.done $0x0  }
.LBB2_12:
0x3d9: {  	[sflag:s15] =	ssyncadd.s32 $0xFFFFFC00;
	s2 =	sadd.s32 $0x400, s2;
	s5 =	sadd.s32 $0x80, s5  }
0x3da: {  	[tilespmem:s14], [sflag:$0x4] =	stream.linear.gather [spmem:s2], $0x400, $0x38;
	[tilespmem:$0x1F100] =	vst v63  }
0x3db: {  	p0 =	sne.s32 s0, $0x1;
	s0 =	sadd.s32 $0xFFFFFFFF, s0;
	_ =	swait.ge [sflag:s15], $0x400  }
.Ltmp9:
0x3dc: {  	[sflag:s15] =	ssyncset.done $0x0;
	(pc) =	sbr.rel @p0 .LBB2_12-.Ltmp9, $4  }
0x3dd: {  	[sflag:s15] =	ssyncadd.s32 $0xFFFFFC00  }
0x3de: {  	[hbm4b:s5+s16] =	stream.linear.scatter [tilespmem:s14], [sflag:$0x4], $0x400, $0x38;
	[tilespmem:$0x1F100] =	vst v63  }
0x3df: {  	_ =	swait.ge [sflag:s15], $0x400  }
0x3e0: {  	[sflag:s15] =	ssyncset.done $0x0  }
.LBB2_13:
0x3e1: {  	s1 =	rddreg [dreg:$0xe]  }
0x3e2: {  	s0 =	rddreg [dreg:$0xb];
	s1 =	sadd.s32 $0x1, s1  }
0x3e3: {  	p0 =	sne.s32 s1, s0  }
.Ltmp10:
0x3e4: {  	_ = 	snop;
	(pc) =	sbr.rel @p0 .LBB2_1-.Ltmp10, $2  }
0x3e5: {  	_ =	sdelay $0x2  }
0x3e6: {  	[sflag:s15] =	ssyncadd.s32 $0xFFFFFC00  }
0x3e7: {  	_ =	sfence.sel $0x180000  }
0x3e8: {  	[bflag:$0x0] =	sbarrier.arrive $0xFFFF  }
0x3e9: {  	_ =	strace $0x90000047  }
0x3ea: {  	s0 =	stileid.u32;
	[bflag:$0x2] =	sbarrier.arrive $0xFFFF  }
0x3eb: {  	p0 =	sne.s32 s0, $0x0;
	s0 =	rddreg [dreg:$0x4]  }
0x3ec: {  	s0 =	sadd.s32 @!p0 $0x100000, s0  }
0x3ed: {  	[sflag:s0] =	ssyncadd.tile.s32 @!p0 $0x1;
	_ =	shalt  }
.Lfunc_end2:
_tile_overlayer_lowered:
.L_overlay_start_2:
0x3ee: {  	(tag) =	ssettag $0x2  }
0x3ef: {  	s0 =	rddreg [dreg:$0x0];
	s2 =	stileid.u32  }
0x3f0: {  	s1 =	rddreg [dreg:$0x1];
	p0 =	sne.s32 s2, $0x0  }
0x3f1: {  	s3 =	rddreg [dreg:$0x2];
	[bflag:$0x3] =	sbarrier.arrive $0xFFFF;
	s2 =	simm.s32 @!p0 $0x1C04  }
0x3f2: {  	[timem:s3], [sflag:s2] =	dma.local @!p0 [hbm:s0], s1  }
0x3f3: {  	s0 =	simm.s32 @!p0 $0x4  }
0x3f4: {  	_ =	swait.ge @!p0 [sflag:s0], s1  }
0x3f5: {  	s1 =	ssub.s32 @!p0 $0x0, s1;
	[sflag:s0] =	ssyncset.done @!p0 $0x0  }
0x3f6: {  	[sflag:s0] =	ssyncadd.s32 @!p0 s1  }
0x3f7: {  	[bflag:$0x3] =	sbarrier.arrive $0xFFFF  }
0x3f8: {  	_ =	shalt  }

// kernel: kernel.9.cloned.1.call-start
scs
__scs_entry_jumppad:
0x0: {  	(pc) =	sbr.rel $0x88, $3  }
0x1: {  	(tag) =	ssettag $0x0;
	lr =	simm.s32 $0x1  }
0x2: {  	[smem:$0x3F94] =	sst lr;
	_ =	strace $0xD0000000  }
0x3: {  	_ = 	snop  }
0x4: {  	_ = 	snop  }
0x5: {  	_ = 	snop  }
0x6: {  	_ = 	snop  }
0x7: {  	_ = 	snop  }
__scs_overlays_trampoline_lowered:
0x8: {  	[smem:$0x3FA3] =	sst s0  }
0x9: {  	[smem:$0x3FA4] =	sst s1  }
0xa: {  	[smem:$0x3FA5] =	sst s2  }
0xb: {  	[smem:$0x3FA6] =	sst s3  }
0xc: {  	[smem:$0x3FA7] =	sst s4  }
0xd: {  	[smem:$0x3FA8] =	sst s5  }
0xe: {  	[smem:$0x3FA9] =	sst s6  }
0xf: {  	[smem:$0x3FAA] =	sst s7  }
0x10: {  	[smem:$0x3FAB] =	sst s8  }
0x11: {  	[smem:$0x3FAC] =	sst s9;
	s0 =	simm.s32 @!p0 $0x0  }
0x12: {  	s1 =	sld [smem:$0x3F92];
	s0 =	simm.s32 @p0 $0x1  }
0x13: {  	[smem:$0x3FAD] =	sst s0;
	s0 =	simm.s32 @!p1 $0x0  }
0x14: {  	s2 =	sld [smem:$0x3F91];
	s0 =	simm.s32 @p1 $0x1  }
0x15: {  	[smem:$0x3FAE] =	sst s0;
	s0 =	simm.s32 @!p2 $0x0  }
0x16: {  	s3 =	sld [smem:$0x3FDB];
	s0 =	simm.s32 @p2 $0x1  }
0x17: {  	s4 =	simm.s32 $0x1BF5;
	[smem:$0x3FB0] =	sst s0  }
0x18: {  	s0 =	sld [smem:$0x3F93];
	_ =	swait.ge [sflag:s4], $0x0  }
0x19: {  	s7 =	sld [smem:$0x3F94]  }
0x1a: {  	s8 =	sadd.s32 $0xFFFFE003, lr  }
0x1b: {  	s9 =	sadd.s32 $0xFFFFFEF7, lr;
	s5 =	simm.s32 $0xFFFFFFFF;
	p2 =	slt.u32 s8, $0xFFFFF086  }
0x1c: {  	p1 =	slt.u32 s9, $0xF7A;
	s5 =	simm.s32 @!p2 $0x0  }
0x1d: {  	s5 =	simm.s32 @p1 $0x1;
	p0 =	seq.s32 s7, s2  }
0x1e: {  	s7 =	smul.u32 @!p0 $0xF7A, s2;
	p2 =	seq.s32 @!p0 s5, $0x0  }
0x1f: {  	s9 =	smul.u32 $0xF7A, s1;
	s8 =	simm.s32 @!p0 $0x1BF5;
	p2 =	por !p2, p0  }
0x20: {  	[sflag:s8] =	ssyncset.s32 @!p0 $0xFFFFF086;
	s6 =	sadd.s32 @!p0 s3, s7;
	s7 =	simm.s32 @!p0 $0x108  }
0x21: {  	s3 =	sadd.s32 s3, s9;
	s6 =	sadd.s32 @!p0 $0x88, s6;
	s7 =	simm.s32 @p2 $0x1082  }
0x22: {  	[simem:s7], [sflag:s8] =	dma.local @!p0 [hbm:s6], $0xF7A  }
0x23: {  	s9 =	sor.u32 $0xD0000000, s2;
	s6 =	simm.s32 $0x108;
	_ =	swait.ge @!p0 [sflag:s8], $0x0  }
0x24: {  	s3 =	sadd.s32 $0x88, s3;
	s6 =	simm.s32 @!p1 $0x1082;
	[sflag:s4] =	ssyncset.s32 $0xFFFFF086  }
0x25: {  	[simem:s6], [sflag:s4] =	dma.local [hbm:s3], $0xF7A  }
0x26: {  	[smem:$0x3F94] =	sst s1;
	(tag) =	ssettag s2;
	_ =	strace s9  }
0x27: {  	s1 =	sld [smem:$0x3FA4]  }
0x28: {  	s2 =	sld [smem:$0x3FA5]  }
0x29: {  	s4 =	sld [smem:$0x3FA7]  }
0x2a: {  	p0 =	seq.s32 s5, $0x0;
	s5 =	sld [smem:$0x3FA8]  }
0x2b: {  	s6 =	sld [smem:$0x3FA9]  }
0x2c: {  	s7 =	sld [smem:$0x3FAA]  }
0x2d: {  	s3 =	simm.s32 $0x108;
	s8 =	sld [smem:$0x3FAB]  }
0x2e: {  	s3 =	simm.s32 @!p0 $0x1082;
	s9 =	sld [smem:$0x3FAC]  }
0x2f: {  	lr =	sadd.s32 s0, s3;
	s0 =	sld [smem:$0x3FA3]  }
0x30: {  	s3 =	sld [smem:$0x3FA6]  }
0x31: {  	[smem:$0x3FAF] =	sst s10  }
0x32: {  	s10 =	sld [smem:$0x3FAD];
	_ =	sdelay $0x3  }
0x33: {  	p0 =	seq.s32 s10, $0x1;
	s10 =	sld [smem:$0x3FAF];
	_ =	sdelay $0x3  }
0x34: {  	[smem:$0x3FAF] =	sst s10  }
0x35: {  	s10 =	sld [smem:$0x3FAE];
	_ =	sdelay $0x3  }
0x36: {  	p1 =	seq.s32 s10, $0x1;
	s10 =	sld [smem:$0x3FAF];
	_ =	sdelay $0x3  }
0x37: {  	[smem:$0x3FAF] =	sst s10  }
0x38: {  	s10 =	sld [smem:$0x3FB0]  }
0x39: {  	_ = 	snop;
	(pc) =	sbr.ind lr, $3  }
0x3a: {  	_ = 	snop  }
0x3b: {  	_ = 	snop  }
0x3c: {  	p2 =	seq.s32 s10, $0x1;
	s10 =	sld [smem:$0x3FAF]  }
0x3d: {  	_ =	shalt  }
0x3e: {  	_ =	shalt  }
0x3f: {  	_ =	shalt  }
0x40: {  	_ =	shalt  }
0x41: {  	_ =	shalt  }
0x42: {  	_ =	shalt  }
0x43: {  	_ =	shalt  }
0x44: {  	_ =	shalt  }
0x45: {  	_ =	shalt  }
0x46: {  	_ =	shalt  }
0x47: {  	_ =	shalt  }
0x48: {  	_ =	shalt  }
0x49: {  	_ =	shalt  }
0x4a: {  	_ =	shalt  }
0x4b: {  	_ =	shalt  }
0x4c: {  	_ =	shalt  }
0x4d: {  	_ =	shalt  }
0x4e: {  	_ =	shalt  }
0x4f: {  	_ =	shalt  }
0x50: {  	_ =	shalt  }
0x51: {  	_ =	shalt  }
0x52: {  	_ =	shalt  }
0x53: {  	_ =	shalt  }
0x54: {  	_ =	shalt  }
0x55: {  	_ =	shalt  }
0x56: {  	_ =	shalt  }
0x57: {  	_ =	shalt  }
0x58: {  	_ =	shalt  }
0x59: {  	_ =	shalt  }
0x5a: {  	_ =	shalt  }
0x5b: {  	_ =	shalt  }
0x5c: {  	_ =	shalt  }
0x5d: {  	_ =	shalt  }
0x5e: {  	_ =	shalt  }
0x5f: {  	_ =	shalt  }
0x60: {  	_ =	shalt  }
0x61: {  	_ =	shalt  }
0x62: {  	_ =	shalt  }
0x63: {  	_ =	shalt  }
0x64: {  	_ =	shalt  }
0x65: {  	_ =	shalt  }
0x66: {  	_ =	shalt  }
0x67: {  	_ =	shalt  }
0x68: {  	_ =	shalt  }
0x69: {  	_ =	shalt  }
0x6a: {  	_ =	shalt  }
0x6b: {  	_ =	shalt  }
0x6c: {  	_ =	shalt  }
0x6d: {  	_ =	shalt  }
0x6e: {  	_ =	shalt  }
0x6f: {  	_ =	shalt  }
0x70: {  	_ =	shalt  }
0x71: {  	_ =	shalt  }
0x72: {  	_ =	shalt  }
0x73: {  	_ =	shalt  }
0x74: {  	_ =	shalt  }
0x75: {  	_ =	shalt  }
0x76: {  	_ =	shalt  }
0x77: {  	_ =	shalt  }
0x78: {  	_ =	shalt  }
0x79: {  	_ =	shalt  }
0x7a: {  	_ =	shalt  }
0x7b: {  	_ =	shalt  }
0x7c: {  	_ =	shalt  }
0x7d: {  	_ =	shalt  }
0x7e: {  	_ =	shalt  }
0x7f: {  	_ =	shalt  }
0x80: {  	_ =	shalt  }
0x81: {  	_ =	shalt  }
0x82: {  	_ =	shalt  }
0x83: {  	_ =	shalt  }
0x84: {  	_ =	shalt  }
0x85: {  	_ =	shalt  }
0x86: {  	_ =	shalt  }
0x87: {  	_ =	shalt  }
.Lfunc_end0:
.L_simem_size_0:
called_computation.1_lowered:
.L_overlay_start_0:
0x88: {  	s2 =	sld [smem:$0x3FD9]  }
0x89: {  	s3 =	sld [smem:$0x3FFE];
	_ =	sdelay $0x1  }
0x8a: {  	s1 =	srdreg.scid  }
0x8b: {  	s0 =	sand.u32 $0x1, s1  }
0x8c: {  	s17 =	sshll.u32 s0, $0xA;
	s2 =	sadd.s32 s3, s2  }
0x8d: {  	s2 =	sadd.s32 s2, s17  }
0x8e: {  	[smem:$0x3FBB] =	sst s2  }
0x8f: {  	_ = 	snop  }
0x90: {  	s2 =	sld [smem:$0x3FD0];
	(tm) =	ssettm $0x1  }
0x91: {  	s18 =	sld [smem:$0x3FFB];
	_ =	sdelay $0x3  }
0x92: {  	_ =	strace s18  }
0x93: {  	s3 =	sld [smem:$0x3FFC];
	_ =	sdelay $0x3  }
0x94: {  	_ =	strace s3  }
0x95: {  	s3 =	sld [smem:$0x3FFD];
	_ =	sdelay $0x3  }
0x96: {  	_ =	strace s3  }
0x97: {  	_ =	strace $0x8FFFFFFF  }
0x98: {  	s19 =	sld [smem:$0x3FDB];
	_ =	sdelay $0x1  }
0x99: {  	s4 =	simm.s32 $_scs_section_size  }
0x9a: {  	s5 =	simm.s32 $_size__tile_overlayer_lowered;
	s6 =	simm.s32 $_tile_overlayer_lowered  }
0x9b: {  	s22 =	simm.s32 $0x1BFF;
	s21 =	sshll.u32 s6, $0x1;
	s3 =	sadd.s32 s4, s19  }
0x9c: {  	s7 =	simm.s32 $0x0;
	s20 =	sshll.u32 s5, $0x1;
	s5 =	sadd.s32 s21, s3  }
0x9d: {  	[timem:s7], [sflag:s22] =	dma.local [hbm:s5], s20  }
0x9e: {  	_ =	swait.ge [sflag:s22], s20  }
0x9f: {  	s4 =	ssub.s32 $0x0, s20;
	[sflag:s22] =	ssyncset.done $0x0  }
0xa0: {  	[sflag:s22] =	ssyncadd.s32 s4;
	_ =	sdelay $0x1  }
0xa1: {  	s23 =	simm.s32 $0x1B8B  }
0xa2: {  	_ =	swait.ge [sflag:s23], $0x1  }
0xa3: {  	[sflag:s23] =	ssyncset.done $0x0  }
0xa4: {  	s25 =	simm.s32 $0x1B8E;
	s24 =	sld [smem:$0x3FFE];
	[sflag:s23] =	ssyncadd.s32 $0xFFFFFFFF  }
0xa5: {  	s26 =	simm.s32 $execute0_lowered;
	[smem:$0x3FD2] =	sst s25  }
0xa6: {  	s5 =	sshll.u32 s26, $0x1;
	_ =	strace $0x80000049;
	[dreg:$0x1] =	wrdreg $0xFFFFFFFF  }
0xa7: {  	s28 =	simm.s32 $_size_execute0_lowered;
	s3 =	sadd.s32 s3, s5;
	[dreg:$0x0] =	wrdreg $0x0  }
0xa8: {  	s5 =	sshll.u32 s28, $0x1;
	[dreg:$0x2] =	wrdreg s3  }
0xa9: {  	[dreg:$0x3] =	wrdreg s5  }
0xaa: {  	[dreg:$0x4] =	wrdreg $0xC0  }
0xab: {  	_ =	task [dreg:s7], $0x5FFFF  }
0xac: {  	[dreg:$0x1] =	wrdreg $0xFFFFFFFF  }
0xad: {  	[dreg:$0x0] =	wrdreg $0x60  }
0xae: {  	[dreg:$0x2] =	wrdreg s24  }
0xaf: {  	[dreg:$0x3] =	wrdreg s2  }
0xb0: {  	[dreg:$0x4] =	wrdreg $0x154800  }
0xb1: {  	[dreg:$0x5] =	wrdreg $0x9  }
0xb2: {  	_ =	task.clear_ibuf [dreg:s7], $0x6FFFF;
	_ =	strace $0x90000049  }
0xb3: {  	s29 =	simm.s32 $0x9;
	_ =	strace $0x8000004B  }
0xb4: {  	_ =	swait.ge [sflag:s29], $0x1  }
0xb5: {  	[sflag:s29] =	ssyncadd.s32 $0xFFFFFFFF  }
0xb6: {  	_ =	strace $0x9000004B  }
0xb7: {  	_ =	sfence  }
0xb8: {  	s30 =	sld [smem:$0x0];
	_ =	sdelay $0x2  }
0xb9: {  	s31 =	sshll.u32 s1, $0xD;
	s1 =	sshrl.u32 s1, $0x2  }
0xba: {  	s3 =	sand.u32 $0x4000, s31;
	s1 =	sadd.s32 s1, s30  }
0xbb: {  	s0 =	sor.u32 s3, s0;
	s1 =	sshll.u32 s1, $0x11  }
0xbc: {  	s0 =	sor.u32 s1, s0  }
0xbd: {  	s0 =	sadd.s32 $0x8F2B, s0  }
0xbe: {  	[sflag:s0] =	ssyncadd.remote.s32 $0x1  }
0xbf: {  	_ =	sfence.sel $0xFFFF  }
0xc0: {  	[dreg:$0x0] =	wrdreg $0xFFFFFFFF;
	(pc) =	sbr.abs _section_cstart, $3  }
0xc1: {  	[dreg:$0x1] =	wrdreg $0xFFFFFFFF  }
0xc2: {  	_ =	task.clear_ibuf [dreg:s7], $0x2FFFF;
	_ =	strace $0x9FFFFFFF  }
0xc3: {  	(tm) =	ssettm $0x7FFFFFFF  }
tec
execute0_lowered:
.L_overlay_start_1:
0x0: {  	(tag) =	ssettag $0x1  }
0x1: {  	s5 =	rddreg [dreg:$0x0]  }
0x2: {  	s9 =	rddreg [dreg:$0x1]  }
0x3: {  	s2 =	rddreg [dreg:$0x2]  }
0x4: {  	s3 =	srdreg.scid;
	s0 =	stileid.u32;
	s16 =	simm.s32 $0x3  }
0x5: {  	s17 =	simm.s32 $0x1;
	s18 =	simm.s32 $0x50;
	s19 =	simm.s32 $0x10000  }
0x6: {  	s20 =	simm.s32 $0x0;
	s10 =	sand.u32 $0x1, s3;
	s3 =	simm.s32 $0x0  }
0x7: {  	s6 =	sshll.u32 s0, $0xC;
	s29 =	smul.u32 $0x28000, s0;
	p0 =	seq.s32 s0, $0xF  }
0x8: {  	s13 =	sshll.u32 s0, $0x2;
	s14 =	smul.u32 $0x1400, s0;
	s15 =	sshll.u32 s0, $0x1  }
0x9: {  	s4 =	sshll.u32 s10, $0x10;
	[smem:$0x7FF] =	sst s3;
	s7 =	smul.u32 $0x13880, s10  }
0xa: {  	s28 =	ssub.s32 $0x2, s10;
	s10 =	sshll.u32 s10, $0x4;
	s13 =	sand.u32 $0x20, s13  }
0xb: {  	s31 =	sand.u32 $0xE, s15;
	s15 =	simm.s32 $0x15400;
	s6 =	sor.u32 s6, s4  }
0xc: {  	_ =	strace $0x8000004A;
	s4 =	sadd.s32 $0x3200, s5;
	s12 =	sshrl.u32 s28, $0x1  }
0xd: {  	s30 =	sshrl.u32 s29, $0x2;
	s9 =	sadd.s32 s9, s10;
	s8 =	sadd.s32 s6, s5  }
0xe: {  	s11 =	sadd.s32 s7, s5;
	s5 =	simm.s32 $0x19;
	s12 =	ssub.s32 s28, s12  }
0xf: {  	s6 =	sadd.s32 s30, s2;
	s9 =	sadd.s32 s13, s9;
	s13 =	simm.s32 $0x4  }
0x10: {  	s5 =	simm.s32 @!p0 $0x28;
	s7 =	sadd.s32 $0x5A400, s8;
	s8 =	sadd.s32 $0x7A400, s8  }
0x11: {  	s11 =	sadd.s32 s14, s11;
	s9 =	sadd.s32 s31, s9;
	s10 =	smax.u32 s12, $0x1  }
0x12: {  	v0 =	vimm.f32 $0.0e+00;
	s12 =	simm.s32 $0x15000;
	s14 =	simm.s32 $0x8000;
	s11 =	sadd.s32 $0x2A400, s11  }
.LBB2_1:
0x13: {  	[tilespmem:$0x15000] =	vst v0  }
0x14: {  	[tilespmem:$0x15010] =	vst v0  }
0x15: {  	[tilespmem:$0x15020] =	vst v0  }
0x16: {  	[tilespmem:$0x15030] =	vst v0  }
0x17: {  	[tilespmem:$0x15040] =	vst v0  }
0x18: {  	[tilespmem:$0x15050] =	vst v0  }
0x19: {  	[tilespmem:$0x15060] =	vst v0  }
0x1a: {  	[tilespmem:$0x15070] =	vst v0  }
0x1b: {  	[tilespmem:$0x15080] =	vst v0  }
0x1c: {  	[tilespmem:$0x15090] =	vst v0  }
0x1d: {  	[tilespmem:$0x150A0] =	vst v0  }
0x1e: {  	[tilespmem:$0x150B0] =	vst v0  }
0x1f: {  	[tilespmem:$0x150C0] =	vst v0  }
0x20: {  	[tilespmem:$0x150D0] =	vst v0  }
0x21: {  	[tilespmem:$0x150E0] =	vst v0  }
0x22: {  	[tilespmem:$0x150F0] =	vst v0  }
0x23: {  	[tilespmem:$0x15100] =	vst v0  }
0x24: {  	[tilespmem:$0x15110] =	vst v0  }
0x25: {  	[tilespmem:$0x15120] =	vst v0  }
0x26: {  	[tilespmem:$0x15130] =	vst v0  }
0x27: {  	[tilespmem:$0x15140] =	vst v0  }
0x28: {  	[tilespmem:$0x15150] =	vst v0  }
0x29: {  	[tilespmem:$0x15160] =	vst v0  }
0x2a: {  	[tilespmem:$0x15170] =	vst v0  }
0x2b: {  	[tilespmem:$0x15180] =	vst v0  }
0x2c: {  	[tilespmem:$0x15190] =	vst v0  }
0x2d: {  	[tilespmem:$0x151A0] =	vst v0  }
0x2e: {  	[tilespmem:$0x151B0] =	vst v0  }
0x2f: {  	[tilespmem:$0x151C0] =	vst v0  }
0x30: {  	[tilespmem:$0x151D0] =	vst v0  }
0x31: {  	[tilespmem:$0x151E0] =	vst v0  }
0x32: {  	[tilespmem:$0x151F0] =	vst v0  }
0x33: {  	[tilespmem:$0x15200] =	vst v0  }
0x34: {  	[tilespmem:$0x15210] =	vst v0  }
0x35: {  	[tilespmem:$0x15220] =	vst v0  }
0x36: {  	[tilespmem:$0x15230] =	vst v0  }
0x37: {  	[tilespmem:$0x15240] =	vst v0  }
0x38: {  	[tilespmem:$0x15250] =	vst v0  }
0x39: {  	[tilespmem:$0x15260] =	vst v0  }
0x3a: {  	[tilespmem:$0x15270] =	vst v0  }
0x3b: {  	[tilespmem:$0x15280] =	vst v0  }
0x3c: {  	[tilespmem:$0x15290] =	vst v0  }
0x3d: {  	[tilespmem:$0x152A0] =	vst v0  }
0x3e: {  	[tilespmem:$0x152B0] =	vst v0  }
0x3f: {  	[tilespmem:$0x152C0] =	vst v0  }
0x40: {  	[tilespmem:$0x152D0] =	vst v0  }
0x41: {  	[tilespmem:$0x152E0] =	vst v0  }
0x42: {  	[tilespmem:$0x152F0] =	vst v0  }
0x43: {  	[tilespmem:$0x15300] =	vst v0  }
0x44: {  	[tilespmem:$0x15310] =	vst v0  }
0x45: {  	[tilespmem:$0x15320] =	vst v0  }
0x46: {  	[tilespmem:$0x15330] =	vst v0  }
0x47: {  	[tilespmem:$0x15340] =	vst v0  }
0x48: {  	[tilespmem:$0x15350] =	vst v0  }
0x49: {  	[tilespmem:$0x15360] =	vst v0  }
0x4a: {  	[tilespmem:$0x15370] =	vst v0  }
0x4b: {  	[tilespmem:$0x15380] =	vst v0  }
0x4c: {  	[tilespmem:$0x15390] =	vst v0  }
0x4d: {  	[tilespmem:$0x153A0] =	vst v0  }
0x4e: {  	[tilespmem:$0x153B0] =	vst v0;
	p0 =	sne.s32 s5, $0x1  }
.Ltmp0:
0x4f: {  	[tilespmem:$0x153C0] =	vst v0;
	(pc) =	sbr.rel @!p0 .LBB2_3-.Ltmp0, $4  }
0x50: {  	[tilespmem:$0x153D0] =	vst v0  }
0x51: {  	[tilespmem:$0x153E0] =	vst v0  }
0x52: {  	[tilespmem:$0x153F0] =	vst v0;
	s21 =	sadd.s32 $0xFFFFFFFF, s5;
	s22 =	smov.u32 s6  }
0x53: {  	[spmem:s6] =	stream.linear.scatter [tilespmem:s12], [sflag:$0x3], $0x400, $0x38;
	[tilespmem:$0x1F100] =	vst v63  }
.LBB2_2:
0x54: {  	p1 =	sne.s32 s21, $0x1  }
.Ltmp1:
0x55: {  	_ = 	snop;
	(pc) =	sbr.rel @p1 .LBB2_2-.Ltmp1, $3  }
0x56: {  	_ = 	snop  }
0x57: {  	s21 =	sadd.s32 $0xFFFFFFFF, s21;
	s22 =	sadd.s32 $0x400, s22;
	_ =	sdelay $0x1  }
0x58: {  	[spmem:s22] =	stream.linear.scatter [tilespmem:s12], [sflag:$0x3], $0x400, $0x38;
	[tilespmem:$0x1F100] =	vst v63  }
.LBB2_3:
0x59: {  	[tilespmem:s3], [sflag:$0x4] =	stream.linear.gather [hbm4b:s7+s3], $0x8000, $0x38;
	[tilespmem:$0x1F100] =	vst v63  }
0x5a: {  	_ =	swait.ge [sflag:s13], $0x8000  }
0x5b: {  	[sflag:s13] =	ssyncset.done $0x0  }
0x5c: {  	[sflag:s13] =	ssyncadd.s32 $0xFFFF8000  }
0x5d: {  	[tilespmem:s14], [sflag:$0x4] =	stream.linear.gather [hbm4b:s8+s3], $0x8000, $0x38;
	[tilespmem:$0x1F100] =	vst v63  }
0x5e: {  	_ =	swait.ge [sflag:s13], $0x8000  }
0x5f: {  	[sflag:s13] =	ssyncset.done $0x0  }
0x60: {  	[sflag:s13] =	ssyncadd.s32 $0xFFFF8000  }
0x61: {  	[tilespmem:s15], [sflag:$0x4] =	stream.linear.gather [hbm4b:s9+s3], $0x10, $0x38;
	[tilespmem:$0x1F100] =	vst v63  }
.Ltmp2:
0x62: {  	_ =	swait.ge [sflag:s13], $0x10;
	(pc) =	sbr.rel @!p0 .LBB2_5-.Ltmp2, $4  }
0x63: {  	[sflag:s13] =	ssyncset.done $0x0  }
0x64: {  	[sflag:s13] =	ssyncadd.s32 $0xFFFFFFF0  }
0x65: {  	v1 =	vld [tilespmem:$0x15400];
	_ =	swait.ge [sflag:s16], $0x400  }
0x66: {  	s21 =	sadd.s32 $0xFFFFFFFF, s5;
	[sflag:s16] =	ssyncset.done $0x0  }
.LBB2_4:
0x67: {  	p1 =	sne.s32 s21, $0x1;
	s21 =	sadd.s32 $0xFFFFFFFF, s21;
	[sflag:s16] =	ssyncadd.s32 $0xFFFFFC00  }
.Ltmp3:
0x68: {  	(pc) =	sbr.rel @p1 .LBB2_4-.Ltmp3, $3  }
0x69: {  	_ =	sdelay $0x1  }
0x6a: {  	_ =	swait.ge [sflag:s16], $0x400  }
0x6b: {  	[sflag:s16] =	ssyncset.done $0x0  }
.LBB2_5:
0x6c: {  	_ =	sdelay $0x2  }
0x6d: {  	v1 =	vxor.u32 $0x80000000, v1  }
0x6e: {  	(xrf0) =	vmax.scan.msk.u32 $0xffff, v1;
	_ =	sdelay $0x5  }
0x6f: {  	v1, _, _ =	vpop (xrf0)  }
0x70: {  	(v2sf) =	vpush v1, $0xF;
	_ =	sdelay $0xe  }
0x71: {  	s21 =	spop (v2sf)  }
0x72: {  	s22 =	sadd.s32 $0x8000004F, s21  }
0x73: {  	s23 =	smulhi.u32 $0x66666667, s22;
	s24 =	sshra.s32 s22, $0x1F  }
0x74: {  	s24 =	smul.u32 $0x66666667, s24;
	_ =	sdelay $0x1  }
0x75: {  	s23 =	sadd.s32 s24, s23  }
0x76: {  	s24 =	sshrl.u32 s23, $0x1F;
	s23 =	sshra.s32 s23, $0x5  }
0x77: {  	s23 =	sadd.s32 s24, s23  }
0x78: {  	s24 =	smul.u32 $0xFFFFFFB0, s23  }
0x79: {  	s21 =	ssub.s32 $0x7FFFFFB1, s21  }
0x7a: {  	p1 =	slt.s32 s22, $0x1;
	p2 =	sne.s32 s24, s21  }
0x7b: {  	p1 =	por !p1, !p2  }
0x7c: {  	s21 =	simm.s32 $0x1;
	p1 =	por !p1, !p1  }
0x7d: {  	s21 =	simm.s32 @!p1 $0x0  }
0x7e: {  	s21 =	ssub.s32 s23, s21  }
0x7f: {  	p1 =	slt.s32 s21, $0x1  }
.Ltmp4:
0x80: {  	_ = 	snop;
	(pc) =	sbr.rel @p1 .LBB2_9-.Ltmp4, $3  }
0x81: {  	_ = 	snop  }
0x82: {  	[sflag:s16] =	ssyncadd.s32 $0xFFFFFC00  }
0x83: {  	[bflag:$0x0] =	sbarrier.arrive $0xFFFF;
	_ =	sdelay $0x1  }
0x84: {  	[tilespmem:s19], [sflag:$0x1] =	stream.indirect.gather [hbm4b:s4+s18], $0x80, s3, s18, $0xb8;
	[tilespmem:$0x1F100] =	vst v63  }
0x85: {  	p1 =	seq.s32 s21, $0x1;
	s30 =	sadd.s32 $0x1, s21  }
0x86: {  	s22 =	simm.s32 @!p1 $0x50;
	s23 =	simm.s32 @!p1 $0x80;
	s24 =	simm.s32 @!p1 $0x12800  }
0x87: {  	[tilespmem:s24], [sflag:$0x2] =	stream.indirect.gather @!p1 [hbm4b:s4+s22], $0x80, s23, s22, $0xb8;
	[tilespmem:$0x1F100] =	vst v63  }
0x88: {  	s31 =	simm.s32 $0x8000;
	p3 =	sle.s32 s21, $0x2;
	_ =	swait.ge [sflag:s17], $0x2800  }
0x89: {  	s25 =	simm.s32 @!p3 $0x50;
	s26 =	simm.s32 @!p3 $0x10000;
	[sflag:s17] =	ssyncset.done $0x0  }
0x8a: {  	s22 =	sshrl.u32 s30, $0x1;
	s24 =	simm.s32 $0x100;
	[sflag:s17] =	ssyncadd.s32 $0xFFFFD800  }
0x8b: {  	[spmem:s2] =	stream.indirect.scatter.add.f32 [tilespmem:s19], [sflag:$0x4], $0x80, s31, s18, $0xb8;
	[tilespmem:$0x1F100] =	vst v63  }
0x8c: {  	s23 =	simm.s32 $0x200;
	p1 =	sle.s32 s21, $0x1;
	_ =	swait.ge [sflag:s13], $0x2800  }
0x8d: {  	s22 =	sadd.s32 $0xFFFFFFFF, s22;
	s28 =	simm.s32 @!p1 $0x2;
	[sflag:s13] =	ssyncset.done $0x0  }
0x8e: {  	s29 =	simm.s32 @!p1 $0x12800;
	s30 =	simm.s32 @!p1 $0x8080;
	[sflag:s13] =	ssyncadd.s32 $0xFFFFD800  }
0x8f: {  	[tilespmem:s26], [sflag:$0x1] =	stream.indirect.gather @!p3 [hbm4b:s4+s25], $0x80, s24, s25, $0xb8;
	[tilespmem:$0x1F100] =	vst v63  }
0x90: {  	p2 =	sne.s32 s22, $0x0;
	s25 =	simm.s32 @!p1 $0x50;
	_ =	swait.ge @!p1 [sflag:s28], $0x2800  }
.Ltmp5:
0x91: {  	p3 =	sle.s32 @!p1 s21, $0x3;
	[sflag:s28] =	ssyncset.done @!p1 $0x0;
	(pc) =	sbr.rel @!p2 .LBB2_8-.Ltmp5, $4  }
0x92: {  	s26 =	simm.s32 @!p1 $0x4;
	p3 =	por p3, p1;
	[sflag:s28] =	ssyncadd.s32 @!p1 $0xFFFFD800  }
0x93: {  	[spmem:s2] =	stream.indirect.scatter.add.f32 @!p1 [tilespmem:s29], [sflag:$0x4], $0x80, s30, s25, $0xb8;
	[tilespmem:$0x1F100] =	vst v63  }
0x94: {  	s24 =	simm.s32 $0x3;
	s28 =	simm.s32 @!p3 $0x180;
	_ =	swait.ge @!p1 [sflag:s26], $0x2800  }
0x95: {  	s25 =	simm.s32 $0x8100;
	s29 =	simm.s32 @!p3 $0x12800;
	[sflag:s26] =	ssyncset.done @!p1 $0x0  }
.LBB2_7:
0x96: {  	s22 =	sadd.s32 $0xFFFFFFFF, s22;
	[sflag:s26] =	ssyncadd.s32 @!p1 $0xFFFFD800;
	s26 =	simm.s32 @!p3 $0x50  }
0x97: {  	[tilespmem:s29], [sflag:$0x2] =	stream.indirect.gather @!p3 [hbm4b:s4+s26], $0x80, s28, s26, $0xb8;
	[tilespmem:$0x1F100] =	vst v63  }
0x98: {  	p2 =	sne.s32 s22, $0x0;
	s28 =	smov.u32 s23;
	_ =	swait.ge [sflag:s17], $0x2800  }
0x99: {  	s23 =	sadd.s32 $0x100, s23;
	s26 =	smov.u32 s24;
	[sflag:s17] =	ssyncset.done $0x0  }
0x9a: {  	s24 =	sadd.s32 $0x2, s24;
	s29 =	sadd.s32 $0x1, s26;
	[sflag:s17] =	ssyncadd.s32 $0xFFFFD800  }
0x9b: {  	[spmem:s2] =	stream.indirect.scatter.add.f32 [tilespmem:s19], [sflag:$0x4], $0x80, s25, s18, $0xb8;
	[tilespmem:$0x1F100] =	vst v63  }
0x9c: {  	p1 =	sge.s32 s26, s21;
	p3 =	sge.s32 s29, s21;
	_ =	swait.ge [sflag:s13], $0x2800  }
0x9d: {  	s29 =	simm.s32 @!p3 $0x50;
	s30 =	simm.s32 @!p3 $0x10000;
	[sflag:s13] =	ssyncset.done $0x0  }
0x9e: {  	s31 =	simm.s32 @!p1 $0x2;
	s0 =	sadd.s32 @!p1 $0x2, s26;
	[sflag:s13] =	ssyncadd.s32 $0xFFFFD800  }
0x9f: {  	[tilespmem:s30], [sflag:$0x1] =	stream.indirect.gather @!p3 [hbm4b:s4+s29], $0x80, s28, s29, $0xb8;
	[tilespmem:$0x1F100] =	vst v63  }
0xa0: {  	s29 =	simm.s32 @!p1 $0x50;
	s30 =	simm.s32 @!p1 $0x12800;
	_ =	swait.ge @!p1 [sflag:s31], $0x2800  }
.Ltmp6:
0xa1: {  	s1 =	sadd.s32 @!p1 $0x80, s25;
	[sflag:s31] =	ssyncset.done @!p1 $0x0;
	(pc) =	sbr.rel @p2 .LBB2_7-.Ltmp6, $4  }
0xa2: {  	s26 =	simm.s32 @!p1 $0x4;
	p3 =	sge.s32 @!p1 s0, s21;
	[sflag:s31] =	ssyncadd.s32 @!p1 $0xFFFFD800  }
0xa3: {  	[spmem:s2] =	stream.indirect.scatter.add.f32 @!p1 [tilespmem:s30], [sflag:$0x4], $0x80, s1, s29, $0xb8;
	[tilespmem:$0x1F100] =	vst v63  }
0xa4: {  	s25 =	sadd.s32 $0x100, s25;
	p3 =	por p3, p1;
	_ =	swait.ge @!p1 [sflag:s26], $0x2800  }
0xa5: {  	s28 =	sadd.s32 @!p3 $0x80, s28;
	s29 =	simm.s32 @!p3 $0x12800;
	[sflag:s26] =	ssyncset.done @!p1 $0x0  }
.LBB2_8:
0xa6: {  	[sflag:s26] =	ssyncadd.s32 @!p1 $0xFFFFD800;
	s0 =	simm.s32 @!p3 $0x50  }
0xa7: {  	[tilespmem:s29], [sflag:$0x2] =	stream.indirect.gather @!p3 [hbm4b:s4+s0], $0x80, s28, s0, $0xb8;
	[tilespmem:$0x1F100] =	vst v63  }
.LBB2_9:
0xa8: {  	[bflag:$0x0] =	sbarrier.arrive $0xFFFF  }
0xa9: {  	[tilespmem:s12], [sflag:$0x4] =	stream.linear.gather [spmem:s6], $0x400, $0x38;
	[tilespmem:$0x1F100] =	vst v63  }
0xaa: {  	_ =	swait.ge [sflag:s13], $0x400  }
.Ltmp7:
0xab: {  	[sflag:s13] =	ssyncset.done $0x0;
	(pc) =	sbr.rel @!p0 .LBB2_11-.Ltmp7, $4  }
0xac: {  	[sflag:s13] =	ssyncadd.s32 $0xFFFFFC00  }
0xad: {  	[hbm4b:s11+s3] =	stream.linear.scatter [tilespmem:s12], [sflag:$0x4], $0x400, $0x38;
	[tilespmem:$0x1F100] =	vst v63  }
0xae: {  	s21 =	sadd.s32 $0xFFFFFFFF, s5;
	_ =	swait.ge [sflag:s13], $0x400  }
0xaf: {  	s22 =	smov.u32 s6;
	s23 =	smov.u32 s11;
	[sflag:s13] =	ssyncset.done $0x0  }
.LBB2_10:
0xb0: {  	[sflag:s13] =	ssyncadd.s32 $0xFFFFFC00;
	s22 =	sadd.s32 $0x400, s22;
	s23 =	sadd.s32 $0x80, s23  }
0xb1: {  	[tilespmem:s12], [sflag:$0x4] =	stream.linear.gather [spmem:s22], $0x400, $0x38;
	[tilespmem:$0x1F100] =	vst v63  }
0xb2: {  	p0 =	sne.s32 s21, $0x1;
	s21 =	sadd.s32 $0xFFFFFFFF, s21;
	_ =	swait.ge [sflag:s13], $0x400  }
.Ltmp8:
0xb3: {  	[sflag:s13] =	ssyncset.done $0x0;
	(pc) =	sbr.rel @p0 .LBB2_10-.Ltmp8, $4  }
0xb4: {  	[sflag:s13] =	ssyncadd.s32 $0xFFFFFC00  }
0xb5: {  	[hbm4b:s23+s3] =	stream.linear.scatter [tilespmem:s12], [sflag:$0x4], $0x400, $0x38;
	[tilespmem:$0x1F100] =	vst v63  }
0xb6: {  	_ =	swait.ge [sflag:s13], $0x400  }
0xb7: {  	[sflag:s13] =	ssyncset.done $0x0  }
.LBB2_11:
0xb8: {  	s20 =	sadd.s32 $0x1, s20  }
0xb9: {  	p0 =	sne.s32 s20, s10  }
.Ltmp9:
0xba: {  	_ = 	snop;
	(pc) =	sbr.rel @p0 .LBB2_1-.Ltmp9, $2  }
0xbb: {  	_ =	sdelay $0x2  }
0xbc: {  	[sflag:s13] =	ssyncadd.s32 $0xFFFFFC00  }
0xbd: {  	_ =	sfence.sel $0x180000  }
0xbe: {  	[bflag:$0x0] =	sbarrier.arrive $0xFFFF  }
0xbf: {  	_ =	strace $0x9000004A  }
0xc0: {  	s0 =	stileid.u32;
	[bflag:$0x2] =	sbarrier.arrive $0xFFFF  }
0xc1: {  	p0 =	sne.s32 s0, $0x0;
	s0 =	rddreg [dreg:$0x3]  }
0xc2: {  	s0 =	sadd.s32 @!p0 $0x100000, s0  }
0xc3: {  	[sflag:s0] =	ssyncadd.tile.s32 @!p0 $0x1;
	_ =	shalt  }
.Lfunc_end2:
_tile_overlayer_lowered:
.L_overlay_start_2:
0xc4: {  	(tag) =	ssettag $0x2  }
0xc5: {  	s0 =	rddreg [dreg:$0x0];
	s2 =	stileid.u32  }
0xc6: {  	s1 =	rddreg [dreg:$0x1];
	p0 =	sne.s32 s2, $0x0  }
0xc7: {  	s3 =	rddreg [dreg:$0x2];
	[bflag:$0x3] =	sbarrier.arrive $0xFFFF;
	s2 =	simm.s32 @!p0 $0x1C04  }
0xc8: {  	[timem:s3], [sflag:s2] =	dma.local @!p0 [hbm:s0], s1  }
0xc9: {  	s0 =	simm.s32 @!p0 $0x4  }
0xca: {  	_ =	swait.ge @!p0 [sflag:s0], s1  }
0xcb: {  	s1 =	ssub.s32 @!p0 $0x0, s1;
	[sflag:s0] =	ssyncset.done @!p0 $0x0  }
0xcc: {  	[sflag:s0] =	ssyncadd.s32 @!p0 s1  }
0xcd: {  	[bflag:$0x3] =	sbarrier.arrive $0xFFFF  }
0xce: {  	_ =	shalt  }

</sc_bundles>
